<compile_context>
chip_gen: v7x
topology: tpu7x:2x2x1
jax: 0.10.2.dev20260603
libtpu: 0.0.44.dev20260713+nightly
codegen_flags: <defaults>
</compile_context>

<pallas_src>
import functools

import numpy as np
import jax
import jax.numpy as jnp
from jax import lax
from jax.experimental import pallas as pl
from jax.experimental.pallas import tpu as pltpu
from jax.experimental.pallas import tpu_sc as plsc

_NUM_CORES = 2
_NUM_SUBCORES = 16
_NUM_WORKERS = _NUM_CORES * _NUM_SUBCORES
_TOKENS = 32768
_SEQ = 8192
_TOK_PER_W = _TOKENS // _NUM_WORKERS
_ROWS_PER_W = _TOK_PER_W * 8
_CHUNK_ROWS = 128
_NUM_CHUNKS = _ROWS_PER_W // _CHUNK_ROWS
_NBUF = 7
_MASK = 0xFFFF
_PRIME = 1000003

_MESH = plsc.VectorSubcoreMesh(
    core_axis_name="c", subcore_axis_name="s",
    num_cores=_NUM_CORES, num_subcores=_NUM_SUBCORES)


@functools.partial(
    pl.kernel,
    out_type=jax.ShapeDtypeStruct((4, _SEQ, 1024), jnp.float32),
    mesh=_MESH,
    scratch_types=[
        pltpu.VMEM((_TOK_PER_W + 16,), jnp.int32),
        pltpu.VMEM((_NUM_CHUNKS, _CHUNK_ROWS), jnp.int32),
        pltpu.VMEM((_NBUF, _CHUNK_ROWS, 128), jnp.float32),
        pltpu.SemaphoreType.DMA,
        pltpu.SemaphoreType.DMA,
    ],
    compiler_params=pltpu.CompilerParams(needs_layout_passes=False),
)
def _engram_gather(tok_hbm, tbl_hbm, out_hbm, tok_v, idx_v, buf_v, sem_g, sem_w):
    wid = lax.axis_index("s") * _NUM_CORES + lax.axis_index("c")
    tok_base = wid * _TOK_PER_W

    lane = lax.iota(jnp.int32, 16)
    tvec = lane & 7
    hi = lane >> 3
    is3 = tvec >= 4
    order = 2 + (tvec >> 2)
    head = tvec & 3
    seed = 1337 + 97 * order + 17 * head
    base_off = tvec * 65536

    tok_v[pl.ds(0, 16)] = jnp.zeros_like(lane)

    @pl.when(wid % (_SEQ // _TOK_PER_W) != 0)
    def _():
        pltpu.sync_copy(tok_hbm.at[pl.ds(tok_base - 8, 8)], tok_v.at[pl.ds(0, 8)])

    pltpu.sync_copy(tok_hbm.at[pl.ds(tok_base, _TOK_PER_W)],
                    tok_v.at[pl.ds(8, _TOK_PER_W)])

    zero_i32 = wid - wid

    def hash_row(r):
        for i in range(8):
            n = r * 16 + (2 * i) + hi
            tm2 = plsc.load_gather(tok_v, [n + 6])
            tm1 = plsc.load_gather(tok_v, [n + 7])
            t0 = plsc.load_gather(tok_v, [n + 8])
            h = jnp.where(is3, (tm2 + seed) & _MASK, 0)
            h = (h * _PRIME + tm1 + seed) & _MASK
            h = (h * _PRIME + t0 + seed) & _MASK
            idx_v[r, pl.ds(i * 16, 16)] = h + base_off

    bidx = wid >> 3
    seq0 = (wid & 7) * _TOK_PER_W
    toks_per_chunk = _CHUNK_ROWS // 8

    def out_at(c):
        return out_hbm.at[bidx, pl.ds(seq0 + c * toks_per_chunk, toks_per_chunk)]

    for p in range(_NBUF - 1):
        hash_row(zero_i32 + p)
        pltpu.async_copy(tbl_hbm.at[idx_v.at[np.int32(p)]],
                         buf_v.at[np.int32(p)], sem_g)

    def dma_body(_, c):
        cur = c % _NBUF
        pltpu.make_async_copy(tbl_hbm.at[idx_v.at[c]],
                              buf_v.at[cur], sem_g).wait()
        pltpu.async_copy(buf_v.at[cur].reshape(toks_per_chunk, 1024),
                         out_at(c), sem_w)

        @pl.when(c + _NBUF - 1 < _NUM_CHUNKS)
        def _():
            hash_row(c + _NBUF - 1)

        @pl.when((c >= 1) & (c + _NBUF - 1 < _NUM_CHUNKS))
        def _():
            pltpu.make_async_copy(
                buf_v.at[(c - 1) % _NBUF].reshape(toks_per_chunk, 1024),
                out_at(c - 1), sem_w).wait()

        @pl.when(c + _NBUF - 1 < _NUM_CHUNKS)
        def _():
            pltpu.async_copy(tbl_hbm.at[idx_v.at[c + _NBUF - 1]],
                             buf_v.at[(c + _NBUF - 1) % _NBUF], sem_g)

        return c + 1

    lax.fori_loop(0, _NUM_CHUNKS, dma_body, zero_i32)
    for j in range(_NUM_CHUNKS - _NBUF, _NUM_CHUNKS):
        pltpu.make_async_copy(
            buf_v.at[np.int32(j % _NBUF)].reshape(toks_per_chunk, 1024),
            out_at(np.int32(j)), sem_w).wait()


def kernel(tokens, tables):
    tok_flat = tokens.reshape(-1).astype(jnp.int32)
    tbl_flat = tables.reshape(8 * 65536, 128)
    return _engram_gather(tok_flat, tbl_flat)

# --- scband reference (transcript-rebuilt; emitter-appended) ---
"""Pipeline reference for scband-engram-memory-8074538517157 (READ-ONLY COPY).

The authoritative reference and input builder live on the scoring server;
editing this copy changes nothing except your own understanding.
"""

import jax, jax.numpy as jnp
import numpy as np
jax.config.update('jax_enable_x64', True)

VOCAB = 100000
D_MODEL = 1024
NGRAM_ORDERS = (2, 3)
NUM_HEADS = 4
NUM_BUCKETS = 65536
NUM_TABLES = len(NGRAM_ORDERS) * NUM_HEADS  # 8
HEAD_DIM = D_MODEL // NUM_TABLES  # 128
PRIME = 1000003
SEED_BASE = 1337


def setup_inputs(seed: int = 0) -> dict:
    key = jax.random.key(seed)
    k_tok, k_tab = jax.random.split(key)
    tokens = jax.random.randint(k_tok, (4, 8192), 0, VOCAB, dtype=jnp.int64)
    tables = jax.random.normal(k_tab, (NUM_TABLES, NUM_BUCKETS, HEAD_DIM), dtype=jnp.float32)
    return {"tokens": tokens, "tables": tables}


def _hash_ngram(ngram, seed, num_buckets):
    h = jnp.zeros(ngram.shape[:-1], dtype=jnp.int64)
    for i in range(ngram.shape[-1]):
        h = (h * PRIME + ngram[..., i].astype(jnp.int64) + seed) % num_buckets
    return h


def reference(tokens, tables):
    batch, seq_len = tokens.shape
    mem_parts = []
    table_idx = 0
    for order in NGRAM_ORDERS:
        pad = jnp.zeros((batch, order - 1), dtype=tokens.dtype)
        padded = jnp.concatenate([pad, tokens], axis=1)
        ngrams = jnp.stack([padded[:, i:i + seq_len] for i in range(order)], axis=-1)
        for head in range(NUM_HEADS):
            seed = SEED_BASE + 97 * order + 17 * head
            idx = _hash_ngram(ngrams, seed, NUM_BUCKETS)
            emb = jnp.take(tables[table_idx], idx, axis=0)
            mem_parts.append(emb)
            table_idx += 1
    mem = jnp.concatenate(mem_parts, axis=-1)
    return mem

if __name__ == "__main__":
    import jax
    _d = setup_inputs()
    print(jax.jit(kernel)(*tuple(_d.values())))

</pallas_src>

<mosaic_0001>
#map = affine_map<(d0, d1) -> (0)>
#map1 = affine_map<(d0, d1) -> (0, 0)>
#map2 = affine_map<(d0, d1) -> (0, 0, 0)>
module attributes {stable_mosaic.version = 14 : i64} {
  func.func @_engram_gather(%arg0: i32, %arg1: i32, %arg2: memref<32768xi32, #tpu.memory_space<hbm>>, %arg3: memref<524288x128xf32, #tpu.memory_space<hbm>>, %arg4: memref<4x8192x1024xf32, #tpu.memory_space<hbm>>, %arg5: memref<1040xi32, #tpu.memory_space<vmem>>, %arg6: memref<64x128xi32, #tpu.memory_space<vmem>>, %arg7: memref<7x128x128xf32, #tpu.memory_space<vmem>>, %arg8: memref<!tpu.dma_semaphore, #tpu.memory_space<semaphore_mem>>, %arg9: memref<!tpu.dma_semaphore, #tpu.memory_space<semaphore_mem>>) attributes {dimension_semantics = [#tpu.dimension_semantics<core_parallel>, #tpu.dimension_semantics<subcore_parallel>], iteration_bounds = array<i64: 2, 16>, scalar_prefetch = 0 : i64, scratch_operands = 5 : i64, tpu.core_type = #tpu.core_type<sc_vector_subcore>, window_params = [{transform_indices = #map}, {transform_indices = #map1}, {transform_indices = #map2}]} {
    %mul3A = arith.constant 2 : i32
    %mul3A_0 = arith.muli %arg1, %mul3A : i32
    %add3A = arith.addi %mul3A_0, %arg0 : i32
    %mul3A_1 = arith.constant 1024 : i32
    %mul3A_2 = arith.muli %add3A, %mul3A_1 : i32
    %iota3A = tpu.iota {dimensions = array<i32: 0>} : vector<16xi32>
    %and3A = arith.constant 7 : i32
    %and3A_3 = vector.broadcast %and3A : i32 to vector<16xi32>
    %and3A_4 = arith.andi %iota3A, %and3A_3 : vector<16xi32>
    %shift_right_arithmetic3A = arith.constant 3 : i32
    %shift_right_arithmetic3A_5 = vector.broadcast %shift_right_arithmetic3A : i32 to vector<16xi32>
    %shift_right_arithmetic3A_6 = arith.shrsi %iota3A, %shift_right_arithmetic3A_5 : vector<16xi32>
    %ge3A = arith.constant 4 : i32
    %ge3A_7 = vector.broadcast %ge3A : i32 to vector<16xi32>
    %ge3A_8 = arith.cmpi sge, %and3A_4, %ge3A_7 : vector<16xi32>
    %shift_right_arithmetic3A_9 = arith.constant 2 : i32
    %shift_right_arithmetic3A_10 = vector.broadcast %shift_right_arithmetic3A_9 : i32 to vector<16xi32>
    %shift_right_arithmetic3A_11 = arith.shrsi %and3A_4, %shift_right_arithmetic3A_10 : vector<16xi32>
    %add3A_12 = arith.constant 2 : i32
    %add3A_13 = vector.broadcast %add3A_12 : i32 to vector<16xi32>
    %add3A_14 = arith.addi %add3A_13, %shift_right_arithmetic3A_11 : vector<16xi32>
    %and3A_15 = arith.constant 3 : i32
    %and3A_16 = vector.broadcast %and3A_15 : i32 to vector<16xi32>
    %and3A_17 = arith.andi %and3A_4, %and3A_16 : vector<16xi32>
    %mul3A_18 = arith.constant 97 : i32
    %mul3A_19 = vector.broadcast %mul3A_18 : i32 to vector<16xi32>
    %mul3A_20 = arith.muli %mul3A_19, %add3A_14 : vector<16xi32>
    %add3A_21 = arith.constant 1337 : i32
    %add3A_22 = vector.broadcast %add3A_21 : i32 to vector<16xi32>
    %add3A_23 = arith.addi %add3A_22, %mul3A_20 : vector<16xi32>
    %mul3A_24 = arith.constant 17 : i32
    %mul3A_25 = vector.broadcast %mul3A_24 : i32 to vector<16xi32>
    %mul3A_26 = arith.muli %mul3A_25, %and3A_17 : vector<16xi32>
    %add3A_27 = arith.addi %add3A_23, %mul3A_26 : vector<16xi32>
    %mul3A_28 = arith.constant 65536 : i32
    %mul3A_29 = vector.broadcast %mul3A_28 : i32 to vector<16xi32>
    %mul3A_30 = arith.muli %and3A_4, %mul3A_29 : vector<16xi32>
    %broadcast_in_dim3A = arith.constant 0 : i32
    %broadcast_in_dim3A_31 = vector.broadcast %broadcast_in_dim3A : i32 to vector<16xi32>
    %swap3A = arith.constant 0 : index
    %swap3A_32 = tpu.vector_load %arg5[%swap3A] {strides = array<i32>} : memref<1040xi32, #tpu.memory_space<vmem>>, vector<16xi32>,
    tpu.vector_store %arg5[%swap3A], %broadcast_in_dim3A_31 {strides = array<i32>} : memref<1040xi32, #tpu.memory_space<vmem>>, vector<16xi32>,
    %jit3A = arith.constant 8 : i64
    %convert_element_type3A = arith.trunci %jit3A : i64 to i32
    %eq3A = arith.constant 0 : i32
    %eq3A_33 = arith.cmpi eq, %convert_element_type3A, %eq3A : i32
    %jit3A_34 = arith.constant 1 : i32
    %select_n3A = arith.select %eq3A_33, %jit3A_34, %convert_element_type3A : i32
    %rem3A = arith.remsi %add3A, %select_n3A : i32
    %ne3A = arith.constant 0 : i32
    %ne3A_35 = arith.cmpi ne, %rem3A, %ne3A : i32
    %lt3A = arith.constant 0 : i32
    %lt3A_36 = arith.cmpi slt, %rem3A, %lt3A : i32
    %lt3A_37 = arith.constant 0 : i32
    %lt3A_38 = arith.cmpi slt, %select_n3A, %lt3A_37 : i32
    %ne3A_39 = arith.xori %lt3A_36, %lt3A_38 : i1
    %and3A_40 = arith.andi %ne3A_39, %ne3A_35 : i1
    %add3A_41 = arith.addi %rem3A, %select_n3A : i32
    %select_n3A_42 = arith.select %and3A_40, %add3A_41, %rem3A : i32
    %ne3A_43 = arith.constant 0 : i32
    %ne3A_44 = arith.cmpi ne, %select_n3A_42, %ne3A_43 : i32
    %convert_element_type3A_45 = arith.extui %ne3A_44 : i1 to i32
    %cond3A = arith.constant 0 : i32
    %cond3A_46 = arith.cmpi ne, %convert_element_type3A_45, %cond3A : i32
    scf.if %cond3A_46 {
      %sub3A_2480 = arith.constant 8 : i32
      %sub3A_2481 = arith.subi %mul3A_2, %sub3A_2480 : i32
      "tpu.region"() ({
        %run_scoped3A = tpu.sem_alloc : memref<!tpu.dma_semaphore, #tpu.memory_space<semaphore_mem>>
        %dma_start3A_2482 = arith.constant 0 : i32
        %dma_start3A_2483 = tpu.memref_slice %arg5[%dma_start3A_2482] : memref<1040xi32, #tpu.memory_space<vmem>> -> memref<8xi32, #tpu.memory_space<vmem>>
        %dma_start3A_2484 = tpu.memref_slice %arg2[%sub3A_2481] : memref<32768xi32, #tpu.memory_space<hbm>> -> memref<8xi32, #tpu.memory_space<hbm>>
        %dma_start3A_2485 = arith.constant 0 : i32
        %dma_start3A_2486 = tpu.memref_slice %arg5[%dma_start3A_2485] : memref<1040xi32, #tpu.memory_space<vmem>> -> memref<8xi32, #tpu.memory_space<vmem>>
        %dma_start3A_2487 = tpu.memref_slice %arg2[%sub3A_2481] : memref<32768xi32, #tpu.memory_space<hbm>> -> memref<8xi32, #tpu.memory_space<hbm>>
        tpu.enqueue_dma source(%dma_start3A_2487 : memref<8xi32, #tpu.memory_space<hbm>>) target(%dma_start3A_2486 : memref<8xi32, #tpu.memory_space<vmem>>) target_semaphore(%run_scoped3A : memref<!tpu.dma_semaphore, #tpu.memory_space<semaphore_mem>>)
        %dma_wait3A_2488 = arith.constant 0 : i32
        %dma_wait3A_2489 = tpu.memref_slice %arg5[%dma_wait3A_2488] : memref<1040xi32, #tpu.memory_space<vmem>> -> memref<8xi32, #tpu.memory_space<vmem>>
        %dma_wait3A_2490 = tpu.memref_slice %arg2[%sub3A_2481] : memref<32768xi32, #tpu.memory_space<hbm>> -> memref<8xi32, #tpu.memory_space<hbm>>
        %dma_wait3A_2491 = arith.constant 0 : i32
        %dma_wait3A_2492 = tpu.memref_slice %arg5[%dma_wait3A_2491] : memref<1040xi32, #tpu.memory_space<vmem>> -> memref<8xi32, #tpu.memory_space<vmem>>
        %dma_wait3A_2493 = tpu.memref_slice %arg2[%sub3A_2481] : memref<32768xi32, #tpu.memory_space<hbm>> -> memref<8xi32, #tpu.memory_space<hbm>>
        tpu.wait_dma2 semaphore(%run_scoped3A : memref<!tpu.dma_semaphore, #tpu.memory_space<semaphore_mem>>) src(%dma_wait3A_2493 : memref<8xi32, #tpu.memory_space<hbm>>) dst(%dma_wait3A_2492 : memref<8xi32, #tpu.memory_space<vmem>>)
        tpu.yield
      }) : () -> ()
    } else {
    }
    "tpu.region"() ({
      %run_scoped3A = tpu.sem_alloc : memref<!tpu.dma_semaphore, #tpu.memory_space<semaphore_mem>>
      %dma_start3A_2480 = arith.constant 8 : i32
      %dma_start3A_2481 = tpu.memref_slice %arg5[%dma_start3A_2480] : memref<1040xi32, #tpu.memory_space<vmem>> -> memref<1024xi32, #tpu.memory_space<vmem>>
      %dma_start3A_2482 = tpu.memref_slice %arg2[%mul3A_2] : memref<32768xi32, #tpu.memory_space<hbm>> -> memref<1024xi32, #tpu.memory_space<hbm>>
      %dma_start3A_2483 = arith.constant 8 : i32
      %dma_start3A_2484 = tpu.memref_slice %arg5[%dma_start3A_2483] : memref<1040xi32, #tpu.memory_space<vmem>> -> memref<1024xi32, #tpu.memory_space<vmem>>
      %dma_start3A_2485 = tpu.memref_slice %arg2[%mul3A_2] : memref<32768xi32, #tpu.memory_space<hbm>> -> memref<1024xi32, #tpu.memory_space<hbm>>
      tpu.enqueue_dma source(%dma_start3A_2485 : memref<1024xi32, #tpu.memory_space<hbm>>) target(%dma_start3A_2484 : memref<1024xi32, #tpu.memory_space<vmem>>) target_semaphore(%run_scoped3A : memref<!tpu.dma_semaphore, #tpu.memory_space<semaphore_mem>>)
      %dma_wait3A_2486 = arith.constant 8 : i32
      %dma_wait3A_2487 = tpu.memref_slice %arg5[%dma_wait3A_2486] : memref<1040xi32, #tpu.memory_space<vmem>> -> memref<1024xi32, #tpu.memory_space<vmem>>
      %dma_wait3A_2488 = tpu.memref_slice %arg2[%mul3A_2] : memref<32768xi32, #tpu.memory_space<hbm>> -> memref<1024xi32, #tpu.memory_space<hbm>>
      %dma_wait3A_2489 = arith.constant 8 : i32
      %dma_wait3A_2490 = tpu.memref_slice %arg5[%dma_wait3A_2489] : memref<1040xi32, #tpu.memory_space<vmem>> -> memref<1024xi32, #tpu.memory_space<vmem>>
      %dma_wait3A_2491 = tpu.memref_slice %arg2[%mul3A_2] : memref<32768xi32, #tpu.memory_space<hbm>> -> memref<1024xi32, #tpu.memory_space<hbm>>
      tpu.wait_dma2 semaphore(%run_scoped3A : memref<!tpu.dma_semaphore, #tpu.memory_space<semaphore_mem>>) src(%dma_wait3A_2491 : memref<1024xi32, #tpu.memory_space<hbm>>) dst(%dma_wait3A_2490 : memref<1024xi32, #tpu.memory_space<vmem>>)
      tpu.yield
    }) : () -> ()
    %sub3A = arith.subi %add3A, %add3A : i32
    %shift_right_arithmetic3A_47 = arith.constant 3 : i32
    %shift_right_arithmetic3A_48 = arith.shrsi %add3A, %shift_right_arithmetic3A_47 : i32
    %and3A_49 = arith.constant 7 : i32
    %and3A_50 = arith.andi %add3A, %and3A_49 : i32
    %mul3A_51 = arith.constant 1024 : i32
    %mul3A_52 = arith.muli %and3A_50, %mul3A_51 : i32
    %add3A_53 = arith.constant 0 : i32
    %add3A_54 = arith.addi %sub3A, %add3A_53 : i32
    %mul3A_55 = arith.constant 16 : i32
    %mul3A_56 = arith.muli %add3A_54, %mul3A_55 : i32
    %add3A_57 = arith.constant 0 : i32
    %add3A_58 = arith.addi %mul3A_56, %add3A_57 : i32
    %add3A_59 = vector.broadcast %add3A_58 : i32 to vector<16xi32>
    %add3A_60 = arith.addi %add3A_59, %shift_right_arithmetic3A_6 : vector<16xi32>
    %add3A_61 = arith.constant 6 : i32
    %add3A_62 = vector.broadcast %add3A_61 : i32 to vector<16xi32>
    %add3A_63 = arith.addi %add3A_60, %add3A_62 : vector<16xi32>
    %gather3A = tpu.vector_load_idx %arg5[%add3A_63] : memref<1040xi32, #tpu.memory_space<vmem>>[vector<16xi32>], vector<16xi32>,
    %add3A_64 = arith.constant 7 : i32
    %add3A_65 = vector.broadcast %add3A_64 : i32 to vector<16xi32>
    %add3A_66 = arith.addi %add3A_60, %add3A_65 : vector<16xi32>
    %gather3A_67 = tpu.vector_load_idx %arg5[%add3A_66] : memref<1040xi32, #tpu.memory_space<vmem>>[vector<16xi32>], vector<16xi32>,
    %add3A_68 = arith.constant 8 : i32
    %add3A_69 = vector.broadcast %add3A_68 : i32 to vector<16xi32>
    %add3A_70 = arith.addi %add3A_60, %add3A_69 : vector<16xi32>
    %gather3A_71 = tpu.vector_load_idx %arg5[%add3A_70] : memref<1040xi32, #tpu.memory_space<vmem>>[vector<16xi32>], vector<16xi32>,
    %add3A_72 = arith.addi %gather3A, %add3A_27 : vector<16xi32>
    %and3A_73 = arith.constant 65535 : i32
    %and3A_74 = vector.broadcast %and3A_73 : i32 to vector<16xi32>
    %and3A_75 = arith.andi %add3A_72, %and3A_74 : vector<16xi32>
    %jit3A_76 = arith.constant 0 : i64
    %convert_element_type3A_77 = arith.trunci %jit3A_76 : i64 to i32
    %broadcast_in_dim3A_78 = vector.broadcast %convert_element_type3A_77 : i32 to vector<16xi32>
    %select_n3A_79 = arith.select %ge3A_8, %and3A_75, %broadcast_in_dim3A_78 : vector<16xi1>, vector<16xi32>
    %mul3A_80 = arith.constant 1000003 : i32
    %mul3A_81 = vector.broadcast %mul3A_80 : i32 to vector<16xi32>
    %mul3A_82 = arith.muli %select_n3A_79, %mul3A_81 : vector<16xi32>
    %add3A_83 = arith.addi %mul3A_82, %gather3A_67 : vector<16xi32>
    %add3A_84 = arith.addi %add3A_83, %add3A_27 : vector<16xi32>
    %and3A_85 = arith.constant 65535 : i32
    %and3A_86 = vector.broadcast %and3A_85 : i32 to vector<16xi32>
    %and3A_87 = arith.andi %add3A_84, %and3A_86 : vector<16xi32>
    %mul3A_88 = arith.constant 1000003 : i32
    %mul3A_89 = vector.broadcast %mul3A_88 : i32 to vector<16xi32>
    %mul3A_90 = arith.muli %and3A_87, %mul3A_89 : vector<16xi32>
    %add3A_91 = arith.addi %mul3A_90, %gather3A_71 : vector<16xi32>
    %add3A_92 = arith.addi %add3A_91, %add3A_27 : vector<16xi32>
    %and3A_93 = arith.constant 65535 : i32
    %and3A_94 = vector.broadcast %and3A_93 : i32 to vector<16xi32>
    %and3A_95 = arith.andi %add3A_92, %and3A_94 : vector<16xi32>
    %add3A_96 = arith.addi %and3A_95, %mul3A_30 : vector<16xi32>
    %swap3A_97 = arith.index_cast %add3A_54 : i32 to index
    %swap3A_98 = arith.constant 0 : index
    %swap3A_99 = tpu.vector_load %arg6[%swap3A_97, %swap3A_98] {strides = array<i32>} : memref<64x128xi32, #tpu.memory_space<vmem>>, vector<16xi32>,
    tpu.vector_store %arg6[%swap3A_97, %swap3A_98], %add3A_96 {strides = array<i32>} : memref<64x128xi32, #tpu.memory_space<vmem>>, vector<16xi32>,
    %mul3A_100 = arith.constant 16 : i32
    %mul3A_101 = arith.muli %add3A_54, %mul3A_100 : i32
    %add3A_102 = arith.constant 2 : i32
    %add3A_103 = arith.addi %mul3A_101, %add3A_102 : i32
    %add3A_104 = vector.broadcast %add3A_103 : i32 to vector<16xi32>
    %add3A_105 = arith.addi %add3A_104, %shift_right_arithmetic3A_6 : vector<16xi32>
    %add3A_106 = arith.constant 6 : i32
    %add3A_107 = vector.broadcast %add3A_106 : i32 to vector<16xi32>
    %add3A_108 = arith.addi %add3A_105, %add3A_107 : vector<16xi32>
    %gather3A_109 = tpu.vector_load_idx %arg5[%add3A_108] : memref<1040xi32, #tpu.memory_space<vmem>>[vector<16xi32>], vector<16xi32>,
    %add3A_110 = arith.constant 7 : i32
    %add3A_111 = vector.broadcast %add3A_110 : i32 to vector<16xi32>
    %add3A_112 = arith.addi %add3A_105, %add3A_111 : vector<16xi32>
    %gather3A_113 = tpu.vector_load_idx %arg5[%add3A_112] : memref<1040xi32, #tpu.memory_space<vmem>>[vector<16xi32>], vector<16xi32>,
    %add3A_114 = arith.constant 8 : i32
    %add3A_115 = vector.broadcast %add3A_114 : i32 to vector<16xi32>
    %add3A_116 = arith.addi %add3A_105, %add3A_115 : vector<16xi32>
    %gather3A_117 = tpu.vector_load_idx %arg5[%add3A_116] : memref<1040xi32, #tpu.memory_space<vmem>>[vector<16xi32>], vector<16xi32>,
    %add3A_118 = arith.addi %gather3A_109, %add3A_27 : vector<16xi32>
    %and3A_119 = arith.constant 65535 : i32
    %and3A_120 = vector.broadcast %and3A_119 : i32 to vector<16xi32>
    %and3A_121 = arith.andi %add3A_118, %and3A_120 : vector<16xi32>
    %jit3A_122 = arith.constant 0 : i64
    %convert_element_type3A_123 = arith.trunci %jit3A_122 : i64 to i32
    %broadcast_in_dim3A_124 = vector.broadcast %convert_element_type3A_123 : i32 to vector<16xi32>
    %select_n3A_125 = arith.select %ge3A_8, %and3A_121, %broadcast_in_dim3A_124 : vector<16xi1>, vector<16xi32>
    %mul3A_126 = arith.constant 1000003 : i32
    %mul3A_127 = vector.broadcast %mul3A_126 : i32 to vector<16xi32>
    %mul3A_128 = arith.muli %select_n3A_125, %mul3A_127 : vector<16xi32>
    %add3A_129 = arith.addi %mul3A_128, %gather3A_113 : vector<16xi32>
    %add3A_130 = arith.addi %add3A_129, %add3A_27 : vector<16xi32>
    %and3A_131 = arith.constant 65535 : i32
    %and3A_132 = vector.broadcast %and3A_131 : i32 to vector<16xi32>
    %and3A_133 = arith.andi %add3A_130, %and3A_132 : vector<16xi32>
    %mul3A_134 = arith.constant 1000003 : i32
    %mul3A_135 = vector.broadcast %mul3A_134 : i32 to vector<16xi32>
    %mul3A_136 = arith.muli %and3A_133, %mul3A_135 : vector<16xi32>
    %add3A_137 = arith.addi %mul3A_136, %gather3A_117 : vector<16xi32>
    %add3A_138 = arith.addi %add3A_137, %add3A_27 : vector<16xi32>
    %and3A_139 = arith.constant 65535 : i32
    %and3A_140 = vector.broadcast %and3A_139 : i32 to vector<16xi32>
    %and3A_141 = arith.andi %add3A_138, %and3A_140 : vector<16xi32>
    %add3A_142 = arith.addi %and3A_141, %mul3A_30 : vector<16xi32>
    %swap3A_143 = arith.index_cast %add3A_54 : i32 to index
    %swap3A_144 = arith.constant 16 : index
    %swap3A_145 = tpu.vector_load %arg6[%swap3A_143, %swap3A_144] {strides = array<i32>} : memref<64x128xi32, #tpu.memory_space<vmem>>, vector<16xi32>,
    tpu.vector_store %arg6[%swap3A_143, %swap3A_144], %add3A_142 {strides = array<i32>} : memref<64x128xi32, #tpu.memory_space<vmem>>, vector<16xi32>,
    %mul3A_146 = arith.constant 16 : i32
    %mul3A_147 = arith.muli %add3A_54, %mul3A_146 : i32
    %add3A_148 = arith.constant 4 : i32
    %add3A_149 = arith.addi %mul3A_147, %add3A_148 : i32
    %add3A_150 = vector.broadcast %add3A_149 : i32 to vector<16xi32>
    %add3A_151 = arith.addi %add3A_150, %shift_right_arithmetic3A_6 : vector<16xi32>
    %add3A_152 = arith.constant 6 : i32
    %add3A_153 = vector.broadcast %add3A_152 : i32 to vector<16xi32>
    %add3A_154 = arith.addi %add3A_151, %add3A_153 : vector<16xi32>
    %gather3A_155 = tpu.vector_load_idx %arg5[%add3A_154] : memref<1040xi32, #tpu.memory_space<vmem>>[vector<16xi32>], vector<16xi32>,
    %add3A_156 = arith.constant 7 : i32
    %add3A_157 = vector.broadcast %add3A_156 : i32 to vector<16xi32>
    %add3A_158 = arith.addi %add3A_151, %add3A_157 : vector<16xi32>
    %gather3A_159 = tpu.vector_load_idx %arg5[%add3A_158] : memref<1040xi32, #tpu.memory_space<vmem>>[vector<16xi32>], vector<16xi32>,
    %add3A_160 = arith.constant 8 : i32
    %add3A_161 = vector.broadcast %add3A_160 : i32 to vector<16xi32>
    %add3A_162 = arith.addi %add3A_151, %add3A_161 : vector<16xi32>
    %gather3A_163 = tpu.vector_load_idx %arg5[%add3A_162] : memref<1040xi32, #tpu.memory_space<vmem>>[vector<16xi32>], vector<16xi32>,
    %add3A_164 = arith.addi %gather3A_155, %add3A_27 : vector<16xi32>
    %and3A_165 = arith.constant 65535 : i32
    %and3A_166 = vector.broadcast %and3A_165 : i32 to vector<16xi32>
    %and3A_167 = arith.andi %add3A_164, %and3A_166 : vector<16xi32>
    %jit3A_168 = arith.constant 0 : i64
    %convert_element_type3A_169 = arith.trunci %jit3A_168 : i64 to i32
    %broadcast_in_dim3A_170 = vector.broadcast %convert_element_type3A_169 : i32 to vector<16xi32>
    %select_n3A_171 = arith.select %ge3A_8, %and3A_167, %broadcast_in_dim3A_170 : vector<16xi1>, vector<16xi32>
    %mul3A_172 = arith.constant 1000003 : i32
    %mul3A_173 = vector.broadcast %mul3A_172 : i32 to vector<16xi32>
    %mul3A_174 = arith.muli %select_n3A_171, %mul3A_173 : vector<16xi32>
    %add3A_175 = arith.addi %mul3A_174, %gather3A_159 : vector<16xi32>
    %add3A_176 = arith.addi %add3A_175, %add3A_27 : vector<16xi32>
    %and3A_177 = arith.constant 65535 : i32
    %and3A_178 = vector.broadcast %and3A_177 : i32 to vector<16xi32>
    %and3A_179 = arith.andi %add3A_176, %and3A_178 : vector<16xi32>
    %mul3A_180 = arith.constant 1000003 : i32
    %mul3A_181 = vector.broadcast %mul3A_180 : i32 to vector<16xi32>
    %mul3A_182 = arith.muli %and3A_179, %mul3A_181 : vector<16xi32>
    %add3A_183 = arith.addi %mul3A_182, %gather3A_163 : vector<16xi32>
    %add3A_184 = arith.addi %add3A_183, %add3A_27 : vector<16xi32>
    %and3A_185 = arith.constant 65535 : i32
    %and3A_186 = vector.broadcast %and3A_185 : i32 to vector<16xi32>
    %and3A_187 = arith.andi %add3A_184, %and3A_186 : vector<16xi32>
    %add3A_188 = arith.addi %and3A_187, %mul3A_30 : vector<16xi32>
    %swap3A_189 = arith.index_cast %add3A_54 : i32 to index
    %swap3A_190 = arith.constant 32 : index
    %swap3A_191 = tpu.vector_load %arg6[%swap3A_189, %swap3A_190] {strides = array<i32>} : memref<64x128xi32, #tpu.memory_space<vmem>>, vector<16xi32>,
    tpu.vector_store %arg6[%swap3A_189, %swap3A_190], %add3A_188 {strides = array<i32>} : memref<64x128xi32, #tpu.memory_space<vmem>>, vector<16xi32>,
    %mul3A_192 = arith.constant 16 : i32
    %mul3A_193 = arith.muli %add3A_54, %mul3A_192 : i32
    %add3A_194 = arith.constant 6 : i32
    %add3A_195 = arith.addi %mul3A_193, %add3A_194 : i32
    %add3A_196 = vector.broadcast %add3A_195 : i32 to vector<16xi32>
    %add3A_197 = arith.addi %add3A_196, %shift_right_arithmetic3A_6 : vector<16xi32>
    %add3A_198 = arith.constant 6 : i32
    %add3A_199 = vector.broadcast %add3A_198 : i32 to vector<16xi32>
    %add3A_200 = arith.addi %add3A_197, %add3A_199 : vector<16xi32>
    %gather3A_201 = tpu.vector_load_idx %arg5[%add3A_200] : memref<1040xi32, #tpu.memory_space<vmem>>[vector<16xi32>], vector<16xi32>,
    %add3A_202 = arith.constant 7 : i32
    %add3A_203 = vector.broadcast %add3A_202 : i32 to vector<16xi32>
    %add3A_204 = arith.addi %add3A_197, %add3A_203 : vector<16xi32>
    %gather3A_205 = tpu.vector_load_idx %arg5[%add3A_204] : memref<1040xi32, #tpu.memory_space<vmem>>[vector<16xi32>], vector<16xi32>,
    %add3A_206 = arith.constant 8 : i32
    %add3A_207 = vector.broadcast %add3A_206 : i32 to vector<16xi32>
    %add3A_208 = arith.addi %add3A_197, %add3A_207 : vector<16xi32>
    %gather3A_209 = tpu.vector_load_idx %arg5[%add3A_208] : memref<1040xi32, #tpu.memory_space<vmem>>[vector<16xi32>], vector<16xi32>,
    %add3A_210 = arith.addi %gather3A_201, %add3A_27 : vector<16xi32>
    %and3A_211 = arith.constant 65535 : i32
    %and3A_212 = vector.broadcast %and3A_211 : i32 to vector<16xi32>
    %and3A_213 = arith.andi %add3A_210, %and3A_212 : vector<16xi32>
    %jit3A_214 = arith.constant 0 : i64
    %convert_element_type3A_215 = arith.trunci %jit3A_214 : i64 to i32
    %broadcast_in_dim3A_216 = vector.broadcast %convert_element_type3A_215 : i32 to vector<16xi32>
    %select_n3A_217 = arith.select %ge3A_8, %and3A_213, %broadcast_in_dim3A_216 : vector<16xi1>, vector<16xi32>
    %mul3A_218 = arith.constant 1000003 : i32
    %mul3A_219 = vector.broadcast %mul3A_218 : i32 to vector<16xi32>
    %mul3A_220 = arith.muli %select_n3A_217, %mul3A_219 : vector<16xi32>
    %add3A_221 = arith.addi %mul3A_220, %gather3A_205 : vector<16xi32>
    %add3A_222 = arith.addi %add3A_221, %add3A_27 : vector<16xi32>
    %and3A_223 = arith.constant 65535 : i32
    %and3A_224 = vector.broadcast %and3A_223 : i32 to vector<16xi32>
    %and3A_225 = arith.andi %add3A_222, %and3A_224 : vector<16xi32>
    %mul3A_226 = arith.constant 1000003 : i32
    %mul3A_227 = vector.broadcast %mul3A_226 : i32 to vector<16xi32>
    %mul3A_228 = arith.muli %and3A_225, %mul3A_227 : vector<16xi32>
    %add3A_229 = arith.addi %mul3A_228, %gather3A_209 : vector<16xi32>
    %add3A_230 = arith.addi %add3A_229, %add3A_27 : vector<16xi32>
    %and3A_231 = arith.constant 65535 : i32
    %and3A_232 = vector.broadcast %and3A_231 : i32 to vector<16xi32>
    %and3A_233 = arith.andi %add3A_230, %and3A_232 : vector<16xi32>
    %add3A_234 = arith.addi %and3A_233, %mul3A_30 : vector<16xi32>
    %swap3A_235 = arith.index_cast %add3A_54 : i32 to index
    %swap3A_236 = arith.constant 48 : index
    %swap3A_237 = tpu.vector_load %arg6[%swap3A_235, %swap3A_236] {strides = array<i32>} : memref<64x128xi32, #tpu.memory_space<vmem>>, vector<16xi32>,
    tpu.vector_store %arg6[%swap3A_235, %swap3A_236], %add3A_234 {strides = array<i32>} : memref<64x128xi32, #tpu.memory_space<vmem>>, vector<16xi32>,
    %mul3A_238 = arith.constant 16 : i32
    %mul3A_239 = arith.muli %add3A_54, %mul3A_238 : i32
    %add3A_240 = arith.constant 8 : i32
    %add3A_241 = arith.addi %mul3A_239, %add3A_240 : i32
    %add3A_242 = vector.broadcast %add3A_241 : i32 to vector<16xi32>
    %add3A_243 = arith.addi %add3A_242, %shift_right_arithmetic3A_6 : vector<16xi32>
    %add3A_244 = arith.constant 6 : i32
    %add3A_245 = vector.broadcast %add3A_244 : i32 to vector<16xi32>
    %add3A_246 = arith.addi %add3A_243, %add3A_245 : vector<16xi32>
    %gather3A_247 = tpu.vector_load_idx %arg5[%add3A_246] : memref<1040xi32, #tpu.memory_space<vmem>>[vector<16xi32>], vector<16xi32>,
    %add3A_248 = arith.constant 7 : i32
    %add3A_249 = vector.broadcast %add3A_248 : i32 to vector<16xi32>
    %add3A_250 = arith.addi %add3A_243, %add3A_249 : vector<16xi32>
    %gather3A_251 = tpu.vector_load_idx %arg5[%add3A_250] : memref<1040xi32, #tpu.memory_space<vmem>>[vector<16xi32>], vector<16xi32>,
    %add3A_252 = arith.constant 8 : i32
    %add3A_253 = vector.broadcast %add3A_252 : i32 to vector<16xi32>
    %add3A_254 = arith.addi %add3A_243, %add3A_253 : vector<16xi32>
    %gather3A_255 = tpu.vector_load_idx %arg5[%add3A_254] : memref<1040xi32, #tpu.memory_space<vmem>>[vector<16xi32>], vector<16xi32>,
    %add3A_256 = arith.addi %gather3A_247, %add3A_27 : vector<16xi32>
    %and3A_257 = arith.constant 65535 : i32
    %and3A_258 = vector.broadcast %and3A_257 : i32 to vector<16xi32>
    %and3A_259 = arith.andi %add3A_256, %and3A_258 : vector<16xi32>
    %jit3A_260 = arith.constant 0 : i64
    %convert_element_type3A_261 = arith.trunci %jit3A_260 : i64 to i32
    %broadcast_in_dim3A_262 = vector.broadcast %convert_element_type3A_261 : i32 to vector<16xi32>
    %select_n3A_263 = arith.select %ge3A_8, %and3A_259, %broadcast_in_dim3A_262 : vector<16xi1>, vector<16xi32>
    %mul3A_264 = arith.constant 1000003 : i32
    %mul3A_265 = vector.broadcast %mul3A_264 : i32 to vector<16xi32>
    %mul3A_266 = arith.muli %select_n3A_263, %mul3A_265 : vector<16xi32>
    %add3A_267 = arith.addi %mul3A_266, %gather3A_251 : vector<16xi32>
    %add3A_268 = arith.addi %add3A_267, %add3A_27 : vector<16xi32>
    %and3A_269 = arith.constant 65535 : i32
    %and3A_270 = vector.broadcast %and3A_269 : i32 to vector<16xi32>
    %and3A_271 = arith.andi %add3A_268, %and3A_270 : vector<16xi32>
    %mul3A_272 = arith.constant 1000003 : i32
    %mul3A_273 = vector.broadcast %mul3A_272 : i32 to vector<16xi32>
    %mul3A_274 = arith.muli %and3A_271, %mul3A_273 : vector<16xi32>
    %add3A_275 = arith.addi %mul3A_274, %gather3A_255 : vector<16xi32>
    %add3A_276 = arith.addi %add3A_275, %add3A_27 : vector<16xi32>
    %and3A_277 = arith.constant 65535 : i32
    %and3A_278 = vector.broadcast %and3A_277 : i32 to vector<16xi32>
    %and3A_279 = arith.andi %add3A_276, %and3A_278 : vector<16xi32>
    %add3A_280 = arith.addi %and3A_279, %mul3A_30 : vector<16xi32>
    %swap3A_281 = arith.index_cast %add3A_54 : i32 to index
    %swap3A_282 = arith.constant 64 : index
    %swap3A_283 = tpu.vector_load %arg6[%swap3A_281, %swap3A_282] {strides = array<i32>} : memref<64x128xi32, #tpu.memory_space<vmem>>, vector<16xi32>,
    tpu.vector_store %arg6[%swap3A_281, %swap3A_282], %add3A_280 {strides = array<i32>} : memref<64x128xi32, #tpu.memory_space<vmem>>, vector<16xi32>,
    %mul3A_284 = arith.constant 16 : i32
    %mul3A_285 = arith.muli %add3A_54, %mul3A_284 : i32
    %add3A_286 = arith.constant 10 : i32
    %add3A_287 = arith.addi %mul3A_285, %add3A_286 : i32
    %add3A_288 = vector.broadcast %add3A_287 : i32 to vector<16xi32>
    %add3A_289 = arith.addi %add3A_288, %shift_right_arithmetic3A_6 : vector<16xi32>
    %add3A_290 = arith.constant 6 : i32
    %add3A_291 = vector.broadcast %add3A_290 : i32 to vector<16xi32>
    %add3A_292 = arith.addi %add3A_289, %add3A_291 : vector<16xi32>
    %gather3A_293 = tpu.vector_load_idx %arg5[%add3A_292] : memref<1040xi32, #tpu.memory_space<vmem>>[vector<16xi32>], vector<16xi32>,
    %add3A_294 = arith.constant 7 : i32
    %add3A_295 = vector.broadcast %add3A_294 : i32 to vector<16xi32>
    %add3A_296 = arith.addi %add3A_289, %add3A_295 : vector<16xi32>
    %gather3A_297 = tpu.vector_load_idx %arg5[%add3A_296] : memref<1040xi32, #tpu.memory_space<vmem>>[vector<16xi32>], vector<16xi32>,
    %add3A_298 = arith.constant 8 : i32
    %add3A_299 = vector.broadcast %add3A_298 : i32 to vector<16xi32>
    %add3A_300 = arith.addi %add3A_289, %add3A_299 : vector<16xi32>
    %gather3A_301 = tpu.vector_load_idx %arg5[%add3A_300] : memref<1040xi32, #tpu.memory_space<vmem>>[vector<16xi32>], vector<16xi32>,
    %add3A_302 = arith.addi %gather3A_293, %add3A_27 : vector<16xi32>
    %and3A_303 = arith.constant 65535 : i32
    %and3A_304 = vector.broadcast %and3A_303 : i32 to vector<16xi32>
    %and3A_305 = arith.andi %add3A_302, %and3A_304 : vector<16xi32>
    %jit3A_306 = arith.constant 0 : i64
    %convert_element_type3A_307 = arith.trunci %jit3A_306 : i64 to i32
    %broadcast_in_dim3A_308 = vector.broadcast %convert_element_type3A_307 : i32 to vector<16xi32>
    %select_n3A_309 = arith.select %ge3A_8, %and3A_305, %broadcast_in_dim3A_308 : vector<16xi1>, vector<16xi32>
    %mul3A_310 = arith.constant 1000003 : i32
    %mul3A_311 = vector.broadcast %mul3A_310 : i32 to vector<16xi32>
    %mul3A_312 = arith.muli %select_n3A_309, %mul3A_311 : vector<16xi32>
    %add3A_313 = arith.addi %mul3A_312, %gather3A_297 : vector<16xi32>
    %add3A_314 = arith.addi %add3A_313, %add3A_27 : vector<16xi32>
    %and3A_315 = arith.constant 65535 : i32
    %and3A_316 = vector.broadcast %and3A_315 : i32 to vector<16xi32>
    %and3A_317 = arith.andi %add3A_314, %and3A_316 : vector<16xi32>
    %mul3A_318 = arith.constant 1000003 : i32
    %mul3A_319 = vector.broadcast %mul3A_318 : i32 to vector<16xi32>
    %mul3A_320 = arith.muli %and3A_317, %mul3A_319 : vector<16xi32>
    %add3A_321 = arith.addi %mul3A_320, %gather3A_301 : vector<16xi32>
    %add3A_322 = arith.addi %add3A_321, %add3A_27 : vector<16xi32>
    %and3A_323 = arith.constant 65535 : i32
    %and3A_324 = vector.broadcast %and3A_323 : i32 to vector<16xi32>
    %and3A_325 = arith.andi %add3A_322, %and3A_324 : vector<16xi32>
    %add3A_326 = arith.addi %and3A_325, %mul3A_30 : vector<16xi32>
    %swap3A_327 = arith.index_cast %add3A_54 : i32 to index
    %swap3A_328 = arith.constant 80 : index
    %swap3A_329 = tpu.vector_load %arg6[%swap3A_327, %swap3A_328] {strides = array<i32>} : memref<64x128xi32, #tpu.memory_space<vmem>>, vector<16xi32>,
    tpu.vector_store %arg6[%swap3A_327, %swap3A_328], %add3A_326 {strides = array<i32>} : memref<64x128xi32, #tpu.memory_space<vmem>>, vector<16xi32>,
    %mul3A_330 = arith.constant 16 : i32
    %mul3A_331 = arith.muli %add3A_54, %mul3A_330 : i32
    %add3A_332 = arith.constant 12 : i32
    %add3A_333 = arith.addi %mul3A_331, %add3A_332 : i32
    %add3A_334 = vector.broadcast %add3A_333 : i32 to vector<16xi32>
    %add3A_335 = arith.addi %add3A_334, %shift_right_arithmetic3A_6 : vector<16xi32>
    %add3A_336 = arith.constant 6 : i32
    %add3A_337 = vector.broadcast %add3A_336 : i32 to vector<16xi32>
    %add3A_338 = arith.addi %add3A_335, %add3A_337 : vector<16xi32>
    %gather3A_339 = tpu.vector_load_idx %arg5[%add3A_338] : memref<1040xi32, #tpu.memory_space<vmem>>[vector<16xi32>], vector<16xi32>,
    %add3A_340 = arith.constant 7 : i32
    %add3A_341 = vector.broadcast %add3A_340 : i32 to vector<16xi32>
    %add3A_342 = arith.addi %add3A_335, %add3A_341 : vector<16xi32>
    %gather3A_343 = tpu.vector_load_idx %arg5[%add3A_342] : memref<1040xi32, #tpu.memory_space<vmem>>[vector<16xi32>], vector<16xi32>,
    %add3A_344 = arith.constant 8 : i32
    %add3A_345 = vector.broadcast %add3A_344 : i32 to vector<16xi32>
    %add3A_346 = arith.addi %add3A_335, %add3A_345 : vector<16xi32>
    %gather3A_347 = tpu.vector_load_idx %arg5[%add3A_346] : memref<1040xi32, #tpu.memory_space<vmem>>[vector<16xi32>], vector<16xi32>,
    %add3A_348 = arith.addi %gather3A_339, %add3A_27 : vector<16xi32>
    %and3A_349 = arith.constant 65535 : i32
    %and3A_350 = vector.broadcast %and3A_349 : i32 to vector<16xi32>
    %and3A_351 = arith.andi %add3A_348, %and3A_350 : vector<16xi32>
    %jit3A_352 = arith.constant 0 : i64
    %convert_element_type3A_353 = arith.trunci %jit3A_352 : i64 to i32
    %broadcast_in_dim3A_354 = vector.broadcast %convert_element_type3A_353 : i32 to vector<16xi32>
    %select_n3A_355 = arith.select %ge3A_8, %and3A_351, %broadcast_in_dim3A_354 : vector<16xi1>, vector<16xi32>
    %mul3A_356 = arith.constant 1000003 : i32
    %mul3A_357 = vector.broadcast %mul3A_356 : i32 to vector<16xi32>
    %mul3A_358 = arith.muli %select_n3A_355, %mul3A_357 : vector<16xi32>
    %add3A_359 = arith.addi %mul3A_358, %gather3A_343 : vector<16xi32>
    %add3A_360 = arith.addi %add3A_359, %add3A_27 : vector<16xi32>
    %and3A_361 = arith.constant 65535 : i32
    %and3A_362 = vector.broadcast %and3A_361 : i32 to vector<16xi32>
    %and3A_363 = arith.andi %add3A_360, %and3A_362 : vector<16xi32>
    %mul3A_364 = arith.constant 1000003 : i32
    %mul3A_365 = vector.broadcast %mul3A_364 : i32 to vector<16xi32>
    %mul3A_366 = arith.muli %and3A_363, %mul3A_365 : vector<16xi32>
    %add3A_367 = arith.addi %mul3A_366, %gather3A_347 : vector<16xi32>
    %add3A_368 = arith.addi %add3A_367, %add3A_27 : vector<16xi32>
    %and3A_369 = arith.constant 65535 : i32
    %and3A_370 = vector.broadcast %and3A_369 : i32 to vector<16xi32>
    %and3A_371 = arith.andi %add3A_368, %and3A_370 : vector<16xi32>
    %add3A_372 = arith.addi %and3A_371, %mul3A_30 : vector<16xi32>
    %swap3A_373 = arith.index_cast %add3A_54 : i32 to index
    %swap3A_374 = arith.constant 96 : index
    %swap3A_375 = tpu.vector_load %arg6[%swap3A_373, %swap3A_374] {strides = array<i32>} : memref<64x128xi32, #tpu.memory_space<vmem>>, vector<16xi32>,
    tpu.vector_store %arg6[%swap3A_373, %swap3A_374], %add3A_372 {strides = array<i32>} : memref<64x128xi32, #tpu.memory_space<vmem>>, vector<16xi32>,
    %mul3A_376 = arith.constant 16 : i32
    %mul3A_377 = arith.muli %add3A_54, %mul3A_376 : i32
    %add3A_378 = arith.constant 14 : i32
    %add3A_379 = arith.addi %mul3A_377, %add3A_378 : i32
    %add3A_380 = vector.broadcast %add3A_379 : i32 to vector<16xi32>
    %add3A_381 = arith.addi %add3A_380, %shift_right_arithmetic3A_6 : vector<16xi32>
    %add3A_382 = arith.constant 6 : i32
    %add3A_383 = vector.broadcast %add3A_382 : i32 to vector<16xi32>
    %add3A_384 = arith.addi %add3A_381, %add3A_383 : vector<16xi32>
    %gather3A_385 = tpu.vector_load_idx %arg5[%add3A_384] : memref<1040xi32, #tpu.memory_space<vmem>>[vector<16xi32>], vector<16xi32>,
    %add3A_386 = arith.constant 7 : i32
    %add3A_387 = vector.broadcast %add3A_386 : i32 to vector<16xi32>
    %add3A_388 = arith.addi %add3A_381, %add3A_387 : vector<16xi32>
    %gather3A_389 = tpu.vector_load_idx %arg5[%add3A_388] : memref<1040xi32, #tpu.memory_space<vmem>>[vector<16xi32>], vector<16xi32>,
    %add3A_390 = arith.constant 8 : i32
    %add3A_391 = vector.broadcast %add3A_390 : i32 to vector<16xi32>
    %add3A_392 = arith.addi %add3A_381, %add3A_391 : vector<16xi32>
    %gather3A_393 = tpu.vector_load_idx %arg5[%add3A_392] : memref<1040xi32, #tpu.memory_space<vmem>>[vector<16xi32>], vector<16xi32>,
    %add3A_394 = arith.addi %gather3A_385, %add3A_27 : vector<16xi32>
    %and3A_395 = arith.constant 65535 : i32
    %and3A_396 = vector.broadcast %and3A_395 : i32 to vector<16xi32>
    %and3A_397 = arith.andi %add3A_394, %and3A_396 : vector<16xi32>
    %jit3A_398 = arith.constant 0 : i64
    %convert_element_type3A_399 = arith.trunci %jit3A_398 : i64 to i32
    %broadcast_in_dim3A_400 = vector.broadcast %convert_element_type3A_399 : i32 to vector<16xi32>
    %select_n3A_401 = arith.select %ge3A_8, %and3A_397, %broadcast_in_dim3A_400 : vector<16xi1>, vector<16xi32>
    %mul3A_402 = arith.constant 1000003 : i32
    %mul3A_403 = vector.broadcast %mul3A_402 : i32 to vector<16xi32>
    %mul3A_404 = arith.muli %select_n3A_401, %mul3A_403 : vector<16xi32>
    %add3A_405 = arith.addi %mul3A_404, %gather3A_389 : vector<16xi32>
    %add3A_406 = arith.addi %add3A_405, %add3A_27 : vector<16xi32>
    %and3A_407 = arith.constant 65535 : i32
    %and3A_408 = vector.broadcast %and3A_407 : i32 to vector<16xi32>
    %and3A_409 = arith.andi %add3A_406, %and3A_408 : vector<16xi32>
    %mul3A_410 = arith.constant 1000003 : i32
    %mul3A_411 = vector.broadcast %mul3A_410 : i32 to vector<16xi32>
    %mul3A_412 = arith.muli %and3A_409, %mul3A_411 : vector<16xi32>
    %add3A_413 = arith.addi %mul3A_412, %gather3A_393 : vector<16xi32>
    %add3A_414 = arith.addi %add3A_413, %add3A_27 : vector<16xi32>
    %and3A_415 = arith.constant 65535 : i32
    %and3A_416 = vector.broadcast %and3A_415 : i32 to vector<16xi32>
    %and3A_417 = arith.andi %add3A_414, %and3A_416 : vector<16xi32>
    %add3A_418 = arith.addi %and3A_417, %mul3A_30 : vector<16xi32>
    %swap3A_419 = arith.index_cast %add3A_54 : i32 to index
    %swap3A_420 = arith.constant 112 : index
    %swap3A_421 = tpu.vector_load %arg6[%swap3A_419, %swap3A_420] {strides = array<i32>} : memref<64x128xi32, #tpu.memory_space<vmem>>, vector<16xi32>,
    tpu.vector_store %arg6[%swap3A_419, %swap3A_420], %add3A_418 {strides = array<i32>} : memref<64x128xi32, #tpu.memory_space<vmem>>, vector<16xi32>,
    %dma_start3A = arith.constant 0 : i32
    %dma_start3A_422 = arith.constant 0 : i32
    %dma_start3A_423 = arith.constant 0 : i32
    %dma_start3A_424 = arith.constant 0 : i32
    %dma_start3A_425 = tpu.memref_slice %arg7[%dma_start3A_422, %dma_start3A_423, %dma_start3A_424] : memref<7x128x128xf32, #tpu.memory_space<vmem>> -> memref<1x128x128xf32, #tpu.memory_space<vmem>>
    %dma_start3A_426 = tpu.memref_squeeze %dma_start3A_425 : memref<1x128x128xf32, #tpu.memory_space<vmem>> -> memref<128x128xf32, #tpu.memory_space<vmem>>
    %dma_start3A_427 = arith.constant 0 : i32
    %dma_start3A_428 = tpu.memref_slice %arg6[%dma_start3A, %dma_start3A_427] : memref<64x128xi32, #tpu.memory_space<vmem>> -> memref<1x128xi32, #tpu.memory_space<vmem>>
    %dma_start3A_429 = tpu.memref_squeeze %dma_start3A_428 : memref<1x128xi32, #tpu.memory_space<vmem>> -> memref<128xi32, #tpu.memory_space<vmem>>
    %dma_start3A_430 = arith.constant 0 : i32
    %dma_start3A_431 = arith.constant 0 : i32
    %dma_start3A_432 = tpu.memref_slice %arg3[%dma_start3A_430, %dma_start3A_431] : memref<524288x128xf32, #tpu.memory_space<hbm>> -> memref<524288x128xf32, #tpu.memory_space<hbm>>
    tpu.enqueue_indirect_dma source(%dma_start3A_432 : memref<524288x128xf32, #tpu.memory_space<hbm>>) target(%dma_start3A_426 : memref<128x128xf32, #tpu.memory_space<vmem>>) offsets(%dma_start3A_429 : memref<128xi32, #tpu.memory_space<vmem>>) semaphore(%arg8 : memref<!tpu.dma_semaphore, #tpu.memory_space<semaphore_mem>>)
    %add3A_433 = arith.constant 1 : i32
    %add3A_434 = arith.addi %sub3A, %add3A_433 : i32
    %mul3A_435 = arith.constant 16 : i32
    %mul3A_436 = arith.muli %add3A_434, %mul3A_435 : i32
    %add3A_437 = arith.constant 0 : i32
    %add3A_438 = arith.addi %mul3A_436, %add3A_437 : i32
    %add3A_439 = vector.broadcast %add3A_438 : i32 to vector<16xi32>
    %add3A_440 = arith.addi %add3A_439, %shift_right_arithmetic3A_6 : vector<16xi32>
    %add3A_441 = arith.constant 6 : i32
    %add3A_442 = vector.broadcast %add3A_441 : i32 to vector<16xi32>
    %add3A_443 = arith.addi %add3A_440, %add3A_442 : vector<16xi32>
    %gather3A_444 = tpu.vector_load_idx %arg5[%add3A_443] : memref<1040xi32, #tpu.memory_space<vmem>>[vector<16xi32>], vector<16xi32>,
    %add3A_445 = arith.constant 7 : i32
    %add3A_446 = vector.broadcast %add3A_445 : i32 to vector<16xi32>
    %add3A_447 = arith.addi %add3A_440, %add3A_446 : vector<16xi32>
    %gather3A_448 = tpu.vector_load_idx %arg5[%add3A_447] : memref<1040xi32, #tpu.memory_space<vmem>>[vector<16xi32>], vector<16xi32>,
    %add3A_449 = arith.constant 8 : i32
    %add3A_450 = vector.broadcast %add3A_449 : i32 to vector<16xi32>
    %add3A_451 = arith.addi %add3A_440, %add3A_450 : vector<16xi32>
    %gather3A_452 = tpu.vector_load_idx %arg5[%add3A_451] : memref<1040xi32, #tpu.memory_space<vmem>>[vector<16xi32>], vector<16xi32>,
    %add3A_453 = arith.addi %gather3A_444, %add3A_27 : vector<16xi32>
    %and3A_454 = arith.constant 65535 : i32
    %and3A_455 = vector.broadcast %and3A_454 : i32 to vector<16xi32>
    %and3A_456 = arith.andi %add3A_453, %and3A_455 : vector<16xi32>
    %jit3A_457 = arith.constant 0 : i64
    %convert_element_type3A_458 = arith.trunci %jit3A_457 : i64 to i32
    %broadcast_in_dim3A_459 = vector.broadcast %convert_element_type3A_458 : i32 to vector<16xi32>
    %select_n3A_460 = arith.select %ge3A_8, %and3A_456, %broadcast_in_dim3A_459 : vector<16xi1>, vector<16xi32>
    %mul3A_461 = arith.constant 1000003 : i32
    %mul3A_462 = vector.broadcast %mul3A_461 : i32 to vector<16xi32>
    %mul3A_463 = arith.muli %select_n3A_460, %mul3A_462 : vector<16xi32>
    %add3A_464 = arith.addi %mul3A_463, %gather3A_448 : vector<16xi32>
    %add3A_465 = arith.addi %add3A_464, %add3A_27 : vector<16xi32>
    %and3A_466 = arith.constant 65535 : i32
    %and3A_467 = vector.broadcast %and3A_466 : i32 to vector<16xi32>
    %and3A_468 = arith.andi %add3A_465, %and3A_467 : vector<16xi32>
    %mul3A_469 = arith.constant 1000003 : i32
    %mul3A_470 = vector.broadcast %mul3A_469 : i32 to vector<16xi32>
    %mul3A_471 = arith.muli %and3A_468, %mul3A_470 : vector<16xi32>
    %add3A_472 = arith.addi %mul3A_471, %gather3A_452 : vector<16xi32>
    %add3A_473 = arith.addi %add3A_472, %add3A_27 : vector<16xi32>
    %and3A_474 = arith.constant 65535 : i32
    %and3A_475 = vector.broadcast %and3A_474 : i32 to vector<16xi32>
    %and3A_476 = arith.andi %add3A_473, %and3A_475 : vector<16xi32>
    %add3A_477 = arith.addi %and3A_476, %mul3A_30 : vector<16xi32>
    %swap3A_478 = arith.index_cast %add3A_434 : i32 to index
    %swap3A_479 = arith.constant 0 : index
    %swap3A_480 = tpu.vector_load %arg6[%swap3A_478, %swap3A_479] {strides = array<i32>} : memref<64x128xi32, #tpu.memory_space<vmem>>, vector<16xi32>,
    tpu.vector_store %arg6[%swap3A_478, %swap3A_479], %add3A_477 {strides = array<i32>} : memref<64x128xi32, #tpu.memory_space<vmem>>, vector<16xi32>,
    %mul3A_481 = arith.constant 16 : i32
    %mul3A_482 = arith.muli %add3A_434, %mul3A_481 : i32
    %add3A_483 = arith.constant 2 : i32
    %add3A_484 = arith.addi %mul3A_482, %add3A_483 : i32
    %add3A_485 = vector.broadcast %add3A_484 : i32 to vector<16xi32>
    %add3A_486 = arith.addi %add3A_485, %shift_right_arithmetic3A_6 : vector<16xi32>
    %add3A_487 = arith.constant 6 : i32
    %add3A_488 = vector.broadcast %add3A_487 : i32 to vector<16xi32>
    %add3A_489 = arith.addi %add3A_486, %add3A_488 : vector<16xi32>
    %gather3A_490 = tpu.vector_load_idx %arg5[%add3A_489] : memref<1040xi32, #tpu.memory_space<vmem>>[vector<16xi32>], vector<16xi32>,
    %add3A_491 = arith.constant 7 : i32
    %add3A_492 = vector.broadcast %add3A_491 : i32 to vector<16xi32>
    %add3A_493 = arith.addi %add3A_486, %add3A_492 : vector<16xi32>
    %gather3A_494 = tpu.vector_load_idx %arg5[%add3A_493] : memref<1040xi32, #tpu.memory_space<vmem>>[vector<16xi32>], vector<16xi32>,
    %add3A_495 = arith.constant 8 : i32
    %add3A_496 = vector.broadcast %add3A_495 : i32 to vector<16xi32>
    %add3A_497 = arith.addi %add3A_486, %add3A_496 : vector<16xi32>
    %gather3A_498 = tpu.vector_load_idx %arg5[%add3A_497] : memref<1040xi32, #tpu.memory_space<vmem>>[vector<16xi32>], vector<16xi32>,
    %add3A_499 = arith.addi %gather3A_490, %add3A_27 : vector<16xi32>
    %and3A_500 = arith.constant 65535 : i32
    %and3A_501 = vector.broadcast %and3A_500 : i32 to vector<16xi32>
    %and3A_502 = arith.andi %add3A_499, %and3A_501 : vector<16xi32>
    %jit3A_503 = arith.constant 0 : i64
    %convert_element_type3A_504 = arith.trunci %jit3A_503 : i64 to i32
    %broadcast_in_dim3A_505 = vector.broadcast %convert_element_type3A_504 : i32 to vector<16xi32>
    %select_n3A_506 = arith.select %ge3A_8, %and3A_502, %broadcast_in_dim3A_505 : vector<16xi1>, vector<16xi32>
    %mul3A_507 = arith.constant 1000003 : i32
    %mul3A_508 = vector.broadcast %mul3A_507 : i32 to vector<16xi32>
    %mul3A_509 = arith.muli %select_n3A_506, %mul3A_508 : vector<16xi32>
    %add3A_510 = arith.addi %mul3A_509, %gather3A_494 : vector<16xi32>
    %add3A_511 = arith.addi %add3A_510, %add3A_27 : vector<16xi32>
    %and3A_512 = arith.constant 65535 : i32
    %and3A_513 = vector.broadcast %and3A_512 : i32 to vector<16xi32>
    %and3A_514 = arith.andi %add3A_511, %and3A_513 : vector<16xi32>
    %mul3A_515 = arith.constant 1000003 : i32
    %mul3A_516 = vector.broadcast %mul3A_515 : i32 to vector<16xi32>
    %mul3A_517 = arith.muli %and3A_514, %mul3A_516 : vector<16xi32>
    %add3A_518 = arith.addi %mul3A_517, %gather3A_498 : vector<16xi32>
    %add3A_519 = arith.addi %add3A_518, %add3A_27 : vector<16xi32>
    %and3A_520 = arith.constant 65535 : i32
    %and3A_521 = vector.broadcast %and3A_520 : i32 to vector<16xi32>
    %and3A_522 = arith.andi %add3A_519, %and3A_521 : vector<16xi32>
    %add3A_523 = arith.addi %and3A_522, %mul3A_30 : vector<16xi32>
    %swap3A_524 = arith.index_cast %add3A_434 : i32 to index
    %swap3A_525 = arith.constant 16 : index
    %swap3A_526 = tpu.vector_load %arg6[%swap3A_524, %swap3A_525] {strides = array<i32>} : memref<64x128xi32, #tpu.memory_space<vmem>>, vector<16xi32>,
    tpu.vector_store %arg6[%swap3A_524, %swap3A_525], %add3A_523 {strides = array<i32>} : memref<64x128xi32, #tpu.memory_space<vmem>>, vector<16xi32>,
    %mul3A_527 = arith.constant 16 : i32
    %mul3A_528 = arith.muli %add3A_434, %mul3A_527 : i32
    %add3A_529 = arith.constant 4 : i32
    %add3A_530 = arith.addi %mul3A_528, %add3A_529 : i32
    %add3A_531 = vector.broadcast %add3A_530 : i32 to vector<16xi32>
    %add3A_532 = arith.addi %add3A_531, %shift_right_arithmetic3A_6 : vector<16xi32>
    %add3A_533 = arith.constant 6 : i32
    %add3A_534 = vector.broadcast %add3A_533 : i32 to vector<16xi32>
    %add3A_535 = arith.addi %add3A_532, %add3A_534 : vector<16xi32>
    %gather3A_536 = tpu.vector_load_idx %arg5[%add3A_535] : memref<1040xi32, #tpu.memory_space<vmem>>[vector<16xi32>], vector<16xi32>,
    %add3A_537 = arith.constant 7 : i32
    %add3A_538 = vector.broadcast %add3A_537 : i32 to vector<16xi32>
    %add3A_539 = arith.addi %add3A_532, %add3A_538 : vector<16xi32>
    %gather3A_540 = tpu.vector_load_idx %arg5[%add3A_539] : memref<1040xi32, #tpu.memory_space<vmem>>[vector<16xi32>], vector<16xi32>,
    %add3A_541 = arith.constant 8 : i32
    %add3A_542 = vector.broadcast %add3A_541 : i32 to vector<16xi32>
    %add3A_543 = arith.addi %add3A_532, %add3A_542 : vector<16xi32>
    %gather3A_544 = tpu.vector_load_idx %arg5[%add3A_543] : memref<1040xi32, #tpu.memory_space<vmem>>[vector<16xi32>], vector<16xi32>,
    %add3A_545 = arith.addi %gather3A_536, %add3A_27 : vector<16xi32>
    %and3A_546 = arith.constant 65535 : i32
    %and3A_547 = vector.broadcast %and3A_546 : i32 to vector<16xi32>
    %and3A_548 = arith.andi %add3A_545, %and3A_547 : vector<16xi32>
    %jit3A_549 = arith.constant 0 : i64
    %convert_element_type3A_550 = arith.trunci %jit3A_549 : i64 to i32
    %broadcast_in_dim3A_551 = vector.broadcast %convert_element_type3A_550 : i32 to vector<16xi32>
    %select_n3A_552 = arith.select %ge3A_8, %and3A_548, %broadcast_in_dim3A_551 : vector<16xi1>, vector<16xi32>
    %mul3A_553 = arith.constant 1000003 : i32
    %mul3A_554 = vector.broadcast %mul3A_553 : i32 to vector<16xi32>
    %mul3A_555 = arith.muli %select_n3A_552, %mul3A_554 : vector<16xi32>
    %add3A_556 = arith.addi %mul3A_555, %gather3A_540 : vector<16xi32>
    %add3A_557 = arith.addi %add3A_556, %add3A_27 : vector<16xi32>
    %and3A_558 = arith.constant 65535 : i32
    %and3A_559 = vector.broadcast %and3A_558 : i32 to vector<16xi32>
    %and3A_560 = arith.andi %add3A_557, %and3A_559 : vector<16xi32>
    %mul3A_561 = arith.constant 1000003 : i32
    %mul3A_562 = vector.broadcast %mul3A_561 : i32 to vector<16xi32>
    %mul3A_563 = arith.muli %and3A_560, %mul3A_562 : vector<16xi32>
    %add3A_564 = arith.addi %mul3A_563, %gather3A_544 : vector<16xi32>
    %add3A_565 = arith.addi %add3A_564, %add3A_27 : vector<16xi32>
    %and3A_566 = arith.constant 65535 : i32
    %and3A_567 = vector.broadcast %and3A_566 : i32 to vector<16xi32>
    %and3A_568 = arith.andi %add3A_565, %and3A_567 : vector<16xi32>
    %add3A_569 = arith.addi %and3A_568, %mul3A_30 : vector<16xi32>
    %swap3A_570 = arith.index_cast %add3A_434 : i32 to index
    %swap3A_571 = arith.constant 32 : index
    %swap3A_572 = tpu.vector_load %arg6[%swap3A_570, %swap3A_571] {strides = array<i32>} : memref<64x128xi32, #tpu.memory_space<vmem>>, vector<16xi32>,
    tpu.vector_store %arg6[%swap3A_570, %swap3A_571], %add3A_569 {strides = array<i32>} : memref<64x128xi32, #tpu.memory_space<vmem>>, vector<16xi32>,
    %mul3A_573 = arith.constant 16 : i32
    %mul3A_574 = arith.muli %add3A_434, %mul3A_573 : i32
    %add3A_575 = arith.constant 6 : i32
    %add3A_576 = arith.addi %mul3A_574, %add3A_575 : i32
    %add3A_577 = vector.broadcast %add3A_576 : i32 to vector<16xi32>
    %add3A_578 = arith.addi %add3A_577, %shift_right_arithmetic3A_6 : vector<16xi32>
    %add3A_579 = arith.constant 6 : i32
    %add3A_580 = vector.broadcast %add3A_579 : i32 to vector<16xi32>
    %add3A_581 = arith.addi %add3A_578, %add3A_580 : vector<16xi32>
    %gather3A_582 = tpu.vector_load_idx %arg5[%add3A_581] : memref<1040xi32, #tpu.memory_space<vmem>>[vector<16xi32>], vector<16xi32>,
    %add3A_583 = arith.constant 7 : i32
    %add3A_584 = vector.broadcast %add3A_583 : i32 to vector<16xi32>
    %add3A_585 = arith.addi %add3A_578, %add3A_584 : vector<16xi32>
    %gather3A_586 = tpu.vector_load_idx %arg5[%add3A_585] : memref<1040xi32, #tpu.memory_space<vmem>>[vector<16xi32>], vector<16xi32>,
    %add3A_587 = arith.constant 8 : i32
    %add3A_588 = vector.broadcast %add3A_587 : i32 to vector<16xi32>
    %add3A_589 = arith.addi %add3A_578, %add3A_588 : vector<16xi32>
    %gather3A_590 = tpu.vector_load_idx %arg5[%add3A_589] : memref<1040xi32, #tpu.memory_space<vmem>>[vector<16xi32>], vector<16xi32>,
    %add3A_591 = arith.addi %gather3A_582, %add3A_27 : vector<16xi32>
    %and3A_592 = arith.constant 65535 : i32
    %and3A_593 = vector.broadcast %and3A_592 : i32 to vector<16xi32>
    %and3A_594 = arith.andi %add3A_591, %and3A_593 : vector<16xi32>
    %jit3A_595 = arith.constant 0 : i64
    %convert_element_type3A_596 = arith.trunci %jit3A_595 : i64 to i32
    %broadcast_in_dim3A_597 = vector.broadcast %convert_element_type3A_596 : i32 to vector<16xi32>
    %select_n3A_598 = arith.select %ge3A_8, %and3A_594, %broadcast_in_dim3A_597 : vector<16xi1>, vector<16xi32>
    %mul3A_599 = arith.constant 1000003 : i32
    %mul3A_600 = vector.broadcast %mul3A_599 : i32 to vector<16xi32>
    %mul3A_601 = arith.muli %select_n3A_598, %mul3A_600 : vector<16xi32>
    %add3A_602 = arith.addi %mul3A_601, %gather3A_586 : vector<16xi32>
    %add3A_603 = arith.addi %add3A_602, %add3A_27 : vector<16xi32>
    %and3A_604 = arith.constant 65535 : i32
    %and3A_605 = vector.broadcast %and3A_604 : i32 to vector<16xi32>
    %and3A_606 = arith.andi %add3A_603, %and3A_605 : vector<16xi32>
    %mul3A_607 = arith.constant 1000003 : i32
    %mul3A_608 = vector.broadcast %mul3A_607 : i32 to vector<16xi32>
    %mul3A_609 = arith.muli %and3A_606, %mul3A_608 : vector<16xi32>
    %add3A_610 = arith.addi %mul3A_609, %gather3A_590 : vector<16xi32>
    %add3A_611 = arith.addi %add3A_610, %add3A_27 : vector<16xi32>
    %and3A_612 = arith.constant 65535 : i32
    %and3A_613 = vector.broadcast %and3A_612 : i32 to vector<16xi32>
    %and3A_614 = arith.andi %add3A_611, %and3A_613 : vector<16xi32>
    %add3A_615 = arith.addi %and3A_614, %mul3A_30 : vector<16xi32>
    %swap3A_616 = arith.index_cast %add3A_434 : i32 to index
    %swap3A_617 = arith.constant 48 : index
    %swap3A_618 = tpu.vector_load %arg6[%swap3A_616, %swap3A_617] {strides = array<i32>} : memref<64x128xi32, #tpu.memory_space<vmem>>, vector<16xi32>,
    tpu.vector_store %arg6[%swap3A_616, %swap3A_617], %add3A_615 {strides = array<i32>} : memref<64x128xi32, #tpu.memory_space<vmem>>, vector<16xi32>,
    %mul3A_619 = arith.constant 16 : i32
    %mul3A_620 = arith.muli %add3A_434, %mul3A_619 : i32
    %add3A_621 = arith.constant 8 : i32
    %add3A_622 = arith.addi %mul3A_620, %add3A_621 : i32
    %add3A_623 = vector.broadcast %add3A_622 : i32 to vector<16xi32>
    %add3A_624 = arith.addi %add3A_623, %shift_right_arithmetic3A_6 : vector<16xi32>
    %add3A_625 = arith.constant 6 : i32
    %add3A_626 = vector.broadcast %add3A_625 : i32 to vector<16xi32>
    %add3A_627 = arith.addi %add3A_624, %add3A_626 : vector<16xi32>
    %gather3A_628 = tpu.vector_load_idx %arg5[%add3A_627] : memref<1040xi32, #tpu.memory_space<vmem>>[vector<16xi32>], vector<16xi32>,
    %add3A_629 = arith.constant 7 : i32
    %add3A_630 = vector.broadcast %add3A_629 : i32 to vector<16xi32>
    %add3A_631 = arith.addi %add3A_624, %add3A_630 : vector<16xi32>
    %gather3A_632 = tpu.vector_load_idx %arg5[%add3A_631] : memref<1040xi32, #tpu.memory_space<vmem>>[vector<16xi32>], vector<16xi32>,
    %add3A_633 = arith.constant 8 : i32
    %add3A_634 = vector.broadcast %add3A_633 : i32 to vector<16xi32>
    %add3A_635 = arith.addi %add3A_624, %add3A_634 : vector<16xi32>
    %gather3A_636 = tpu.vector_load_idx %arg5[%add3A_635] : memref<1040xi32, #tpu.memory_space<vmem>>[vector<16xi32>], vector<16xi32>,
    %add3A_637 = arith.addi %gather3A_628, %add3A_27 : vector<16xi32>
    %and3A_638 = arith.constant 65535 : i32
    %and3A_639 = vector.broadcast %and3A_638 : i32 to vector<16xi32>
    %and3A_640 = arith.andi %add3A_637, %and3A_639 : vector<16xi32>
    %jit3A_641 = arith.constant 0 : i64
    %convert_element_type3A_642 = arith.trunci %jit3A_641 : i64 to i32
    %broadcast_in_dim3A_643 = vector.broadcast %convert_element_type3A_642 : i32 to vector<16xi32>
    %select_n3A_644 = arith.select %ge3A_8, %and3A_640, %broadcast_in_dim3A_643 : vector<16xi1>, vector<16xi32>
    %mul3A_645 = arith.constant 1000003 : i32
    %mul3A_646 = vector.broadcast %mul3A_645 : i32 to vector<16xi32>
    %mul3A_647 = arith.muli %select_n3A_644, %mul3A_646 : vector<16xi32>
    %add3A_648 = arith.addi %mul3A_647, %gather3A_632 : vector<16xi32>
    %add3A_649 = arith.addi %add3A_648, %add3A_27 : vector<16xi32>
    %and3A_650 = arith.constant 65535 : i32
    %and3A_651 = vector.broadcast %and3A_650 : i32 to vector<16xi32>
    %and3A_652 = arith.andi %add3A_649, %and3A_651 : vector<16xi32>
    %mul3A_653 = arith.constant 1000003 : i32
    %mul3A_654 = vector.broadcast %mul3A_653 : i32 to vector<16xi32>
    %mul3A_655 = arith.muli %and3A_652, %mul3A_654 : vector<16xi32>
    %add3A_656 = arith.addi %mul3A_655, %gather3A_636 : vector<16xi32>
    %add3A_657 = arith.addi %add3A_656, %add3A_27 : vector<16xi32>
    %and3A_658 = arith.constant 65535 : i32
    %and3A_659 = vector.broadcast %and3A_658 : i32 to vector<16xi32>
    %and3A_660 = arith.andi %add3A_657, %and3A_659 : vector<16xi32>
    %add3A_661 = arith.addi %and3A_660, %mul3A_30 : vector<16xi32>
    %swap3A_662 = arith.index_cast %add3A_434 : i32 to index
    %swap3A_663 = arith.constant 64 : index
    %swap3A_664 = tpu.vector_load %arg6[%swap3A_662, %swap3A_663] {strides = array<i32>} : memref<64x128xi32, #tpu.memory_space<vmem>>, vector<16xi32>,
    tpu.vector_store %arg6[%swap3A_662, %swap3A_663], %add3A_661 {strides = array<i32>} : memref<64x128xi32, #tpu.memory_space<vmem>>, vector<16xi32>,
    %mul3A_665 = arith.constant 16 : i32
    %mul3A_666 = arith.muli %add3A_434, %mul3A_665 : i32
    %add3A_667 = arith.constant 10 : i32
    %add3A_668 = arith.addi %mul3A_666, %add3A_667 : i32
    %add3A_669 = vector.broadcast %add3A_668 : i32 to vector<16xi32>
    %add3A_670 = arith.addi %add3A_669, %shift_right_arithmetic3A_6 : vector<16xi32>
    %add3A_671 = arith.constant 6 : i32
    %add3A_672 = vector.broadcast %add3A_671 : i32 to vector<16xi32>
    %add3A_673 = arith.addi %add3A_670, %add3A_672 : vector<16xi32>
    %gather3A_674 = tpu.vector_load_idx %arg5[%add3A_673] : memref<1040xi32, #tpu.memory_space<vmem>>[vector<16xi32>], vector<16xi32>,
    %add3A_675 = arith.constant 7 : i32
    %add3A_676 = vector.broadcast %add3A_675 : i32 to vector<16xi32>
    %add3A_677 = arith.addi %add3A_670, %add3A_676 : vector<16xi32>
    %gather3A_678 = tpu.vector_load_idx %arg5[%add3A_677] : memref<1040xi32, #tpu.memory_space<vmem>>[vector<16xi32>], vector<16xi32>,
    %add3A_679 = arith.constant 8 : i32
    %add3A_680 = vector.broadcast %add3A_679 : i32 to vector<16xi32>
    %add3A_681 = arith.addi %add3A_670, %add3A_680 : vector<16xi32>
    %gather3A_682 = tpu.vector_load_idx %arg5[%add3A_681] : memref<1040xi32, #tpu.memory_space<vmem>>[vector<16xi32>], vector<16xi32>,
    %add3A_683 = arith.addi %gather3A_674, %add3A_27 : vector<16xi32>
    %and3A_684 = arith.constant 65535 : i32
    %and3A_685 = vector.broadcast %and3A_684 : i32 to vector<16xi32>
    %and3A_686 = arith.andi %add3A_683, %and3A_685 : vector<16xi32>
    %jit3A_687 = arith.constant 0 : i64
    %convert_element_type3A_688 = arith.trunci %jit3A_687 : i64 to i32
    %broadcast_in_dim3A_689 = vector.broadcast %convert_element_type3A_688 : i32 to vector<16xi32>
    %select_n3A_690 = arith.select %ge3A_8, %and3A_686, %broadcast_in_dim3A_689 : vector<16xi1>, vector<16xi32>
    %mul3A_691 = arith.constant 1000003 : i32
    %mul3A_692 = vector.broadcast %mul3A_691 : i32 to vector<16xi32>
    %mul3A_693 = arith.muli %select_n3A_690, %mul3A_692 : vector<16xi32>
    %add3A_694 = arith.addi %mul3A_693, %gather3A_678 : vector<16xi32>
    %add3A_695 = arith.addi %add3A_694, %add3A_27 : vector<16xi32>
    %and3A_696 = arith.constant 65535 : i32
    %and3A_697 = vector.broadcast %and3A_696 : i32 to vector<16xi32>
    %and3A_698 = arith.andi %add3A_695, %and3A_697 : vector<16xi32>
    %mul3A_699 = arith.constant 1000003 : i32
    %mul3A_700 = vector.broadcast %mul3A_699 : i32 to vector<16xi32>
    %mul3A_701 = arith.muli %and3A_698, %mul3A_700 : vector<16xi32>
    %add3A_702 = arith.addi %mul3A_701, %gather3A_682 : vector<16xi32>
    %add3A_703 = arith.addi %add3A_702, %add3A_27 : vector<16xi32>
    %and3A_704 = arith.constant 65535 : i32
    %and3A_705 = vector.broadcast %and3A_704 : i32 to vector<16xi32>
    %and3A_706 = arith.andi %add3A_703, %and3A_705 : vector<16xi32>
    %add3A_707 = arith.addi %and3A_706, %mul3A_30 : vector<16xi32>
    %swap3A_708 = arith.index_cast %add3A_434 : i32 to index
    %swap3A_709 = arith.constant 80 : index
    %swap3A_710 = tpu.vector_load %arg6[%swap3A_708, %swap3A_709] {strides = array<i32>} : memref<64x128xi32, #tpu.memory_space<vmem>>, vector<16xi32>,
    tpu.vector_store %arg6[%swap3A_708, %swap3A_709], %add3A_707 {strides = array<i32>} : memref<64x128xi32, #tpu.memory_space<vmem>>, vector<16xi32>,
    %mul3A_711 = arith.constant 16 : i32
    %mul3A_712 = arith.muli %add3A_434, %mul3A_711 : i32
    %add3A_713 = arith.constant 12 : i32
    %add3A_714 = arith.addi %mul3A_712, %add3A_713 : i32
    %add3A_715 = vector.broadcast %add3A_714 : i32 to vector<16xi32>
    %add3A_716 = arith.addi %add3A_715, %shift_right_arithmetic3A_6 : vector<16xi32>
    %add3A_717 = arith.constant 6 : i32
    %add3A_718 = vector.broadcast %add3A_717 : i32 to vector<16xi32>
    %add3A_719 = arith.addi %add3A_716, %add3A_718 : vector<16xi32>
    %gather3A_720 = tpu.vector_load_idx %arg5[%add3A_719] : memref<1040xi32, #tpu.memory_space<vmem>>[vector<16xi32>], vector<16xi32>,
    %add3A_721 = arith.constant 7 : i32
    %add3A_722 = vector.broadcast %add3A_721 : i32 to vector<16xi32>
    %add3A_723 = arith.addi %add3A_716, %add3A_722 : vector<16xi32>
    %gather3A_724 = tpu.vector_load_idx %arg5[%add3A_723] : memref<1040xi32, #tpu.memory_space<vmem>>[vector<16xi32>], vector<16xi32>,
    %add3A_725 = arith.constant 8 : i32
    %add3A_726 = vector.broadcast %add3A_725 : i32 to vector<16xi32>
    %add3A_727 = arith.addi %add3A_716, %add3A_726 : vector<16xi32>
    %gather3A_728 = tpu.vector_load_idx %arg5[%add3A_727] : memref<1040xi32, #tpu.memory_space<vmem>>[vector<16xi32>], vector<16xi32>,
    %add3A_729 = arith.addi %gather3A_720, %add3A_27 : vector<16xi32>
    %and3A_730 = arith.constant 65535 : i32
    %and3A_731 = vector.broadcast %and3A_730 : i32 to vector<16xi32>
    %and3A_732 = arith.andi %add3A_729, %and3A_731 : vector<16xi32>
    %jit3A_733 = arith.constant 0 : i64
    %convert_element_type3A_734 = arith.trunci %jit3A_733 : i64 to i32
    %broadcast_in_dim3A_735 = vector.broadcast %convert_element_type3A_734 : i32 to vector<16xi32>
    %select_n3A_736 = arith.select %ge3A_8, %and3A_732, %broadcast_in_dim3A_735 : vector<16xi1>, vector<16xi32>
    %mul3A_737 = arith.constant 1000003 : i32
    %mul3A_738 = vector.broadcast %mul3A_737 : i32 to vector<16xi32>
    %mul3A_739 = arith.muli %select_n3A_736, %mul3A_738 : vector<16xi32>
    %add3A_740 = arith.addi %mul3A_739, %gather3A_724 : vector<16xi32>
    %add3A_741 = arith.addi %add3A_740, %add3A_27 : vector<16xi32>
    %and3A_742 = arith.constant 65535 : i32
    %and3A_743 = vector.broadcast %and3A_742 : i32 to vector<16xi32>
    %and3A_744 = arith.andi %add3A_741, %and3A_743 : vector<16xi32>
    %mul3A_745 = arith.constant 1000003 : i32
    %mul3A_746 = vector.broadcast %mul3A_745 : i32 to vector<16xi32>
    %mul3A_747 = arith.muli %and3A_744, %mul3A_746 : vector<16xi32>
    %add3A_748 = arith.addi %mul3A_747, %gather3A_728 : vector<16xi32>
    %add3A_749 = arith.addi %add3A_748, %add3A_27 : vector<16xi32>
    %and3A_750 = arith.constant 65535 : i32
    %and3A_751 = vector.broadcast %and3A_750 : i32 to vector<16xi32>
    %and3A_752 = arith.andi %add3A_749, %and3A_751 : vector<16xi32>
    %add3A_753 = arith.addi %and3A_752, %mul3A_30 : vector<16xi32>
    %swap3A_754 = arith.index_cast %add3A_434 : i32 to index
    %swap3A_755 = arith.constant 96 : index
    %swap3A_756 = tpu.vector_load %arg6[%swap3A_754, %swap3A_755] {strides = array<i32>} : memref<64x128xi32, #tpu.memory_space<vmem>>, vector<16xi32>,
    tpu.vector_store %arg6[%swap3A_754, %swap3A_755], %add3A_753 {strides = array<i32>} : memref<64x128xi32, #tpu.memory_space<vmem>>, vector<16xi32>,
    %mul3A_757 = arith.constant 16 : i32
    %mul3A_758 = arith.muli %add3A_434, %mul3A_757 : i32
    %add3A_759 = arith.constant 14 : i32
    %add3A_760 = arith.addi %mul3A_758, %add3A_759 : i32
    %add3A_761 = vector.broadcast %add3A_760 : i32 to vector<16xi32>
    %add3A_762 = arith.addi %add3A_761, %shift_right_arithmetic3A_6 : vector<16xi32>
    %add3A_763 = arith.constant 6 : i32
    %add3A_764 = vector.broadcast %add3A_763 : i32 to vector<16xi32>
    %add3A_765 = arith.addi %add3A_762, %add3A_764 : vector<16xi32>
    %gather3A_766 = tpu.vector_load_idx %arg5[%add3A_765] : memref<1040xi32, #tpu.memory_space<vmem>>[vector<16xi32>], vector<16xi32>,
    %add3A_767 = arith.constant 7 : i32
    %add3A_768 = vector.broadcast %add3A_767 : i32 to vector<16xi32>
    %add3A_769 = arith.addi %add3A_762, %add3A_768 : vector<16xi32>
    %gather3A_770 = tpu.vector_load_idx %arg5[%add3A_769] : memref<1040xi32, #tpu.memory_space<vmem>>[vector<16xi32>], vector<16xi32>,
    %add3A_771 = arith.constant 8 : i32
    %add3A_772 = vector.broadcast %add3A_771 : i32 to vector<16xi32>
    %add3A_773 = arith.addi %add3A_762, %add3A_772 : vector<16xi32>
    %gather3A_774 = tpu.vector_load_idx %arg5[%add3A_773] : memref<1040xi32, #tpu.memory_space<vmem>>[vector<16xi32>], vector<16xi32>,
    %add3A_775 = arith.addi %gather3A_766, %add3A_27 : vector<16xi32>
    %and3A_776 = arith.constant 65535 : i32
    %and3A_777 = vector.broadcast %and3A_776 : i32 to vector<16xi32>
    %and3A_778 = arith.andi %add3A_775, %and3A_777 : vector<16xi32>
    %jit3A_779 = arith.constant 0 : i64
    %convert_element_type3A_780 = arith.trunci %jit3A_779 : i64 to i32
    %broadcast_in_dim3A_781 = vector.broadcast %convert_element_type3A_780 : i32 to vector<16xi32>
    %select_n3A_782 = arith.select %ge3A_8, %and3A_778, %broadcast_in_dim3A_781 : vector<16xi1>, vector<16xi32>
    %mul3A_783 = arith.constant 1000003 : i32
    %mul3A_784 = vector.broadcast %mul3A_783 : i32 to vector<16xi32>
    %mul3A_785 = arith.muli %select_n3A_782, %mul3A_784 : vector<16xi32>
    %add3A_786 = arith.addi %mul3A_785, %gather3A_770 : vector<16xi32>
    %add3A_787 = arith.addi %add3A_786, %add3A_27 : vector<16xi32>
    %and3A_788 = arith.constant 65535 : i32
    %and3A_789 = vector.broadcast %and3A_788 : i32 to vector<16xi32>
    %and3A_790 = arith.andi %add3A_787, %and3A_789 : vector<16xi32>
    %mul3A_791 = arith.constant 1000003 : i32
    %mul3A_792 = vector.broadcast %mul3A_791 : i32 to vector<16xi32>
    %mul3A_793 = arith.muli %and3A_790, %mul3A_792 : vector<16xi32>
    %add3A_794 = arith.addi %mul3A_793, %gather3A_774 : vector<16xi32>
    %add3A_795 = arith.addi %add3A_794, %add3A_27 : vector<16xi32>
    %and3A_796 = arith.constant 65535 : i32
    %and3A_797 = vector.broadcast %and3A_796 : i32 to vector<16xi32>
    %and3A_798 = arith.andi %add3A_795, %and3A_797 : vector<16xi32>
    %add3A_799 = arith.addi %and3A_798, %mul3A_30 : vector<16xi32>
    %swap3A_800 = arith.index_cast %add3A_434 : i32 to index
    %swap3A_801 = arith.constant 112 : index
    %swap3A_802 = tpu.vector_load %arg6[%swap3A_800, %swap3A_801] {strides = array<i32>} : memref<64x128xi32, #tpu.memory_space<vmem>>, vector<16xi32>,
    tpu.vector_store %arg6[%swap3A_800, %swap3A_801], %add3A_799 {strides = array<i32>} : memref<64x128xi32, #tpu.memory_space<vmem>>, vector<16xi32>,
    %dma_start3A_803 = arith.constant 1 : i32
    %dma_start3A_804 = arith.constant 1 : i32
    %dma_start3A_805 = arith.constant 0 : i32
    %dma_start3A_806 = arith.constant 0 : i32
    %dma_start3A_807 = tpu.memref_slice %arg7[%dma_start3A_804, %dma_start3A_805, %dma_start3A_806] : memref<7x128x128xf32, #tpu.memory_space<vmem>> -> memref<1x128x128xf32, #tpu.memory_space<vmem>>
    %dma_start3A_808 = tpu.memref_squeeze %dma_start3A_807 : memref<1x128x128xf32, #tpu.memory_space<vmem>> -> memref<128x128xf32, #tpu.memory_space<vmem>>
    %dma_start3A_809 = arith.constant 0 : i32
    %dma_start3A_810 = tpu.memref_slice %arg6[%dma_start3A_803, %dma_start3A_809] : memref<64x128xi32, #tpu.memory_space<vmem>> -> memref<1x128xi32, #tpu.memory_space<vmem>>
    %dma_start3A_811 = tpu.memref_squeeze %dma_start3A_810 : memref<1x128xi32, #tpu.memory_space<vmem>> -> memref<128xi32, #tpu.memory_space<vmem>>
    %dma_start3A_812 = arith.constant 0 : i32
    %dma_start3A_813 = arith.constant 0 : i32
    %dma_start3A_814 = tpu.memref_slice %arg3[%dma_start3A_812, %dma_start3A_813] : memref<524288x128xf32, #tpu.memory_space<hbm>> -> memref<524288x128xf32, #tpu.memory_space<hbm>>
    tpu.enqueue_indirect_dma source(%dma_start3A_814 : memref<524288x128xf32, #tpu.memory_space<hbm>>) target(%dma_start3A_808 : memref<128x128xf32, #tpu.memory_space<vmem>>) offsets(%dma_start3A_811 : memref<128xi32, #tpu.memory_space<vmem>>) semaphore(%arg8 : memref<!tpu.dma_semaphore, #tpu.memory_space<semaphore_mem>>)
    %add3A_815 = arith.constant 2 : i32
    %add3A_816 = arith.addi %sub3A, %add3A_815 : i32
    %mul3A_817 = arith.constant 16 : i32
    %mul3A_818 = arith.muli %add3A_816, %mul3A_817 : i32
    %add3A_819 = arith.constant 0 : i32
    %add3A_820 = arith.addi %mul3A_818, %add3A_819 : i32
    %add3A_821 = vector.broadcast %add3A_820 : i32 to vector<16xi32>
    %add3A_822 = arith.addi %add3A_821, %shift_right_arithmetic3A_6 : vector<16xi32>
    %add3A_823 = arith.constant 6 : i32
    %add3A_824 = vector.broadcast %add3A_823 : i32 to vector<16xi32>
    %add3A_825 = arith.addi %add3A_822, %add3A_824 : vector<16xi32>
    %gather3A_826 = tpu.vector_load_idx %arg5[%add3A_825] : memref<1040xi32, #tpu.memory_space<vmem>>[vector<16xi32>], vector<16xi32>,
    %add3A_827 = arith.constant 7 : i32
    %add3A_828 = vector.broadcast %add3A_827 : i32 to vector<16xi32>
    %add3A_829 = arith.addi %add3A_822, %add3A_828 : vector<16xi32>
    %gather3A_830 = tpu.vector_load_idx %arg5[%add3A_829] : memref<1040xi32, #tpu.memory_space<vmem>>[vector<16xi32>], vector<16xi32>,
    %add3A_831 = arith.constant 8 : i32
    %add3A_832 = vector.broadcast %add3A_831 : i32 to vector<16xi32>
    %add3A_833 = arith.addi %add3A_822, %add3A_832 : vector<16xi32>
    %gather3A_834 = tpu.vector_load_idx %arg5[%add3A_833] : memref<1040xi32, #tpu.memory_space<vmem>>[vector<16xi32>], vector<16xi32>,
    %add3A_835 = arith.addi %gather3A_826, %add3A_27 : vector<16xi32>
    %and3A_836 = arith.constant 65535 : i32
    %and3A_837 = vector.broadcast %and3A_836 : i32 to vector<16xi32>
    %and3A_838 = arith.andi %add3A_835, %and3A_837 : vector<16xi32>
    %jit3A_839 = arith.constant 0 : i64
    %convert_element_type3A_840 = arith.trunci %jit3A_839 : i64 to i32
    %broadcast_in_dim3A_841 = vector.broadcast %convert_element_type3A_840 : i32 to vector<16xi32>
    %select_n3A_842 = arith.select %ge3A_8, %and3A_838, %broadcast_in_dim3A_841 : vector<16xi1>, vector<16xi32>
    %mul3A_843 = arith.constant 1000003 : i32
    %mul3A_844 = vector.broadcast %mul3A_843 : i32 to vector<16xi32>
    %mul3A_845 = arith.muli %select_n3A_842, %mul3A_844 : vector<16xi32>
    %add3A_846 = arith.addi %mul3A_845, %gather3A_830 : vector<16xi32>
    %add3A_847 = arith.addi %add3A_846, %add3A_27 : vector<16xi32>
    %and3A_848 = arith.constant 65535 : i32
    %and3A_849 = vector.broadcast %and3A_848 : i32 to vector<16xi32>
    %and3A_850 = arith.andi %add3A_847, %and3A_849 : vector<16xi32>
    %mul3A_851 = arith.constant 1000003 : i32
    %mul3A_852 = vector.broadcast %mul3A_851 : i32 to vector<16xi32>
    %mul3A_853 = arith.muli %and3A_850, %mul3A_852 : vector<16xi32>
    %add3A_854 = arith.addi %mul3A_853, %gather3A_834 : vector<16xi32>
    %add3A_855 = arith.addi %add3A_854, %add3A_27 : vector<16xi32>
    %and3A_856 = arith.constant 65535 : i32
    %and3A_857 = vector.broadcast %and3A_856 : i32 to vector<16xi32>
    %and3A_858 = arith.andi %add3A_855, %and3A_857 : vector<16xi32>
    %add3A_859 = arith.addi %and3A_858, %mul3A_30 : vector<16xi32>
    %swap3A_860 = arith.index_cast %add3A_816 : i32 to index
    %swap3A_861 = arith.constant 0 : index
    %swap3A_862 = tpu.vector_load %arg6[%swap3A_860, %swap3A_861] {strides = array<i32>} : memref<64x128xi32, #tpu.memory_space<vmem>>, vector<16xi32>,
    tpu.vector_store %arg6[%swap3A_860, %swap3A_861], %add3A_859 {strides = array<i32>} : memref<64x128xi32, #tpu.memory_space<vmem>>, vector<16xi32>,
    %mul3A_863 = arith.constant 16 : i32
    %mul3A_864 = arith.muli %add3A_816, %mul3A_863 : i32
    %add3A_865 = arith.constant 2 : i32
    %add3A_866 = arith.addi %mul3A_864, %add3A_865 : i32
    %add3A_867 = vector.broadcast %add3A_866 : i32 to vector<16xi32>
    %add3A_868 = arith.addi %add3A_867, %shift_right_arithmetic3A_6 : vector<16xi32>
    %add3A_869 = arith.constant 6 : i32
    %add3A_870 = vector.broadcast %add3A_869 : i32 to vector<16xi32>
    %add3A_871 = arith.addi %add3A_868, %add3A_870 : vector<16xi32>
    %gather3A_872 = tpu.vector_load_idx %arg5[%add3A_871] : memref<1040xi32, #tpu.memory_space<vmem>>[vector<16xi32>], vector<16xi32>,
    %add3A_873 = arith.constant 7 : i32
    %add3A_874 = vector.broadcast %add3A_873 : i32 to vector<16xi32>
    %add3A_875 = arith.addi %add3A_868, %add3A_874 : vector<16xi32>
    %gather3A_876 = tpu.vector_load_idx %arg5[%add3A_875] : memref<1040xi32, #tpu.memory_space<vmem>>[vector<16xi32>], vector<16xi32>,
    %add3A_877 = arith.constant 8 : i32
    %add3A_878 = vector.broadcast %add3A_877 : i32 to vector<16xi32>
    %add3A_879 = arith.addi %add3A_868, %add3A_878 : vector<16xi32>
    %gather3A_880 = tpu.vector_load_idx %arg5[%add3A_879] : memref<1040xi32, #tpu.memory_space<vmem>>[vector<16xi32>], vector<16xi32>,
    %add3A_881 = arith.addi %gather3A_872, %add3A_27 : vector<16xi32>
    %and3A_882 = arith.constant 65535 : i32
    %and3A_883 = vector.broadcast %and3A_882 : i32 to vector<16xi32>
    %and3A_884 = arith.andi %add3A_881, %and3A_883 : vector<16xi32>
    %jit3A_885 = arith.constant 0 : i64
    %convert_element_type3A_886 = arith.trunci %jit3A_885 : i64 to i32
    %broadcast_in_dim3A_887 = vector.broadcast %convert_element_type3A_886 : i32 to vector<16xi32>
    %select_n3A_888 = arith.select %ge3A_8, %and3A_884, %broadcast_in_dim3A_887 : vector<16xi1>, vector<16xi32>
    %mul3A_889 = arith.constant 1000003 : i32
    %mul3A_890 = vector.broadcast %mul3A_889 : i32 to vector<16xi32>
    %mul3A_891 = arith.muli %select_n3A_888, %mul3A_890 : vector<16xi32>
    %add3A_892 = arith.addi %mul3A_891, %gather3A_876 : vector<16xi32>
    %add3A_893 = arith.addi %add3A_892, %add3A_27 : vector<16xi32>
    %and3A_894 = arith.constant 65535 : i32
    %and3A_895 = vector.broadcast %and3A_894 : i32 to vector<16xi32>
    %and3A_896 = arith.andi %add3A_893, %and3A_895 : vector<16xi32>
    %mul3A_897 = arith.constant 1000003 : i32
    %mul3A_898 = vector.broadcast %mul3A_897 : i32 to vector<16xi32>
    %mul3A_899 = arith.muli %and3A_896, %mul3A_898 : vector<16xi32>
    %add3A_900 = arith.addi %mul3A_899, %gather3A_880 : vector<16xi32>
    %add3A_901 = arith.addi %add3A_900, %add3A_27 : vector<16xi32>
    %and3A_902 = arith.constant 65535 : i32
    %and3A_903 = vector.broadcast %and3A_902 : i32 to vector<16xi32>
    %and3A_904 = arith.andi %add3A_901, %and3A_903 : vector<16xi32>
    %add3A_905 = arith.addi %and3A_904, %mul3A_30 : vector<16xi32>
    %swap3A_906 = arith.index_cast %add3A_816 : i32 to index
    %swap3A_907 = arith.constant 16 : index
    %swap3A_908 = tpu.vector_load %arg6[%swap3A_906, %swap3A_907] {strides = array<i32>} : memref<64x128xi32, #tpu.memory_space<vmem>>, vector<16xi32>,
    tpu.vector_store %arg6[%swap3A_906, %swap3A_907], %add3A_905 {strides = array<i32>} : memref<64x128xi32, #tpu.memory_space<vmem>>, vector<16xi32>,
    %mul3A_909 = arith.constant 16 : i32
    %mul3A_910 = arith.muli %add3A_816, %mul3A_909 : i32
    %add3A_911 = arith.constant 4 : i32
    %add3A_912 = arith.addi %mul3A_910, %add3A_911 : i32
    %add3A_913 = vector.broadcast %add3A_912 : i32 to vector<16xi32>
    %add3A_914 = arith.addi %add3A_913, %shift_right_arithmetic3A_6 : vector<16xi32>
    %add3A_915 = arith.constant 6 : i32
    %add3A_916 = vector.broadcast %add3A_915 : i32 to vector<16xi32>
    %add3A_917 = arith.addi %add3A_914, %add3A_916 : vector<16xi32>
    %gather3A_918 = tpu.vector_load_idx %arg5[%add3A_917] : memref<1040xi32, #tpu.memory_space<vmem>>[vector<16xi32>], vector<16xi32>,
    %add3A_919 = arith.constant 7 : i32
    %add3A_920 = vector.broadcast %add3A_919 : i32 to vector<16xi32>
    %add3A_921 = arith.addi %add3A_914, %add3A_920 : vector<16xi32>
    %gather3A_922 = tpu.vector_load_idx %arg5[%add3A_921] : memref<1040xi32, #tpu.memory_space<vmem>>[vector<16xi32>], vector<16xi32>,
    %add3A_923 = arith.constant 8 : i32
    %add3A_924 = vector.broadcast %add3A_923 : i32 to vector<16xi32>
    %add3A_925 = arith.addi %add3A_914, %add3A_924 : vector<16xi32>
    %gather3A_926 = tpu.vector_load_idx %arg5[%add3A_925] : memref<1040xi32, #tpu.memory_space<vmem>>[vector<16xi32>], vector<16xi32>,
    %add3A_927 = arith.addi %gather3A_918, %add3A_27 : vector<16xi32>
    %and3A_928 = arith.constant 65535 : i32
    %and3A_929 = vector.broadcast %and3A_928 : i32 to vector<16xi32>
    %and3A_930 = arith.andi %add3A_927, %and3A_929 : vector<16xi32>
    %jit3A_931 = arith.constant 0 : i64
    %convert_element_type3A_932 = arith.trunci %jit3A_931 : i64 to i32
    %broadcast_in_dim3A_933 = vector.broadcast %convert_element_type3A_932 : i32 to vector<16xi32>
    %select_n3A_934 = arith.select %ge3A_8, %and3A_930, %broadcast_in_dim3A_933 : vector<16xi1>, vector<16xi32>
    %mul3A_935 = arith.constant 1000003 : i32
    %mul3A_936 = vector.broadcast %mul3A_935 : i32 to vector<16xi32>
    %mul3A_937 = arith.muli %select_n3A_934, %mul3A_936 : vector<16xi32>
    %add3A_938 = arith.addi %mul3A_937, %gather3A_922 : vector<16xi32>
    %add3A_939 = arith.addi %add3A_938, %add3A_27 : vector<16xi32>
    %and3A_940 = arith.constant 65535 : i32
    %and3A_941 = vector.broadcast %and3A_940 : i32 to vector<16xi32>
    %and3A_942 = arith.andi %add3A_939, %and3A_941 : vector<16xi32>
    %mul3A_943 = arith.constant 1000003 : i32
    %mul3A_944 = vector.broadcast %mul3A_943 : i32 to vector<16xi32>
    %mul3A_945 = arith.muli %and3A_942, %mul3A_944 : vector<16xi32>
    %add3A_946 = arith.addi %mul3A_945, %gather3A_926 : vector<16xi32>
    %add3A_947 = arith.addi %add3A_946, %add3A_27 : vector<16xi32>
    %and3A_948 = arith.constant 65535 : i32
    %and3A_949 = vector.broadcast %and3A_948 : i32 to vector<16xi32>
    %and3A_950 = arith.andi %add3A_947, %and3A_949 : vector<16xi32>
    %add3A_951 = arith.addi %and3A_950, %mul3A_30 : vector<16xi32>
    %swap3A_952 = arith.index_cast %add3A_816 : i32 to index
    %swap3A_953 = arith.constant 32 : index
    %swap3A_954 = tpu.vector_load %arg6[%swap3A_952, %swap3A_953] {strides = array<i32>} : memref<64x128xi32, #tpu.memory_space<vmem>>, vector<16xi32>,
    tpu.vector_store %arg6[%swap3A_952, %swap3A_953], %add3A_951 {strides = array<i32>} : memref<64x128xi32, #tpu.memory_space<vmem>>, vector<16xi32>,
    %mul3A_955 = arith.constant 16 : i32
    %mul3A_956 = arith.muli %add3A_816, %mul3A_955 : i32
    %add3A_957 = arith.constant 6 : i32
    %add3A_958 = arith.addi %mul3A_956, %add3A_957 : i32
    %add3A_959 = vector.broadcast %add3A_958 : i32 to vector<16xi32>
    %add3A_960 = arith.addi %add3A_959, %shift_right_arithmetic3A_6 : vector<16xi32>
    %add3A_961 = arith.constant 6 : i32
    %add3A_962 = vector.broadcast %add3A_961 : i32 to vector<16xi32>
    %add3A_963 = arith.addi %add3A_960, %add3A_962 : vector<16xi32>
    %gather3A_964 = tpu.vector_load_idx %arg5[%add3A_963] : memref<1040xi32, #tpu.memory_space<vmem>>[vector<16xi32>], vector<16xi32>,
    %add3A_965 = arith.constant 7 : i32
    %add3A_966 = vector.broadcast %add3A_965 : i32 to vector<16xi32>
    %add3A_967 = arith.addi %add3A_960, %add3A_966 : vector<16xi32>
    %gather3A_968 = tpu.vector_load_idx %arg5[%add3A_967] : memref<1040xi32, #tpu.memory_space<vmem>>[vector<16xi32>], vector<16xi32>,
    %add3A_969 = arith.constant 8 : i32
    %add3A_970 = vector.broadcast %add3A_969 : i32 to vector<16xi32>
    %add3A_971 = arith.addi %add3A_960, %add3A_970 : vector<16xi32>
    %gather3A_972 = tpu.vector_load_idx %arg5[%add3A_971] : memref<1040xi32, #tpu.memory_space<vmem>>[vector<16xi32>], vector<16xi32>,
    %add3A_973 = arith.addi %gather3A_964, %add3A_27 : vector<16xi32>
    %and3A_974 = arith.constant 65535 : i32
    %and3A_975 = vector.broadcast %and3A_974 : i32 to vector<16xi32>
    %and3A_976 = arith.andi %add3A_973, %and3A_975 : vector<16xi32>
    %jit3A_977 = arith.constant 0 : i64
    %convert_element_type3A_978 = arith.trunci %jit3A_977 : i64 to i32
    %broadcast_in_dim3A_979 = vector.broadcast %convert_element_type3A_978 : i32 to vector<16xi32>
    %select_n3A_980 = arith.select %ge3A_8, %and3A_976, %broadcast_in_dim3A_979 : vector<16xi1>, vector<16xi32>
    %mul3A_981 = arith.constant 1000003 : i32
    %mul3A_982 = vector.broadcast %mul3A_981 : i32 to vector<16xi32>
    %mul3A_983 = arith.muli %select_n3A_980, %mul3A_982 : vector<16xi32>
    %add3A_984 = arith.addi %mul3A_983, %gather3A_968 : vector<16xi32>
    %add3A_985 = arith.addi %add3A_984, %add3A_27 : vector<16xi32>
    %and3A_986 = arith.constant 65535 : i32
    %and3A_987 = vector.broadcast %and3A_986 : i32 to vector<16xi32>
    %and3A_988 = arith.andi %add3A_985, %and3A_987 : vector<16xi32>
    %mul3A_989 = arith.constant 1000003 : i32
    %mul3A_990 = vector.broadcast %mul3A_989 : i32 to vector<16xi32>
    %mul3A_991 = arith.muli %and3A_988, %mul3A_990 : vector<16xi32>
    %add3A_992 = arith.addi %mul3A_991, %gather3A_972 : vector<16xi32>
    %add3A_993 = arith.addi %add3A_992, %add3A_27 : vector<16xi32>
    %and3A_994 = arith.constant 65535 : i32
    %and3A_995 = vector.broadcast %and3A_994 : i32 to vector<16xi32>
    %and3A_996 = arith.andi %add3A_993, %and3A_995 : vector<16xi32>
    %add3A_997 = arith.addi %and3A_996, %mul3A_30 : vector<16xi32>
    %swap3A_998 = arith.index_cast %add3A_816 : i32 to index
    %swap3A_999 = arith.constant 48 : index
    %swap3A_1000 = tpu.vector_load %arg6[%swap3A_998, %swap3A_999] {strides = array<i32>} : memref<64x128xi32, #tpu.memory_space<vmem>>, vector<16xi32>,
    tpu.vector_store %arg6[%swap3A_998, %swap3A_999], %add3A_997 {strides = array<i32>} : memref<64x128xi32, #tpu.memory_space<vmem>>, vector<16xi32>,
    %mul3A_1001 = arith.constant 16 : i32
    %mul3A_1002 = arith.muli %add3A_816, %mul3A_1001 : i32
    %add3A_1003 = arith.constant 8 : i32
    %add3A_1004 = arith.addi %mul3A_1002, %add3A_1003 : i32
    %add3A_1005 = vector.broadcast %add3A_1004 : i32 to vector<16xi32>
    %add3A_1006 = arith.addi %add3A_1005, %shift_right_arithmetic3A_6 : vector<16xi32>
    %add3A_1007 = arith.constant 6 : i32
    %add3A_1008 = vector.broadcast %add3A_1007 : i32 to vector<16xi32>
    %add3A_1009 = arith.addi %add3A_1006, %add3A_1008 : vector<16xi32>
    %gather3A_1010 = tpu.vector_load_idx %arg5[%add3A_1009] : memref<1040xi32, #tpu.memory_space<vmem>>[vector<16xi32>], vector<16xi32>,
    %add3A_1011 = arith.constant 7 : i32
    %add3A_1012 = vector.broadcast %add3A_1011 : i32 to vector<16xi32>
    %add3A_1013 = arith.addi %add3A_1006, %add3A_1012 : vector<16xi32>
    %gather3A_1014 = tpu.vector_load_idx %arg5[%add3A_1013] : memref<1040xi32, #tpu.memory_space<vmem>>[vector<16xi32>], vector<16xi32>,
    %add3A_1015 = arith.constant 8 : i32
    %add3A_1016 = vector.broadcast %add3A_1015 : i32 to vector<16xi32>
    %add3A_1017 = arith.addi %add3A_1006, %add3A_1016 : vector<16xi32>
    %gather3A_1018 = tpu.vector_load_idx %arg5[%add3A_1017] : memref<1040xi32, #tpu.memory_space<vmem>>[vector<16xi32>], vector<16xi32>,
    %add3A_1019 = arith.addi %gather3A_1010, %add3A_27 : vector<16xi32>
    %and3A_1020 = arith.constant 65535 : i32
    %and3A_1021 = vector.broadcast %and3A_1020 : i32 to vector<16xi32>
    %and3A_1022 = arith.andi %add3A_1019, %and3A_1021 : vector<16xi32>
    %jit3A_1023 = arith.constant 0 : i64
    %convert_element_type3A_1024 = arith.trunci %jit3A_1023 : i64 to i32
    %broadcast_in_dim3A_1025 = vector.broadcast %convert_element_type3A_1024 : i32 to vector<16xi32>
    %select_n3A_1026 = arith.select %ge3A_8, %and3A_1022, %broadcast_in_dim3A_1025 : vector<16xi1>, vector<16xi32>
    %mul3A_1027 = arith.constant 1000003 : i32
    %mul3A_1028 = vector.broadcast %mul3A_1027 : i32 to vector<16xi32>
    %mul3A_1029 = arith.muli %select_n3A_1026, %mul3A_1028 : vector<16xi32>
    %add3A_1030 = arith.addi %mul3A_1029, %gather3A_1014 : vector<16xi32>
    %add3A_1031 = arith.addi %add3A_1030, %add3A_27 : vector<16xi32>
    %and3A_1032 = arith.constant 65535 : i32
    %and3A_1033 = vector.broadcast %and3A_1032 : i32 to vector<16xi32>
    %and3A_1034 = arith.andi %add3A_1031, %and3A_1033 : vector<16xi32>
    %mul3A_1035 = arith.constant 1000003 : i32
    %mul3A_1036 = vector.broadcast %mul3A_1035 : i32 to vector<16xi32>
    %mul3A_1037 = arith.muli %and3A_1034, %mul3A_1036 : vector<16xi32>
    %add3A_1038 = arith.addi %mul3A_1037, %gather3A_1018 : vector<16xi32>
    %add3A_1039 = arith.addi %add3A_1038, %add3A_27 : vector<16xi32>
    %and3A_1040 = arith.constant 65535 : i32
    %and3A_1041 = vector.broadcast %and3A_1040 : i32 to vector<16xi32>
    %and3A_1042 = arith.andi %add3A_1039, %and3A_1041 : vector<16xi32>
    %add3A_1043 = arith.addi %and3A_1042, %mul3A_30 : vector<16xi32>
    %swap3A_1044 = arith.index_cast %add3A_816 : i32 to index
    %swap3A_1045 = arith.constant 64 : index
    %swap3A_1046 = tpu.vector_load %arg6[%swap3A_1044, %swap3A_1045] {strides = array<i32>} : memref<64x128xi32, #tpu.memory_space<vmem>>, vector<16xi32>,
    tpu.vector_store %arg6[%swap3A_1044, %swap3A_1045], %add3A_1043 {strides = array<i32>} : memref<64x128xi32, #tpu.memory_space<vmem>>, vector<16xi32>,
    %mul3A_1047 = arith.constant 16 : i32
    %mul3A_1048 = arith.muli %add3A_816, %mul3A_1047 : i32
    %add3A_1049 = arith.constant 10 : i32
    %add3A_1050 = arith.addi %mul3A_1048, %add3A_1049 : i32
    %add3A_1051 = vector.broadcast %add3A_1050 : i32 to vector<16xi32>
    %add3A_1052 = arith.addi %add3A_1051, %shift_right_arithmetic3A_6 : vector<16xi32>
    %add3A_1053 = arith.constant 6 : i32
    %add3A_1054 = vector.broadcast %add3A_1053 : i32 to vector<16xi32>
    %add3A_1055 = arith.addi %add3A_1052, %add3A_1054 : vector<16xi32>
    %gather3A_1056 = tpu.vector_load_idx %arg5[%add3A_1055] : memref<1040xi32, #tpu.memory_space<vmem>>[vector<16xi32>], vector<16xi32>,
    %add3A_1057 = arith.constant 7 : i32
    %add3A_1058 = vector.broadcast %add3A_1057 : i32 to vector<16xi32>
    %add3A_1059 = arith.addi %add3A_1052, %add3A_1058 : vector<16xi32>
    %gather3A_1060 = tpu.vector_load_idx %arg5[%add3A_1059] : memref<1040xi32, #tpu.memory_space<vmem>>[vector<16xi32>], vector<16xi32>,
    %add3A_1061 = arith.constant 8 : i32
    %add3A_1062 = vector.broadcast %add3A_1061 : i32 to vector<16xi32>
    %add3A_1063 = arith.addi %add3A_1052, %add3A_1062 : vector<16xi32>
    %gather3A_1064 = tpu.vector_load_idx %arg5[%add3A_1063] : memref<1040xi32, #tpu.memory_space<vmem>>[vector<16xi32>], vector<16xi32>,
    %add3A_1065 = arith.addi %gather3A_1056, %add3A_27 : vector<16xi32>
    %and3A_1066 = arith.constant 65535 : i32
    %and3A_1067 = vector.broadcast %and3A_1066 : i32 to vector<16xi32>
    %and3A_1068 = arith.andi %add3A_1065, %and3A_1067 : vector<16xi32>
    %jit3A_1069 = arith.constant 0 : i64
    %convert_element_type3A_1070 = arith.trunci %jit3A_1069 : i64 to i32
    %broadcast_in_dim3A_1071 = vector.broadcast %convert_element_type3A_1070 : i32 to vector<16xi32>
    %select_n3A_1072 = arith.select %ge3A_8, %and3A_1068, %broadcast_in_dim3A_1071 : vector<16xi1>, vector<16xi32>
    %mul3A_1073 = arith.constant 1000003 : i32
    %mul3A_1074 = vector.broadcast %mul3A_1073 : i32 to vector<16xi32>
    %mul3A_1075 = arith.muli %select_n3A_1072, %mul3A_1074 : vector<16xi32>
    %add3A_1076 = arith.addi %mul3A_1075, %gather3A_1060 : vector<16xi32>
    %add3A_1077 = arith.addi %add3A_1076, %add3A_27 : vector<16xi32>
    %and3A_1078 = arith.constant 65535 : i32
    %and3A_1079 = vector.broadcast %and3A_1078 : i32 to vector<16xi32>
    %and3A_1080 = arith.andi %add3A_1077, %and3A_1079 : vector<16xi32>
    %mul3A_1081 = arith.constant 1000003 : i32
    %mul3A_1082 = vector.broadcast %mul3A_1081 : i32 to vector<16xi32>
    %mul3A_1083 = arith.muli %and3A_1080, %mul3A_1082 : vector<16xi32>
    %add3A_1084 = arith.addi %mul3A_1083, %gather3A_1064 : vector<16xi32>
    %add3A_1085 = arith.addi %add3A_1084, %add3A_27 : vector<16xi32>
    %and3A_1086 = arith.constant 65535 : i32
    %and3A_1087 = vector.broadcast %and3A_1086 : i32 to vector<16xi32>
    %and3A_1088 = arith.andi %add3A_1085, %and3A_1087 : vector<16xi32>
    %add3A_1089 = arith.addi %and3A_1088, %mul3A_30 : vector<16xi32>
    %swap3A_1090 = arith.index_cast %add3A_816 : i32 to index
    %swap3A_1091 = arith.constant 80 : index
    %swap3A_1092 = tpu.vector_load %arg6[%swap3A_1090, %swap3A_1091] {strides = array<i32>} : memref<64x128xi32, #tpu.memory_space<vmem>>, vector<16xi32>,
    tpu.vector_store %arg6[%swap3A_1090, %swap3A_1091], %add3A_1089 {strides = array<i32>} : memref<64x128xi32, #tpu.memory_space<vmem>>, vector<16xi32>,
    %mul3A_1093 = arith.constant 16 : i32
    %mul3A_1094 = arith.muli %add3A_816, %mul3A_1093 : i32
    %add3A_1095 = arith.constant 12 : i32
    %add3A_1096 = arith.addi %mul3A_1094, %add3A_1095 : i32
    %add3A_1097 = vector.broadcast %add3A_1096 : i32 to vector<16xi32>
    %add3A_1098 = arith.addi %add3A_1097, %shift_right_arithmetic3A_6 : vector<16xi32>
    %add3A_1099 = arith.constant 6 : i32
    %add3A_1100 = vector.broadcast %add3A_1099 : i32 to vector<16xi32>
    %add3A_1101 = arith.addi %add3A_1098, %add3A_1100 : vector<16xi32>
    %gather3A_1102 = tpu.vector_load_idx %arg5[%add3A_1101] : memref<1040xi32, #tpu.memory_space<vmem>>[vector<16xi32>], vector<16xi32>,
    %add3A_1103 = arith.constant 7 : i32
    %add3A_1104 = vector.broadcast %add3A_1103 : i32 to vector<16xi32>
    %add3A_1105 = arith.addi %add3A_1098, %add3A_1104 : vector<16xi32>
    %gather3A_1106 = tpu.vector_load_idx %arg5[%add3A_1105] : memref<1040xi32, #tpu.memory_space<vmem>>[vector<16xi32>], vector<16xi32>,
    %add3A_1107 = arith.constant 8 : i32
    %add3A_1108 = vector.broadcast %add3A_1107 : i32 to vector<16xi32>
    %add3A_1109 = arith.addi %add3A_1098, %add3A_1108 : vector<16xi32>
    %gather3A_1110 = tpu.vector_load_idx %arg5[%add3A_1109] : memref<1040xi32, #tpu.memory_space<vmem>>[vector<16xi32>], vector<16xi32>,
    %add3A_1111 = arith.addi %gather3A_1102, %add3A_27 : vector<16xi32>
    %and3A_1112 = arith.constant 65535 : i32
    %and3A_1113 = vector.broadcast %and3A_1112 : i32 to vector<16xi32>
    %and3A_1114 = arith.andi %add3A_1111, %and3A_1113 : vector<16xi32>
    %jit3A_1115 = arith.constant 0 : i64
    %convert_element_type3A_1116 = arith.trunci %jit3A_1115 : i64 to i32
    %broadcast_in_dim3A_1117 = vector.broadcast %convert_element_type3A_1116 : i32 to vector<16xi32>
    %select_n3A_1118 = arith.select %ge3A_8, %and3A_1114, %broadcast_in_dim3A_1117 : vector<16xi1>, vector<16xi32>
    %mul3A_1119 = arith.constant 1000003 : i32
    %mul3A_1120 = vector.broadcast %mul3A_1119 : i32 to vector<16xi32>
    %mul3A_1121 = arith.muli %select_n3A_1118, %mul3A_1120 : vector<16xi32>
    %add3A_1122 = arith.addi %mul3A_1121, %gather3A_1106 : vector<16xi32>
    %add3A_1123 = arith.addi %add3A_1122, %add3A_27 : vector<16xi32>
    %and3A_1124 = arith.constant 65535 : i32
    %and3A_1125 = vector.broadcast %and3A_1124 : i32 to vector<16xi32>
    %and3A_1126 = arith.andi %add3A_1123, %and3A_1125 : vector<16xi32>
    %mul3A_1127 = arith.constant 1000003 : i32
    %mul3A_1128 = vector.broadcast %mul3A_1127 : i32 to vector<16xi32>
    %mul3A_1129 = arith.muli %and3A_1126, %mul3A_1128 : vector<16xi32>
    %add3A_1130 = arith.addi %mul3A_1129, %gather3A_1110 : vector<16xi32>
    %add3A_1131 = arith.addi %add3A_1130, %add3A_27 : vector<16xi32>
    %and3A_1132 = arith.constant 65535 : i32
    %and3A_1133 = vector.broadcast %and3A_1132 : i32 to vector<16xi32>
    %and3A_1134 = arith.andi %add3A_1131, %and3A_1133 : vector<16xi32>
    %add3A_1135 = arith.addi %and3A_1134, %mul3A_30 : vector<16xi32>
    %swap3A_1136 = arith.index_cast %add3A_816 : i32 to index
    %swap3A_1137 = arith.constant 96 : index
    %swap3A_1138 = tpu.vector_load %arg6[%swap3A_1136, %swap3A_1137] {strides = array<i32>} : memref<64x128xi32, #tpu.memory_space<vmem>>, vector<16xi32>,
    tpu.vector_store %arg6[%swap3A_1136, %swap3A_1137], %add3A_1135 {strides = array<i32>} : memref<64x128xi32, #tpu.memory_space<vmem>>, vector<16xi32>,
    %mul3A_1139 = arith.constant 16 : i32
    %mul3A_1140 = arith.muli %add3A_816, %mul3A_1139 : i32
    %add3A_1141 = arith.constant 14 : i32
    %add3A_1142 = arith.addi %mul3A_1140, %add3A_1141 : i32
    %add3A_1143 = vector.broadcast %add3A_1142 : i32 to vector<16xi32>
    %add3A_1144 = arith.addi %add3A_1143, %shift_right_arithmetic3A_6 : vector<16xi32>
    %add3A_1145 = arith.constant 6 : i32
    %add3A_1146 = vector.broadcast %add3A_1145 : i32 to vector<16xi32>
    %add3A_1147 = arith.addi %add3A_1144, %add3A_1146 : vector<16xi32>
    %gather3A_1148 = tpu.vector_load_idx %arg5[%add3A_1147] : memref<1040xi32, #tpu.memory_space<vmem>>[vector<16xi32>], vector<16xi32>,
    %add3A_1149 = arith.constant 7 : i32
    %add3A_1150 = vector.broadcast %add3A_1149 : i32 to vector<16xi32>
    %add3A_1151 = arith.addi %add3A_1144, %add3A_1150 : vector<16xi32>
    %gather3A_1152 = tpu.vector_load_idx %arg5[%add3A_1151] : memref<1040xi32, #tpu.memory_space<vmem>>[vector<16xi32>], vector<16xi32>,
    %add3A_1153 = arith.constant 8 : i32
    %add3A_1154 = vector.broadcast %add3A_1153 : i32 to vector<16xi32>
    %add3A_1155 = arith.addi %add3A_1144, %add3A_1154 : vector<16xi32>
    %gather3A_1156 = tpu.vector_load_idx %arg5[%add3A_1155] : memref<1040xi32, #tpu.memory_space<vmem>>[vector<16xi32>], vector<16xi32>,
    %add3A_1157 = arith.addi %gather3A_1148, %add3A_27 : vector<16xi32>
    %and3A_1158 = arith.constant 65535 : i32
    %and3A_1159 = vector.broadcast %and3A_1158 : i32 to vector<16xi32>
    %and3A_1160 = arith.andi %add3A_1157, %and3A_1159 : vector<16xi32>
    %jit3A_1161 = arith.constant 0 : i64
    %convert_element_type3A_1162 = arith.trunci %jit3A_1161 : i64 to i32
    %broadcast_in_dim3A_1163 = vector.broadcast %convert_element_type3A_1162 : i32 to vector<16xi32>
    %select_n3A_1164 = arith.select %ge3A_8, %and3A_1160, %broadcast_in_dim3A_1163 : vector<16xi1>, vector<16xi32>
    %mul3A_1165 = arith.constant 1000003 : i32
    %mul3A_1166 = vector.broadcast %mul3A_1165 : i32 to vector<16xi32>
    %mul3A_1167 = arith.muli %select_n3A_1164, %mul3A_1166 : vector<16xi32>
    %add3A_1168 = arith.addi %mul3A_1167, %gather3A_1152 : vector<16xi32>
    %add3A_1169 = arith.addi %add3A_1168, %add3A_27 : vector<16xi32>
    %and3A_1170 = arith.constant 65535 : i32
    %and3A_1171 = vector.broadcast %and3A_1170 : i32 to vector<16xi32>
    %and3A_1172 = arith.andi %add3A_1169, %and3A_1171 : vector<16xi32>
    %mul3A_1173 = arith.constant 1000003 : i32
    %mul3A_1174 = vector.broadcast %mul3A_1173 : i32 to vector<16xi32>
    %mul3A_1175 = arith.muli %and3A_1172, %mul3A_1174 : vector<16xi32>
    %add3A_1176 = arith.addi %mul3A_1175, %gather3A_1156 : vector<16xi32>
    %add3A_1177 = arith.addi %add3A_1176, %add3A_27 : vector<16xi32>
    %and3A_1178 = arith.constant 65535 : i32
    %and3A_1179 = vector.broadcast %and3A_1178 : i32 to vector<16xi32>
    %and3A_1180 = arith.andi %add3A_1177, %and3A_1179 : vector<16xi32>
    %add3A_1181 = arith.addi %and3A_1180, %mul3A_30 : vector<16xi32>
    %swap3A_1182 = arith.index_cast %add3A_816 : i32 to index
    %swap3A_1183 = arith.constant 112 : index
    %swap3A_1184 = tpu.vector_load %arg6[%swap3A_1182, %swap3A_1183] {strides = array<i32>} : memref<64x128xi32, #tpu.memory_space<vmem>>, vector<16xi32>,
    tpu.vector_store %arg6[%swap3A_1182, %swap3A_1183], %add3A_1181 {strides = array<i32>} : memref<64x128xi32, #tpu.memory_space<vmem>>, vector<16xi32>,
    %dma_start3A_1185 = arith.constant 2 : i32
    %dma_start3A_1186 = arith.constant 2 : i32
    %dma_start3A_1187 = arith.constant 0 : i32
    %dma_start3A_1188 = arith.constant 0 : i32
    %dma_start3A_1189 = tpu.memref_slice %arg7[%dma_start3A_1186, %dma_start3A_1187, %dma_start3A_1188] : memref<7x128x128xf32, #tpu.memory_space<vmem>> -> memref<1x128x128xf32, #tpu.memory_space<vmem>>
    %dma_start3A_1190 = tpu.memref_squeeze %dma_start3A_1189 : memref<1x128x128xf32, #tpu.memory_space<vmem>> -> memref<128x128xf32, #tpu.memory_space<vmem>>
    %dma_start3A_1191 = arith.constant 0 : i32
    %dma_start3A_1192 = tpu.memref_slice %arg6[%dma_start3A_1185, %dma_start3A_1191] : memref<64x128xi32, #tpu.memory_space<vmem>> -> memref<1x128xi32, #tpu.memory_space<vmem>>
    %dma_start3A_1193 = tpu.memref_squeeze %dma_start3A_1192 : memref<1x128xi32, #tpu.memory_space<vmem>> -> memref<128xi32, #tpu.memory_space<vmem>>
    %dma_start3A_1194 = arith.constant 0 : i32
    %dma_start3A_1195 = arith.constant 0 : i32
    %dma_start3A_1196 = tpu.memref_slice %arg3[%dma_start3A_1194, %dma_start3A_1195] : memref<524288x128xf32, #tpu.memory_space<hbm>> -> memref<524288x128xf32, #tpu.memory_space<hbm>>
    tpu.enqueue_indirect_dma source(%dma_start3A_1196 : memref<524288x128xf32, #tpu.memory_space<hbm>>) target(%dma_start3A_1190 : memref<128x128xf32, #tpu.memory_space<vmem>>) offsets(%dma_start3A_1193 : memref<128xi32, #tpu.memory_space<vmem>>) semaphore(%arg8 : memref<!tpu.dma_semaphore, #tpu.memory_space<semaphore_mem>>)
    %add3A_1197 = arith.constant 3 : i32
    %add3A_1198 = arith.addi %sub3A, %add3A_1197 : i32
    %mul3A_1199 = arith.constant 16 : i32
    %mul3A_1200 = arith.muli %add3A_1198, %mul3A_1199 : i32
    %add3A_1201 = arith.constant 0 : i32
    %add3A_1202 = arith.addi %mul3A_1200, %add3A_1201 : i32
    %add3A_1203 = vector.broadcast %add3A_1202 : i32 to vector<16xi32>
    %add3A_1204 = arith.addi %add3A_1203, %shift_right_arithmetic3A_6 : vector<16xi32>
    %add3A_1205 = arith.constant 6 : i32
    %add3A_1206 = vector.broadcast %add3A_1205 : i32 to vector<16xi32>
    %add3A_1207 = arith.addi %add3A_1204, %add3A_1206 : vector<16xi32>
    %gather3A_1208 = tpu.vector_load_idx %arg5[%add3A_1207] : memref<1040xi32, #tpu.memory_space<vmem>>[vector<16xi32>], vector<16xi32>,
    %add3A_1209 = arith.constant 7 : i32
    %add3A_1210 = vector.broadcast %add3A_1209 : i32 to vector<16xi32>
    %add3A_1211 = arith.addi %add3A_1204, %add3A_1210 : vector<16xi32>
    %gather3A_1212 = tpu.vector_load_idx %arg5[%add3A_1211] : memref<1040xi32, #tpu.memory_space<vmem>>[vector<16xi32>], vector<16xi32>,
    %add3A_1213 = arith.constant 8 : i32
    %add3A_1214 = vector.broadcast %add3A_1213 : i32 to vector<16xi32>
    %add3A_1215 = arith.addi %add3A_1204, %add3A_1214 : vector<16xi32>
    %gather3A_1216 = tpu.vector_load_idx %arg5[%add3A_1215] : memref<1040xi32, #tpu.memory_space<vmem>>[vector<16xi32>], vector<16xi32>,
    %add3A_1217 = arith.addi %gather3A_1208, %add3A_27 : vector<16xi32>
    %and3A_1218 = arith.constant 65535 : i32
    %and3A_1219 = vector.broadcast %and3A_1218 : i32 to vector<16xi32>
    %and3A_1220 = arith.andi %add3A_1217, %and3A_1219 : vector<16xi32>
    %jit3A_1221 = arith.constant 0 : i64
    %convert_element_type3A_1222 = arith.trunci %jit3A_1221 : i64 to i32
    %broadcast_in_dim3A_1223 = vector.broadcast %convert_element_type3A_1222 : i32 to vector<16xi32>
    %select_n3A_1224 = arith.select %ge3A_8, %and3A_1220, %broadcast_in_dim3A_1223 : vector<16xi1>, vector<16xi32>
    %mul3A_1225 = arith.constant 1000003 : i32
    %mul3A_1226 = vector.broadcast %mul3A_1225 : i32 to vector<16xi32>
    %mul3A_1227 = arith.muli %select_n3A_1224, %mul3A_1226 : vector<16xi32>
    %add3A_1228 = arith.addi %mul3A_1227, %gather3A_1212 : vector<16xi32>
    %add3A_1229 = arith.addi %add3A_1228, %add3A_27 : vector<16xi32>
    %and3A_1230 = arith.constant 65535 : i32
    %and3A_1231 = vector.broadcast %and3A_1230 : i32 to vector<16xi32>
    %and3A_1232 = arith.andi %add3A_1229, %and3A_1231 : vector<16xi32>
    %mul3A_1233 = arith.constant 1000003 : i32
    %mul3A_1234 = vector.broadcast %mul3A_1233 : i32 to vector<16xi32>
    %mul3A_1235 = arith.muli %and3A_1232, %mul3A_1234 : vector<16xi32>
    %add3A_1236 = arith.addi %mul3A_1235, %gather3A_1216 : vector<16xi32>
    %add3A_1237 = arith.addi %add3A_1236, %add3A_27 : vector<16xi32>
    %and3A_1238 = arith.constant 65535 : i32
    %and3A_1239 = vector.broadcast %and3A_1238 : i32 to vector<16xi32>
    %and3A_1240 = arith.andi %add3A_1237, %and3A_1239 : vector<16xi32>
    %add3A_1241 = arith.addi %and3A_1240, %mul3A_30 : vector<16xi32>
    %swap3A_1242 = arith.index_cast %add3A_1198 : i32 to index
    %swap3A_1243 = arith.constant 0 : index
    %swap3A_1244 = tpu.vector_load %arg6[%swap3A_1242, %swap3A_1243] {strides = array<i32>} : memref<64x128xi32, #tpu.memory_space<vmem>>, vector<16xi32>,
    tpu.vector_store %arg6[%swap3A_1242, %swap3A_1243], %add3A_1241 {strides = array<i32>} : memref<64x128xi32, #tpu.memory_space<vmem>>, vector<16xi32>,
    %mul3A_1245 = arith.constant 16 : i32
    %mul3A_1246 = arith.muli %add3A_1198, %mul3A_1245 : i32
    %add3A_1247 = arith.constant 2 : i32
    %add3A_1248 = arith.addi %mul3A_1246, %add3A_1247 : i32
    %add3A_1249 = vector.broadcast %add3A_1248 : i32 to vector<16xi32>
    %add3A_1250 = arith.addi %add3A_1249, %shift_right_arithmetic3A_6 : vector<16xi32>
    %add3A_1251 = arith.constant 6 : i32
    %add3A_1252 = vector.broadcast %add3A_1251 : i32 to vector<16xi32>
    %add3A_1253 = arith.addi %add3A_1250, %add3A_1252 : vector<16xi32>
    %gather3A_1254 = tpu.vector_load_idx %arg5[%add3A_1253] : memref<1040xi32, #tpu.memory_space<vmem>>[vector<16xi32>], vector<16xi32>,
    %add3A_1255 = arith.constant 7 : i32
    %add3A_1256 = vector.broadcast %add3A_1255 : i32 to vector<16xi32>
    %add3A_1257 = arith.addi %add3A_1250, %add3A_1256 : vector<16xi32>
    %gather3A_1258 = tpu.vector_load_idx %arg5[%add3A_1257] : memref<1040xi32, #tpu.memory_space<vmem>>[vector<16xi32>], vector<16xi32>,
    %add3A_1259 = arith.constant 8 : i32
    %add3A_1260 = vector.broadcast %add3A_1259 : i32 to vector<16xi32>
    %add3A_1261 = arith.addi %add3A_1250, %add3A_1260 : vector<16xi32>
    %gather3A_1262 = tpu.vector_load_idx %arg5[%add3A_1261] : memref<1040xi32, #tpu.memory_space<vmem>>[vector<16xi32>], vector<16xi32>,
    %add3A_1263 = arith.addi %gather3A_1254, %add3A_27 : vector<16xi32>
    %and3A_1264 = arith.constant 65535 : i32
    %and3A_1265 = vector.broadcast %and3A_1264 : i32 to vector<16xi32>
    %and3A_1266 = arith.andi %add3A_1263, %and3A_1265 : vector<16xi32>
    %jit3A_1267 = arith.constant 0 : i64
    %convert_element_type3A_1268 = arith.trunci %jit3A_1267 : i64 to i32
    %broadcast_in_dim3A_1269 = vector.broadcast %convert_element_type3A_1268 : i32 to vector<16xi32>
    %select_n3A_1270 = arith.select %ge3A_8, %and3A_1266, %broadcast_in_dim3A_1269 : vector<16xi1>, vector<16xi32>
    %mul3A_1271 = arith.constant 1000003 : i32
    %mul3A_1272 = vector.broadcast %mul3A_1271 : i32 to vector<16xi32>
    %mul3A_1273 = arith.muli %select_n3A_1270, %mul3A_1272 : vector<16xi32>
    %add3A_1274 = arith.addi %mul3A_1273, %gather3A_1258 : vector<16xi32>
    %add3A_1275 = arith.addi %add3A_1274, %add3A_27 : vector<16xi32>
    %and3A_1276 = arith.constant 65535 : i32
    %and3A_1277 = vector.broadcast %and3A_1276 : i32 to vector<16xi32>
    %and3A_1278 = arith.andi %add3A_1275, %and3A_1277 : vector<16xi32>
    %mul3A_1279 = arith.constant 1000003 : i32
    %mul3A_1280 = vector.broadcast %mul3A_1279 : i32 to vector<16xi32>
    %mul3A_1281 = arith.muli %and3A_1278, %mul3A_1280 : vector<16xi32>
    %add3A_1282 = arith.addi %mul3A_1281, %gather3A_1262 : vector<16xi32>
    %add3A_1283 = arith.addi %add3A_1282, %add3A_27 : vector<16xi32>
    %and3A_1284 = arith.constant 65535 : i32
    %and3A_1285 = vector.broadcast %and3A_1284 : i32 to vector<16xi32>
    %and3A_1286 = arith.andi %add3A_1283, %and3A_1285 : vector<16xi32>
    %add3A_1287 = arith.addi %and3A_1286, %mul3A_30 : vector<16xi32>
    %swap3A_1288 = arith.index_cast %add3A_1198 : i32 to index
    %swap3A_1289 = arith.constant 16 : index
    %swap3A_1290 = tpu.vector_load %arg6[%swap3A_1288, %swap3A_1289] {strides = array<i32>} : memref<64x128xi32, #tpu.memory_space<vmem>>, vector<16xi32>,
    tpu.vector_store %arg6[%swap3A_1288, %swap3A_1289], %add3A_1287 {strides = array<i32>} : memref<64x128xi32, #tpu.memory_space<vmem>>, vector<16xi32>,
    %mul3A_1291 = arith.constant 16 : i32
    %mul3A_1292 = arith.muli %add3A_1198, %mul3A_1291 : i32
    %add3A_1293 = arith.constant 4 : i32
    %add3A_1294 = arith.addi %mul3A_1292, %add3A_1293 : i32
    %add3A_1295 = vector.broadcast %add3A_1294 : i32 to vector<16xi32>
    %add3A_1296 = arith.addi %add3A_1295, %shift_right_arithmetic3A_6 : vector<16xi32>
    %add3A_1297 = arith.constant 6 : i32
    %add3A_1298 = vector.broadcast %add3A_1297 : i32 to vector<16xi32>
    %add3A_1299 = arith.addi %add3A_1296, %add3A_1298 : vector<16xi32>
    %gather3A_1300 = tpu.vector_load_idx %arg5[%add3A_1299] : memref<1040xi32, #tpu.memory_space<vmem>>[vector<16xi32>], vector<16xi32>,
    %add3A_1301 = arith.constant 7 : i32
    %add3A_1302 = vector.broadcast %add3A_1301 : i32 to vector<16xi32>
    %add3A_1303 = arith.addi %add3A_1296, %add3A_1302 : vector<16xi32>
    %gather3A_1304 = tpu.vector_load_idx %arg5[%add3A_1303] : memref<1040xi32, #tpu.memory_space<vmem>>[vector<16xi32>], vector<16xi32>,
    %add3A_1305 = arith.constant 8 : i32
    %add3A_1306 = vector.broadcast %add3A_1305 : i32 to vector<16xi32>
    %add3A_1307 = arith.addi %add3A_1296, %add3A_1306 : vector<16xi32>
    %gather3A_1308 = tpu.vector_load_idx %arg5[%add3A_1307] : memref<1040xi32, #tpu.memory_space<vmem>>[vector<16xi32>], vector<16xi32>,
    %add3A_1309 = arith.addi %gather3A_1300, %add3A_27 : vector<16xi32>
    %and3A_1310 = arith.constant 65535 : i32
    %and3A_1311 = vector.broadcast %and3A_1310 : i32 to vector<16xi32>
    %and3A_1312 = arith.andi %add3A_1309, %and3A_1311 : vector<16xi32>
    %jit3A_1313 = arith.constant 0 : i64
    %convert_element_type3A_1314 = arith.trunci %jit3A_1313 : i64 to i32
    %broadcast_in_dim3A_1315 = vector.broadcast %convert_element_type3A_1314 : i32 to vector<16xi32>
    %select_n3A_1316 = arith.select %ge3A_8, %and3A_1312, %broadcast_in_dim3A_1315 : vector<16xi1>, vector<16xi32>
    %mul3A_1317 = arith.constant 1000003 : i32
    %mul3A_1318 = vector.broadcast %mul3A_1317 : i32 to vector<16xi32>
    %mul3A_1319 = arith.muli %select_n3A_1316, %mul3A_1318 : vector<16xi32>
    %add3A_1320 = arith.addi %mul3A_1319, %gather3A_1304 : vector<16xi32>
    %add3A_1321 = arith.addi %add3A_1320, %add3A_27 : vector<16xi32>
    %and3A_1322 = arith.constant 65535 : i32
    %and3A_1323 = vector.broadcast %and3A_1322 : i32 to vector<16xi32>
    %and3A_1324 = arith.andi %add3A_1321, %and3A_1323 : vector<16xi32>
    %mul3A_1325 = arith.constant 1000003 : i32
    %mul3A_1326 = vector.broadcast %mul3A_1325 : i32 to vector<16xi32>
    %mul3A_1327 = arith.muli %and3A_1324, %mul3A_1326 : vector<16xi32>
    %add3A_1328 = arith.addi %mul3A_1327, %gather3A_1308 : vector<16xi32>
    %add3A_1329 = arith.addi %add3A_1328, %add3A_27 : vector<16xi32>
    %and3A_1330 = arith.constant 65535 : i32
    %and3A_1331 = vector.broadcast %and3A_1330 : i32 to vector<16xi32>
    %and3A_1332 = arith.andi %add3A_1329, %and3A_1331 : vector<16xi32>
    %add3A_1333 = arith.addi %and3A_1332, %mul3A_30 : vector<16xi32>
    %swap3A_1334 = arith.index_cast %add3A_1198 : i32 to index
    %swap3A_1335 = arith.constant 32 : index
    %swap3A_1336 = tpu.vector_load %arg6[%swap3A_1334, %swap3A_1335] {strides = array<i32>} : memref<64x128xi32, #tpu.memory_space<vmem>>, vector<16xi32>,
    tpu.vector_store %arg6[%swap3A_1334, %swap3A_1335], %add3A_1333 {strides = array<i32>} : memref<64x128xi32, #tpu.memory_space<vmem>>, vector<16xi32>,
    %mul3A_1337 = arith.constant 16 : i32
    %mul3A_1338 = arith.muli %add3A_1198, %mul3A_1337 : i32
    %add3A_1339 = arith.constant 6 : i32
    %add3A_1340 = arith.addi %mul3A_1338, %add3A_1339 : i32
    %add3A_1341 = vector.broadcast %add3A_1340 : i32 to vector<16xi32>
    %add3A_1342 = arith.addi %add3A_1341, %shift_right_arithmetic3A_6 : vector<16xi32>
    %add3A_1343 = arith.constant 6 : i32
    %add3A_1344 = vector.broadcast %add3A_1343 : i32 to vector<16xi32>
    %add3A_1345 = arith.addi %add3A_1342, %add3A_1344 : vector<16xi32>
    %gather3A_1346 = tpu.vector_load_idx %arg5[%add3A_1345] : memref<1040xi32, #tpu.memory_space<vmem>>[vector<16xi32>], vector<16xi32>,
    %add3A_1347 = arith.constant 7 : i32
    %add3A_1348 = vector.broadcast %add3A_1347 : i32 to vector<16xi32>
    %add3A_1349 = arith.addi %add3A_1342, %add3A_1348 : vector<16xi32>
    %gather3A_1350 = tpu.vector_load_idx %arg5[%add3A_1349] : memref<1040xi32, #tpu.memory_space<vmem>>[vector<16xi32>], vector<16xi32>,
    %add3A_1351 = arith.constant 8 : i32
    %add3A_1352 = vector.broadcast %add3A_1351 : i32 to vector<16xi32>
    %add3A_1353 = arith.addi %add3A_1342, %add3A_1352 : vector<16xi32>
    %gather3A_1354 = tpu.vector_load_idx %arg5[%add3A_1353] : memref<1040xi32, #tpu.memory_space<vmem>>[vector<16xi32>], vector<16xi32>,
    %add3A_1355 = arith.addi %gather3A_1346, %add3A_27 : vector<16xi32>
    %and3A_1356 = arith.constant 65535 : i32
    %and3A_1357 = vector.broadcast %and3A_1356 : i32 to vector<16xi32>
    %and3A_1358 = arith.andi %add3A_1355, %and3A_1357 : vector<16xi32>
    %jit3A_1359 = arith.constant 0 : i64
    %convert_element_type3A_1360 = arith.trunci %jit3A_1359 : i64 to i32
    %broadcast_in_dim3A_1361 = vector.broadcast %convert_element_type3A_1360 : i32 to vector<16xi32>
    %select_n3A_1362 = arith.select %ge3A_8, %and3A_1358, %broadcast_in_dim3A_1361 : vector<16xi1>, vector<16xi32>
    %mul3A_1363 = arith.constant 1000003 : i32
    %mul3A_1364 = vector.broadcast %mul3A_1363 : i32 to vector<16xi32>
    %mul3A_1365 = arith.muli %select_n3A_1362, %mul3A_1364 : vector<16xi32>
    %add3A_1366 = arith.addi %mul3A_1365, %gather3A_1350 : vector<16xi32>
    %add3A_1367 = arith.addi %add3A_1366, %add3A_27 : vector<16xi32>
    %and3A_1368 = arith.constant 65535 : i32
    %and3A_1369 = vector.broadcast %and3A_1368 : i32 to vector<16xi32>
    %and3A_1370 = arith.andi %add3A_1367, %and3A_1369 : vector<16xi32>
    %mul3A_1371 = arith.constant 1000003 : i32
    %mul3A_1372 = vector.broadcast %mul3A_1371 : i32 to vector<16xi32>
    %mul3A_1373 = arith.muli %and3A_1370, %mul3A_1372 : vector<16xi32>
    %add3A_1374 = arith.addi %mul3A_1373, %gather3A_1354 : vector<16xi32>
    %add3A_1375 = arith.addi %add3A_1374, %add3A_27 : vector<16xi32>
    %and3A_1376 = arith.constant 65535 : i32
    %and3A_1377 = vector.broadcast %and3A_1376 : i32 to vector<16xi32>
    %and3A_1378 = arith.andi %add3A_1375, %and3A_1377 : vector<16xi32>
    %add3A_1379 = arith.addi %and3A_1378, %mul3A_30 : vector<16xi32>
    %swap3A_1380 = arith.index_cast %add3A_1198 : i32 to index
    %swap3A_1381 = arith.constant 48 : index
    %swap3A_1382 = tpu.vector_load %arg6[%swap3A_1380, %swap3A_1381] {strides = array<i32>} : memref<64x128xi32, #tpu.memory_space<vmem>>, vector<16xi32>,
    tpu.vector_store %arg6[%swap3A_1380, %swap3A_1381], %add3A_1379 {strides = array<i32>} : memref<64x128xi32, #tpu.memory_space<vmem>>, vector<16xi32>,
    %mul3A_1383 = arith.constant 16 : i32
    %mul3A_1384 = arith.muli %add3A_1198, %mul3A_1383 : i32
    %add3A_1385 = arith.constant 8 : i32
    %add3A_1386 = arith.addi %mul3A_1384, %add3A_1385 : i32
    %add3A_1387 = vector.broadcast %add3A_1386 : i32 to vector<16xi32>
    %add3A_1388 = arith.addi %add3A_1387, %shift_right_arithmetic3A_6 : vector<16xi32>
    %add3A_1389 = arith.constant 6 : i32
    %add3A_1390 = vector.broadcast %add3A_1389 : i32 to vector<16xi32>
    %add3A_1391 = arith.addi %add3A_1388, %add3A_1390 : vector<16xi32>
    %gather3A_1392 = tpu.vector_load_idx %arg5[%add3A_1391] : memref<1040xi32, #tpu.memory_space<vmem>>[vector<16xi32>], vector<16xi32>,
    %add3A_1393 = arith.constant 7 : i32
    %add3A_1394 = vector.broadcast %add3A_1393 : i32 to vector<16xi32>
    %add3A_1395 = arith.addi %add3A_1388, %add3A_1394 : vector<16xi32>
    %gather3A_1396 = tpu.vector_load_idx %arg5[%add3A_1395] : memref<1040xi32, #tpu.memory_space<vmem>>[vector<16xi32>], vector<16xi32>,
    %add3A_1397 = arith.constant 8 : i32
    %add3A_1398 = vector.broadcast %add3A_1397 : i32 to vector<16xi32>
    %add3A_1399 = arith.addi %add3A_1388, %add3A_1398 : vector<16xi32>
    %gather3A_1400 = tpu.vector_load_idx %arg5[%add3A_1399] : memref<1040xi32, #tpu.memory_space<vmem>>[vector<16xi32>], vector<16xi32>,
    %add3A_1401 = arith.addi %gather3A_1392, %add3A_27 : vector<16xi32>
    %and3A_1402 = arith.constant 65535 : i32
    %and3A_1403 = vector.broadcast %and3A_1402 : i32 to vector<16xi32>
    %and3A_1404 = arith.andi %add3A_1401, %and3A_1403 : vector<16xi32>
    %jit3A_1405 = arith.constant 0 : i64
    %convert_element_type3A_1406 = arith.trunci %jit3A_1405 : i64 to i32
    %broadcast_in_dim3A_1407 = vector.broadcast %convert_element_type3A_1406 : i32 to vector<16xi32>
    %select_n3A_1408 = arith.select %ge3A_8, %and3A_1404, %broadcast_in_dim3A_1407 : vector<16xi1>, vector<16xi32>
    %mul3A_1409 = arith.constant 1000003 : i32
    %mul3A_1410 = vector.broadcast %mul3A_1409 : i32 to vector<16xi32>
    %mul3A_1411 = arith.muli %select_n3A_1408, %mul3A_1410 : vector<16xi32>
    %add3A_1412 = arith.addi %mul3A_1411, %gather3A_1396 : vector<16xi32>
    %add3A_1413 = arith.addi %add3A_1412, %add3A_27 : vector<16xi32>
    %and3A_1414 = arith.constant 65535 : i32
    %and3A_1415 = vector.broadcast %and3A_1414 : i32 to vector<16xi32>
    %and3A_1416 = arith.andi %add3A_1413, %and3A_1415 : vector<16xi32>
    %mul3A_1417 = arith.constant 1000003 : i32
    %mul3A_1418 = vector.broadcast %mul3A_1417 : i32 to vector<16xi32>
    %mul3A_1419 = arith.muli %and3A_1416, %mul3A_1418 : vector<16xi32>
    %add3A_1420 = arith.addi %mul3A_1419, %gather3A_1400 : vector<16xi32>
    %add3A_1421 = arith.addi %add3A_1420, %add3A_27 : vector<16xi32>
    %and3A_1422 = arith.constant 65535 : i32
    %and3A_1423 = vector.broadcast %and3A_1422 : i32 to vector<16xi32>
    %and3A_1424 = arith.andi %add3A_1421, %and3A_1423 : vector<16xi32>
    %add3A_1425 = arith.addi %and3A_1424, %mul3A_30 : vector<16xi32>
    %swap3A_1426 = arith.index_cast %add3A_1198 : i32 to index
    %swap3A_1427 = arith.constant 64 : index
    %swap3A_1428 = tpu.vector_load %arg6[%swap3A_1426, %swap3A_1427] {strides = array<i32>} : memref<64x128xi32, #tpu.memory_space<vmem>>, vector<16xi32>,
    tpu.vector_store %arg6[%swap3A_1426, %swap3A_1427], %add3A_1425 {strides = array<i32>} : memref<64x128xi32, #tpu.memory_space<vmem>>, vector<16xi32>,
    %mul3A_1429 = arith.constant 16 : i32
    %mul3A_1430 = arith.muli %add3A_1198, %mul3A_1429 : i32
    %add3A_1431 = arith.constant 10 : i32
    %add3A_1432 = arith.addi %mul3A_1430, %add3A_1431 : i32
    %add3A_1433 = vector.broadcast %add3A_1432 : i32 to vector<16xi32>
    %add3A_1434 = arith.addi %add3A_1433, %shift_right_arithmetic3A_6 : vector<16xi32>
    %add3A_1435 = arith.constant 6 : i32
    %add3A_1436 = vector.broadcast %add3A_1435 : i32 to vector<16xi32>
    %add3A_1437 = arith.addi %add3A_1434, %add3A_1436 : vector<16xi32>
    %gather3A_1438 = tpu.vector_load_idx %arg5[%add3A_1437] : memref<1040xi32, #tpu.memory_space<vmem>>[vector<16xi32>], vector<16xi32>,
    %add3A_1439 = arith.constant 7 : i32
    %add3A_1440 = vector.broadcast %add3A_1439 : i32 to vector<16xi32>
    %add3A_1441 = arith.addi %add3A_1434, %add3A_1440 : vector<16xi32>
    %gather3A_1442 = tpu.vector_load_idx %arg5[%add3A_1441] : memref<1040xi32, #tpu.memory_space<vmem>>[vector<16xi32>], vector<16xi32>,
    %add3A_1443 = arith.constant 8 : i32
    %add3A_1444 = vector.broadcast %add3A_1443 : i32 to vector<16xi32>
    %add3A_1445 = arith.addi %add3A_1434, %add3A_1444 : vector<16xi32>
    %gather3A_1446 = tpu.vector_load_idx %arg5[%add3A_1445] : memref<1040xi32, #tpu.memory_space<vmem>>[vector<16xi32>], vector<16xi32>,
    %add3A_1447 = arith.addi %gather3A_1438, %add3A_27 : vector<16xi32>
    %and3A_1448 = arith.constant 65535 : i32
    %and3A_1449 = vector.broadcast %and3A_1448 : i32 to vector<16xi32>
    %and3A_1450 = arith.andi %add3A_1447, %and3A_1449 : vector<16xi32>
    %jit3A_1451 = arith.constant 0 : i64
    %convert_element_type3A_1452 = arith.trunci %jit3A_1451 : i64 to i32
    %broadcast_in_dim3A_1453 = vector.broadcast %convert_element_type3A_1452 : i32 to vector<16xi32>
    %select_n3A_1454 = arith.select %ge3A_8, %and3A_1450, %broadcast_in_dim3A_1453 : vector<16xi1>, vector<16xi32>
    %mul3A_1455 = arith.constant 1000003 : i32
    %mul3A_1456 = vector.broadcast %mul3A_1455 : i32 to vector<16xi32>
    %mul3A_1457 = arith.muli %select_n3A_1454, %mul3A_1456 : vector<16xi32>
    %add3A_1458 = arith.addi %mul3A_1457, %gather3A_1442 : vector<16xi32>
    %add3A_1459 = arith.addi %add3A_1458, %add3A_27 : vector<16xi32>
    %and3A_1460 = arith.constant 65535 : i32
    %and3A_1461 = vector.broadcast %and3A_1460 : i32 to vector<16xi32>
    %and3A_1462 = arith.andi %add3A_1459, %and3A_1461 : vector<16xi32>
    %mul3A_1463 = arith.constant 1000003 : i32
    %mul3A_1464 = vector.broadcast %mul3A_1463 : i32 to vector<16xi32>
    %mul3A_1465 = arith.muli %and3A_1462, %mul3A_1464 : vector<16xi32>
    %add3A_1466 = arith.addi %mul3A_1465, %gather3A_1446 : vector<16xi32>
    %add3A_1467 = arith.addi %add3A_1466, %add3A_27 : vector<16xi32>
    %and3A_1468 = arith.constant 65535 : i32
    %and3A_1469 = vector.broadcast %and3A_1468 : i32 to vector<16xi32>
    %and3A_1470 = arith.andi %add3A_1467, %and3A_1469 : vector<16xi32>
    %add3A_1471 = arith.addi %and3A_1470, %mul3A_30 : vector<16xi32>
    %swap3A_1472 = arith.index_cast %add3A_1198 : i32 to index
    %swap3A_1473 = arith.constant 80 : index
    %swap3A_1474 = tpu.vector_load %arg6[%swap3A_1472, %swap3A_1473] {strides = array<i32>} : memref<64x128xi32, #tpu.memory_space<vmem>>, vector<16xi32>,
    tpu.vector_store %arg6[%swap3A_1472, %swap3A_1473], %add3A_1471 {strides = array<i32>} : memref<64x128xi32, #tpu.memory_space<vmem>>, vector<16xi32>,
    %mul3A_1475 = arith.constant 16 : i32
    %mul3A_1476 = arith.muli %add3A_1198, %mul3A_1475 : i32
    %add3A_1477 = arith.constant 12 : i32
    %add3A_1478 = arith.addi %mul3A_1476, %add3A_1477 : i32
    %add3A_1479 = vector.broadcast %add3A_1478 : i32 to vector<16xi32>
    %add3A_1480 = arith.addi %add3A_1479, %shift_right_arithmetic3A_6 : vector<16xi32>
    %add3A_1481 = arith.constant 6 : i32
    %add3A_1482 = vector.broadcast %add3A_1481 : i32 to vector<16xi32>
    %add3A_1483 = arith.addi %add3A_1480, %add3A_1482 : vector<16xi32>
    %gather3A_1484 = tpu.vector_load_idx %arg5[%add3A_1483] : memref<1040xi32, #tpu.memory_space<vmem>>[vector<16xi32>], vector<16xi32>,
    %add3A_1485 = arith.constant 7 : i32
    %add3A_1486 = vector.broadcast %add3A_1485 : i32 to vector<16xi32>
    %add3A_1487 = arith.addi %add3A_1480, %add3A_1486 : vector<16xi32>
    %gather3A_1488 = tpu.vector_load_idx %arg5[%add3A_1487] : memref<1040xi32, #tpu.memory_space<vmem>>[vector<16xi32>], vector<16xi32>,
    %add3A_1489 = arith.constant 8 : i32
    %add3A_1490 = vector.broadcast %add3A_1489 : i32 to vector<16xi32>
    %add3A_1491 = arith.addi %add3A_1480, %add3A_1490 : vector<16xi32>
    %gather3A_1492 = tpu.vector_load_idx %arg5[%add3A_1491] : memref<1040xi32, #tpu.memory_space<vmem>>[vector<16xi32>], vector<16xi32>,
    %add3A_1493 = arith.addi %gather3A_1484, %add3A_27 : vector<16xi32>
    %and3A_1494 = arith.constant 65535 : i32
    %and3A_1495 = vector.broadcast %and3A_1494 : i32 to vector<16xi32>
    %and3A_1496 = arith.andi %add3A_1493, %and3A_1495 : vector<16xi32>
    %jit3A_1497 = arith.constant 0 : i64
    %convert_element_type3A_1498 = arith.trunci %jit3A_1497 : i64 to i32
    %broadcast_in_dim3A_1499 = vector.broadcast %convert_element_type3A_1498 : i32 to vector<16xi32>
    %select_n3A_1500 = arith.select %ge3A_8, %and3A_1496, %broadcast_in_dim3A_1499 : vector<16xi1>, vector<16xi32>
    %mul3A_1501 = arith.constant 1000003 : i32
    %mul3A_1502 = vector.broadcast %mul3A_1501 : i32 to vector<16xi32>
    %mul3A_1503 = arith.muli %select_n3A_1500, %mul3A_1502 : vector<16xi32>
    %add3A_1504 = arith.addi %mul3A_1503, %gather3A_1488 : vector<16xi32>
    %add3A_1505 = arith.addi %add3A_1504, %add3A_27 : vector<16xi32>
    %and3A_1506 = arith.constant 65535 : i32
    %and3A_1507 = vector.broadcast %and3A_1506 : i32 to vector<16xi32>
    %and3A_1508 = arith.andi %add3A_1505, %and3A_1507 : vector<16xi32>
    %mul3A_1509 = arith.constant 1000003 : i32
    %mul3A_1510 = vector.broadcast %mul3A_1509 : i32 to vector<16xi32>
    %mul3A_1511 = arith.muli %and3A_1508, %mul3A_1510 : vector<16xi32>
    %add3A_1512 = arith.addi %mul3A_1511, %gather3A_1492 : vector<16xi32>
    %add3A_1513 = arith.addi %add3A_1512, %add3A_27 : vector<16xi32>
    %and3A_1514 = arith.constant 65535 : i32
    %and3A_1515 = vector.broadcast %and3A_1514 : i32 to vector<16xi32>
    %and3A_1516 = arith.andi %add3A_1513, %and3A_1515 : vector<16xi32>
    %add3A_1517 = arith.addi %and3A_1516, %mul3A_30 : vector<16xi32>
    %swap3A_1518 = arith.index_cast %add3A_1198 : i32 to index
    %swap3A_1519 = arith.constant 96 : index
    %swap3A_1520 = tpu.vector_load %arg6[%swap3A_1518, %swap3A_1519] {strides = array<i32>} : memref<64x128xi32, #tpu.memory_space<vmem>>, vector<16xi32>,
    tpu.vector_store %arg6[%swap3A_1518, %swap3A_1519], %add3A_1517 {strides = array<i32>} : memref<64x128xi32, #tpu.memory_space<vmem>>, vector<16xi32>,
    %mul3A_1521 = arith.constant 16 : i32
    %mul3A_1522 = arith.muli %add3A_1198, %mul3A_1521 : i32
    %add3A_1523 = arith.constant 14 : i32
    %add3A_1524 = arith.addi %mul3A_1522, %add3A_1523 : i32
    %add3A_1525 = vector.broadcast %add3A_1524 : i32 to vector<16xi32>
    %add3A_1526 = arith.addi %add3A_1525, %shift_right_arithmetic3A_6 : vector<16xi32>
    %add3A_1527 = arith.constant 6 : i32
    %add3A_1528 = vector.broadcast %add3A_1527 : i32 to vector<16xi32>
    %add3A_1529 = arith.addi %add3A_1526, %add3A_1528 : vector<16xi32>
    %gather3A_1530 = tpu.vector_load_idx %arg5[%add3A_1529] : memref<1040xi32, #tpu.memory_space<vmem>>[vector<16xi32>], vector<16xi32>,
    %add3A_1531 = arith.constant 7 : i32
    %add3A_1532 = vector.broadcast %add3A_1531 : i32 to vector<16xi32>
    %add3A_1533 = arith.addi %add3A_1526, %add3A_1532 : vector<16xi32>
    %gather3A_1534 = tpu.vector_load_idx %arg5[%add3A_1533] : memref<1040xi32, #tpu.memory_space<vmem>>[vector<16xi32>], vector<16xi32>,
    %add3A_1535 = arith.constant 8 : i32
    %add3A_1536 = vector.broadcast %add3A_1535 : i32 to vector<16xi32>
    %add3A_1537 = arith.addi %add3A_1526, %add3A_1536 : vector<16xi32>
    %gather3A_1538 = tpu.vector_load_idx %arg5[%add3A_1537] : memref<1040xi32, #tpu.memory_space<vmem>>[vector<16xi32>], vector<16xi32>,
    %add3A_1539 = arith.addi %gather3A_1530, %add3A_27 : vector<16xi32>
    %and3A_1540 = arith.constant 65535 : i32
    %and3A_1541 = vector.broadcast %and3A_1540 : i32 to vector<16xi32>
    %and3A_1542 = arith.andi %add3A_1539, %and3A_1541 : vector<16xi32>
    %jit3A_1543 = arith.constant 0 : i64
    %convert_element_type3A_1544 = arith.trunci %jit3A_1543 : i64 to i32
    %broadcast_in_dim3A_1545 = vector.broadcast %convert_element_type3A_1544 : i32 to vector<16xi32>
    %select_n3A_1546 = arith.select %ge3A_8, %and3A_1542, %broadcast_in_dim3A_1545 : vector<16xi1>, vector<16xi32>
    %mul3A_1547 = arith.constant 1000003 : i32
    %mul3A_1548 = vector.broadcast %mul3A_1547 : i32 to vector<16xi32>
    %mul3A_1549 = arith.muli %select_n3A_1546, %mul3A_1548 : vector<16xi32>
    %add3A_1550 = arith.addi %mul3A_1549, %gather3A_1534 : vector<16xi32>
    %add3A_1551 = arith.addi %add3A_1550, %add3A_27 : vector<16xi32>
    %and3A_1552 = arith.constant 65535 : i32
    %and3A_1553 = vector.broadcast %and3A_1552 : i32 to vector<16xi32>
    %and3A_1554 = arith.andi %add3A_1551, %and3A_1553 : vector<16xi32>
    %mul3A_1555 = arith.constant 1000003 : i32
    %mul3A_1556 = vector.broadcast %mul3A_1555 : i32 to vector<16xi32>
    %mul3A_1557 = arith.muli %and3A_1554, %mul3A_1556 : vector<16xi32>
    %add3A_1558 = arith.addi %mul3A_1557, %gather3A_1538 : vector<16xi32>
    %add3A_1559 = arith.addi %add3A_1558, %add3A_27 : vector<16xi32>
    %and3A_1560 = arith.constant 65535 : i32
    %and3A_1561 = vector.broadcast %and3A_1560 : i32 to vector<16xi32>
    %and3A_1562 = arith.andi %add3A_1559, %and3A_1561 : vector<16xi32>
    %add3A_1563 = arith.addi %and3A_1562, %mul3A_30 : vector<16xi32>
    %swap3A_1564 = arith.index_cast %add3A_1198 : i32 to index
    %swap3A_1565 = arith.constant 112 : index
    %swap3A_1566 = tpu.vector_load %arg6[%swap3A_1564, %swap3A_1565] {strides = array<i32>} : memref<64x128xi32, #tpu.memory_space<vmem>>, vector<16xi32>,
    tpu.vector_store %arg6[%swap3A_1564, %swap3A_1565], %add3A_1563 {strides = array<i32>} : memref<64x128xi32, #tpu.memory_space<vmem>>, vector<16xi32>,
    %dma_start3A_1567 = arith.constant 3 : i32
    %dma_start3A_1568 = arith.constant 3 : i32
    %dma_start3A_1569 = arith.constant 0 : i32
    %dma_start3A_1570 = arith.constant 0 : i32
    %dma_start3A_1571 = tpu.memref_slice %arg7[%dma_start3A_1568, %dma_start3A_1569, %dma_start3A_1570] : memref<7x128x128xf32, #tpu.memory_space<vmem>> -> memref<1x128x128xf32, #tpu.memory_space<vmem>>
    %dma_start3A_1572 = tpu.memref_squeeze %dma_start3A_1571 : memref<1x128x128xf32, #tpu.memory_space<vmem>> -> memref<128x128xf32, #tpu.memory_space<vmem>>
    %dma_start3A_1573 = arith.constant 0 : i32
    %dma_start3A_1574 = tpu.memref_slice %arg6[%dma_start3A_1567, %dma_start3A_1573] : memref<64x128xi32, #tpu.memory_space<vmem>> -> memref<1x128xi32, #tpu.memory_space<vmem>>
    %dma_start3A_1575 = tpu.memref_squeeze %dma_start3A_1574 : memref<1x128xi32, #tpu.memory_space<vmem>> -> memref<128xi32, #tpu.memory_space<vmem>>
    %dma_start3A_1576 = arith.constant 0 : i32
    %dma_start3A_1577 = arith.constant 0 : i32
    %dma_start3A_1578 = tpu.memref_slice %arg3[%dma_start3A_1576, %dma_start3A_1577] : memref<524288x128xf32, #tpu.memory_space<hbm>> -> memref<524288x128xf32, #tpu.memory_space<hbm>>
    tpu.enqueue_indirect_dma source(%dma_start3A_1578 : memref<524288x128xf32, #tpu.memory_space<hbm>>) target(%dma_start3A_1572 : memref<128x128xf32, #tpu.memory_space<vmem>>) offsets(%dma_start3A_1575 : memref<128xi32, #tpu.memory_space<vmem>>) semaphore(%arg8 : memref<!tpu.dma_semaphore, #tpu.memory_space<semaphore_mem>>)
    %add3A_1579 = arith.constant 4 : i32
    %add3A_1580 = arith.addi %sub3A, %add3A_1579 : i32
    %mul3A_1581 = arith.constant 16 : i32
    %mul3A_1582 = arith.muli %add3A_1580, %mul3A_1581 : i32
    %add3A_1583 = arith.constant 0 : i32
    %add3A_1584 = arith.addi %mul3A_1582, %add3A_1583 : i32
    %add3A_1585 = vector.broadcast %add3A_1584 : i32 to vector<16xi32>
    %add3A_1586 = arith.addi %add3A_1585, %shift_right_arithmetic3A_6 : vector<16xi32>
    %add3A_1587 = arith.constant 6 : i32
    %add3A_1588 = vector.broadcast %add3A_1587 : i32 to vector<16xi32>
    %add3A_1589 = arith.addi %add3A_1586, %add3A_1588 : vector<16xi32>
    %gather3A_1590 = tpu.vector_load_idx %arg5[%add3A_1589] : memref<1040xi32, #tpu.memory_space<vmem>>[vector<16xi32>], vector<16xi32>,
    %add3A_1591 = arith.constant 7 : i32
    %add3A_1592 = vector.broadcast %add3A_1591 : i32 to vector<16xi32>
    %add3A_1593 = arith.addi %add3A_1586, %add3A_1592 : vector<16xi32>
    %gather3A_1594 = tpu.vector_load_idx %arg5[%add3A_1593] : memref<1040xi32, #tpu.memory_space<vmem>>[vector<16xi32>], vector<16xi32>,
    %add3A_1595 = arith.constant 8 : i32
    %add3A_1596 = vector.broadcast %add3A_1595 : i32 to vector<16xi32>
    %add3A_1597 = arith.addi %add3A_1586, %add3A_1596 : vector<16xi32>
    %gather3A_1598 = tpu.vector_load_idx %arg5[%add3A_1597] : memref<1040xi32, #tpu.memory_space<vmem>>[vector<16xi32>], vector<16xi32>,
    %add3A_1599 = arith.addi %gather3A_1590, %add3A_27 : vector<16xi32>
    %and3A_1600 = arith.constant 65535 : i32
    %and3A_1601 = vector.broadcast %and3A_1600 : i32 to vector<16xi32>
    %and3A_1602 = arith.andi %add3A_1599, %and3A_1601 : vector<16xi32>
    %jit3A_1603 = arith.constant 0 : i64
    %convert_element_type3A_1604 = arith.trunci %jit3A_1603 : i64 to i32
    %broadcast_in_dim3A_1605 = vector.broadcast %convert_element_type3A_1604 : i32 to vector<16xi32>
    %select_n3A_1606 = arith.select %ge3A_8, %and3A_1602, %broadcast_in_dim3A_1605 : vector<16xi1>, vector<16xi32>
    %mul3A_1607 = arith.constant 1000003 : i32
    %mul3A_1608 = vector.broadcast %mul3A_1607 : i32 to vector<16xi32>
    %mul3A_1609 = arith.muli %select_n3A_1606, %mul3A_1608 : vector<16xi32>
    %add3A_1610 = arith.addi %mul3A_1609, %gather3A_1594 : vector<16xi32>
    %add3A_1611 = arith.addi %add3A_1610, %add3A_27 : vector<16xi32>
    %and3A_1612 = arith.constant 65535 : i32
    %and3A_1613 = vector.broadcast %and3A_1612 : i32 to vector<16xi32>
    %and3A_1614 = arith.andi %add3A_1611, %and3A_1613 : vector<16xi32>
    %mul3A_1615 = arith.constant 1000003 : i32
    %mul3A_1616 = vector.broadcast %mul3A_1615 : i32 to vector<16xi32>
    %mul3A_1617 = arith.muli %and3A_1614, %mul3A_1616 : vector<16xi32>
    %add3A_1618 = arith.addi %mul3A_1617, %gather3A_1598 : vector<16xi32>
    %add3A_1619 = arith.addi %add3A_1618, %add3A_27 : vector<16xi32>
    %and3A_1620 = arith.constant 65535 : i32
    %and3A_1621 = vector.broadcast %and3A_1620 : i32 to vector<16xi32>
    %and3A_1622 = arith.andi %add3A_1619, %and3A_1621 : vector<16xi32>
    %add3A_1623 = arith.addi %and3A_1622, %mul3A_30 : vector<16xi32>
    %swap3A_1624 = arith.index_cast %add3A_1580 : i32 to index
    %swap3A_1625 = arith.constant 0 : index
    %swap3A_1626 = tpu.vector_load %arg6[%swap3A_1624, %swap3A_1625] {strides = array<i32>} : memref<64x128xi32, #tpu.memory_space<vmem>>, vector<16xi32>,
    tpu.vector_store %arg6[%swap3A_1624, %swap3A_1625], %add3A_1623 {strides = array<i32>} : memref<64x128xi32, #tpu.memory_space<vmem>>, vector<16xi32>,
    %mul3A_1627 = arith.constant 16 : i32
    %mul3A_1628 = arith.muli %add3A_1580, %mul3A_1627 : i32
    %add3A_1629 = arith.constant 2 : i32
    %add3A_1630 = arith.addi %mul3A_1628, %add3A_1629 : i32
    %add3A_1631 = vector.broadcast %add3A_1630 : i32 to vector<16xi32>
    %add3A_1632 = arith.addi %add3A_1631, %shift_right_arithmetic3A_6 : vector<16xi32>
    %add3A_1633 = arith.constant 6 : i32
    %add3A_1634 = vector.broadcast %add3A_1633 : i32 to vector<16xi32>
    %add3A_1635 = arith.addi %add3A_1632, %add3A_1634 : vector<16xi32>
    %gather3A_1636 = tpu.vector_load_idx %arg5[%add3A_1635] : memref<1040xi32, #tpu.memory_space<vmem>>[vector<16xi32>], vector<16xi32>,
    %add3A_1637 = arith.constant 7 : i32
    %add3A_1638 = vector.broadcast %add3A_1637 : i32 to vector<16xi32>
    %add3A_1639 = arith.addi %add3A_1632, %add3A_1638 : vector<16xi32>
    %gather3A_1640 = tpu.vector_load_idx %arg5[%add3A_1639] : memref<1040xi32, #tpu.memory_space<vmem>>[vector<16xi32>], vector<16xi32>,
    %add3A_1641 = arith.constant 8 : i32
    %add3A_1642 = vector.broadcast %add3A_1641 : i32 to vector<16xi32>
    %add3A_1643 = arith.addi %add3A_1632, %add3A_1642 : vector<16xi32>
    %gather3A_1644 = tpu.vector_load_idx %arg5[%add3A_1643] : memref<1040xi32, #tpu.memory_space<vmem>>[vector<16xi32>], vector<16xi32>,
    %add3A_1645 = arith.addi %gather3A_1636, %add3A_27 : vector<16xi32>
    %and3A_1646 = arith.constant 65535 : i32
    %and3A_1647 = vector.broadcast %and3A_1646 : i32 to vector<16xi32>
    %and3A_1648 = arith.andi %add3A_1645, %and3A_1647 : vector<16xi32>
    %jit3A_1649 = arith.constant 0 : i64
    %convert_element_type3A_1650 = arith.trunci %jit3A_1649 : i64 to i32
    %broadcast_in_dim3A_1651 = vector.broadcast %convert_element_type3A_1650 : i32 to vector<16xi32>
    %select_n3A_1652 = arith.select %ge3A_8, %and3A_1648, %broadcast_in_dim3A_1651 : vector<16xi1>, vector<16xi32>
    %mul3A_1653 = arith.constant 1000003 : i32
    %mul3A_1654 = vector.broadcast %mul3A_1653 : i32 to vector<16xi32>
    %mul3A_1655 = arith.muli %select_n3A_1652, %mul3A_1654 : vector<16xi32>
    %add3A_1656 = arith.addi %mul3A_1655, %gather3A_1640 : vector<16xi32>
    %add3A_1657 = arith.addi %add3A_1656, %add3A_27 : vector<16xi32>
    %and3A_1658 = arith.constant 65535 : i32
    %and3A_1659 = vector.broadcast %and3A_1658 : i32 to vector<16xi32>
    %and3A_1660 = arith.andi %add3A_1657, %and3A_1659 : vector<16xi32>
    %mul3A_1661 = arith.constant 1000003 : i32
    %mul3A_1662 = vector.broadcast %mul3A_1661 : i32 to vector<16xi32>
    %mul3A_1663 = arith.muli %and3A_1660, %mul3A_1662 : vector<16xi32>
    %add3A_1664 = arith.addi %mul3A_1663, %gather3A_1644 : vector<16xi32>
    %add3A_1665 = arith.addi %add3A_1664, %add3A_27 : vector<16xi32>
    %and3A_1666 = arith.constant 65535 : i32
    %and3A_1667 = vector.broadcast %and3A_1666 : i32 to vector<16xi32>
    %and3A_1668 = arith.andi %add3A_1665, %and3A_1667 : vector<16xi32>
    %add3A_1669 = arith.addi %and3A_1668, %mul3A_30 : vector<16xi32>
    %swap3A_1670 = arith.index_cast %add3A_1580 : i32 to index
    %swap3A_1671 = arith.constant 16 : index
    %swap3A_1672 = tpu.vector_load %arg6[%swap3A_1670, %swap3A_1671] {strides = array<i32>} : memref<64x128xi32, #tpu.memory_space<vmem>>, vector<16xi32>,
    tpu.vector_store %arg6[%swap3A_1670, %swap3A_1671], %add3A_1669 {strides = array<i32>} : memref<64x128xi32, #tpu.memory_space<vmem>>, vector<16xi32>,
    %mul3A_1673 = arith.constant 16 : i32
    %mul3A_1674 = arith.muli %add3A_1580, %mul3A_1673 : i32
    %add3A_1675 = arith.constant 4 : i32
    %add3A_1676 = arith.addi %mul3A_1674, %add3A_1675 : i32
    %add3A_1677 = vector.broadcast %add3A_1676 : i32 to vector<16xi32>
    %add3A_1678 = arith.addi %add3A_1677, %shift_right_arithmetic3A_6 : vector<16xi32>
    %add3A_1679 = arith.constant 6 : i32
    %add3A_1680 = vector.broadcast %add3A_1679 : i32 to vector<16xi32>
    %add3A_1681 = arith.addi %add3A_1678, %add3A_1680 : vector<16xi32>
    %gather3A_1682 = tpu.vector_load_idx %arg5[%add3A_1681] : memref<1040xi32, #tpu.memory_space<vmem>>[vector<16xi32>], vector<16xi32>,
    %add3A_1683 = arith.constant 7 : i32
    %add3A_1684 = vector.broadcast %add3A_1683 : i32 to vector<16xi32>
    %add3A_1685 = arith.addi %add3A_1678, %add3A_1684 : vector<16xi32>
    %gather3A_1686 = tpu.vector_load_idx %arg5[%add3A_1685] : memref<1040xi32, #tpu.memory_space<vmem>>[vector<16xi32>], vector<16xi32>,
    %add3A_1687 = arith.constant 8 : i32
    %add3A_1688 = vector.broadcast %add3A_1687 : i32 to vector<16xi32>
    %add3A_1689 = arith.addi %add3A_1678, %add3A_1688 : vector<16xi32>
    %gather3A_1690 = tpu.vector_load_idx %arg5[%add3A_1689] : memref<1040xi32, #tpu.memory_space<vmem>>[vector<16xi32>], vector<16xi32>,
    %add3A_1691 = arith.addi %gather3A_1682, %add3A_27 : vector<16xi32>
    %and3A_1692 = arith.constant 65535 : i32
    %and3A_1693 = vector.broadcast %and3A_1692 : i32 to vector<16xi32>
    %and3A_1694 = arith.andi %add3A_1691, %and3A_1693 : vector<16xi32>
    %jit3A_1695 = arith.constant 0 : i64
    %convert_element_type3A_1696 = arith.trunci %jit3A_1695 : i64 to i32
    %broadcast_in_dim3A_1697 = vector.broadcast %convert_element_type3A_1696 : i32 to vector<16xi32>
    %select_n3A_1698 = arith.select %ge3A_8, %and3A_1694, %broadcast_in_dim3A_1697 : vector<16xi1>, vector<16xi32>
    %mul3A_1699 = arith.constant 1000003 : i32
    %mul3A_1700 = vector.broadcast %mul3A_1699 : i32 to vector<16xi32>
    %mul3A_1701 = arith.muli %select_n3A_1698, %mul3A_1700 : vector<16xi32>
    %add3A_1702 = arith.addi %mul3A_1701, %gather3A_1686 : vector<16xi32>
    %add3A_1703 = arith.addi %add3A_1702, %add3A_27 : vector<16xi32>
    %and3A_1704 = arith.constant 65535 : i32
    %and3A_1705 = vector.broadcast %and3A_1704 : i32 to vector<16xi32>
    %and3A_1706 = arith.andi %add3A_1703, %and3A_1705 : vector<16xi32>
    %mul3A_1707 = arith.constant 1000003 : i32
    %mul3A_1708 = vector.broadcast %mul3A_1707 : i32 to vector<16xi32>
    %mul3A_1709 = arith.muli %and3A_1706, %mul3A_1708 : vector<16xi32>
    %add3A_1710 = arith.addi %mul3A_1709, %gather3A_1690 : vector<16xi32>
    %add3A_1711 = arith.addi %add3A_1710, %add3A_27 : vector<16xi32>
    %and3A_1712 = arith.constant 65535 : i32
    %and3A_1713 = vector.broadcast %and3A_1712 : i32 to vector<16xi32>
    %and3A_1714 = arith.andi %add3A_1711, %and3A_1713 : vector<16xi32>
    %add3A_1715 = arith.addi %and3A_1714, %mul3A_30 : vector<16xi32>
    %swap3A_1716 = arith.index_cast %add3A_1580 : i32 to index
    %swap3A_1717 = arith.constant 32 : index
    %swap3A_1718 = tpu.vector_load %arg6[%swap3A_1716, %swap3A_1717] {strides = array<i32>} : memref<64x128xi32, #tpu.memory_space<vmem>>, vector<16xi32>,
    tpu.vector_store %arg6[%swap3A_1716, %swap3A_1717], %add3A_1715 {strides = array<i32>} : memref<64x128xi32, #tpu.memory_space<vmem>>, vector<16xi32>,
    %mul3A_1719 = arith.constant 16 : i32
    %mul3A_1720 = arith.muli %add3A_1580, %mul3A_1719 : i32
    %add3A_1721 = arith.constant 6 : i32
    %add3A_1722 = arith.addi %mul3A_1720, %add3A_1721 : i32
    %add3A_1723 = vector.broadcast %add3A_1722 : i32 to vector<16xi32>
    %add3A_1724 = arith.addi %add3A_1723, %shift_right_arithmetic3A_6 : vector<16xi32>
    %add3A_1725 = arith.constant 6 : i32
    %add3A_1726 = vector.broadcast %add3A_1725 : i32 to vector<16xi32>
    %add3A_1727 = arith.addi %add3A_1724, %add3A_1726 : vector<16xi32>
    %gather3A_1728 = tpu.vector_load_idx %arg5[%add3A_1727] : memref<1040xi32, #tpu.memory_space<vmem>>[vector<16xi32>], vector<16xi32>,
    %add3A_1729 = arith.constant 7 : i32
    %add3A_1730 = vector.broadcast %add3A_1729 : i32 to vector<16xi32>
    %add3A_1731 = arith.addi %add3A_1724, %add3A_1730 : vector<16xi32>
    %gather3A_1732 = tpu.vector_load_idx %arg5[%add3A_1731] : memref<1040xi32, #tpu.memory_space<vmem>>[vector<16xi32>], vector<16xi32>,
    %add3A_1733 = arith.constant 8 : i32
    %add3A_1734 = vector.broadcast %add3A_1733 : i32 to vector<16xi32>
    %add3A_1735 = arith.addi %add3A_1724, %add3A_1734 : vector<16xi32>
    %gather3A_1736 = tpu.vector_load_idx %arg5[%add3A_1735] : memref<1040xi32, #tpu.memory_space<vmem>>[vector<16xi32>], vector<16xi32>,
    %add3A_1737 = arith.addi %gather3A_1728, %add3A_27 : vector<16xi32>
    %and3A_1738 = arith.constant 65535 : i32
    %and3A_1739 = vector.broadcast %and3A_1738 : i32 to vector<16xi32>
    %and3A_1740 = arith.andi %add3A_1737, %and3A_1739 : vector<16xi32>
    %jit3A_1741 = arith.constant 0 : i64
    %convert_element_type3A_1742 = arith.trunci %jit3A_1741 : i64 to i32
    %broadcast_in_dim3A_1743 = vector.broadcast %convert_element_type3A_1742 : i32 to vector<16xi32>
    %select_n3A_1744 = arith.select %ge3A_8, %and3A_1740, %broadcast_in_dim3A_1743 : vector<16xi1>, vector<16xi32>
    %mul3A_1745 = arith.constant 1000003 : i32
    %mul3A_1746 = vector.broadcast %mul3A_1745 : i32 to vector<16xi32>
    %mul3A_1747 = arith.muli %select_n3A_1744, %mul3A_1746 : vector<16xi32>
    %add3A_1748 = arith.addi %mul3A_1747, %gather3A_1732 : vector<16xi32>
    %add3A_1749 = arith.addi %add3A_1748, %add3A_27 : vector<16xi32>
    %and3A_1750 = arith.constant 65535 : i32
    %and3A_1751 = vector.broadcast %and3A_1750 : i32 to vector<16xi32>
    %and3A_1752 = arith.andi %add3A_1749, %and3A_1751 : vector<16xi32>
    %mul3A_1753 = arith.constant 1000003 : i32
    %mul3A_1754 = vector.broadcast %mul3A_1753 : i32 to vector<16xi32>
    %mul3A_1755 = arith.muli %and3A_1752, %mul3A_1754 : vector<16xi32>
    %add3A_1756 = arith.addi %mul3A_1755, %gather3A_1736 : vector<16xi32>
    %add3A_1757 = arith.addi %add3A_1756, %add3A_27 : vector<16xi32>
    %and3A_1758 = arith.constant 65535 : i32
    %and3A_1759 = vector.broadcast %and3A_1758 : i32 to vector<16xi32>
    %and3A_1760 = arith.andi %add3A_1757, %and3A_1759 : vector<16xi32>
    %add3A_1761 = arith.addi %and3A_1760, %mul3A_30 : vector<16xi32>
    %swap3A_1762 = arith.index_cast %add3A_1580 : i32 to index
    %swap3A_1763 = arith.constant 48 : index
    %swap3A_1764 = tpu.vector_load %arg6[%swap3A_1762, %swap3A_1763] {strides = array<i32>} : memref<64x128xi32, #tpu.memory_space<vmem>>, vector<16xi32>,
    tpu.vector_store %arg6[%swap3A_1762, %swap3A_1763], %add3A_1761 {strides = array<i32>} : memref<64x128xi32, #tpu.memory_space<vmem>>, vector<16xi32>,
    %mul3A_1765 = arith.constant 16 : i32
    %mul3A_1766 = arith.muli %add3A_1580, %mul3A_1765 : i32
    %add3A_1767 = arith.constant 8 : i32
    %add3A_1768 = arith.addi %mul3A_1766, %add3A_1767 : i32
    %add3A_1769 = vector.broadcast %add3A_1768 : i32 to vector<16xi32>
    %add3A_1770 = arith.addi %add3A_1769, %shift_right_arithmetic3A_6 : vector<16xi32>
    %add3A_1771 = arith.constant 6 : i32
    %add3A_1772 = vector.broadcast %add3A_1771 : i32 to vector<16xi32>
    %add3A_1773 = arith.addi %add3A_1770, %add3A_1772 : vector<16xi32>
    %gather3A_1774 = tpu.vector_load_idx %arg5[%add3A_1773] : memref<1040xi32, #tpu.memory_space<vmem>>[vector<16xi32>], vector<16xi32>,
    %add3A_1775 = arith.constant 7 : i32
    %add3A_1776 = vector.broadcast %add3A_1775 : i32 to vector<16xi32>
    %add3A_1777 = arith.addi %add3A_1770, %add3A_1776 : vector<16xi32>
    %gather3A_1778 = tpu.vector_load_idx %arg5[%add3A_1777] : memref<1040xi32, #tpu.memory_space<vmem>>[vector<16xi32>], vector<16xi32>,
    %add3A_1779 = arith.constant 8 : i32
    %add3A_1780 = vector.broadcast %add3A_1779 : i32 to vector<16xi32>
    %add3A_1781 = arith.addi %add3A_1770, %add3A_1780 : vector<16xi32>
    %gather3A_1782 = tpu.vector_load_idx %arg5[%add3A_1781] : memref<1040xi32, #tpu.memory_space<vmem>>[vector<16xi32>], vector<16xi32>,
    %add3A_1783 = arith.addi %gather3A_1774, %add3A_27 : vector<16xi32>
    %and3A_1784 = arith.constant 65535 : i32
    %and3A_1785 = vector.broadcast %and3A_1784 : i32 to vector<16xi32>
    %and3A_1786 = arith.andi %add3A_1783, %and3A_1785 : vector<16xi32>
    %jit3A_1787 = arith.constant 0 : i64
    %convert_element_type3A_1788 = arith.trunci %jit3A_1787 : i64 to i32
    %broadcast_in_dim3A_1789 = vector.broadcast %convert_element_type3A_1788 : i32 to vector<16xi32>
    %select_n3A_1790 = arith.select %ge3A_8, %and3A_1786, %broadcast_in_dim3A_1789 : vector<16xi1>, vector<16xi32>
    %mul3A_1791 = arith.constant 1000003 : i32
    %mul3A_1792 = vector.broadcast %mul3A_1791 : i32 to vector<16xi32>
    %mul3A_1793 = arith.muli %select_n3A_1790, %mul3A_1792 : vector<16xi32>
    %add3A_1794 = arith.addi %mul3A_1793, %gather3A_1778 : vector<16xi32>
    %add3A_1795 = arith.addi %add3A_1794, %add3A_27 : vector<16xi32>
    %and3A_1796 = arith.constant 65535 : i32
    %and3A_1797 = vector.broadcast %and3A_1796 : i32 to vector<16xi32>
    %and3A_1798 = arith.andi %add3A_1795, %and3A_1797 : vector<16xi32>
    %mul3A_1799 = arith.constant 1000003 : i32
    %mul3A_1800 = vector.broadcast %mul3A_1799 : i32 to vector<16xi32>
    %mul3A_1801 = arith.muli %and3A_1798, %mul3A_1800 : vector<16xi32>
    %add3A_1802 = arith.addi %mul3A_1801, %gather3A_1782 : vector<16xi32>
    %add3A_1803 = arith.addi %add3A_1802, %add3A_27 : vector<16xi32>
    %and3A_1804 = arith.constant 65535 : i32
    %and3A_1805 = vector.broadcast %and3A_1804 : i32 to vector<16xi32>
    %and3A_1806 = arith.andi %add3A_1803, %and3A_1805 : vector<16xi32>
    %add3A_1807 = arith.addi %and3A_1806, %mul3A_30 : vector<16xi32>
    %swap3A_1808 = arith.index_cast %add3A_1580 : i32 to index
    %swap3A_1809 = arith.constant 64 : index
    %swap3A_1810 = tpu.vector_load %arg6[%swap3A_1808, %swap3A_1809] {strides = array<i32>} : memref<64x128xi32, #tpu.memory_space<vmem>>, vector<16xi32>,
    tpu.vector_store %arg6[%swap3A_1808, %swap3A_1809], %add3A_1807 {strides = array<i32>} : memref<64x128xi32, #tpu.memory_space<vmem>>, vector<16xi32>,
    %mul3A_1811 = arith.constant 16 : i32
    %mul3A_1812 = arith.muli %add3A_1580, %mul3A_1811 : i32
    %add3A_1813 = arith.constant 10 : i32
    %add3A_1814 = arith.addi %mul3A_1812, %add3A_1813 : i32
    %add3A_1815 = vector.broadcast %add3A_1814 : i32 to vector<16xi32>
    %add3A_1816 = arith.addi %add3A_1815, %shift_right_arithmetic3A_6 : vector<16xi32>
    %add3A_1817 = arith.constant 6 : i32
    %add3A_1818 = vector.broadcast %add3A_1817 : i32 to vector<16xi32>
    %add3A_1819 = arith.addi %add3A_1816, %add3A_1818 : vector<16xi32>
    %gather3A_1820 = tpu.vector_load_idx %arg5[%add3A_1819] : memref<1040xi32, #tpu.memory_space<vmem>>[vector<16xi32>], vector<16xi32>,
    %add3A_1821 = arith.constant 7 : i32
    %add3A_1822 = vector.broadcast %add3A_1821 : i32 to vector<16xi32>
    %add3A_1823 = arith.addi %add3A_1816, %add3A_1822 : vector<16xi32>
    %gather3A_1824 = tpu.vector_load_idx %arg5[%add3A_1823] : memref<1040xi32, #tpu.memory_space<vmem>>[vector<16xi32>], vector<16xi32>,
    %add3A_1825 = arith.constant 8 : i32
    %add3A_1826 = vector.broadcast %add3A_1825 : i32 to vector<16xi32>
    %add3A_1827 = arith.addi %add3A_1816, %add3A_1826 : vector<16xi32>
    %gather3A_1828 = tpu.vector_load_idx %arg5[%add3A_1827] : memref<1040xi32, #tpu.memory_space<vmem>>[vector<16xi32>], vector<16xi32>,
    %add3A_1829 = arith.addi %gather3A_1820, %add3A_27 : vector<16xi32>
    %and3A_1830 = arith.constant 65535 : i32
    %and3A_1831 = vector.broadcast %and3A_1830 : i32 to vector<16xi32>
    %and3A_1832 = arith.andi %add3A_1829, %and3A_1831 : vector<16xi32>
    %jit3A_1833 = arith.constant 0 : i64
    %convert_element_type3A_1834 = arith.trunci %jit3A_1833 : i64 to i32
    %broadcast_in_dim3A_1835 = vector.broadcast %convert_element_type3A_1834 : i32 to vector<16xi32>
    %select_n3A_1836 = arith.select %ge3A_8, %and3A_1832, %broadcast_in_dim3A_1835 : vector<16xi1>, vector<16xi32>
    %mul3A_1837 = arith.constant 1000003 : i32
    %mul3A_1838 = vector.broadcast %mul3A_1837 : i32 to vector<16xi32>
    %mul3A_1839 = arith.muli %select_n3A_1836, %mul3A_1838 : vector<16xi32>
    %add3A_1840 = arith.addi %mul3A_1839, %gather3A_1824 : vector<16xi32>
    %add3A_1841 = arith.addi %add3A_1840, %add3A_27 : vector<16xi32>
    %and3A_1842 = arith.constant 65535 : i32
    %and3A_1843 = vector.broadcast %and3A_1842 : i32 to vector<16xi32>
    %and3A_1844 = arith.andi %add3A_1841, %and3A_1843 : vector<16xi32>
    %mul3A_1845 = arith.constant 1000003 : i32
    %mul3A_1846 = vector.broadcast %mul3A_1845 : i32 to vector<16xi32>
    %mul3A_1847 = arith.muli %and3A_1844, %mul3A_1846 : vector<16xi32>
    %add3A_1848 = arith.addi %mul3A_1847, %gather3A_1828 : vector<16xi32>
    %add3A_1849 = arith.addi %add3A_1848, %add3A_27 : vector<16xi32>
    %and3A_1850 = arith.constant 65535 : i32
    %and3A_1851 = vector.broadcast %and3A_1850 : i32 to vector<16xi32>
    %and3A_1852 = arith.andi %add3A_1849, %and3A_1851 : vector<16xi32>
    %add3A_1853 = arith.addi %and3A_1852, %mul3A_30 : vector<16xi32>
    %swap3A_1854 = arith.index_cast %add3A_1580 : i32 to index
    %swap3A_1855 = arith.constant 80 : index
    %swap3A_1856 = tpu.vector_load %arg6[%swap3A_1854, %swap3A_1855] {strides = array<i32>} : memref<64x128xi32, #tpu.memory_space<vmem>>, vector<16xi32>,
    tpu.vector_store %arg6[%swap3A_1854, %swap3A_1855], %add3A_1853 {strides = array<i32>} : memref<64x128xi32, #tpu.memory_space<vmem>>, vector<16xi32>,
    %mul3A_1857 = arith.constant 16 : i32
    %mul3A_1858 = arith.muli %add3A_1580, %mul3A_1857 : i32
    %add3A_1859 = arith.constant 12 : i32
    %add3A_1860 = arith.addi %mul3A_1858, %add3A_1859 : i32
    %add3A_1861 = vector.broadcast %add3A_1860 : i32 to vector<16xi32>
    %add3A_1862 = arith.addi %add3A_1861, %shift_right_arithmetic3A_6 : vector<16xi32>
    %add3A_1863 = arith.constant 6 : i32
    %add3A_1864 = vector.broadcast %add3A_1863 : i32 to vector<16xi32>
    %add3A_1865 = arith.addi %add3A_1862, %add3A_1864 : vector<16xi32>
    %gather3A_1866 = tpu.vector_load_idx %arg5[%add3A_1865] : memref<1040xi32, #tpu.memory_space<vmem>>[vector<16xi32>], vector<16xi32>,
    %add3A_1867 = arith.constant 7 : i32
    %add3A_1868 = vector.broadcast %add3A_1867 : i32 to vector<16xi32>
    %add3A_1869 = arith.addi %add3A_1862, %add3A_1868 : vector<16xi32>
    %gather3A_1870 = tpu.vector_load_idx %arg5[%add3A_1869] : memref<1040xi32, #tpu.memory_space<vmem>>[vector<16xi32>], vector<16xi32>,
    %add3A_1871 = arith.constant 8 : i32
    %add3A_1872 = vector.broadcast %add3A_1871 : i32 to vector<16xi32>
    %add3A_1873 = arith.addi %add3A_1862, %add3A_1872 : vector<16xi32>
    %gather3A_1874 = tpu.vector_load_idx %arg5[%add3A_1873] : memref<1040xi32, #tpu.memory_space<vmem>>[vector<16xi32>], vector<16xi32>,
    %add3A_1875 = arith.addi %gather3A_1866, %add3A_27 : vector<16xi32>
    %and3A_1876 = arith.constant 65535 : i32
    %and3A_1877 = vector.broadcast %and3A_1876 : i32 to vector<16xi32>
    %and3A_1878 = arith.andi %add3A_1875, %and3A_1877 : vector<16xi32>
    %jit3A_1879 = arith.constant 0 : i64
    %convert_element_type3A_1880 = arith.trunci %jit3A_1879 : i64 to i32
    %broadcast_in_dim3A_1881 = vector.broadcast %convert_element_type3A_1880 : i32 to vector<16xi32>
    %select_n3A_1882 = arith.select %ge3A_8, %and3A_1878, %broadcast_in_dim3A_1881 : vector<16xi1>, vector<16xi32>
    %mul3A_1883 = arith.constant 1000003 : i32
    %mul3A_1884 = vector.broadcast %mul3A_1883 : i32 to vector<16xi32>
    %mul3A_1885 = arith.muli %select_n3A_1882, %mul3A_1884 : vector<16xi32>
    %add3A_1886 = arith.addi %mul3A_1885, %gather3A_1870 : vector<16xi32>
    %add3A_1887 = arith.addi %add3A_1886, %add3A_27 : vector<16xi32>
    %and3A_1888 = arith.constant 65535 : i32
    %and3A_1889 = vector.broadcast %and3A_1888 : i32 to vector<16xi32>
    %and3A_1890 = arith.andi %add3A_1887, %and3A_1889 : vector<16xi32>
    %mul3A_1891 = arith.constant 1000003 : i32
    %mul3A_1892 = vector.broadcast %mul3A_1891 : i32 to vector<16xi32>
    %mul3A_1893 = arith.muli %and3A_1890, %mul3A_1892 : vector<16xi32>
    %add3A_1894 = arith.addi %mul3A_1893, %gather3A_1874 : vector<16xi32>
    %add3A_1895 = arith.addi %add3A_1894, %add3A_27 : vector<16xi32>
    %and3A_1896 = arith.constant 65535 : i32
    %and3A_1897 = vector.broadcast %and3A_1896 : i32 to vector<16xi32>
    %and3A_1898 = arith.andi %add3A_1895, %and3A_1897 : vector<16xi32>
    %add3A_1899 = arith.addi %and3A_1898, %mul3A_30 : vector<16xi32>
    %swap3A_1900 = arith.index_cast %add3A_1580 : i32 to index
    %swap3A_1901 = arith.constant 96 : index
    %swap3A_1902 = tpu.vector_load %arg6[%swap3A_1900, %swap3A_1901] {strides = array<i32>} : memref<64x128xi32, #tpu.memory_space<vmem>>, vector<16xi32>,
    tpu.vector_store %arg6[%swap3A_1900, %swap3A_1901], %add3A_1899 {strides = array<i32>} : memref<64x128xi32, #tpu.memory_space<vmem>>, vector<16xi32>,
    %mul3A_1903 = arith.constant 16 : i32
    %mul3A_1904 = arith.muli %add3A_1580, %mul3A_1903 : i32
    %add3A_1905 = arith.constant 14 : i32
    %add3A_1906 = arith.addi %mul3A_1904, %add3A_1905 : i32
    %add3A_1907 = vector.broadcast %add3A_1906 : i32 to vector<16xi32>
    %add3A_1908 = arith.addi %add3A_1907, %shift_right_arithmetic3A_6 : vector<16xi32>
    %add3A_1909 = arith.constant 6 : i32
    %add3A_1910 = vector.broadcast %add3A_1909 : i32 to vector<16xi32>
    %add3A_1911 = arith.addi %add3A_1908, %add3A_1910 : vector<16xi32>
    %gather3A_1912 = tpu.vector_load_idx %arg5[%add3A_1911] : memref<1040xi32, #tpu.memory_space<vmem>>[vector<16xi32>], vector<16xi32>,
    %add3A_1913 = arith.constant 7 : i32
    %add3A_1914 = vector.broadcast %add3A_1913 : i32 to vector<16xi32>
    %add3A_1915 = arith.addi %add3A_1908, %add3A_1914 : vector<16xi32>
    %gather3A_1916 = tpu.vector_load_idx %arg5[%add3A_1915] : memref<1040xi32, #tpu.memory_space<vmem>>[vector<16xi32>], vector<16xi32>,
    %add3A_1917 = arith.constant 8 : i32
    %add3A_1918 = vector.broadcast %add3A_1917 : i32 to vector<16xi32>
    %add3A_1919 = arith.addi %add3A_1908, %add3A_1918 : vector<16xi32>
    %gather3A_1920 = tpu.vector_load_idx %arg5[%add3A_1919] : memref<1040xi32, #tpu.memory_space<vmem>>[vector<16xi32>], vector<16xi32>,
    %add3A_1921 = arith.addi %gather3A_1912, %add3A_27 : vector<16xi32>
    %and3A_1922 = arith.constant 65535 : i32
    %and3A_1923 = vector.broadcast %and3A_1922 : i32 to vector<16xi32>
    %and3A_1924 = arith.andi %add3A_1921, %and3A_1923 : vector<16xi32>
    %jit3A_1925 = arith.constant 0 : i64
    %convert_element_type3A_1926 = arith.trunci %jit3A_1925 : i64 to i32
    %broadcast_in_dim3A_1927 = vector.broadcast %convert_element_type3A_1926 : i32 to vector<16xi32>
    %select_n3A_1928 = arith.select %ge3A_8, %and3A_1924, %broadcast_in_dim3A_1927 : vector<16xi1>, vector<16xi32>
    %mul3A_1929 = arith.constant 1000003 : i32
    %mul3A_1930 = vector.broadcast %mul3A_1929 : i32 to vector<16xi32>
    %mul3A_1931 = arith.muli %select_n3A_1928, %mul3A_1930 : vector<16xi32>
    %add3A_1932 = arith.addi %mul3A_1931, %gather3A_1916 : vector<16xi32>
    %add3A_1933 = arith.addi %add3A_1932, %add3A_27 : vector<16xi32>
    %and3A_1934 = arith.constant 65535 : i32
    %and3A_1935 = vector.broadcast %and3A_1934 : i32 to vector<16xi32>
    %and3A_1936 = arith.andi %add3A_1933, %and3A_1935 : vector<16xi32>
    %mul3A_1937 = arith.constant 1000003 : i32
    %mul3A_1938 = vector.broadcast %mul3A_1937 : i32 to vector<16xi32>
    %mul3A_1939 = arith.muli %and3A_1936, %mul3A_1938 : vector<16xi32>
    %add3A_1940 = arith.addi %mul3A_1939, %gather3A_1920 : vector<16xi32>
    %add3A_1941 = arith.addi %add3A_1940, %add3A_27 : vector<16xi32>
    %and3A_1942 = arith.constant 65535 : i32
    %and3A_1943 = vector.broadcast %and3A_1942 : i32 to vector<16xi32>
    %and3A_1944 = arith.andi %add3A_1941, %and3A_1943 : vector<16xi32>
    %add3A_1945 = arith.addi %and3A_1944, %mul3A_30 : vector<16xi32>
    %swap3A_1946 = arith.index_cast %add3A_1580 : i32 to index
    %swap3A_1947 = arith.constant 112 : index
    %swap3A_1948 = tpu.vector_load %arg6[%swap3A_1946, %swap3A_1947] {strides = array<i32>} : memref<64x128xi32, #tpu.memory_space<vmem>>, vector<16xi32>,
    tpu.vector_store %arg6[%swap3A_1946, %swap3A_1947], %add3A_1945 {strides = array<i32>} : memref<64x128xi32, #tpu.memory_space<vmem>>, vector<16xi32>,
    %dma_start3A_1949 = arith.constant 4 : i32
    %dma_start3A_1950 = arith.constant 4 : i32
    %dma_start3A_1951 = arith.constant 0 : i32
    %dma_start3A_1952 = arith.constant 0 : i32
    %dma_start3A_1953 = tpu.memref_slice %arg7[%dma_start3A_1950, %dma_start3A_1951, %dma_start3A_1952] : memref<7x128x128xf32, #tpu.memory_space<vmem>> -> memref<1x128x128xf32, #tpu.memory_space<vmem>>
    %dma_start3A_1954 = tpu.memref_squeeze %dma_start3A_1953 : memref<1x128x128xf32, #tpu.memory_space<vmem>> -> memref<128x128xf32, #tpu.memory_space<vmem>>
    %dma_start3A_1955 = arith.constant 0 : i32
    %dma_start3A_1956 = tpu.memref_slice %arg6[%dma_start3A_1949, %dma_start3A_1955] : memref<64x128xi32, #tpu.memory_space<vmem>> -> memref<1x128xi32, #tpu.memory_space<vmem>>
    %dma_start3A_1957 = tpu.memref_squeeze %dma_start3A_1956 : memref<1x128xi32, #tpu.memory_space<vmem>> -> memref<128xi32, #tpu.memory_space<vmem>>
    %dma_start3A_1958 = arith.constant 0 : i32
    %dma_start3A_1959 = arith.constant 0 : i32
    %dma_start3A_1960 = tpu.memref_slice %arg3[%dma_start3A_1958, %dma_start3A_1959] : memref<524288x128xf32, #tpu.memory_space<hbm>> -> memref<524288x128xf32, #tpu.memory_space<hbm>>
    tpu.enqueue_indirect_dma source(%dma_start3A_1960 : memref<524288x128xf32, #tpu.memory_space<hbm>>) target(%dma_start3A_1954 : memref<128x128xf32, #tpu.memory_space<vmem>>) offsets(%dma_start3A_1957 : memref<128xi32, #tpu.memory_space<vmem>>) semaphore(%arg8 : memref<!tpu.dma_semaphore, #tpu.memory_space<semaphore_mem>>)
    %add3A_1961 = arith.constant 5 : i32
    %add3A_1962 = arith.addi %sub3A, %add3A_1961 : i32
    %mul3A_1963 = arith.constant 16 : i32
    %mul3A_1964 = arith.muli %add3A_1962, %mul3A_1963 : i32
    %add3A_1965 = arith.constant 0 : i32
    %add3A_1966 = arith.addi %mul3A_1964, %add3A_1965 : i32
    %add3A_1967 = vector.broadcast %add3A_1966 : i32 to vector<16xi32>
    %add3A_1968 = arith.addi %add3A_1967, %shift_right_arithmetic3A_6 : vector<16xi32>
    %add3A_1969 = arith.constant 6 : i32
    %add3A_1970 = vector.broadcast %add3A_1969 : i32 to vector<16xi32>
    %add3A_1971 = arith.addi %add3A_1968, %add3A_1970 : vector<16xi32>
    %gather3A_1972 = tpu.vector_load_idx %arg5[%add3A_1971] : memref<1040xi32, #tpu.memory_space<vmem>>[vector<16xi32>], vector<16xi32>,
    %add3A_1973 = arith.constant 7 : i32
    %add3A_1974 = vector.broadcast %add3A_1973 : i32 to vector<16xi32>
    %add3A_1975 = arith.addi %add3A_1968, %add3A_1974 : vector<16xi32>
    %gather3A_1976 = tpu.vector_load_idx %arg5[%add3A_1975] : memref<1040xi32, #tpu.memory_space<vmem>>[vector<16xi32>], vector<16xi32>,
    %add3A_1977 = arith.constant 8 : i32
    %add3A_1978 = vector.broadcast %add3A_1977 : i32 to vector<16xi32>
    %add3A_1979 = arith.addi %add3A_1968, %add3A_1978 : vector<16xi32>
    %gather3A_1980 = tpu.vector_load_idx %arg5[%add3A_1979] : memref<1040xi32, #tpu.memory_space<vmem>>[vector<16xi32>], vector<16xi32>,
    %add3A_1981 = arith.addi %gather3A_1972, %add3A_27 : vector<16xi32>
    %and3A_1982 = arith.constant 65535 : i32
    %and3A_1983 = vector.broadcast %and3A_1982 : i32 to vector<16xi32>
    %and3A_1984 = arith.andi %add3A_1981, %and3A_1983 : vector<16xi32>
    %jit3A_1985 = arith.constant 0 : i64
    %convert_element_type3A_1986 = arith.trunci %jit3A_1985 : i64 to i32
    %broadcast_in_dim3A_1987 = vector.broadcast %convert_element_type3A_1986 : i32 to vector<16xi32>
    %select_n3A_1988 = arith.select %ge3A_8, %and3A_1984, %broadcast_in_dim3A_1987 : vector<16xi1>, vector<16xi32>
    %mul3A_1989 = arith.constant 1000003 : i32
    %mul3A_1990 = vector.broadcast %mul3A_1989 : i32 to vector<16xi32>
    %mul3A_1991 = arith.muli %select_n3A_1988, %mul3A_1990 : vector<16xi32>
    %add3A_1992 = arith.addi %mul3A_1991, %gather3A_1976 : vector<16xi32>
    %add3A_1993 = arith.addi %add3A_1992, %add3A_27 : vector<16xi32>
    %and3A_1994 = arith.constant 65535 : i32
    %and3A_1995 = vector.broadcast %and3A_1994 : i32 to vector<16xi32>
    %and3A_1996 = arith.andi %add3A_1993, %and3A_1995 : vector<16xi32>
    %mul3A_1997 = arith.constant 1000003 : i32
    %mul3A_1998 = vector.broadcast %mul3A_1997 : i32 to vector<16xi32>
    %mul3A_1999 = arith.muli %and3A_1996, %mul3A_1998 : vector<16xi32>
    %add3A_2000 = arith.addi %mul3A_1999, %gather3A_1980 : vector<16xi32>
    %add3A_2001 = arith.addi %add3A_2000, %add3A_27 : vector<16xi32>
    %and3A_2002 = arith.constant 65535 : i32
    %and3A_2003 = vector.broadcast %and3A_2002 : i32 to vector<16xi32>
    %and3A_2004 = arith.andi %add3A_2001, %and3A_2003 : vector<16xi32>
    %add3A_2005 = arith.addi %and3A_2004, %mul3A_30 : vector<16xi32>
    %swap3A_2006 = arith.index_cast %add3A_1962 : i32 to index
    %swap3A_2007 = arith.constant 0 : index
    %swap3A_2008 = tpu.vector_load %arg6[%swap3A_2006, %swap3A_2007] {strides = array<i32>} : memref<64x128xi32, #tpu.memory_space<vmem>>, vector<16xi32>,
    tpu.vector_store %arg6[%swap3A_2006, %swap3A_2007], %add3A_2005 {strides = array<i32>} : memref<64x128xi32, #tpu.memory_space<vmem>>, vector<16xi32>,
    %mul3A_2009 = arith.constant 16 : i32
    %mul3A_2010 = arith.muli %add3A_1962, %mul3A_2009 : i32
    %add3A_2011 = arith.constant 2 : i32
    %add3A_2012 = arith.addi %mul3A_2010, %add3A_2011 : i32
    %add3A_2013 = vector.broadcast %add3A_2012 : i32 to vector<16xi32>
    %add3A_2014 = arith.addi %add3A_2013, %shift_right_arithmetic3A_6 : vector<16xi32>
    %add3A_2015 = arith.constant 6 : i32
    %add3A_2016 = vector.broadcast %add3A_2015 : i32 to vector<16xi32>
    %add3A_2017 = arith.addi %add3A_2014, %add3A_2016 : vector<16xi32>
    %gather3A_2018 = tpu.vector_load_idx %arg5[%add3A_2017] : memref<1040xi32, #tpu.memory_space<vmem>>[vector<16xi32>], vector<16xi32>,
    %add3A_2019 = arith.constant 7 : i32
    %add3A_2020 = vector.broadcast %add3A_2019 : i32 to vector<16xi32>
    %add3A_2021 = arith.addi %add3A_2014, %add3A_2020 : vector<16xi32>
    %gather3A_2022 = tpu.vector_load_idx %arg5[%add3A_2021] : memref<1040xi32, #tpu.memory_space<vmem>>[vector<16xi32>], vector<16xi32>,
    %add3A_2023 = arith.constant 8 : i32
    %add3A_2024 = vector.broadcast %add3A_2023 : i32 to vector<16xi32>
    %add3A_2025 = arith.addi %add3A_2014, %add3A_2024 : vector<16xi32>
    %gather3A_2026 = tpu.vector_load_idx %arg5[%add3A_2025] : memref<1040xi32, #tpu.memory_space<vmem>>[vector<16xi32>], vector<16xi32>,
    %add3A_2027 = arith.addi %gather3A_2018, %add3A_27 : vector<16xi32>
    %and3A_2028 = arith.constant 65535 : i32
    %and3A_2029 = vector.broadcast %and3A_2028 : i32 to vector<16xi32>
    %and3A_2030 = arith.andi %add3A_2027, %and3A_2029 : vector<16xi32>
    %jit3A_2031 = arith.constant 0 : i64
    %convert_element_type3A_2032 = arith.trunci %jit3A_2031 : i64 to i32
    %broadcast_in_dim3A_2033 = vector.broadcast %convert_element_type3A_2032 : i32 to vector<16xi32>
    %select_n3A_2034 = arith.select %ge3A_8, %and3A_2030, %broadcast_in_dim3A_2033 : vector<16xi1>, vector<16xi32>
    %mul3A_2035 = arith.constant 1000003 : i32
    %mul3A_2036 = vector.broadcast %mul3A_2035 : i32 to vector<16xi32>
    %mul3A_2037 = arith.muli %select_n3A_2034, %mul3A_2036 : vector<16xi32>
    %add3A_2038 = arith.addi %mul3A_2037, %gather3A_2022 : vector<16xi32>
    %add3A_2039 = arith.addi %add3A_2038, %add3A_27 : vector<16xi32>
    %and3A_2040 = arith.constant 65535 : i32
    %and3A_2041 = vector.broadcast %and3A_2040 : i32 to vector<16xi32>
    %and3A_2042 = arith.andi %add3A_2039, %and3A_2041 : vector<16xi32>
    %mul3A_2043 = arith.constant 1000003 : i32
    %mul3A_2044 = vector.broadcast %mul3A_2043 : i32 to vector<16xi32>
    %mul3A_2045 = arith.muli %and3A_2042, %mul3A_2044 : vector<16xi32>
    %add3A_2046 = arith.addi %mul3A_2045, %gather3A_2026 : vector<16xi32>
    %add3A_2047 = arith.addi %add3A_2046, %add3A_27 : vector<16xi32>
    %and3A_2048 = arith.constant 65535 : i32
    %and3A_2049 = vector.broadcast %and3A_2048 : i32 to vector<16xi32>
    %and3A_2050 = arith.andi %add3A_2047, %and3A_2049 : vector<16xi32>
    %add3A_2051 = arith.addi %and3A_2050, %mul3A_30 : vector<16xi32>
    %swap3A_2052 = arith.index_cast %add3A_1962 : i32 to index
    %swap3A_2053 = arith.constant 16 : index
    %swap3A_2054 = tpu.vector_load %arg6[%swap3A_2052, %swap3A_2053] {strides = array<i32>} : memref<64x128xi32, #tpu.memory_space<vmem>>, vector<16xi32>,
    tpu.vector_store %arg6[%swap3A_2052, %swap3A_2053], %add3A_2051 {strides = array<i32>} : memref<64x128xi32, #tpu.memory_space<vmem>>, vector<16xi32>,
    %mul3A_2055 = arith.constant 16 : i32
    %mul3A_2056 = arith.muli %add3A_1962, %mul3A_2055 : i32
    %add3A_2057 = arith.constant 4 : i32
    %add3A_2058 = arith.addi %mul3A_2056, %add3A_2057 : i32
    %add3A_2059 = vector.broadcast %add3A_2058 : i32 to vector<16xi32>
    %add3A_2060 = arith.addi %add3A_2059, %shift_right_arithmetic3A_6 : vector<16xi32>
    %add3A_2061 = arith.constant 6 : i32
    %add3A_2062 = vector.broadcast %add3A_2061 : i32 to vector<16xi32>
    %add3A_2063 = arith.addi %add3A_2060, %add3A_2062 : vector<16xi32>
    %gather3A_2064 = tpu.vector_load_idx %arg5[%add3A_2063] : memref<1040xi32, #tpu.memory_space<vmem>>[vector<16xi32>], vector<16xi32>,
    %add3A_2065 = arith.constant 7 : i32
    %add3A_2066 = vector.broadcast %add3A_2065 : i32 to vector<16xi32>
    %add3A_2067 = arith.addi %add3A_2060, %add3A_2066 : vector<16xi32>
    %gather3A_2068 = tpu.vector_load_idx %arg5[%add3A_2067] : memref<1040xi32, #tpu.memory_space<vmem>>[vector<16xi32>], vector<16xi32>,
    %add3A_2069 = arith.constant 8 : i32
    %add3A_2070 = vector.broadcast %add3A_2069 : i32 to vector<16xi32>
    %add3A_2071 = arith.addi %add3A_2060, %add3A_2070 : vector<16xi32>
    %gather3A_2072 = tpu.vector_load_idx %arg5[%add3A_2071] : memref<1040xi32, #tpu.memory_space<vmem>>[vector<16xi32>], vector<16xi32>,
    %add3A_2073 = arith.addi %gather3A_2064, %add3A_27 : vector<16xi32>
    %and3A_2074 = arith.constant 65535 : i32
    %and3A_2075 = vector.broadcast %and3A_2074 : i32 to vector<16xi32>
    %and3A_2076 = arith.andi %add3A_2073, %and3A_2075 : vector<16xi32>
    %jit3A_2077 = arith.constant 0 : i64
    %convert_element_type3A_2078 = arith.trunci %jit3A_2077 : i64 to i32
    %broadcast_in_dim3A_2079 = vector.broadcast %convert_element_type3A_2078 : i32 to vector<16xi32>
    %select_n3A_2080 = arith.select %ge3A_8, %and3A_2076, %broadcast_in_dim3A_2079 : vector<16xi1>, vector<16xi32>
    %mul3A_2081 = arith.constant 1000003 : i32
    %mul3A_2082 = vector.broadcast %mul3A_2081 : i32 to vector<16xi32>
    %mul3A_2083 = arith.muli %select_n3A_2080, %mul3A_2082 : vector<16xi32>
    %add3A_2084 = arith.addi %mul3A_2083, %gather3A_2068 : vector<16xi32>
    %add3A_2085 = arith.addi %add3A_2084, %add3A_27 : vector<16xi32>
    %and3A_2086 = arith.constant 65535 : i32
    %and3A_2087 = vector.broadcast %and3A_2086 : i32 to vector<16xi32>
    %and3A_2088 = arith.andi %add3A_2085, %and3A_2087 : vector<16xi32>
    %mul3A_2089 = arith.constant 1000003 : i32
    %mul3A_2090 = vector.broadcast %mul3A_2089 : i32 to vector<16xi32>
    %mul3A_2091 = arith.muli %and3A_2088, %mul3A_2090 : vector<16xi32>
    %add3A_2092 = arith.addi %mul3A_2091, %gather3A_2072 : vector<16xi32>
    %add3A_2093 = arith.addi %add3A_2092, %add3A_27 : vector<16xi32>
    %and3A_2094 = arith.constant 65535 : i32
    %and3A_2095 = vector.broadcast %and3A_2094 : i32 to vector<16xi32>
    %and3A_2096 = arith.andi %add3A_2093, %and3A_2095 : vector<16xi32>
    %add3A_2097 = arith.addi %and3A_2096, %mul3A_30 : vector<16xi32>
    %swap3A_2098 = arith.index_cast %add3A_1962 : i32 to index
    %swap3A_2099 = arith.constant 32 : index
    %swap3A_2100 = tpu.vector_load %arg6[%swap3A_2098, %swap3A_2099] {strides = array<i32>} : memref<64x128xi32, #tpu.memory_space<vmem>>, vector<16xi32>,
    tpu.vector_store %arg6[%swap3A_2098, %swap3A_2099], %add3A_2097 {strides = array<i32>} : memref<64x128xi32, #tpu.memory_space<vmem>>, vector<16xi32>,
    %mul3A_2101 = arith.constant 16 : i32
    %mul3A_2102 = arith.muli %add3A_1962, %mul3A_2101 : i32
    %add3A_2103 = arith.constant 6 : i32
    %add3A_2104 = arith.addi %mul3A_2102, %add3A_2103 : i32
    %add3A_2105 = vector.broadcast %add3A_2104 : i32 to vector<16xi32>
    %add3A_2106 = arith.addi %add3A_2105, %shift_right_arithmetic3A_6 : vector<16xi32>
    %add3A_2107 = arith.constant 6 : i32
    %add3A_2108 = vector.broadcast %add3A_2107 : i32 to vector<16xi32>
    %add3A_2109 = arith.addi %add3A_2106, %add3A_2108 : vector<16xi32>
    %gather3A_2110 = tpu.vector_load_idx %arg5[%add3A_2109] : memref<1040xi32, #tpu.memory_space<vmem>>[vector<16xi32>], vector<16xi32>,
    %add3A_2111 = arith.constant 7 : i32
    %add3A_2112 = vector.broadcast %add3A_2111 : i32 to vector<16xi32>
    %add3A_2113 = arith.addi %add3A_2106, %add3A_2112 : vector<16xi32>
    %gather3A_2114 = tpu.vector_load_idx %arg5[%add3A_2113] : memref<1040xi32, #tpu.memory_space<vmem>>[vector<16xi32>], vector<16xi32>,
    %add3A_2115 = arith.constant 8 : i32
    %add3A_2116 = vector.broadcast %add3A_2115 : i32 to vector<16xi32>
    %add3A_2117 = arith.addi %add3A_2106, %add3A_2116 : vector<16xi32>
    %gather3A_2118 = tpu.vector_load_idx %arg5[%add3A_2117] : memref<1040xi32, #tpu.memory_space<vmem>>[vector<16xi32>], vector<16xi32>,
    %add3A_2119 = arith.addi %gather3A_2110, %add3A_27 : vector<16xi32>
    %and3A_2120 = arith.constant 65535 : i32
    %and3A_2121 = vector.broadcast %and3A_2120 : i32 to vector<16xi32>
    %and3A_2122 = arith.andi %add3A_2119, %and3A_2121 : vector<16xi32>
    %jit3A_2123 = arith.constant 0 : i64
    %convert_element_type3A_2124 = arith.trunci %jit3A_2123 : i64 to i32
    %broadcast_in_dim3A_2125 = vector.broadcast %convert_element_type3A_2124 : i32 to vector<16xi32>
    %select_n3A_2126 = arith.select %ge3A_8, %and3A_2122, %broadcast_in_dim3A_2125 : vector<16xi1>, vector<16xi32>
    %mul3A_2127 = arith.constant 1000003 : i32
    %mul3A_2128 = vector.broadcast %mul3A_2127 : i32 to vector<16xi32>
    %mul3A_2129 = arith.muli %select_n3A_2126, %mul3A_2128 : vector<16xi32>
    %add3A_2130 = arith.addi %mul3A_2129, %gather3A_2114 : vector<16xi32>
    %add3A_2131 = arith.addi %add3A_2130, %add3A_27 : vector<16xi32>
    %and3A_2132 = arith.constant 65535 : i32
    %and3A_2133 = vector.broadcast %and3A_2132 : i32 to vector<16xi32>
    %and3A_2134 = arith.andi %add3A_2131, %and3A_2133 : vector<16xi32>
    %mul3A_2135 = arith.constant 1000003 : i32
    %mul3A_2136 = vector.broadcast %mul3A_2135 : i32 to vector<16xi32>
    %mul3A_2137 = arith.muli %and3A_2134, %mul3A_2136 : vector<16xi32>
    %add3A_2138 = arith.addi %mul3A_2137, %gather3A_2118 : vector<16xi32>
    %add3A_2139 = arith.addi %add3A_2138, %add3A_27 : vector<16xi32>
    %and3A_2140 = arith.constant 65535 : i32
    %and3A_2141 = vector.broadcast %and3A_2140 : i32 to vector<16xi32>
    %and3A_2142 = arith.andi %add3A_2139, %and3A_2141 : vector<16xi32>
    %add3A_2143 = arith.addi %and3A_2142, %mul3A_30 : vector<16xi32>
    %swap3A_2144 = arith.index_cast %add3A_1962 : i32 to index
    %swap3A_2145 = arith.constant 48 : index
    %swap3A_2146 = tpu.vector_load %arg6[%swap3A_2144, %swap3A_2145] {strides = array<i32>} : memref<64x128xi32, #tpu.memory_space<vmem>>, vector<16xi32>,
    tpu.vector_store %arg6[%swap3A_2144, %swap3A_2145], %add3A_2143 {strides = array<i32>} : memref<64x128xi32, #tpu.memory_space<vmem>>, vector<16xi32>,
    %mul3A_2147 = arith.constant 16 : i32
    %mul3A_2148 = arith.muli %add3A_1962, %mul3A_2147 : i32
    %add3A_2149 = arith.constant 8 : i32
    %add3A_2150 = arith.addi %mul3A_2148, %add3A_2149 : i32
    %add3A_2151 = vector.broadcast %add3A_2150 : i32 to vector<16xi32>
    %add3A_2152 = arith.addi %add3A_2151, %shift_right_arithmetic3A_6 : vector<16xi32>
    %add3A_2153 = arith.constant 6 : i32
    %add3A_2154 = vector.broadcast %add3A_2153 : i32 to vector<16xi32>
    %add3A_2155 = arith.addi %add3A_2152, %add3A_2154 : vector<16xi32>
    %gather3A_2156 = tpu.vector_load_idx %arg5[%add3A_2155] : memref<1040xi32, #tpu.memory_space<vmem>>[vector<16xi32>], vector<16xi32>,
    %add3A_2157 = arith.constant 7 : i32
    %add3A_2158 = vector.broadcast %add3A_2157 : i32 to vector<16xi32>
    %add3A_2159 = arith.addi %add3A_2152, %add3A_2158 : vector<16xi32>
    %gather3A_2160 = tpu.vector_load_idx %arg5[%add3A_2159] : memref<1040xi32, #tpu.memory_space<vmem>>[vector<16xi32>], vector<16xi32>,
    %add3A_2161 = arith.constant 8 : i32
    %add3A_2162 = vector.broadcast %add3A_2161 : i32 to vector<16xi32>
    %add3A_2163 = arith.addi %add3A_2152, %add3A_2162 : vector<16xi32>
    %gather3A_2164 = tpu.vector_load_idx %arg5[%add3A_2163] : memref<1040xi32, #tpu.memory_space<vmem>>[vector<16xi32>], vector<16xi32>,
    %add3A_2165 = arith.addi %gather3A_2156, %add3A_27 : vector<16xi32>
    %and3A_2166 = arith.constant 65535 : i32
    %and3A_2167 = vector.broadcast %and3A_2166 : i32 to vector<16xi32>
    %and3A_2168 = arith.andi %add3A_2165, %and3A_2167 : vector<16xi32>
    %jit3A_2169 = arith.constant 0 : i64
    %convert_element_type3A_2170 = arith.trunci %jit3A_2169 : i64 to i32
    %broadcast_in_dim3A_2171 = vector.broadcast %convert_element_type3A_2170 : i32 to vector<16xi32>
    %select_n3A_2172 = arith.select %ge3A_8, %and3A_2168, %broadcast_in_dim3A_2171 : vector<16xi1>, vector<16xi32>
    %mul3A_2173 = arith.constant 1000003 : i32
    %mul3A_2174 = vector.broadcast %mul3A_2173 : i32 to vector<16xi32>
    %mul3A_2175 = arith.muli %select_n3A_2172, %mul3A_2174 : vector<16xi32>
    %add3A_2176 = arith.addi %mul3A_2175, %gather3A_2160 : vector<16xi32>
    %add3A_2177 = arith.addi %add3A_2176, %add3A_27 : vector<16xi32>
    %and3A_2178 = arith.constant 65535 : i32
    %and3A_2179 = vector.broadcast %and3A_2178 : i32 to vector<16xi32>
    %and3A_2180 = arith.andi %add3A_2177, %and3A_2179 : vector<16xi32>
    %mul3A_2181 = arith.constant 1000003 : i32
    %mul3A_2182 = vector.broadcast %mul3A_2181 : i32 to vector<16xi32>
    %mul3A_2183 = arith.muli %and3A_2180, %mul3A_2182 : vector<16xi32>
    %add3A_2184 = arith.addi %mul3A_2183, %gather3A_2164 : vector<16xi32>
    %add3A_2185 = arith.addi %add3A_2184, %add3A_27 : vector<16xi32>
    %and3A_2186 = arith.constant 65535 : i32
    %and3A_2187 = vector.broadcast %and3A_2186 : i32 to vector<16xi32>
    %and3A_2188 = arith.andi %add3A_2185, %and3A_2187 : vector<16xi32>
    %add3A_2189 = arith.addi %and3A_2188, %mul3A_30 : vector<16xi32>
    %swap3A_2190 = arith.index_cast %add3A_1962 : i32 to index
    %swap3A_2191 = arith.constant 64 : index
    %swap3A_2192 = tpu.vector_load %arg6[%swap3A_2190, %swap3A_2191] {strides = array<i32>} : memref<64x128xi32, #tpu.memory_space<vmem>>, vector<16xi32>,
    tpu.vector_store %arg6[%swap3A_2190, %swap3A_2191], %add3A_2189 {strides = array<i32>} : memref<64x128xi32, #tpu.memory_space<vmem>>, vector<16xi32>,
    %mul3A_2193 = arith.constant 16 : i32
    %mul3A_2194 = arith.muli %add3A_1962, %mul3A_2193 : i32
    %add3A_2195 = arith.constant 10 : i32
    %add3A_2196 = arith.addi %mul3A_2194, %add3A_2195 : i32
    %add3A_2197 = vector.broadcast %add3A_2196 : i32 to vector<16xi32>
    %add3A_2198 = arith.addi %add3A_2197, %shift_right_arithmetic3A_6 : vector<16xi32>
    %add3A_2199 = arith.constant 6 : i32
    %add3A_2200 = vector.broadcast %add3A_2199 : i32 to vector<16xi32>
    %add3A_2201 = arith.addi %add3A_2198, %add3A_2200 : vector<16xi32>
    %gather3A_2202 = tpu.vector_load_idx %arg5[%add3A_2201] : memref<1040xi32, #tpu.memory_space<vmem>>[vector<16xi32>], vector<16xi32>,
    %add3A_2203 = arith.constant 7 : i32
    %add3A_2204 = vector.broadcast %add3A_2203 : i32 to vector<16xi32>
    %add3A_2205 = arith.addi %add3A_2198, %add3A_2204 : vector<16xi32>
    %gather3A_2206 = tpu.vector_load_idx %arg5[%add3A_2205] : memref<1040xi32, #tpu.memory_space<vmem>>[vector<16xi32>], vector<16xi32>,
    %add3A_2207 = arith.constant 8 : i32
    %add3A_2208 = vector.broadcast %add3A_2207 : i32 to vector<16xi32>
    %add3A_2209 = arith.addi %add3A_2198, %add3A_2208 : vector<16xi32>
    %gather3A_2210 = tpu.vector_load_idx %arg5[%add3A_2209] : memref<1040xi32, #tpu.memory_space<vmem>>[vector<16xi32>], vector<16xi32>,
    %add3A_2211 = arith.addi %gather3A_2202, %add3A_27 : vector<16xi32>
    %and3A_2212 = arith.constant 65535 : i32
    %and3A_2213 = vector.broadcast %and3A_2212 : i32 to vector<16xi32>
    %and3A_2214 = arith.andi %add3A_2211, %and3A_2213 : vector<16xi32>
    %jit3A_2215 = arith.constant 0 : i64
    %convert_element_type3A_2216 = arith.trunci %jit3A_2215 : i64 to i32
    %broadcast_in_dim3A_2217 = vector.broadcast %convert_element_type3A_2216 : i32 to vector<16xi32>
    %select_n3A_2218 = arith.select %ge3A_8, %and3A_2214, %broadcast_in_dim3A_2217 : vector<16xi1>, vector<16xi32>
    %mul3A_2219 = arith.constant 1000003 : i32
    %mul3A_2220 = vector.broadcast %mul3A_2219 : i32 to vector<16xi32>
    %mul3A_2221 = arith.muli %select_n3A_2218, %mul3A_2220 : vector<16xi32>
    %add3A_2222 = arith.addi %mul3A_2221, %gather3A_2206 : vector<16xi32>
    %add3A_2223 = arith.addi %add3A_2222, %add3A_27 : vector<16xi32>
    %and3A_2224 = arith.constant 65535 : i32
    %and3A_2225 = vector.broadcast %and3A_2224 : i32 to vector<16xi32>
    %and3A_2226 = arith.andi %add3A_2223, %and3A_2225 : vector<16xi32>
    %mul3A_2227 = arith.constant 1000003 : i32
    %mul3A_2228 = vector.broadcast %mul3A_2227 : i32 to vector<16xi32>
    %mul3A_2229 = arith.muli %and3A_2226, %mul3A_2228 : vector<16xi32>
    %add3A_2230 = arith.addi %mul3A_2229, %gather3A_2210 : vector<16xi32>
    %add3A_2231 = arith.addi %add3A_2230, %add3A_27 : vector<16xi32>
    %and3A_2232 = arith.constant 65535 : i32
    %and3A_2233 = vector.broadcast %and3A_2232 : i32 to vector<16xi32>
    %and3A_2234 = arith.andi %add3A_2231, %and3A_2233 : vector<16xi32>
    %add3A_2235 = arith.addi %and3A_2234, %mul3A_30 : vector<16xi32>
    %swap3A_2236 = arith.index_cast %add3A_1962 : i32 to index
    %swap3A_2237 = arith.constant 80 : index
    %swap3A_2238 = tpu.vector_load %arg6[%swap3A_2236, %swap3A_2237] {strides = array<i32>} : memref<64x128xi32, #tpu.memory_space<vmem>>, vector<16xi32>,
    tpu.vector_store %arg6[%swap3A_2236, %swap3A_2237], %add3A_2235 {strides = array<i32>} : memref<64x128xi32, #tpu.memory_space<vmem>>, vector<16xi32>,
    %mul3A_2239 = arith.constant 16 : i32
    %mul3A_2240 = arith.muli %add3A_1962, %mul3A_2239 : i32
    %add3A_2241 = arith.constant 12 : i32
    %add3A_2242 = arith.addi %mul3A_2240, %add3A_2241 : i32
    %add3A_2243 = vector.broadcast %add3A_2242 : i32 to vector<16xi32>
    %add3A_2244 = arith.addi %add3A_2243, %shift_right_arithmetic3A_6 : vector<16xi32>
    %add3A_2245 = arith.constant 6 : i32
    %add3A_2246 = vector.broadcast %add3A_2245 : i32 to vector<16xi32>
    %add3A_2247 = arith.addi %add3A_2244, %add3A_2246 : vector<16xi32>
    %gather3A_2248 = tpu.vector_load_idx %arg5[%add3A_2247] : memref<1040xi32, #tpu.memory_space<vmem>>[vector<16xi32>], vector<16xi32>,
    %add3A_2249 = arith.constant 7 : i32
    %add3A_2250 = vector.broadcast %add3A_2249 : i32 to vector<16xi32>
    %add3A_2251 = arith.addi %add3A_2244, %add3A_2250 : vector<16xi32>
    %gather3A_2252 = tpu.vector_load_idx %arg5[%add3A_2251] : memref<1040xi32, #tpu.memory_space<vmem>>[vector<16xi32>], vector<16xi32>,
    %add3A_2253 = arith.constant 8 : i32
    %add3A_2254 = vector.broadcast %add3A_2253 : i32 to vector<16xi32>
    %add3A_2255 = arith.addi %add3A_2244, %add3A_2254 : vector<16xi32>
    %gather3A_2256 = tpu.vector_load_idx %arg5[%add3A_2255] : memref<1040xi32, #tpu.memory_space<vmem>>[vector<16xi32>], vector<16xi32>,
    %add3A_2257 = arith.addi %gather3A_2248, %add3A_27 : vector<16xi32>
    %and3A_2258 = arith.constant 65535 : i32
    %and3A_2259 = vector.broadcast %and3A_2258 : i32 to vector<16xi32>
    %and3A_2260 = arith.andi %add3A_2257, %and3A_2259 : vector<16xi32>
    %jit3A_2261 = arith.constant 0 : i64
    %convert_element_type3A_2262 = arith.trunci %jit3A_2261 : i64 to i32
    %broadcast_in_dim3A_2263 = vector.broadcast %convert_element_type3A_2262 : i32 to vector<16xi32>
    %select_n3A_2264 = arith.select %ge3A_8, %and3A_2260, %broadcast_in_dim3A_2263 : vector<16xi1>, vector<16xi32>
    %mul3A_2265 = arith.constant 1000003 : i32
    %mul3A_2266 = vector.broadcast %mul3A_2265 : i32 to vector<16xi32>
    %mul3A_2267 = arith.muli %select_n3A_2264, %mul3A_2266 : vector<16xi32>
    %add3A_2268 = arith.addi %mul3A_2267, %gather3A_2252 : vector<16xi32>
    %add3A_2269 = arith.addi %add3A_2268, %add3A_27 : vector<16xi32>
    %and3A_2270 = arith.constant 65535 : i32
    %and3A_2271 = vector.broadcast %and3A_2270 : i32 to vector<16xi32>
    %and3A_2272 = arith.andi %add3A_2269, %and3A_2271 : vector<16xi32>
    %mul3A_2273 = arith.constant 1000003 : i32
    %mul3A_2274 = vector.broadcast %mul3A_2273 : i32 to vector<16xi32>
    %mul3A_2275 = arith.muli %and3A_2272, %mul3A_2274 : vector<16xi32>
    %add3A_2276 = arith.addi %mul3A_2275, %gather3A_2256 : vector<16xi32>
    %add3A_2277 = arith.addi %add3A_2276, %add3A_27 : vector<16xi32>
    %and3A_2278 = arith.constant 65535 : i32
    %and3A_2279 = vector.broadcast %and3A_2278 : i32 to vector<16xi32>
    %and3A_2280 = arith.andi %add3A_2277, %and3A_2279 : vector<16xi32>
    %add3A_2281 = arith.addi %and3A_2280, %mul3A_30 : vector<16xi32>
    %swap3A_2282 = arith.index_cast %add3A_1962 : i32 to index
    %swap3A_2283 = arith.constant 96 : index
    %swap3A_2284 = tpu.vector_load %arg6[%swap3A_2282, %swap3A_2283] {strides = array<i32>} : memref<64x128xi32, #tpu.memory_space<vmem>>, vector<16xi32>,
    tpu.vector_store %arg6[%swap3A_2282, %swap3A_2283], %add3A_2281 {strides = array<i32>} : memref<64x128xi32, #tpu.memory_space<vmem>>, vector<16xi32>,
    %mul3A_2285 = arith.constant 16 : i32
    %mul3A_2286 = arith.muli %add3A_1962, %mul3A_2285 : i32
    %add3A_2287 = arith.constant 14 : i32
    %add3A_2288 = arith.addi %mul3A_2286, %add3A_2287 : i32
    %add3A_2289 = vector.broadcast %add3A_2288 : i32 to vector<16xi32>
    %add3A_2290 = arith.addi %add3A_2289, %shift_right_arithmetic3A_6 : vector<16xi32>
    %add3A_2291 = arith.constant 6 : i32
    %add3A_2292 = vector.broadcast %add3A_2291 : i32 to vector<16xi32>
    %add3A_2293 = arith.addi %add3A_2290, %add3A_2292 : vector<16xi32>
    %gather3A_2294 = tpu.vector_load_idx %arg5[%add3A_2293] : memref<1040xi32, #tpu.memory_space<vmem>>[vector<16xi32>], vector<16xi32>,
    %add3A_2295 = arith.constant 7 : i32
    %add3A_2296 = vector.broadcast %add3A_2295 : i32 to vector<16xi32>
    %add3A_2297 = arith.addi %add3A_2290, %add3A_2296 : vector<16xi32>
    %gather3A_2298 = tpu.vector_load_idx %arg5[%add3A_2297] : memref<1040xi32, #tpu.memory_space<vmem>>[vector<16xi32>], vector<16xi32>,
    %add3A_2299 = arith.constant 8 : i32
    %add3A_2300 = vector.broadcast %add3A_2299 : i32 to vector<16xi32>
    %add3A_2301 = arith.addi %add3A_2290, %add3A_2300 : vector<16xi32>
    %gather3A_2302 = tpu.vector_load_idx %arg5[%add3A_2301] : memref<1040xi32, #tpu.memory_space<vmem>>[vector<16xi32>], vector<16xi32>,
    %add3A_2303 = arith.addi %gather3A_2294, %add3A_27 : vector<16xi32>
    %and3A_2304 = arith.constant 65535 : i32
    %and3A_2305 = vector.broadcast %and3A_2304 : i32 to vector<16xi32>
    %and3A_2306 = arith.andi %add3A_2303, %and3A_2305 : vector<16xi32>
    %jit3A_2307 = arith.constant 0 : i64
    %convert_element_type3A_2308 = arith.trunci %jit3A_2307 : i64 to i32
    %broadcast_in_dim3A_2309 = vector.broadcast %convert_element_type3A_2308 : i32 to vector<16xi32>
    %select_n3A_2310 = arith.select %ge3A_8, %and3A_2306, %broadcast_in_dim3A_2309 : vector<16xi1>, vector<16xi32>
    %mul3A_2311 = arith.constant 1000003 : i32
    %mul3A_2312 = vector.broadcast %mul3A_2311 : i32 to vector<16xi32>
    %mul3A_2313 = arith.muli %select_n3A_2310, %mul3A_2312 : vector<16xi32>
    %add3A_2314 = arith.addi %mul3A_2313, %gather3A_2298 : vector<16xi32>
    %add3A_2315 = arith.addi %add3A_2314, %add3A_27 : vector<16xi32>
    %and3A_2316 = arith.constant 65535 : i32
    %and3A_2317 = vector.broadcast %and3A_2316 : i32 to vector<16xi32>
    %and3A_2318 = arith.andi %add3A_2315, %and3A_2317 : vector<16xi32>
    %mul3A_2319 = arith.constant 1000003 : i32
    %mul3A_2320 = vector.broadcast %mul3A_2319 : i32 to vector<16xi32>
    %mul3A_2321 = arith.muli %and3A_2318, %mul3A_2320 : vector<16xi32>
    %add3A_2322 = arith.addi %mul3A_2321, %gather3A_2302 : vector<16xi32>
    %add3A_2323 = arith.addi %add3A_2322, %add3A_27 : vector<16xi32>
    %and3A_2324 = arith.constant 65535 : i32
    %and3A_2325 = vector.broadcast %and3A_2324 : i32 to vector<16xi32>
    %and3A_2326 = arith.andi %add3A_2323, %and3A_2325 : vector<16xi32>
    %add3A_2327 = arith.addi %and3A_2326, %mul3A_30 : vector<16xi32>
    %swap3A_2328 = arith.index_cast %add3A_1962 : i32 to index
    %swap3A_2329 = arith.constant 112 : index
    %swap3A_2330 = tpu.vector_load %arg6[%swap3A_2328, %swap3A_2329] {strides = array<i32>} : memref<64x128xi32, #tpu.memory_space<vmem>>, vector<16xi32>,
    tpu.vector_store %arg6[%swap3A_2328, %swap3A_2329], %add3A_2327 {strides = array<i32>} : memref<64x128xi32, #tpu.memory_space<vmem>>, vector<16xi32>,
    %dma_start3A_2331 = arith.constant 5 : i32
    %dma_start3A_2332 = arith.constant 5 : i32
    %dma_start3A_2333 = arith.constant 0 : i32
    %dma_start3A_2334 = arith.constant 0 : i32
    %dma_start3A_2335 = tpu.memref_slice %arg7[%dma_start3A_2332, %dma_start3A_2333, %dma_start3A_2334] : memref<7x128x128xf32, #tpu.memory_space<vmem>> -> memref<1x128x128xf32, #tpu.memory_space<vmem>>
    %dma_start3A_2336 = tpu.memref_squeeze %dma_start3A_2335 : memref<1x128x128xf32, #tpu.memory_space<vmem>> -> memref<128x128xf32, #tpu.memory_space<vmem>>
    %dma_start3A_2337 = arith.constant 0 : i32
    %dma_start3A_2338 = tpu.memref_slice %arg6[%dma_start3A_2331, %dma_start3A_2337] : memref<64x128xi32, #tpu.memory_space<vmem>> -> memref<1x128xi32, #tpu.memory_space<vmem>>
    %dma_start3A_2339 = tpu.memref_squeeze %dma_start3A_2338 : memref<1x128xi32, #tpu.memory_space<vmem>> -> memref<128xi32, #tpu.memory_space<vmem>>
    %dma_start3A_2340 = arith.constant 0 : i32
    %dma_start3A_2341 = arith.constant 0 : i32
    %dma_start3A_2342 = tpu.memref_slice %arg3[%dma_start3A_2340, %dma_start3A_2341] : memref<524288x128xf32, #tpu.memory_space<hbm>> -> memref<524288x128xf32, #tpu.memory_space<hbm>>
    tpu.enqueue_indirect_dma source(%dma_start3A_2342 : memref<524288x128xf32, #tpu.memory_space<hbm>>) target(%dma_start3A_2336 : memref<128x128xf32, #tpu.memory_space<vmem>>) offsets(%dma_start3A_2339 : memref<128xi32, #tpu.memory_space<vmem>>) semaphore(%arg8 : memref<!tpu.dma_semaphore, #tpu.memory_space<semaphore_mem>>)
    %scan3A = arith.constant 0 : i32
    %scan3A_2343 = arith.constant 64 : i32
    %scan3A_2344 = arith.addi %scan3A, %scan3A_2343 : i32
    %scan3A_2345 = arith.constant 1 : i32
    %scan3A_2346 = scf.for %scan3A_2480 = %scan3A to %scan3A_2344 step %scan3A_2345 iter_args(%scan3A_2481 = %sub3A) -> (i32)  : i32 {
      %jit3A_2482 = arith.constant 7 : i64
      %convert_element_type3A_2483 = arith.trunci %jit3A_2482 : i64 to i32
      %eq3A_2484 = arith.constant 0 : i32
      %eq3A_2485 = arith.cmpi eq, %convert_element_type3A_2483, %eq3A_2484 : i32
      %jit3A_2486 = arith.constant 1 : i32
      %select_n3A_2487 = arith.select %eq3A_2485, %jit3A_2486, %convert_element_type3A_2483 : i32
      %rem3A_2488 = arith.remsi %scan3A_2481, %select_n3A_2487 : i32
      %ne3A_2489 = arith.constant 0 : i32
      %ne3A_2490 = arith.cmpi ne, %rem3A_2488, %ne3A_2489 : i32
      %lt3A_2491 = arith.constant 0 : i32
      %lt3A_2492 = arith.cmpi slt, %rem3A_2488, %lt3A_2491 : i32
      %lt3A_2493 = arith.constant 0 : i32
      %lt3A_2494 = arith.cmpi slt, %select_n3A_2487, %lt3A_2493 : i32
      %ne3A_2495 = arith.xori %lt3A_2492, %lt3A_2494 : i1
      %and3A_2496 = arith.andi %ne3A_2495, %ne3A_2490 : i1
      %add3A_2497 = arith.addi %rem3A_2488, %select_n3A_2487 : i32
      %select_n3A_2498 = arith.select %and3A_2496, %add3A_2497, %rem3A_2488 : i32
      %dma_wait3A_2499 = arith.constant 0 : i32
      %dma_wait3A_2500 = arith.constant 0 : i32
      %dma_wait3A_2501 = tpu.memref_slice %arg7[%select_n3A_2498, %dma_wait3A_2499, %dma_wait3A_2500] : memref<7x128x128xf32, #tpu.memory_space<vmem>> -> memref<1x128x128xf32, #tpu.memory_space<vmem>>
      %dma_wait3A_2502 = tpu.memref_squeeze %dma_wait3A_2501 : memref<1x128x128xf32, #tpu.memory_space<vmem>> -> memref<128x128xf32, #tpu.memory_space<vmem>>
      %dma_wait3A_2503 = arith.constant 0 : i32
      %dma_wait3A_2504 = tpu.memref_slice %arg6[%scan3A_2481, %dma_wait3A_2503] : memref<64x128xi32, #tpu.memory_space<vmem>> -> memref<1x128xi32, #tpu.memory_space<vmem>>
      %dma_wait3A_2505 = tpu.memref_squeeze %dma_wait3A_2504 : memref<1x128xi32, #tpu.memory_space<vmem>> -> memref<128xi32, #tpu.memory_space<vmem>>
      %dma_wait3A_2506 = arith.constant 0 : i32
      %dma_wait3A_2507 = arith.constant 0 : i32
      %dma_wait3A_2508 = tpu.memref_slice %arg3[%dma_wait3A_2506, %dma_wait3A_2507] : memref<524288x128xf32, #tpu.memory_space<hbm>> -> memref<524288x128xf32, #tpu.memory_space<hbm>>
      tpu.wait_indirect_dma semaphore(%arg8 : memref<!tpu.dma_semaphore, #tpu.memory_space<semaphore_mem>>) src(%dma_wait3A_2508 : memref<524288x128xf32, #tpu.memory_space<hbm>>) dst(%dma_wait3A_2502 : memref<128x128xf32, #tpu.memory_space<vmem>>)
      %mul3A_2509 = arith.constant 16 : i32
      %mul3A_2510 = arith.muli %scan3A_2481, %mul3A_2509 : i32
      %add3A_2511 = arith.addi %mul3A_52, %mul3A_2510 : i32
      %dma_start3A_2512 = arith.constant 0 : i32
      %dma_start3A_2513 = arith.constant 0 : i32
      %dma_start3A_2514 = tpu.memref_slice %arg7[%select_n3A_2498, %dma_start3A_2512, %dma_start3A_2513] : memref<7x128x128xf32, #tpu.memory_space<vmem>> -> memref<1x128x128xf32, #tpu.memory_space<vmem>>
      %dma_start3A_2515 = tpu.memref_squeeze %dma_start3A_2514 : memref<1x128x128xf32, #tpu.memory_space<vmem>> -> memref<128x128xf32, #tpu.memory_space<vmem>>
      %dma_start3A_2516 = tpu.memref_reshape %dma_start3A_2515 : memref<128x128xf32, #tpu.memory_space<vmem>> -> memref<16x1024xf32, #tpu.memory_space<vmem>>
      %dma_start3A_2517 = arith.constant 0 : i32
      %dma_start3A_2518 = tpu.memref_slice %arg4[%shift_right_arithmetic3A_48, %add3A_2511, %dma_start3A_2517] : memref<4x8192x1024xf32, #tpu.memory_space<hbm>> -> memref<1x16x1024xf32, #tpu.memory_space<hbm>>
      %dma_start3A_2519 = tpu.memref_squeeze %dma_start3A_2518 : memref<1x16x1024xf32, #tpu.memory_space<hbm>> -> memref<16x1024xf32, #tpu.memory_space<hbm>>
      %dma_start3A_2520 = arith.constant 0 : i32
      %dma_start3A_2521 = tpu.memref_slice %arg4[%shift_right_arithmetic3A_48, %add3A_2511, %dma_start3A_2520] : memref<4x8192x1024xf32, #tpu.memory_space<hbm>> -> memref<1x16x1024xf32, #tpu.memory_space<hbm>>
      %dma_start3A_2522 = tpu.memref_squeeze %dma_start3A_2521 : memref<1x16x1024xf32, #tpu.memory_space<hbm>> -> memref<16x1024xf32, #tpu.memory_space<hbm>>
      %dma_start3A_2523 = arith.constant 0 : i32
      %dma_start3A_2524 = arith.constant 0 : i32
      %dma_start3A_2525 = tpu.memref_slice %arg7[%select_n3A_2498, %dma_start3A_2523, %dma_start3A_2524] : memref<7x128x128xf32, #tpu.memory_space<vmem>> -> memref<1x128x128xf32, #tpu.memory_space<vmem>>
      %dma_start3A_2526 = tpu.memref_squeeze %dma_start3A_2525 : memref<1x128x128xf32, #tpu.memory_space<vmem>> -> memref<128x128xf32, #tpu.memory_space<vmem>>
      %dma_start3A_2527 = tpu.memref_reshape %dma_start3A_2526 : memref<128x128xf32, #tpu.memory_space<vmem>> -> memref<16x1024xf32, #tpu.memory_space<vmem>>
      tpu.enqueue_dma source(%dma_start3A_2527 : memref<16x1024xf32, #tpu.memory_space<vmem>>) target(%dma_start3A_2522 : memref<16x1024xf32, #tpu.memory_space<hbm>>) target_semaphore(%arg9 : memref<!tpu.dma_semaphore, #tpu.memory_space<semaphore_mem>>)
      %add3A_2528 = arith.constant 7 : i32
      %add3A_2529 = arith.addi %scan3A_2481, %add3A_2528 : i32
      %sub3A_2530 = arith.constant 1 : i32
      %sub3A_2531 = arith.subi %add3A_2529, %sub3A_2530 : i32
      %lt3A_2532 = arith.constant 64 : i32
      %lt3A_2533 = arith.cmpi slt, %sub3A_2531, %lt3A_2532 : i32
      %convert_element_type3A_2534 = arith.extui %lt3A_2533 : i1 to i32
      %cond3A_2535 = arith.constant 0 : i32
      %cond3A_2536 = arith.cmpi ne, %convert_element_type3A_2534, %cond3A_2535 : i32
      scf.if %cond3A_2536 {
        %add3A_2560 = arith.constant 7 : i32
        %add3A_2561 = arith.addi %scan3A_2481, %add3A_2560 : i32
        %sub3A_2562 = arith.constant 1 : i32
        %sub3A_2563 = arith.subi %add3A_2561, %sub3A_2562 : i32
        %mul3A_2564 = arith.constant 16 : i32
        %mul3A_2565 = arith.muli %sub3A_2563, %mul3A_2564 : i32
        %add3A_2566 = arith.constant 0 : i32
        %add3A_2567 = arith.addi %mul3A_2565, %add3A_2566 : i32
        %add3A_2568 = vector.broadcast %add3A_2567 : i32 to vector<16xi32>
        %add3A_2569 = arith.addi %add3A_2568, %shift_right_arithmetic3A_6 : vector<16xi32>
        %add3A_2570 = arith.constant 6 : i32
        %add3A_2571 = vector.broadcast %add3A_2570 : i32 to vector<16xi32>
        %add3A_2572 = arith.addi %add3A_2569, %add3A_2571 : vector<16xi32>
        %gather3A_2573 = tpu.vector_load_idx %arg5[%add3A_2572] : memref<1040xi32, #tpu.memory_space<vmem>>[vector<16xi32>], vector<16xi32>,
        %add3A_2574 = arith.constant 7 : i32
        %add3A_2575 = vector.broadcast %add3A_2574 : i32 to vector<16xi32>
        %add3A_2576 = arith.addi %add3A_2569, %add3A_2575 : vector<16xi32>
        %gather3A_2577 = tpu.vector_load_idx %arg5[%add3A_2576] : memref<1040xi32, #tpu.memory_space<vmem>>[vector<16xi32>], vector<16xi32>,
        %add3A_2578 = arith.constant 8 : i32
        %add3A_2579 = vector.broadcast %add3A_2578 : i32 to vector<16xi32>
        %add3A_2580 = arith.addi %add3A_2569, %add3A_2579 : vector<16xi32>
        %gather3A_2581 = tpu.vector_load_idx %arg5[%add3A_2580] : memref<1040xi32, #tpu.memory_space<vmem>>[vector<16xi32>], vector<16xi32>,
        %add3A_2582 = arith.addi %gather3A_2573, %add3A_27 : vector<16xi32>
        %and3A_2583 = arith.constant 65535 : i32
        %and3A_2584 = vector.broadcast %and3A_2583 : i32 to vector<16xi32>
        %and3A_2585 = arith.andi %add3A_2582, %and3A_2584 : vector<16xi32>
        %jit3A_2586 = arith.constant 0 : i64
        %convert_element_type3A_2587 = arith.trunci %jit3A_2586 : i64 to i32
        %broadcast_in_dim3A_2588 = vector.broadcast %convert_element_type3A_2587 : i32 to vector<16xi32>
        %select_n3A_2589 = arith.select %ge3A_8, %and3A_2585, %broadcast_in_dim3A_2588 : vector<16xi1>, vector<16xi32>
        %mul3A_2590 = arith.constant 1000003 : i32
        %mul3A_2591 = vector.broadcast %mul3A_2590 : i32 to vector<16xi32>
        %mul3A_2592 = arith.muli %select_n3A_2589, %mul3A_2591 : vector<16xi32>
        %add3A_2593 = arith.addi %mul3A_2592, %gather3A_2577 : vector<16xi32>
        %add3A_2594 = arith.addi %add3A_2593, %add3A_27 : vector<16xi32>
        %and3A_2595 = arith.constant 65535 : i32
        %and3A_2596 = vector.broadcast %and3A_2595 : i32 to vector<16xi32>
        %and3A_2597 = arith.andi %add3A_2594, %and3A_2596 : vector<16xi32>
        %mul3A_2598 = arith.constant 1000003 : i32
        %mul3A_2599 = vector.broadcast %mul3A_2598 : i32 to vector<16xi32>
        %mul3A_2600 = arith.muli %and3A_2597, %mul3A_2599 : vector<16xi32>
        %add3A_2601 = arith.addi %mul3A_2600, %gather3A_2581 : vector<16xi32>
        %add3A_2602 = arith.addi %add3A_2601, %add3A_27 : vector<16xi32>
        %and3A_2603 = arith.constant 65535 : i32
        %and3A_2604 = vector.broadcast %and3A_2603 : i32 to vector<16xi32>
        %and3A_2605 = arith.andi %add3A_2602, %and3A_2604 : vector<16xi32>
        %add3A_2606 = arith.addi %and3A_2605, %mul3A_30 : vector<16xi32>
        %swap3A_2607 = arith.index_cast %sub3A_2563 : i32 to index
        %swap3A_2608 = arith.constant 0 : index
        %swap3A_2609 = tpu.vector_load %arg6[%swap3A_2607, %swap3A_2608] {strides = array<i32>} : memref<64x128xi32, #tpu.memory_space<vmem>>, vector<16xi32>,
        tpu.vector_store %arg6[%swap3A_2607, %swap3A_2608], %add3A_2606 {strides = array<i32>} : memref<64x128xi32, #tpu.memory_space<vmem>>, vector<16xi32>,
        %mul3A_2610 = arith.constant 16 : i32
        %mul3A_2611 = arith.muli %sub3A_2563, %mul3A_2610 : i32
        %add3A_2612 = arith.constant 2 : i32
        %add3A_2613 = arith.addi %mul3A_2611, %add3A_2612 : i32
        %add3A_2614 = vector.broadcast %add3A_2613 : i32 to vector<16xi32>
        %add3A_2615 = arith.addi %add3A_2614, %shift_right_arithmetic3A_6 : vector<16xi32>
        %add3A_2616 = arith.constant 6 : i32
        %add3A_2617 = vector.broadcast %add3A_2616 : i32 to vector<16xi32>
        %add3A_2618 = arith.addi %add3A_2615, %add3A_2617 : vector<16xi32>
        %gather3A_2619 = tpu.vector_load_idx %arg5[%add3A_2618] : memref<1040xi32, #tpu.memory_space<vmem>>[vector<16xi32>], vector<16xi32>,
        %add3A_2620 = arith.constant 7 : i32
        %add3A_2621 = vector.broadcast %add3A_2620 : i32 to vector<16xi32>
        %add3A_2622 = arith.addi %add3A_2615, %add3A_2621 : vector<16xi32>
        %gather3A_2623 = tpu.vector_load_idx %arg5[%add3A_2622] : memref<1040xi32, #tpu.memory_space<vmem>>[vector<16xi32>], vector<16xi32>,
        %add3A_2624 = arith.constant 8 : i32
        %add3A_2625 = vector.broadcast %add3A_2624 : i32 to vector<16xi32>
        %add3A_2626 = arith.addi %add3A_2615, %add3A_2625 : vector<16xi32>
        %gather3A_2627 = tpu.vector_load_idx %arg5[%add3A_2626] : memref<1040xi32, #tpu.memory_space<vmem>>[vector<16xi32>], vector<16xi32>,
        %add3A_2628 = arith.addi %gather3A_2619, %add3A_27 : vector<16xi32>
        %and3A_2629 = arith.constant 65535 : i32
        %and3A_2630 = vector.broadcast %and3A_2629 : i32 to vector<16xi32>
        %and3A_2631 = arith.andi %add3A_2628, %and3A_2630 : vector<16xi32>
        %jit3A_2632 = arith.constant 0 : i64
        %convert_element_type3A_2633 = arith.trunci %jit3A_2632 : i64 to i32
        %broadcast_in_dim3A_2634 = vector.broadcast %convert_element_type3A_2633 : i32 to vector<16xi32>
        %select_n3A_2635 = arith.select %ge3A_8, %and3A_2631, %broadcast_in_dim3A_2634 : vector<16xi1>, vector<16xi32>
        %mul3A_2636 = arith.constant 1000003 : i32
        %mul3A_2637 = vector.broadcast %mul3A_2636 : i32 to vector<16xi32>
        %mul3A_2638 = arith.muli %select_n3A_2635, %mul3A_2637 : vector<16xi32>
        %add3A_2639 = arith.addi %mul3A_2638, %gather3A_2623 : vector<16xi32>
        %add3A_2640 = arith.addi %add3A_2639, %add3A_27 : vector<16xi32>
        %and3A_2641 = arith.constant 65535 : i32
        %and3A_2642 = vector.broadcast %and3A_2641 : i32 to vector<16xi32>
        %and3A_2643 = arith.andi %add3A_2640, %and3A_2642 : vector<16xi32>
        %mul3A_2644 = arith.constant 1000003 : i32
        %mul3A_2645 = vector.broadcast %mul3A_2644 : i32 to vector<16xi32>
        %mul3A_2646 = arith.muli %and3A_2643, %mul3A_2645 : vector<16xi32>
        %add3A_2647 = arith.addi %mul3A_2646, %gather3A_2627 : vector<16xi32>
        %add3A_2648 = arith.addi %add3A_2647, %add3A_27 : vector<16xi32>
        %and3A_2649 = arith.constant 65535 : i32
        %and3A_2650 = vector.broadcast %and3A_2649 : i32 to vector<16xi32>
        %and3A_2651 = arith.andi %add3A_2648, %and3A_2650 : vector<16xi32>
        %add3A_2652 = arith.addi %and3A_2651, %mul3A_30 : vector<16xi32>
        %swap3A_2653 = arith.index_cast %sub3A_2563 : i32 to index
        %swap3A_2654 = arith.constant 16 : index
        %swap3A_2655 = tpu.vector_load %arg6[%swap3A_2653, %swap3A_2654] {strides = array<i32>} : memref<64x128xi32, #tpu.memory_space<vmem>>, vector<16xi32>,
        tpu.vector_store %arg6[%swap3A_2653, %swap3A_2654], %add3A_2652 {strides = array<i32>} : memref<64x128xi32, #tpu.memory_space<vmem>>, vector<16xi32>,
        %mul3A_2656 = arith.constant 16 : i32
        %mul3A_2657 = arith.muli %sub3A_2563, %mul3A_2656 : i32
        %add3A_2658 = arith.constant 4 : i32
        %add3A_2659 = arith.addi %mul3A_2657, %add3A_2658 : i32
        %add3A_2660 = vector.broadcast %add3A_2659 : i32 to vector<16xi32>
        %add3A_2661 = arith.addi %add3A_2660, %shift_right_arithmetic3A_6 : vector<16xi32>
        %add3A_2662 = arith.constant 6 : i32
        %add3A_2663 = vector.broadcast %add3A_2662 : i32 to vector<16xi32>
        %add3A_2664 = arith.addi %add3A_2661, %add3A_2663 : vector<16xi32>
        %gather3A_2665 = tpu.vector_load_idx %arg5[%add3A_2664] : memref<1040xi32, #tpu.memory_space<vmem>>[vector<16xi32>], vector<16xi32>,
        %add3A_2666 = arith.constant 7 : i32
        %add3A_2667 = vector.broadcast %add3A_2666 : i32 to vector<16xi32>
        %add3A_2668 = arith.addi %add3A_2661, %add3A_2667 : vector<16xi32>
        %gather3A_2669 = tpu.vector_load_idx %arg5[%add3A_2668] : memref<1040xi32, #tpu.memory_space<vmem>>[vector<16xi32>], vector<16xi32>,
        %add3A_2670 = arith.constant 8 : i32
        %add3A_2671 = vector.broadcast %add3A_2670 : i32 to vector<16xi32>
        %add3A_2672 = arith.addi %add3A_2661, %add3A_2671 : vector<16xi32>
        %gather3A_2673 = tpu.vector_load_idx %arg5[%add3A_2672] : memref<1040xi32, #tpu.memory_space<vmem>>[vector<16xi32>], vector<16xi32>,
        %add3A_2674 = arith.addi %gather3A_2665, %add3A_27 : vector<16xi32>
        %and3A_2675 = arith.constant 65535 : i32
        %and3A_2676 = vector.broadcast %and3A_2675 : i32 to vector<16xi32>
        %and3A_2677 = arith.andi %add3A_2674, %and3A_2676 : vector<16xi32>
        %jit3A_2678 = arith.constant 0 : i64
        %convert_element_type3A_2679 = arith.trunci %jit3A_2678 : i64 to i32
        %broadcast_in_dim3A_2680 = vector.broadcast %convert_element_type3A_2679 : i32 to vector<16xi32>
        %select_n3A_2681 = arith.select %ge3A_8, %and3A_2677, %broadcast_in_dim3A_2680 : vector<16xi1>, vector<16xi32>
        %mul3A_2682 = arith.constant 1000003 : i32
        %mul3A_2683 = vector.broadcast %mul3A_2682 : i32 to vector<16xi32>
        %mul3A_2684 = arith.muli %select_n3A_2681, %mul3A_2683 : vector<16xi32>
        %add3A_2685 = arith.addi %mul3A_2684, %gather3A_2669 : vector<16xi32>
        %add3A_2686 = arith.addi %add3A_2685, %add3A_27 : vector<16xi32>
        %and3A_2687 = arith.constant 65535 : i32
        %and3A_2688 = vector.broadcast %and3A_2687 : i32 to vector<16xi32>
        %and3A_2689 = arith.andi %add3A_2686, %and3A_2688 : vector<16xi32>
        %mul3A_2690 = arith.constant 1000003 : i32
        %mul3A_2691 = vector.broadcast %mul3A_2690 : i32 to vector<16xi32>
        %mul3A_2692 = arith.muli %and3A_2689, %mul3A_2691 : vector<16xi32>
        %add3A_2693 = arith.addi %mul3A_2692, %gather3A_2673 : vector<16xi32>
        %add3A_2694 = arith.addi %add3A_2693, %add3A_27 : vector<16xi32>
        %and3A_2695 = arith.constant 65535 : i32
        %and3A_2696 = vector.broadcast %and3A_2695 : i32 to vector<16xi32>
        %and3A_2697 = arith.andi %add3A_2694, %and3A_2696 : vector<16xi32>
        %add3A_2698 = arith.addi %and3A_2697, %mul3A_30 : vector<16xi32>
        %swap3A_2699 = arith.index_cast %sub3A_2563 : i32 to index
        %swap3A_2700 = arith.constant 32 : index
        %swap3A_2701 = tpu.vector_load %arg6[%swap3A_2699, %swap3A_2700] {strides = array<i32>} : memref<64x128xi32, #tpu.memory_space<vmem>>, vector<16xi32>,
        tpu.vector_store %arg6[%swap3A_2699, %swap3A_2700], %add3A_2698 {strides = array<i32>} : memref<64x128xi32, #tpu.memory_space<vmem>>, vector<16xi32>,
        %mul3A_2702 = arith.constant 16 : i32
        %mul3A_2703 = arith.muli %sub3A_2563, %mul3A_2702 : i32
        %add3A_2704 = arith.constant 6 : i32
        %add3A_2705 = arith.addi %mul3A_2703, %add3A_2704 : i32
        %add3A_2706 = vector.broadcast %add3A_2705 : i32 to vector<16xi32>
        %add3A_2707 = arith.addi %add3A_2706, %shift_right_arithmetic3A_6 : vector<16xi32>
        %add3A_2708 = arith.constant 6 : i32
        %add3A_2709 = vector.broadcast %add3A_2708 : i32 to vector<16xi32>
        %add3A_2710 = arith.addi %add3A_2707, %add3A_2709 : vector<16xi32>
        %gather3A_2711 = tpu.vector_load_idx %arg5[%add3A_2710] : memref<1040xi32, #tpu.memory_space<vmem>>[vector<16xi32>], vector<16xi32>,
        %add3A_2712 = arith.constant 7 : i32
        %add3A_2713 = vector.broadcast %add3A_2712 : i32 to vector<16xi32>
        %add3A_2714 = arith.addi %add3A_2707, %add3A_2713 : vector<16xi32>
        %gather3A_2715 = tpu.vector_load_idx %arg5[%add3A_2714] : memref<1040xi32, #tpu.memory_space<vmem>>[vector<16xi32>], vector<16xi32>,
        %add3A_2716 = arith.constant 8 : i32
        %add3A_2717 = vector.broadcast %add3A_2716 : i32 to vector<16xi32>
        %add3A_2718 = arith.addi %add3A_2707, %add3A_2717 : vector<16xi32>
        %gather3A_2719 = tpu.vector_load_idx %arg5[%add3A_2718] : memref<1040xi32, #tpu.memory_space<vmem>>[vector<16xi32>], vector<16xi32>,
        %add3A_2720 = arith.addi %gather3A_2711, %add3A_27 : vector<16xi32>
        %and3A_2721 = arith.constant 65535 : i32
        %and3A_2722 = vector.broadcast %and3A_2721 : i32 to vector<16xi32>
        %and3A_2723 = arith.andi %add3A_2720, %and3A_2722 : vector<16xi32>
        %jit3A_2724 = arith.constant 0 : i64
        %convert_element_type3A_2725 = arith.trunci %jit3A_2724 : i64 to i32
        %broadcast_in_dim3A_2726 = vector.broadcast %convert_element_type3A_2725 : i32 to vector<16xi32>
        %select_n3A_2727 = arith.select %ge3A_8, %and3A_2723, %broadcast_in_dim3A_2726 : vector<16xi1>, vector<16xi32>
        %mul3A_2728 = arith.constant 1000003 : i32
        %mul3A_2729 = vector.broadcast %mul3A_2728 : i32 to vector<16xi32>
        %mul3A_2730 = arith.muli %select_n3A_2727, %mul3A_2729 : vector<16xi32>
        %add3A_2731 = arith.addi %mul3A_2730, %gather3A_2715 : vector<16xi32>
        %add3A_2732 = arith.addi %add3A_2731, %add3A_27 : vector<16xi32>
        %and3A_2733 = arith.constant 65535 : i32
        %and3A_2734 = vector.broadcast %and3A_2733 : i32 to vector<16xi32>
        %and3A_2735 = arith.andi %add3A_2732, %and3A_2734 : vector<16xi32>
        %mul3A_2736 = arith.constant 1000003 : i32
        %mul3A_2737 = vector.broadcast %mul3A_2736 : i32 to vector<16xi32>
        %mul3A_2738 = arith.muli %and3A_2735, %mul3A_2737 : vector<16xi32>
        %add3A_2739 = arith.addi %mul3A_2738, %gather3A_2719 : vector<16xi32>
        %add3A_2740 = arith.addi %add3A_2739, %add3A_27 : vector<16xi32>
        %and3A_2741 = arith.constant 65535 : i32
        %and3A_2742 = vector.broadcast %and3A_2741 : i32 to vector<16xi32>
        %and3A_2743 = arith.andi %add3A_2740, %and3A_2742 : vector<16xi32>
        %add3A_2744 = arith.addi %and3A_2743, %mul3A_30 : vector<16xi32>
        %swap3A_2745 = arith.index_cast %sub3A_2563 : i32 to index
        %swap3A_2746 = arith.constant 48 : index
        %swap3A_2747 = tpu.vector_load %arg6[%swap3A_2745, %swap3A_2746] {strides = array<i32>} : memref<64x128xi32, #tpu.memory_space<vmem>>, vector<16xi32>,
        tpu.vector_store %arg6[%swap3A_2745, %swap3A_2746], %add3A_2744 {strides = array<i32>} : memref<64x128xi32, #tpu.memory_space<vmem>>, vector<16xi32>,
        %mul3A_2748 = arith.constant 16 : i32
        %mul3A_2749 = arith.muli %sub3A_2563, %mul3A_2748 : i32
        %add3A_2750 = arith.constant 8 : i32
        %add3A_2751 = arith.addi %mul3A_2749, %add3A_2750 : i32
        %add3A_2752 = vector.broadcast %add3A_2751 : i32 to vector<16xi32>
        %add3A_2753 = arith.addi %add3A_2752, %shift_right_arithmetic3A_6 : vector<16xi32>
        %add3A_2754 = arith.constant 6 : i32
        %add3A_2755 = vector.broadcast %add3A_2754 : i32 to vector<16xi32>
        %add3A_2756 = arith.addi %add3A_2753, %add3A_2755 : vector<16xi32>
        %gather3A_2757 = tpu.vector_load_idx %arg5[%add3A_2756] : memref<1040xi32, #tpu.memory_space<vmem>>[vector<16xi32>], vector<16xi32>,
        %add3A_2758 = arith.constant 7 : i32
        %add3A_2759 = vector.broadcast %add3A_2758 : i32 to vector<16xi32>
        %add3A_2760 = arith.addi %add3A_2753, %add3A_2759 : vector<16xi32>
        %gather3A_2761 = tpu.vector_load_idx %arg5[%add3A_2760] : memref<1040xi32, #tpu.memory_space<vmem>>[vector<16xi32>], vector<16xi32>,
        %add3A_2762 = arith.constant 8 : i32
        %add3A_2763 = vector.broadcast %add3A_2762 : i32 to vector<16xi32>
        %add3A_2764 = arith.addi %add3A_2753, %add3A_2763 : vector<16xi32>
        %gather3A_2765 = tpu.vector_load_idx %arg5[%add3A_2764] : memref<1040xi32, #tpu.memory_space<vmem>>[vector<16xi32>], vector<16xi32>,
        %add3A_2766 = arith.addi %gather3A_2757, %add3A_27 : vector<16xi32>
        %and3A_2767 = arith.constant 65535 : i32
        %and3A_2768 = vector.broadcast %and3A_2767 : i32 to vector<16xi32>
        %and3A_2769 = arith.andi %add3A_2766, %and3A_2768 : vector<16xi32>
        %jit3A_2770 = arith.constant 0 : i64
        %convert_element_type3A_2771 = arith.trunci %jit3A_2770 : i64 to i32
        %broadcast_in_dim3A_2772 = vector.broadcast %convert_element_type3A_2771 : i32 to vector<16xi32>
        %select_n3A_2773 = arith.select %ge3A_8, %and3A_2769, %broadcast_in_dim3A_2772 : vector<16xi1>, vector<16xi32>
        %mul3A_2774 = arith.constant 1000003 : i32
        %mul3A_2775 = vector.broadcast %mul3A_2774 : i32 to vector<16xi32>
        %mul3A_2776 = arith.muli %select_n3A_2773, %mul3A_2775 : vector<16xi32>
        %add3A_2777 = arith.addi %mul3A_2776, %gather3A_2761 : vector<16xi32>
        %add3A_2778 = arith.addi %add3A_2777, %add3A_27 : vector<16xi32>
        %and3A_2779 = arith.constant 65535 : i32
        %and3A_2780 = vector.broadcast %and3A_2779 : i32 to vector<16xi32>
        %and3A_2781 = arith.andi %add3A_2778, %and3A_2780 : vector<16xi32>
        %mul3A_2782 = arith.constant 1000003 : i32
        %mul3A_2783 = vector.broadcast %mul3A_2782 : i32 to vector<16xi32>
        %mul3A_2784 = arith.muli %and3A_2781, %mul3A_2783 : vector<16xi32>
        %add3A_2785 = arith.addi %mul3A_2784, %gather3A_2765 : vector<16xi32>
        %add3A_2786 = arith.addi %add3A_2785, %add3A_27 : vector<16xi32>
        %and3A_2787 = arith.constant 65535 : i32
        %and3A_2788 = vector.broadcast %and3A_2787 : i32 to vector<16xi32>
        %and3A_2789 = arith.andi %add3A_2786, %and3A_2788 : vector<16xi32>
        %add3A_2790 = arith.addi %and3A_2789, %mul3A_30 : vector<16xi32>
        %swap3A_2791 = arith.index_cast %sub3A_2563 : i32 to index
        %swap3A_2792 = arith.constant 64 : index
        %swap3A_2793 = tpu.vector_load %arg6[%swap3A_2791, %swap3A_2792] {strides = array<i32>} : memref<64x128xi32, #tpu.memory_space<vmem>>, vector<16xi32>,
        tpu.vector_store %arg6[%swap3A_2791, %swap3A_2792], %add3A_2790 {strides = array<i32>} : memref<64x128xi32, #tpu.memory_space<vmem>>, vector<16xi32>,
        %mul3A_2794 = arith.constant 16 : i32
        %mul3A_2795 = arith.muli %sub3A_2563, %mul3A_2794 : i32
        %add3A_2796 = arith.constant 10 : i32
        %add3A_2797 = arith.addi %mul3A_2795, %add3A_2796 : i32
        %add3A_2798 = vector.broadcast %add3A_2797 : i32 to vector<16xi32>
        %add3A_2799 = arith.addi %add3A_2798, %shift_right_arithmetic3A_6 : vector<16xi32>
        %add3A_2800 = arith.constant 6 : i32
        %add3A_2801 = vector.broadcast %add3A_2800 : i32 to vector<16xi32>
        %add3A_2802 = arith.addi %add3A_2799, %add3A_2801 : vector<16xi32>
        %gather3A_2803 = tpu.vector_load_idx %arg5[%add3A_2802] : memref<1040xi32, #tpu.memory_space<vmem>>[vector<16xi32>], vector<16xi32>,
        %add3A_2804 = arith.constant 7 : i32
        %add3A_2805 = vector.broadcast %add3A_2804 : i32 to vector<16xi32>
        %add3A_2806 = arith.addi %add3A_2799, %add3A_2805 : vector<16xi32>
        %gather3A_2807 = tpu.vector_load_idx %arg5[%add3A_2806] : memref<1040xi32, #tpu.memory_space<vmem>>[vector<16xi32>], vector<16xi32>,
        %add3A_2808 = arith.constant 8 : i32
        %add3A_2809 = vector.broadcast %add3A_2808 : i32 to vector<16xi32>
        %add3A_2810 = arith.addi %add3A_2799, %add3A_2809 : vector<16xi32>
        %gather3A_2811 = tpu.vector_load_idx %arg5[%add3A_2810] : memref<1040xi32, #tpu.memory_space<vmem>>[vector<16xi32>], vector<16xi32>,
        %add3A_2812 = arith.addi %gather3A_2803, %add3A_27 : vector<16xi32>
        %and3A_2813 = arith.constant 65535 : i32
        %and3A_2814 = vector.broadcast %and3A_2813 : i32 to vector<16xi32>
        %and3A_2815 = arith.andi %add3A_2812, %and3A_2814 : vector<16xi32>
        %jit3A_2816 = arith.constant 0 : i64
        %convert_element_type3A_2817 = arith.trunci %jit3A_2816 : i64 to i32
        %broadcast_in_dim3A_2818 = vector.broadcast %convert_element_type3A_2817 : i32 to vector<16xi32>
        %select_n3A_2819 = arith.select %ge3A_8, %and3A_2815, %broadcast_in_dim3A_2818 : vector<16xi1>, vector<16xi32>
        %mul3A_2820 = arith.constant 1000003 : i32
        %mul3A_2821 = vector.broadcast %mul3A_2820 : i32 to vector<16xi32>
        %mul3A_2822 = arith.muli %select_n3A_2819, %mul3A_2821 : vector<16xi32>
        %add3A_2823 = arith.addi %mul3A_2822, %gather3A_2807 : vector<16xi32>
        %add3A_2824 = arith.addi %add3A_2823, %add3A_27 : vector<16xi32>
        %and3A_2825 = arith.constant 65535 : i32
        %and3A_2826 = vector.broadcast %and3A_2825 : i32 to vector<16xi32>
        %and3A_2827 = arith.andi %add3A_2824, %and3A_2826 : vector<16xi32>
        %mul3A_2828 = arith.constant 1000003 : i32
        %mul3A_2829 = vector.broadcast %mul3A_2828 : i32 to vector<16xi32>
        %mul3A_2830 = arith.muli %and3A_2827, %mul3A_2829 : vector<16xi32>
        %add3A_2831 = arith.addi %mul3A_2830, %gather3A_2811 : vector<16xi32>
        %add3A_2832 = arith.addi %add3A_2831, %add3A_27 : vector<16xi32>
        %and3A_2833 = arith.constant 65535 : i32
        %and3A_2834 = vector.broadcast %and3A_2833 : i32 to vector<16xi32>
        %and3A_2835 = arith.andi %add3A_2832, %and3A_2834 : vector<16xi32>
        %add3A_2836 = arith.addi %and3A_2835, %mul3A_30 : vector<16xi32>
        %swap3A_2837 = arith.index_cast %sub3A_2563 : i32 to index
        %swap3A_2838 = arith.constant 80 : index
        %swap3A_2839 = tpu.vector_load %arg6[%swap3A_2837, %swap3A_2838] {strides = array<i32>} : memref<64x128xi32, #tpu.memory_space<vmem>>, vector<16xi32>,
        tpu.vector_store %arg6[%swap3A_2837, %swap3A_2838], %add3A_2836 {strides = array<i32>} : memref<64x128xi32, #tpu.memory_space<vmem>>, vector<16xi32>,
        %mul3A_2840 = arith.constant 16 : i32
        %mul3A_2841 = arith.muli %sub3A_2563, %mul3A_2840 : i32
        %add3A_2842 = arith.constant 12 : i32
        %add3A_2843 = arith.addi %mul3A_2841, %add3A_2842 : i32
        %add3A_2844 = vector.broadcast %add3A_2843 : i32 to vector<16xi32>
        %add3A_2845 = arith.addi %add3A_2844, %shift_right_arithmetic3A_6 : vector<16xi32>
        %add3A_2846 = arith.constant 6 : i32
        %add3A_2847 = vector.broadcast %add3A_2846 : i32 to vector<16xi32>
        %add3A_2848 = arith.addi %add3A_2845, %add3A_2847 : vector<16xi32>
        %gather3A_2849 = tpu.vector_load_idx %arg5[%add3A_2848] : memref<1040xi32, #tpu.memory_space<vmem>>[vector<16xi32>], vector<16xi32>,
        %add3A_2850 = arith.constant 7 : i32
        %add3A_2851 = vector.broadcast %add3A_2850 : i32 to vector<16xi32>
        %add3A_2852 = arith.addi %add3A_2845, %add3A_2851 : vector<16xi32>
        %gather3A_2853 = tpu.vector_load_idx %arg5[%add3A_2852] : memref<1040xi32, #tpu.memory_space<vmem>>[vector<16xi32>], vector<16xi32>,
        %add3A_2854 = arith.constant 8 : i32
        %add3A_2855 = vector.broadcast %add3A_2854 : i32 to vector<16xi32>
        %add3A_2856 = arith.addi %add3A_2845, %add3A_2855 : vector<16xi32>
        %gather3A_2857 = tpu.vector_load_idx %arg5[%add3A_2856] : memref<1040xi32, #tpu.memory_space<vmem>>[vector<16xi32>], vector<16xi32>,
        %add3A_2858 = arith.addi %gather3A_2849, %add3A_27 : vector<16xi32>
        %and3A_2859 = arith.constant 65535 : i32
        %and3A_2860 = vector.broadcast %and3A_2859 : i32 to vector<16xi32>
        %and3A_2861 = arith.andi %add3A_2858, %and3A_2860 : vector<16xi32>
        %jit3A_2862 = arith.constant 0 : i64
        %convert_element_type3A_2863 = arith.trunci %jit3A_2862 : i64 to i32
        %broadcast_in_dim3A_2864 = vector.broadcast %convert_element_type3A_2863 : i32 to vector<16xi32>
        %select_n3A_2865 = arith.select %ge3A_8, %and3A_2861, %broadcast_in_dim3A_2864 : vector<16xi1>, vector<16xi32>
        %mul3A_2866 = arith.constant 1000003 : i32
        %mul3A_2867 = vector.broadcast %mul3A_2866 : i32 to vector<16xi32>
        %mul3A_2868 = arith.muli %select_n3A_2865, %mul3A_2867 : vector<16xi32>
        %add3A_2869 = arith.addi %mul3A_2868, %gather3A_2853 : vector<16xi32>
        %add3A_2870 = arith.addi %add3A_2869, %add3A_27 : vector<16xi32>
        %and3A_2871 = arith.constant 65535 : i32
        %and3A_2872 = vector.broadcast %and3A_2871 : i32 to vector<16xi32>
        %and3A_2873 = arith.andi %add3A_2870, %and3A_2872 : vector<16xi32>
        %mul3A_2874 = arith.constant 1000003 : i32
        %mul3A_2875 = vector.broadcast %mul3A_2874 : i32 to vector<16xi32>
        %mul3A_2876 = arith.muli %and3A_2873, %mul3A_2875 : vector<16xi32>
        %add3A_2877 = arith.addi %mul3A_2876, %gather3A_2857 : vector<16xi32>
        %add3A_2878 = arith.addi %add3A_2877, %add3A_27 : vector<16xi32>
        %and3A_2879 = arith.constant 65535 : i32
        %and3A_2880 = vector.broadcast %and3A_2879 : i32 to vector<16xi32>
        %and3A_2881 = arith.andi %add3A_2878, %and3A_2880 : vector<16xi32>
        %add3A_2882 = arith.addi %and3A_2881, %mul3A_30 : vector<16xi32>
        %swap3A_2883 = arith.index_cast %sub3A_2563 : i32 to index
        %swap3A_2884 = arith.constant 96 : index
        %swap3A_2885 = tpu.vector_load %arg6[%swap3A_2883, %swap3A_2884] {strides = array<i32>} : memref<64x128xi32, #tpu.memory_space<vmem>>, vector<16xi32>,
        tpu.vector_store %arg6[%swap3A_2883, %swap3A_2884], %add3A_2882 {strides = array<i32>} : memref<64x128xi32, #tpu.memory_space<vmem>>, vector<16xi32>,
        %mul3A_2886 = arith.constant 16 : i32
        %mul3A_2887 = arith.muli %sub3A_2563, %mul3A_2886 : i32
        %add3A_2888 = arith.constant 14 : i32
        %add3A_2889 = arith.addi %mul3A_2887, %add3A_2888 : i32
        %add3A_2890 = vector.broadcast %add3A_2889 : i32 to vector<16xi32>
        %add3A_2891 = arith.addi %add3A_2890, %shift_right_arithmetic3A_6 : vector<16xi32>
        %add3A_2892 = arith.constant 6 : i32
        %add3A_2893 = vector.broadcast %add3A_2892 : i32 to vector<16xi32>
        %add3A_2894 = arith.addi %add3A_2891, %add3A_2893 : vector<16xi32>
        %gather3A_2895 = tpu.vector_load_idx %arg5[%add3A_2894] : memref<1040xi32, #tpu.memory_space<vmem>>[vector<16xi32>], vector<16xi32>,
        %add3A_2896 = arith.constant 7 : i32
        %add3A_2897 = vector.broadcast %add3A_2896 : i32 to vector<16xi32>
        %add3A_2898 = arith.addi %add3A_2891, %add3A_2897 : vector<16xi32>
        %gather3A_2899 = tpu.vector_load_idx %arg5[%add3A_2898] : memref<1040xi32, #tpu.memory_space<vmem>>[vector<16xi32>], vector<16xi32>,
        %add3A_2900 = arith.constant 8 : i32
        %add3A_2901 = vector.broadcast %add3A_2900 : i32 to vector<16xi32>
        %add3A_2902 = arith.addi %add3A_2891, %add3A_2901 : vector<16xi32>
        %gather3A_2903 = tpu.vector_load_idx %arg5[%add3A_2902] : memref<1040xi32, #tpu.memory_space<vmem>>[vector<16xi32>], vector<16xi32>,
        %add3A_2904 = arith.addi %gather3A_2895, %add3A_27 : vector<16xi32>
        %and3A_2905 = arith.constant 65535 : i32
        %and3A_2906 = vector.broadcast %and3A_2905 : i32 to vector<16xi32>
        %and3A_2907 = arith.andi %add3A_2904, %and3A_2906 : vector<16xi32>
        %jit3A_2908 = arith.constant 0 : i64
        %convert_element_type3A_2909 = arith.trunci %jit3A_2908 : i64 to i32
        %broadcast_in_dim3A_2910 = vector.broadcast %convert_element_type3A_2909 : i32 to vector<16xi32>
        %select_n3A_2911 = arith.select %ge3A_8, %and3A_2907, %broadcast_in_dim3A_2910 : vector<16xi1>, vector<16xi32>
        %mul3A_2912 = arith.constant 1000003 : i32
        %mul3A_2913 = vector.broadcast %mul3A_2912 : i32 to vector<16xi32>
        %mul3A_2914 = arith.muli %select_n3A_2911, %mul3A_2913 : vector<16xi32>
        %add3A_2915 = arith.addi %mul3A_2914, %gather3A_2899 : vector<16xi32>
        %add3A_2916 = arith.addi %add3A_2915, %add3A_27 : vector<16xi32>
        %and3A_2917 = arith.constant 65535 : i32
        %and3A_2918 = vector.broadcast %and3A_2917 : i32 to vector<16xi32>
        %and3A_2919 = arith.andi %add3A_2916, %and3A_2918 : vector<16xi32>
        %mul3A_2920 = arith.constant 1000003 : i32
        %mul3A_2921 = vector.broadcast %mul3A_2920 : i32 to vector<16xi32>
        %mul3A_2922 = arith.muli %and3A_2919, %mul3A_2921 : vector<16xi32>
        %add3A_2923 = arith.addi %mul3A_2922, %gather3A_2903 : vector<16xi32>
        %add3A_2924 = arith.addi %add3A_2923, %add3A_27 : vector<16xi32>
        %and3A_2925 = arith.constant 65535 : i32
        %and3A_2926 = vector.broadcast %and3A_2925 : i32 to vector<16xi32>
        %and3A_2927 = arith.andi %add3A_2924, %and3A_2926 : vector<16xi32>
        %add3A_2928 = arith.addi %and3A_2927, %mul3A_30 : vector<16xi32>
        %swap3A_2929 = arith.index_cast %sub3A_2563 : i32 to index
        %swap3A_2930 = arith.constant 112 : index
        %swap3A_2931 = tpu.vector_load %arg6[%swap3A_2929, %swap3A_2930] {strides = array<i32>} : memref<64x128xi32, #tpu.memory_space<vmem>>, vector<16xi32>,
        tpu.vector_store %arg6[%swap3A_2929, %swap3A_2930], %add3A_2928 {strides = array<i32>} : memref<64x128xi32, #tpu.memory_space<vmem>>, vector<16xi32>,
      } else {
      }
      %ge3A_2537 = arith.constant 1 : i32
      %ge3A_2538 = arith.cmpi sge, %scan3A_2481, %ge3A_2537 : i32
      %add3A_2539 = arith.constant 7 : i32
      %add3A_2540 = arith.addi %scan3A_2481, %add3A_2539 : i32
      %sub3A_2541 = arith.constant 1 : i32
      %sub3A_2542 = arith.subi %add3A_2540, %sub3A_2541 : i32
      %lt3A_2543 = arith.constant 64 : i32
      %lt3A_2544 = arith.cmpi slt, %sub3A_2542, %lt3A_2543 : i32
      %and3A_2545 = arith.andi %ge3A_2538, %lt3A_2544 : i1
      %convert_element_type3A_2546 = arith.extui %and3A_2545 : i1 to i32
      %cond3A_2547 = arith.constant 0 : i32
      %cond3A_2548 = arith.cmpi ne, %convert_element_type3A_2546, %cond3A_2547 : i32
      scf.if %cond3A_2548 {
        %sub3A_2560 = arith.constant 1 : i32
        %sub3A_2561 = arith.subi %scan3A_2481, %sub3A_2560 : i32
        %jit3A_2562 = arith.constant 7 : i64
        %convert_element_type3A_2563 = arith.trunci %jit3A_2562 : i64 to i32
        %eq3A_2564 = arith.constant 0 : i32
        %eq3A_2565 = arith.cmpi eq, %convert_element_type3A_2563, %eq3A_2564 : i32
        %jit3A_2566 = arith.constant 1 : i32
        %select_n3A_2567 = arith.select %eq3A_2565, %jit3A_2566, %convert_element_type3A_2563 : i32
        %rem3A_2568 = arith.remsi %sub3A_2561, %select_n3A_2567 : i32
        %ne3A_2569 = arith.constant 0 : i32
        %ne3A_2570 = arith.cmpi ne, %rem3A_2568, %ne3A_2569 : i32
        %lt3A_2571 = arith.constant 0 : i32
        %lt3A_2572 = arith.cmpi slt, %rem3A_2568, %lt3A_2571 : i32
        %lt3A_2573 = arith.constant 0 : i32
        %lt3A_2574 = arith.cmpi slt, %select_n3A_2567, %lt3A_2573 : i32
        %ne3A_2575 = arith.xori %lt3A_2572, %lt3A_2574 : i1
        %and3A_2576 = arith.andi %ne3A_2575, %ne3A_2570 : i1
        %add3A_2577 = arith.addi %rem3A_2568, %select_n3A_2567 : i32
        %select_n3A_2578 = arith.select %and3A_2576, %add3A_2577, %rem3A_2568 : i32
        %sub3A_2579 = arith.constant 1 : i32
        %sub3A_2580 = arith.subi %scan3A_2481, %sub3A_2579 : i32
        %mul3A_2581 = arith.constant 16 : i32
        %mul3A_2582 = arith.muli %sub3A_2580, %mul3A_2581 : i32
        %add3A_2583 = arith.addi %mul3A_52, %mul3A_2582 : i32
        %dma_wait3A_2584 = arith.constant 0 : i32
        %dma_wait3A_2585 = arith.constant 0 : i32
        %dma_wait3A_2586 = tpu.memref_slice %arg7[%select_n3A_2578, %dma_wait3A_2584, %dma_wait3A_2585] : memref<7x128x128xf32, #tpu.memory_space<vmem>> -> memref<1x128x128xf32, #tpu.memory_space<vmem>>
        %dma_wait3A_2587 = tpu.memref_squeeze %dma_wait3A_2586 : memref<1x128x128xf32, #tpu.memory_space<vmem>> -> memref<128x128xf32, #tpu.memory_space<vmem>>
        %dma_wait3A_2588 = tpu.memref_reshape %dma_wait3A_2587 : memref<128x128xf32, #tpu.memory_space<vmem>> -> memref<16x1024xf32, #tpu.memory_space<vmem>>
        %dma_wait3A_2589 = arith.constant 0 : i32
        %dma_wait3A_2590 = tpu.memref_slice %arg4[%shift_right_arithmetic3A_48, %add3A_2583, %dma_wait3A_2589] : memref<4x8192x1024xf32, #tpu.memory_space<hbm>> -> memref<1x16x1024xf32, #tpu.memory_space<hbm>>
        %dma_wait3A_2591 = tpu.memref_squeeze %dma_wait3A_2590 : memref<1x16x1024xf32, #tpu.memory_space<hbm>> -> memref<16x1024xf32, #tpu.memory_space<hbm>>
        %dma_wait3A_2592 = arith.constant 0 : i32
        %dma_wait3A_2593 = tpu.memref_slice %arg4[%shift_right_arithmetic3A_48, %add3A_2583, %dma_wait3A_2592] : memref<4x8192x1024xf32, #tpu.memory_space<hbm>> -> memref<1x16x1024xf32, #tpu.memory_space<hbm>>
        %dma_wait3A_2594 = tpu.memref_squeeze %dma_wait3A_2593 : memref<1x16x1024xf32, #tpu.memory_space<hbm>> -> memref<16x1024xf32, #tpu.memory_space<hbm>>
        %dma_wait3A_2595 = arith.constant 0 : i32
        %dma_wait3A_2596 = arith.constant 0 : i32
        %dma_wait3A_2597 = tpu.memref_slice %arg7[%select_n3A_2578, %dma_wait3A_2595, %dma_wait3A_2596] : memref<7x128x128xf32, #tpu.memory_space<vmem>> -> memref<1x128x128xf32, #tpu.memory_space<vmem>>
        %dma_wait3A_2598 = tpu.memref_squeeze %dma_wait3A_2597 : memref<1x128x128xf32, #tpu.memory_space<vmem>> -> memref<128x128xf32, #tpu.memory_space<vmem>>
        %dma_wait3A_2599 = tpu.memref_reshape %dma_wait3A_2598 : memref<128x128xf32, #tpu.memory_space<vmem>> -> memref<16x1024xf32, #tpu.memory_space<vmem>>
        tpu.wait_dma2 semaphore(%arg9 : memref<!tpu.dma_semaphore, #tpu.memory_space<semaphore_mem>>) src(%dma_wait3A_2599 : memref<16x1024xf32, #tpu.memory_space<vmem>>) dst(%dma_wait3A_2594 : memref<16x1024xf32, #tpu.memory_space<hbm>>)
      } else {
      }
      %add3A_2549 = arith.constant 7 : i32
      %add3A_2550 = arith.addi %scan3A_2481, %add3A_2549 : i32
      %sub3A_2551 = arith.constant 1 : i32
      %sub3A_2552 = arith.subi %add3A_2550, %sub3A_2551 : i32
      %lt3A_2553 = arith.constant 64 : i32
      %lt3A_2554 = arith.cmpi slt, %sub3A_2552, %lt3A_2553 : i32
      %convert_element_type3A_2555 = arith.extui %lt3A_2554 : i1 to i32
      %cond3A_2556 = arith.constant 0 : i32
      %cond3A_2557 = arith.cmpi ne, %convert_element_type3A_2555, %cond3A_2556 : i32
      scf.if %cond3A_2557 {
        %add3A_2560 = arith.constant 7 : i32
        %add3A_2561 = arith.addi %scan3A_2481, %add3A_2560 : i32
        %sub3A_2562 = arith.constant 1 : i32
        %sub3A_2563 = arith.subi %add3A_2561, %sub3A_2562 : i32
        %add3A_2564 = arith.constant 7 : i32
        %add3A_2565 = arith.addi %scan3A_2481, %add3A_2564 : i32
        %sub3A_2566 = arith.constant 1 : i32
        %sub3A_2567 = arith.subi %add3A_2565, %sub3A_2566 : i32
        %jit3A_2568 = arith.constant 7 : i64
        %convert_element_type3A_2569 = arith.trunci %jit3A_2568 : i64 to i32
        %eq3A_2570 = arith.constant 0 : i32
        %eq3A_2571 = arith.cmpi eq, %convert_element_type3A_2569, %eq3A_2570 : i32
        %jit3A_2572 = arith.constant 1 : i32
        %select_n3A_2573 = arith.select %eq3A_2571, %jit3A_2572, %convert_element_type3A_2569 : i32
        %rem3A_2574 = arith.remsi %sub3A_2567, %select_n3A_2573 : i32
        %ne3A_2575 = arith.constant 0 : i32
        %ne3A_2576 = arith.cmpi ne, %rem3A_2574, %ne3A_2575 : i32
        %lt3A_2577 = arith.constant 0 : i32
        %lt3A_2578 = arith.cmpi slt, %rem3A_2574, %lt3A_2577 : i32
        %lt3A_2579 = arith.constant 0 : i32
        %lt3A_2580 = arith.cmpi slt, %select_n3A_2573, %lt3A_2579 : i32
        %ne3A_2581 = arith.xori %lt3A_2578, %lt3A_2580 : i1
        %and3A_2582 = arith.andi %ne3A_2581, %ne3A_2576 : i1
        %add3A_2583 = arith.addi %rem3A_2574, %select_n3A_2573 : i32
        %select_n3A_2584 = arith.select %and3A_2582, %add3A_2583, %rem3A_2574 : i32
        %dma_start3A_2585 = arith.constant 0 : i32
        %dma_start3A_2586 = arith.constant 0 : i32
        %dma_start3A_2587 = tpu.memref_slice %arg7[%select_n3A_2584, %dma_start3A_2585, %dma_start3A_2586] : memref<7x128x128xf32, #tpu.memory_space<vmem>> -> memref<1x128x128xf32, #tpu.memory_space<vmem>>
        %dma_start3A_2588 = tpu.memref_squeeze %dma_start3A_2587 : memref<1x128x128xf32, #tpu.memory_space<vmem>> -> memref<128x128xf32, #tpu.memory_space<vmem>>
        %dma_start3A_2589 = arith.constant 0 : i32
        %dma_start3A_2590 = tpu.memref_slice %arg6[%sub3A_2563, %dma_start3A_2589] : memref<64x128xi32, #tpu.memory_space<vmem>> -> memref<1x128xi32, #tpu.memory_space<vmem>>
        %dma_start3A_2591 = tpu.memref_squeeze %dma_start3A_2590 : memref<1x128xi32, #tpu.memory_space<vmem>> -> memref<128xi32, #tpu.memory_space<vmem>>
        %dma_start3A_2592 = arith.constant 0 : i32
        %dma_start3A_2593 = arith.constant 0 : i32
        %dma_start3A_2594 = tpu.memref_slice %arg3[%dma_start3A_2592, %dma_start3A_2593] : memref<524288x128xf32, #tpu.memory_space<hbm>> -> memref<524288x128xf32, #tpu.memory_space<hbm>>
        tpu.enqueue_indirect_dma source(%dma_start3A_2594 : memref<524288x128xf32, #tpu.memory_space<hbm>>) target(%dma_start3A_2588 : memref<128x128xf32, #tpu.memory_space<vmem>>) offsets(%dma_start3A_2591 : memref<128xi32, #tpu.memory_space<vmem>>) semaphore(%arg8 : memref<!tpu.dma_semaphore, #tpu.memory_space<semaphore_mem>>)
      } else {
      }
      %add3A_2558 = arith.constant 1 : i32
      %add3A_2559 = arith.addi %scan3A_2481, %add3A_2558 : i32
      scf.yield %add3A_2559 : i32
    }
    %scan3A_2347 = arith.constant 64 : i32
    %add3A_2348 = arith.constant 912 : i32
    %add3A_2349 = arith.addi %mul3A_52, %add3A_2348 : i32
    %dma_wait3A = arith.constant 1 : i32
    %dma_wait3A_2350 = arith.constant 0 : i32
    %dma_wait3A_2351 = arith.constant 0 : i32
    %dma_wait3A_2352 = tpu.memref_slice %arg7[%dma_wait3A, %dma_wait3A_2350, %dma_wait3A_2351] : memref<7x128x128xf32, #tpu.memory_space<vmem>> -> memref<1x128x128xf32, #tpu.memory_space<vmem>>
    %dma_wait3A_2353 = tpu.memref_squeeze %dma_wait3A_2352 : memref<1x128x128xf32, #tpu.memory_space<vmem>> -> memref<128x128xf32, #tpu.memory_space<vmem>>
    %dma_wait3A_2354 = tpu.memref_reshape %dma_wait3A_2353 : memref<128x128xf32, #tpu.memory_space<vmem>> -> memref<16x1024xf32, #tpu.memory_space<vmem>>
    %dma_wait3A_2355 = arith.constant 0 : i32
    %dma_wait3A_2356 = tpu.memref_slice %arg4[%shift_right_arithmetic3A_48, %add3A_2349, %dma_wait3A_2355] : memref<4x8192x1024xf32, #tpu.memory_space<hbm>> -> memref<1x16x1024xf32, #tpu.memory_space<hbm>>
    %dma_wait3A_2357 = tpu.memref_squeeze %dma_wait3A_2356 : memref<1x16x1024xf32, #tpu.memory_space<hbm>> -> memref<16x1024xf32, #tpu.memory_space<hbm>>
    %dma_wait3A_2358 = arith.constant 0 : i32
    %dma_wait3A_2359 = tpu.memref_slice %arg4[%shift_right_arithmetic3A_48, %add3A_2349, %dma_wait3A_2358] : memref<4x8192x1024xf32, #tpu.memory_space<hbm>> -> memref<1x16x1024xf32, #tpu.memory_space<hbm>>
    %dma_wait3A_2360 = tpu.memref_squeeze %dma_wait3A_2359 : memref<1x16x1024xf32, #tpu.memory_space<hbm>> -> memref<16x1024xf32, #tpu.memory_space<hbm>>
    %dma_wait3A_2361 = arith.constant 0 : i32
    %dma_wait3A_2362 = arith.constant 0 : i32
    %dma_wait3A_2363 = tpu.memref_slice %arg7[%dma_wait3A, %dma_wait3A_2361, %dma_wait3A_2362] : memref<7x128x128xf32, #tpu.memory_space<vmem>> -> memref<1x128x128xf32, #tpu.memory_space<vmem>>
    %dma_wait3A_2364 = tpu.memref_squeeze %dma_wait3A_2363 : memref<1x128x128xf32, #tpu.memory_space<vmem>> -> memref<128x128xf32, #tpu.memory_space<vmem>>
    %dma_wait3A_2365 = tpu.memref_reshape %dma_wait3A_2364 : memref<128x128xf32, #tpu.memory_space<vmem>> -> memref<16x1024xf32, #tpu.memory_space<vmem>>
    tpu.wait_dma2 semaphore(%arg9 : memref<!tpu.dma_semaphore, #tpu.memory_space<semaphore_mem>>) src(%dma_wait3A_2365 : memref<16x1024xf32, #tpu.memory_space<vmem>>) dst(%dma_wait3A_2360 : memref<16x1024xf32, #tpu.memory_space<hbm>>)
    %add3A_2366 = arith.constant 928 : i32
    %add3A_2367 = arith.addi %mul3A_52, %add3A_2366 : i32
    %dma_wait3A_2368 = arith.constant 2 : i32
    %dma_wait3A_2369 = arith.constant 0 : i32
    %dma_wait3A_2370 = arith.constant 0 : i32
    %dma_wait3A_2371 = tpu.memref_slice %arg7[%dma_wait3A_2368, %dma_wait3A_2369, %dma_wait3A_2370] : memref<7x128x128xf32, #tpu.memory_space<vmem>> -> memref<1x128x128xf32, #tpu.memory_space<vmem>>
    %dma_wait3A_2372 = tpu.memref_squeeze %dma_wait3A_2371 : memref<1x128x128xf32, #tpu.memory_space<vmem>> -> memref<128x128xf32, #tpu.memory_space<vmem>>
    %dma_wait3A_2373 = tpu.memref_reshape %dma_wait3A_2372 : memref<128x128xf32, #tpu.memory_space<vmem>> -> memref<16x1024xf32, #tpu.memory_space<vmem>>
    %dma_wait3A_2374 = arith.constant 0 : i32
    %dma_wait3A_2375 = tpu.memref_slice %arg4[%shift_right_arithmetic3A_48, %add3A_2367, %dma_wait3A_2374] : memref<4x8192x1024xf32, #tpu.memory_space<hbm>> -> memref<1x16x1024xf32, #tpu.memory_space<hbm>>
    %dma_wait3A_2376 = tpu.memref_squeeze %dma_wait3A_2375 : memref<1x16x1024xf32, #tpu.memory_space<hbm>> -> memref<16x1024xf32, #tpu.memory_space<hbm>>
    %dma_wait3A_2377 = arith.constant 0 : i32
    %dma_wait3A_2378 = tpu.memref_slice %arg4[%shift_right_arithmetic3A_48, %add3A_2367, %dma_wait3A_2377] : memref<4x8192x1024xf32, #tpu.memory_space<hbm>> -> memref<1x16x1024xf32, #tpu.memory_space<hbm>>
    %dma_wait3A_2379 = tpu.memref_squeeze %dma_wait3A_2378 : memref<1x16x1024xf32, #tpu.memory_space<hbm>> -> memref<16x1024xf32, #tpu.memory_space<hbm>>
    %dma_wait3A_2380 = arith.constant 0 : i32
    %dma_wait3A_2381 = arith.constant 0 : i32
    %dma_wait3A_2382 = tpu.memref_slice %arg7[%dma_wait3A_2368, %dma_wait3A_2380, %dma_wait3A_2381] : memref<7x128x128xf32, #tpu.memory_space<vmem>> -> memref<1x128x128xf32, #tpu.memory_space<vmem>>
    %dma_wait3A_2383 = tpu.memref_squeeze %dma_wait3A_2382 : memref<1x128x128xf32, #tpu.memory_space<vmem>> -> memref<128x128xf32, #tpu.memory_space<vmem>>
    %dma_wait3A_2384 = tpu.memref_reshape %dma_wait3A_2383 : memref<128x128xf32, #tpu.memory_space<vmem>> -> memref<16x1024xf32, #tpu.memory_space<vmem>>
    tpu.wait_dma2 semaphore(%arg9 : memref<!tpu.dma_semaphore, #tpu.memory_space<semaphore_mem>>) src(%dma_wait3A_2384 : memref<16x1024xf32, #tpu.memory_space<vmem>>) dst(%dma_wait3A_2379 : memref<16x1024xf32, #tpu.memory_space<hbm>>)
    %add3A_2385 = arith.constant 944 : i32
    %add3A_2386 = arith.addi %mul3A_52, %add3A_2385 : i32
    %dma_wait3A_2387 = arith.constant 3 : i32
    %dma_wait3A_2388 = arith.constant 0 : i32
    %dma_wait3A_2389 = arith.constant 0 : i32
    %dma_wait3A_2390 = tpu.memref_slice %arg7[%dma_wait3A_2387, %dma_wait3A_2388, %dma_wait3A_2389] : memref<7x128x128xf32, #tpu.memory_space<vmem>> -> memref<1x128x128xf32, #tpu.memory_space<vmem>>
    %dma_wait3A_2391 = tpu.memref_squeeze %dma_wait3A_2390 : memref<1x128x128xf32, #tpu.memory_space<vmem>> -> memref<128x128xf32, #tpu.memory_space<vmem>>
    %dma_wait3A_2392 = tpu.memref_reshape %dma_wait3A_2391 : memref<128x128xf32, #tpu.memory_space<vmem>> -> memref<16x1024xf32, #tpu.memory_space<vmem>>
    %dma_wait3A_2393 = arith.constant 0 : i32
    %dma_wait3A_2394 = tpu.memref_slice %arg4[%shift_right_arithmetic3A_48, %add3A_2386, %dma_wait3A_2393] : memref<4x8192x1024xf32, #tpu.memory_space<hbm>> -> memref<1x16x1024xf32, #tpu.memory_space<hbm>>
    %dma_wait3A_2395 = tpu.memref_squeeze %dma_wait3A_2394 : memref<1x16x1024xf32, #tpu.memory_space<hbm>> -> memref<16x1024xf32, #tpu.memory_space<hbm>>
    %dma_wait3A_2396 = arith.constant 0 : i32
    %dma_wait3A_2397 = tpu.memref_slice %arg4[%shift_right_arithmetic3A_48, %add3A_2386, %dma_wait3A_2396] : memref<4x8192x1024xf32, #tpu.memory_space<hbm>> -> memref<1x16x1024xf32, #tpu.memory_space<hbm>>
    %dma_wait3A_2398 = tpu.memref_squeeze %dma_wait3A_2397 : memref<1x16x1024xf32, #tpu.memory_space<hbm>> -> memref<16x1024xf32, #tpu.memory_space<hbm>>
    %dma_wait3A_2399 = arith.constant 0 : i32
    %dma_wait3A_2400 = arith.constant 0 : i32
    %dma_wait3A_2401 = tpu.memref_slice %arg7[%dma_wait3A_2387, %dma_wait3A_2399, %dma_wait3A_2400] : memref<7x128x128xf32, #tpu.memory_space<vmem>> -> memref<1x128x128xf32, #tpu.memory_space<vmem>>
    %dma_wait3A_2402 = tpu.memref_squeeze %dma_wait3A_2401 : memref<1x128x128xf32, #tpu.memory_space<vmem>> -> memref<128x128xf32, #tpu.memory_space<vmem>>
    %dma_wait3A_2403 = tpu.memref_reshape %dma_wait3A_2402 : memref<128x128xf32, #tpu.memory_space<vmem>> -> memref<16x1024xf32, #tpu.memory_space<vmem>>
    tpu.wait_dma2 semaphore(%arg9 : memref<!tpu.dma_semaphore, #tpu.memory_space<semaphore_mem>>) src(%dma_wait3A_2403 : memref<16x1024xf32, #tpu.memory_space<vmem>>) dst(%dma_wait3A_2398 : memref<16x1024xf32, #tpu.memory_space<hbm>>)
    %add3A_2404 = arith.constant 960 : i32
    %add3A_2405 = arith.addi %mul3A_52, %add3A_2404 : i32
    %dma_wait3A_2406 = arith.constant 4 : i32
    %dma_wait3A_2407 = arith.constant 0 : i32
    %dma_wait3A_2408 = arith.constant 0 : i32
    %dma_wait3A_2409 = tpu.memref_slice %arg7[%dma_wait3A_2406, %dma_wait3A_2407, %dma_wait3A_2408] : memref<7x128x128xf32, #tpu.memory_space<vmem>> -> memref<1x128x128xf32, #tpu.memory_space<vmem>>
    %dma_wait3A_2410 = tpu.memref_squeeze %dma_wait3A_2409 : memref<1x128x128xf32, #tpu.memory_space<vmem>> -> memref<128x128xf32, #tpu.memory_space<vmem>>
    %dma_wait3A_2411 = tpu.memref_reshape %dma_wait3A_2410 : memref<128x128xf32, #tpu.memory_space<vmem>> -> memref<16x1024xf32, #tpu.memory_space<vmem>>
    %dma_wait3A_2412 = arith.constant 0 : i32
    %dma_wait3A_2413 = tpu.memref_slice %arg4[%shift_right_arithmetic3A_48, %add3A_2405, %dma_wait3A_2412] : memref<4x8192x1024xf32, #tpu.memory_space<hbm>> -> memref<1x16x1024xf32, #tpu.memory_space<hbm>>
    %dma_wait3A_2414 = tpu.memref_squeeze %dma_wait3A_2413 : memref<1x16x1024xf32, #tpu.memory_space<hbm>> -> memref<16x1024xf32, #tpu.memory_space<hbm>>
    %dma_wait3A_2415 = arith.constant 0 : i32
    %dma_wait3A_2416 = tpu.memref_slice %arg4[%shift_right_arithmetic3A_48, %add3A_2405, %dma_wait3A_2415] : memref<4x8192x1024xf32, #tpu.memory_space<hbm>> -> memref<1x16x1024xf32, #tpu.memory_space<hbm>>
    %dma_wait3A_2417 = tpu.memref_squeeze %dma_wait3A_2416 : memref<1x16x1024xf32, #tpu.memory_space<hbm>> -> memref<16x1024xf32, #tpu.memory_space<hbm>>
    %dma_wait3A_2418 = arith.constant 0 : i32
    %dma_wait3A_2419 = arith.constant 0 : i32
    %dma_wait3A_2420 = tpu.memref_slice %arg7[%dma_wait3A_2406, %dma_wait3A_2418, %dma_wait3A_2419] : memref<7x128x128xf32, #tpu.memory_space<vmem>> -> memref<1x128x128xf32, #tpu.memory_space<vmem>>
    %dma_wait3A_2421 = tpu.memref_squeeze %dma_wait3A_2420 : memref<1x128x128xf32, #tpu.memory_space<vmem>> -> memref<128x128xf32, #tpu.memory_space<vmem>>
    %dma_wait3A_2422 = tpu.memref_reshape %dma_wait3A_2421 : memref<128x128xf32, #tpu.memory_space<vmem>> -> memref<16x1024xf32, #tpu.memory_space<vmem>>
    tpu.wait_dma2 semaphore(%arg9 : memref<!tpu.dma_semaphore, #tpu.memory_space<semaphore_mem>>) src(%dma_wait3A_2422 : memref<16x1024xf32, #tpu.memory_space<vmem>>) dst(%dma_wait3A_2417 : memref<16x1024xf32, #tpu.memory_space<hbm>>)
    %add3A_2423 = arith.constant 976 : i32
    %add3A_2424 = arith.addi %mul3A_52, %add3A_2423 : i32
    %dma_wait3A_2425 = arith.constant 5 : i32
    %dma_wait3A_2426 = arith.constant 0 : i32
    %dma_wait3A_2427 = arith.constant 0 : i32
    %dma_wait3A_2428 = tpu.memref_slice %arg7[%dma_wait3A_2425, %dma_wait3A_2426, %dma_wait3A_2427] : memref<7x128x128xf32, #tpu.memory_space<vmem>> -> memref<1x128x128xf32, #tpu.memory_space<vmem>>
    %dma_wait3A_2429 = tpu.memref_squeeze %dma_wait3A_2428 : memref<1x128x128xf32, #tpu.memory_space<vmem>> -> memref<128x128xf32, #tpu.memory_space<vmem>>
    %dma_wait3A_2430 = tpu.memref_reshape %dma_wait3A_2429 : memref<128x128xf32, #tpu.memory_space<vmem>> -> memref<16x1024xf32, #tpu.memory_space<vmem>>
    %dma_wait3A_2431 = arith.constant 0 : i32
    %dma_wait3A_2432 = tpu.memref_slice %arg4[%shift_right_arithmetic3A_48, %add3A_2424, %dma_wait3A_2431] : memref<4x8192x1024xf32, #tpu.memory_space<hbm>> -> memref<1x16x1024xf32, #tpu.memory_space<hbm>>
    %dma_wait3A_2433 = tpu.memref_squeeze %dma_wait3A_2432 : memref<1x16x1024xf32, #tpu.memory_space<hbm>> -> memref<16x1024xf32, #tpu.memory_space<hbm>>
    %dma_wait3A_2434 = arith.constant 0 : i32
    %dma_wait3A_2435 = tpu.memref_slice %arg4[%shift_right_arithmetic3A_48, %add3A_2424, %dma_wait3A_2434] : memref<4x8192x1024xf32, #tpu.memory_space<hbm>> -> memref<1x16x1024xf32, #tpu.memory_space<hbm>>
    %dma_wait3A_2436 = tpu.memref_squeeze %dma_wait3A_2435 : memref<1x16x1024xf32, #tpu.memory_space<hbm>> -> memref<16x1024xf32, #tpu.memory_space<hbm>>
    %dma_wait3A_2437 = arith.constant 0 : i32
    %dma_wait3A_2438 = arith.constant 0 : i32
    %dma_wait3A_2439 = tpu.memref_slice %arg7[%dma_wait3A_2425, %dma_wait3A_2437, %dma_wait3A_2438] : memref<7x128x128xf32, #tpu.memory_space<vmem>> -> memref<1x128x128xf32, #tpu.memory_space<vmem>>
    %dma_wait3A_2440 = tpu.memref_squeeze %dma_wait3A_2439 : memref<1x128x128xf32, #tpu.memory_space<vmem>> -> memref<128x128xf32, #tpu.memory_space<vmem>>
    %dma_wait3A_2441 = tpu.memref_reshape %dma_wait3A_2440 : memref<128x128xf32, #tpu.memory_space<vmem>> -> memref<16x1024xf32, #tpu.memory_space<vmem>>
    tpu.wait_dma2 semaphore(%arg9 : memref<!tpu.dma_semaphore, #tpu.memory_space<semaphore_mem>>) src(%dma_wait3A_2441 : memref<16x1024xf32, #tpu.memory_space<vmem>>) dst(%dma_wait3A_2436 : memref<16x1024xf32, #tpu.memory_space<hbm>>)
    %add3A_2442 = arith.constant 992 : i32
    %add3A_2443 = arith.addi %mul3A_52, %add3A_2442 : i32
    %dma_wait3A_2444 = arith.constant 6 : i32
    %dma_wait3A_2445 = arith.constant 0 : i32
    %dma_wait3A_2446 = arith.constant 0 : i32
    %dma_wait3A_2447 = tpu.memref_slice %arg7[%dma_wait3A_2444, %dma_wait3A_2445, %dma_wait3A_2446] : memref<7x128x128xf32, #tpu.memory_space<vmem>> -> memref<1x128x128xf32, #tpu.memory_space<vmem>>
    %dma_wait3A_2448 = tpu.memref_squeeze %dma_wait3A_2447 : memref<1x128x128xf32, #tpu.memory_space<vmem>> -> memref<128x128xf32, #tpu.memory_space<vmem>>
    %dma_wait3A_2449 = tpu.memref_reshape %dma_wait3A_2448 : memref<128x128xf32, #tpu.memory_space<vmem>> -> memref<16x1024xf32, #tpu.memory_space<vmem>>
    %dma_wait3A_2450 = arith.constant 0 : i32
    %dma_wait3A_2451 = tpu.memref_slice %arg4[%shift_right_arithmetic3A_48, %add3A_2443, %dma_wait3A_2450] : memref<4x8192x1024xf32, #tpu.memory_space<hbm>> -> memref<1x16x1024xf32, #tpu.memory_space<hbm>>
    %dma_wait3A_2452 = tpu.memref_squeeze %dma_wait3A_2451 : memref<1x16x1024xf32, #tpu.memory_space<hbm>> -> memref<16x1024xf32, #tpu.memory_space<hbm>>
    %dma_wait3A_2453 = arith.constant 0 : i32
    %dma_wait3A_2454 = tpu.memref_slice %arg4[%shift_right_arithmetic3A_48, %add3A_2443, %dma_wait3A_2453] : memref<4x8192x1024xf32, #tpu.memory_space<hbm>> -> memref<1x16x1024xf32, #tpu.memory_space<hbm>>
    %dma_wait3A_2455 = tpu.memref_squeeze %dma_wait3A_2454 : memref<1x16x1024xf32, #tpu.memory_space<hbm>> -> memref<16x1024xf32, #tpu.memory_space<hbm>>
    %dma_wait3A_2456 = arith.constant 0 : i32
    %dma_wait3A_2457 = arith.constant 0 : i32
    %dma_wait3A_2458 = tpu.memref_slice %arg7[%dma_wait3A_2444, %dma_wait3A_2456, %dma_wait3A_2457] : memref<7x128x128xf32, #tpu.memory_space<vmem>> -> memref<1x128x128xf32, #tpu.memory_space<vmem>>
    %dma_wait3A_2459 = tpu.memref_squeeze %dma_wait3A_2458 : memref<1x128x128xf32, #tpu.memory_space<vmem>> -> memref<128x128xf32, #tpu.memory_space<vmem>>
    %dma_wait3A_2460 = tpu.memref_reshape %dma_wait3A_2459 : memref<128x128xf32, #tpu.memory_space<vmem>> -> memref<16x1024xf32, #tpu.memory_space<vmem>>
    tpu.wait_dma2 semaphore(%arg9 : memref<!tpu.dma_semaphore, #tpu.memory_space<semaphore_mem>>) src(%dma_wait3A_2460 : memref<16x1024xf32, #tpu.memory_space<vmem>>) dst(%dma_wait3A_2455 : memref<16x1024xf32, #tpu.memory_space<hbm>>)
    %add3A_2461 = arith.constant 1008 : i32
    %add3A_2462 = arith.addi %mul3A_52, %add3A_2461 : i32
    %dma_wait3A_2463 = arith.constant 0 : i32
    %dma_wait3A_2464 = arith.constant 0 : i32
    %dma_wait3A_2465 = arith.constant 0 : i32
    %dma_wait3A_2466 = tpu.memref_slice %arg7[%dma_wait3A_2463, %dma_wait3A_2464, %dma_wait3A_2465] : memref<7x128x128xf32, #tpu.memory_space<vmem>> -> memref<1x128x128xf32, #tpu.memory_space<vmem>>
    %dma_wait3A_2467 = tpu.memref_squeeze %dma_wait3A_2466 : memref<1x128x128xf32, #tpu.memory_space<vmem>> -> memref<128x128xf32, #tpu.memory_space<vmem>>
    %dma_wait3A_2468 = tpu.memref_reshape %dma_wait3A_2467 : memref<128x128xf32, #tpu.memory_space<vmem>> -> memref<16x1024xf32, #tpu.memory_space<vmem>>
    %dma_wait3A_2469 = arith.constant 0 : i32
    %dma_wait3A_2470 = tpu.memref_slice %arg4[%shift_right_arithmetic3A_48, %add3A_2462, %dma_wait3A_2469] : memref<4x8192x1024xf32, #tpu.memory_space<hbm>> -> memref<1x16x1024xf32, #tpu.memory_space<hbm>>
    %dma_wait3A_2471 = tpu.memref_squeeze %dma_wait3A_2470 : memref<1x16x1024xf32, #tpu.memory_space<hbm>> -> memref<16x1024xf32, #tpu.memory_space<hbm>>
    %dma_wait3A_2472 = arith.constant 0 : i32
    %dma_wait3A_2473 = tpu.memref_slice %arg4[%shift_right_arithmetic3A_48, %add3A_2462, %dma_wait3A_2472] : memref<4x8192x1024xf32, #tpu.memory_space<hbm>> -> memref<1x16x1024xf32, #tpu.memory_space<hbm>>
    %dma_wait3A_2474 = tpu.memref_squeeze %dma_wait3A_2473 : memref<1x16x1024xf32, #tpu.memory_space<hbm>> -> memref<16x1024xf32, #tpu.memory_space<hbm>>
    %dma_wait3A_2475 = arith.constant 0 : i32
    %dma_wait3A_2476 = arith.constant 0 : i32
    %dma_wait3A_2477 = tpu.memref_slice %arg7[%dma_wait3A_2463, %dma_wait3A_2475, %dma_wait3A_2476] : memref<7x128x128xf32, #tpu.memory_space<vmem>> -> memref<1x128x128xf32, #tpu.memory_space<vmem>>
    %dma_wait3A_2478 = tpu.memref_squeeze %dma_wait3A_2477 : memref<1x128x128xf32, #tpu.memory_space<vmem>> -> memref<128x128xf32, #tpu.memory_space<vmem>>
    %dma_wait3A_2479 = tpu.memref_reshape %dma_wait3A_2478 : memref<128x128xf32, #tpu.memory_space<vmem>> -> memref<16x1024xf32, #tpu.memory_space<vmem>>
    tpu.wait_dma2 semaphore(%arg9 : memref<!tpu.dma_semaphore, #tpu.memory_space<semaphore_mem>>) src(%dma_wait3A_2479 : memref<16x1024xf32, #tpu.memory_space<vmem>>) dst(%dma_wait3A_2474 : memref<16x1024xf32, #tpu.memory_space<hbm>>)
    return
  }
}

</mosaic_0001>

<sc_bundles>
// kernel: kernel.3.cloned.1.call-start
scs
__scs_entry_jumppad:
0x0: {  	(pc) =	sbr.rel $0x88, $3  }
0x1: {  	(tag) =	ssettag $0x0;
	lr =	simm.s32 $0x1  }
0x2: {  	[smem:$0x3F9F] =	sst lr;
	_ =	strace $0xD0000000  }
0x3: {  	_ = 	snop  }
0x4: {  	_ = 	snop  }
0x5: {  	_ = 	snop  }
0x6: {  	_ = 	snop  }
0x7: {  	_ = 	snop  }
__scs_overlays_trampoline_lowered:
0x8: {  	[smem:$0x3FAE] =	sst s0  }
0x9: {  	[smem:$0x3FAF] =	sst s1  }
0xa: {  	[smem:$0x3FB0] =	sst s2  }
0xb: {  	[smem:$0x3FB1] =	sst s3  }
0xc: {  	[smem:$0x3FB2] =	sst s4  }
0xd: {  	[smem:$0x3FB3] =	sst s5  }
0xe: {  	[smem:$0x3FB4] =	sst s6  }
0xf: {  	[smem:$0x3FB5] =	sst s7  }
0x10: {  	[smem:$0x3FB6] =	sst s8  }
0x11: {  	[smem:$0x3FB7] =	sst s9;
	s0 =	simm.s32 @!p0 $0x0  }
0x12: {  	s1 =	sld [smem:$0x3F9D];
	s0 =	simm.s32 @p0 $0x1  }
0x13: {  	[smem:$0x3FB8] =	sst s0;
	s0 =	simm.s32 @!p1 $0x0  }
0x14: {  	s2 =	sld [smem:$0x3F9C];
	s0 =	simm.s32 @p1 $0x1  }
0x15: {  	[smem:$0x3FB9] =	sst s0;
	s0 =	simm.s32 @!p2 $0x0  }
0x16: {  	s3 =	sld [smem:$0x3FDB];
	s0 =	simm.s32 @p2 $0x1  }
0x17: {  	s4 =	simm.s32 $0x1BF5;
	[smem:$0x3FBB] =	sst s0  }
0x18: {  	s0 =	sld [smem:$0x3F9E];
	_ =	swait.ge [sflag:s4], $0x0  }
0x19: {  	s7 =	sld [smem:$0x3F9F]  }
0x1a: {  	s8 =	sadd.s32 $0xFFFFE003, lr  }
0x1b: {  	s9 =	sadd.s32 $0xFFFFFEF7, lr;
	s5 =	simm.s32 $0xFFFFFFFF;
	p2 =	slt.u32 s8, $0xFFFFF086  }
0x1c: {  	p1 =	slt.u32 s9, $0xF7A;
	s5 =	simm.s32 @!p2 $0x0  }
0x1d: {  	s5 =	simm.s32 @p1 $0x1;
	p0 =	seq.s32 s7, s2  }
0x1e: {  	s7 =	smul.u32 @!p0 $0xF7A, s2;
	p2 =	seq.s32 @!p0 s5, $0x0  }
0x1f: {  	s9 =	smul.u32 $0xF7A, s1;
	s8 =	simm.s32 @!p0 $0x1BF5;
	p2 =	por !p2, p0  }
0x20: {  	[sflag:s8] =	ssyncset.s32 @!p0 $0xFFFFF086;
	s6 =	sadd.s32 @!p0 s3, s7;
	s7 =	simm.s32 @!p0 $0x108  }
0x21: {  	s3 =	sadd.s32 s3, s9;
	s6 =	sadd.s32 @!p0 $0x88, s6;
	s7 =	simm.s32 @p2 $0x1082  }
0x22: {  	[simem:s7], [sflag:s8] =	dma.local @!p0 [hbm:s6], $0xF7A  }
0x23: {  	s9 =	sor.u32 $0xD0000000, s2;
	s6 =	simm.s32 $0x108;
	_ =	swait.ge @!p0 [sflag:s8], $0x0  }
0x24: {  	s3 =	sadd.s32 $0x88, s3;
	s6 =	simm.s32 @!p1 $0x1082;
	[sflag:s4] =	ssyncset.s32 $0xFFFFF086  }
0x25: {  	[simem:s6], [sflag:s4] =	dma.local [hbm:s3], $0xF7A  }
0x26: {  	[smem:$0x3F9F] =	sst s1;
	(tag) =	ssettag s2;
	_ =	strace s9  }
0x27: {  	s1 =	sld [smem:$0x3FAF]  }
0x28: {  	s2 =	sld [smem:$0x3FB0]  }
0x29: {  	s4 =	sld [smem:$0x3FB2]  }
0x2a: {  	p0 =	seq.s32 s5, $0x0;
	s5 =	sld [smem:$0x3FB3]  }
0x2b: {  	s6 =	sld [smem:$0x3FB4]  }
0x2c: {  	s7 =	sld [smem:$0x3FB5]  }
0x2d: {  	s3 =	simm.s32 $0x108;
	s8 =	sld [smem:$0x3FB6]  }
0x2e: {  	s3 =	simm.s32 @!p0 $0x1082;
	s9 =	sld [smem:$0x3FB7]  }
0x2f: {  	lr =	sadd.s32 s0, s3;
	s0 =	sld [smem:$0x3FAE]  }
0x30: {  	s3 =	sld [smem:$0x3FB1]  }
0x31: {  	[smem:$0x3FBA] =	sst s10  }
0x32: {  	s10 =	sld [smem:$0x3FB8];
	_ =	sdelay $0x3  }
0x33: {  	p0 =	seq.s32 s10, $0x1;
	s10 =	sld [smem:$0x3FBA];
	_ =	sdelay $0x3  }
0x34: {  	[smem:$0x3FBA] =	sst s10  }
0x35: {  	s10 =	sld [smem:$0x3FB9];
	_ =	sdelay $0x3  }
0x36: {  	p1 =	seq.s32 s10, $0x1;
	s10 =	sld [smem:$0x3FBA];
	_ =	sdelay $0x3  }
0x37: {  	[smem:$0x3FBA] =	sst s10  }
0x38: {  	s10 =	sld [smem:$0x3FBB]  }
0x39: {  	_ = 	snop;
	(pc) =	sbr.ind lr, $3  }
0x3a: {  	_ = 	snop  }
0x3b: {  	_ = 	snop  }
0x3c: {  	p2 =	seq.s32 s10, $0x1;
	s10 =	sld [smem:$0x3FBA]  }
0x3d: {  	_ =	shalt  }
0x3e: {  	_ =	shalt  }
0x3f: {  	_ =	shalt  }
0x40: {  	_ =	shalt  }
0x41: {  	_ =	shalt  }
0x42: {  	_ =	shalt  }
0x43: {  	_ =	shalt  }
0x44: {  	_ =	shalt  }
0x45: {  	_ =	shalt  }
0x46: {  	_ =	shalt  }
0x47: {  	_ =	shalt  }
0x48: {  	_ =	shalt  }
0x49: {  	_ =	shalt  }
0x4a: {  	_ =	shalt  }
0x4b: {  	_ =	shalt  }
0x4c: {  	_ =	shalt  }
0x4d: {  	_ =	shalt  }
0x4e: {  	_ =	shalt  }
0x4f: {  	_ =	shalt  }
0x50: {  	_ =	shalt  }
0x51: {  	_ =	shalt  }
0x52: {  	_ =	shalt  }
0x53: {  	_ =	shalt  }
0x54: {  	_ =	shalt  }
0x55: {  	_ =	shalt  }
0x56: {  	_ =	shalt  }
0x57: {  	_ =	shalt  }
0x58: {  	_ =	shalt  }
0x59: {  	_ =	shalt  }
0x5a: {  	_ =	shalt  }
0x5b: {  	_ =	shalt  }
0x5c: {  	_ =	shalt  }
0x5d: {  	_ =	shalt  }
0x5e: {  	_ =	shalt  }
0x5f: {  	_ =	shalt  }
0x60: {  	_ =	shalt  }
0x61: {  	_ =	shalt  }
0x62: {  	_ =	shalt  }
0x63: {  	_ =	shalt  }
0x64: {  	_ =	shalt  }
0x65: {  	_ =	shalt  }
0x66: {  	_ =	shalt  }
0x67: {  	_ =	shalt  }
0x68: {  	_ =	shalt  }
0x69: {  	_ =	shalt  }
0x6a: {  	_ =	shalt  }
0x6b: {  	_ =	shalt  }
0x6c: {  	_ =	shalt  }
0x6d: {  	_ =	shalt  }
0x6e: {  	_ =	shalt  }
0x6f: {  	_ =	shalt  }
0x70: {  	_ =	shalt  }
0x71: {  	_ =	shalt  }
0x72: {  	_ =	shalt  }
0x73: {  	_ =	shalt  }
0x74: {  	_ =	shalt  }
0x75: {  	_ =	shalt  }
0x76: {  	_ =	shalt  }
0x77: {  	_ =	shalt  }
0x78: {  	_ =	shalt  }
0x79: {  	_ =	shalt  }
0x7a: {  	_ =	shalt  }
0x7b: {  	_ =	shalt  }
0x7c: {  	_ =	shalt  }
0x7d: {  	_ =	shalt  }
0x7e: {  	_ =	shalt  }
0x7f: {  	_ =	shalt  }
0x80: {  	_ =	shalt  }
0x81: {  	_ =	shalt  }
0x82: {  	_ =	shalt  }
0x83: {  	_ =	shalt  }
0x84: {  	_ =	shalt  }
0x85: {  	_ =	shalt  }
0x86: {  	_ =	shalt  }
0x87: {  	_ =	shalt  }
.Lfunc_end0:
.L_simem_size_0:
called_computation_lowered:
.L_overlay_start_0:
0x88: {  	s2 =	sld [smem:$0x3FD9]  }
0x89: {  	s3 =	sld [smem:$0x3FFE];
	_ =	sdelay $0x1  }
0x8a: {  	s1 =	srdreg.scid  }
0x8b: {  	s0 =	sand.u32 $0x1, s1  }
0x8c: {  	s17 =	sshll.u32 s0, $0xA;
	s2 =	sadd.s32 s3, s2  }
0x8d: {  	s2 =	sadd.s32 s2, s17  }
0x8e: {  	[smem:$0x3FC6] =	sst s2  }
0x8f: {  	_ = 	snop  }
0x90: {  	s2 =	sld [smem:$0x3FC8]  }
0x91: {  	s18 =	sld [smem:$0x3FD0];
	(tm) =	ssettm $0x1  }
0x92: {  	s4 =	sld [smem:$0x3FFB];
	_ =	sdelay $0x3  }
0x93: {  	_ =	strace s4  }
0x94: {  	s4 =	sld [smem:$0x3FFC];
	_ =	sdelay $0x3  }
0x95: {  	_ =	strace s4  }
0x96: {  	s4 =	sld [smem:$0x3FFD];
	_ =	sdelay $0x3  }
0x97: {  	_ =	strace s4  }
0x98: {  	_ =	strace $0x8FFFFFFF  }
0x99: {  	s19 =	sld [smem:$0x3FDB];
	_ =	sdelay $0x1  }
0x9a: {  	s5 =	simm.s32 $_scs_section_size  }
0x9b: {  	s6 =	simm.s32 $_size__tile_overlayer_lowered;
	s7 =	simm.s32 $_tile_overlayer_lowered  }
0x9c: {  	s22 =	simm.s32 $0x1BFF;
	s21 =	sshll.u32 s7, $0x1;
	s4 =	sadd.s32 s5, s19  }
0x9d: {  	s8 =	simm.s32 $0x0;
	s20 =	sshll.u32 s6, $0x1;
	s6 =	sadd.s32 s21, s4  }
0x9e: {  	[timem:s8], [sflag:s22] =	dma.local [hbm:s6], s20  }
0x9f: {  	_ =	swait.ge [sflag:s22], s20  }
0xa0: {  	s5 =	ssub.s32 $0x0, s20;
	[sflag:s22] =	ssyncset.done $0x0  }
0xa1: {  	[sflag:s22] =	ssyncadd.s32 s5;
	_ =	sdelay $0x1  }
0xa2: {  	s23 =	simm.s32 $0x1B8B  }
0xa3: {  	_ =	swait.ge [sflag:s23], $0x1  }
0xa4: {  	[sflag:s23] =	ssyncset.done $0x0  }
0xa5: {  	s25 =	simm.s32 $0x1B8E;
	s24 =	sld [smem:$0x3FFE];
	[sflag:s23] =	ssyncadd.s32 $0xFFFFFFFF  }
0xa6: {  	s26 =	simm.s32 $execute0_lowered;
	[smem:$0x3FD2] =	sst s25  }
0xa7: {  	s6 =	sshll.u32 s26, $0x1;
	_ =	strace $0x80000046;
	[dreg:$0x1] =	wrdreg $0xFFFFFFFF  }
0xa8: {  	s28 =	simm.s32 $_size_execute0_lowered;
	s4 =	sadd.s32 s4, s6;
	[dreg:$0x0] =	wrdreg $0x0  }
0xa9: {  	s6 =	sshll.u32 s28, $0x1;
	[dreg:$0x2] =	wrdreg s4  }
0xaa: {  	[dreg:$0x3] =	wrdreg s6  }
0xab: {  	[dreg:$0x4] =	wrdreg $0xC0  }
0xac: {  	_ =	task [dreg:s8], $0x5FFFF  }
0xad: {  	[dreg:$0x1] =	wrdreg $0xFFFFFFFF  }
0xae: {  	[dreg:$0x0] =	wrdreg $0x60  }
0xaf: {  	[dreg:$0x2] =	wrdreg s24  }
0xb0: {  	[dreg:$0x3] =	wrdreg s2  }
0xb1: {  	[dreg:$0x4] =	wrdreg s18  }
0xb2: {  	[dreg:$0x5] =	wrdreg $0x9  }
0xb3: {  	_ =	task.clear_ibuf [dreg:s8], $0x6FFFF;
	_ =	strace $0x90000046  }
0xb4: {  	s29 =	simm.s32 $0x9;
	_ =	strace $0x80000048  }
0xb5: {  	_ =	swait.ge [sflag:s29], $0x1  }
0xb6: {  	[sflag:s29] =	ssyncadd.s32 $0xFFFFFFFF  }
0xb7: {  	_ =	strace $0x90000048  }
0xb8: {  	_ =	sfence  }
0xb9: {  	s30 =	sld [smem:$0x0];
	_ =	sdelay $0x2  }
0xba: {  	s31 =	sshll.u32 s1, $0xD;
	s1 =	sshrl.u32 s1, $0x2  }
0xbb: {  	s3 =	sand.u32 $0x4000, s31;
	s1 =	sadd.s32 s1, s30  }
0xbc: {  	s0 =	sor.u32 s3, s0;
	s1 =	sshll.u32 s1, $0x11  }
0xbd: {  	s0 =	sor.u32 s1, s0  }
0xbe: {  	s0 =	sadd.s32 $0x8F2B, s0  }
0xbf: {  	[sflag:s0] =	ssyncadd.remote.s32 $0x1  }
0xc0: {  	_ =	sfence.sel $0xFFFF  }
0xc1: {  	[dreg:$0x0] =	wrdreg $0xFFFFFFFF;
	(pc) =	sbr.abs _section_cstart, $3  }
0xc2: {  	[dreg:$0x1] =	wrdreg $0xFFFFFFFF  }
0xc3: {  	_ =	task.clear_ibuf [dreg:s8], $0x2FFFF;
	_ =	strace $0x9FFFFFFF  }
0xc4: {  	(tm) =	ssettm $0x7FFFFFFF  }
0xc5: {  	_ =	shalt  }
tec
execute0_lowered:
.L_overlay_start_1:
0x0: {  	(tag) =	ssettag $0x1  }
0x1: {  	v6 =	vlaneseq.u32;
	v4 =	vimm.s32 $0x64139BFC  }
0x2: {  	vm0 =	vcmask $0x300;
	v5 =	vimm.s32 $0x68F;
	vm1 =	vcmask $0x1310  }
0x3: {  	vm2 =	vcmask $0x1714;
	vm3 =	vcmask $0x3B38;
	vm4 =	vcmask $0xF00  }
0x4: {  	v1 =	vshrl.u32 v6, $0x3;
	v4 =	vsel vm0, $0x5B414CAC, v4;
	vm0 =	vcmask $0x704  }
0x5: {  	v5 =	vsel vm1, $0x65C, v5;
	v8 =	vand.u32 $0x7, v6;
	v2 =	vor.u32 $0x6, v1  }
0x6: {  	v3 =	vadd.s32 $0x7, v1;
	v4 =	vsel vm0, $0x5C44B330, v4;
	vm0 =	vcmask $0xB08  }
0x7: {  	v5 =	vsel vm2, $0x66D, v5;
	v0 =	vadd.s32 $0x9, v1;
	v9 =	vor.u32 $0xA, v1  }
0x8: {  	v11 =	vor.u32 $0xC, v1;
	v12 =	vadd.s32 $0xD, v1;
	v13 =	vor.u32 $0xE, v1  }
0x9: {  	v14 =	vadd.s32 $0xF, v1;
	v15 =	vor.u32 $0x10, v1;
	v16 =	vadd.s32 $0x11, v1  }
0xa: {  	v17 =	vor.u32 $0x12, v1;
	v18 =	vadd.s32 $0x13, v1;
	v19 =	vor.u32 $0x14, v1  }
0xb: {  	v20 =	vadd.s32 $0x15, v1;
	v21 =	vor.u32 $0x16, v1;
	v22 =	vadd.s32 $0x17, v1  }
0xc: {  	v23 =	vor.u32 $0x18, v1;
	v24 =	vadd.s32 $0x19, v1;
	v25 =	vor.u32 $0x1A, v1  }
0xd: {  	v26 =	vadd.s32 $0x1B, v1;
	v27 =	vor.u32 $0x1C, v1;
	v28 =	vadd.s32 $0x1D, v1  }
0xe: {  	v29 =	vor.u32 $0x1E, v1;
	v30 =	vadd.s32 $0x1F, v1;
	v31 =	vor.u32 $0x20, v1  }
0xf: {  	v32 =	vadd.s32 $0x21, v1;
	v33 =	vor.u32 $0x22, v1;
	v34 =	vadd.s32 $0x23, v1  }
0x10: {  	v35 =	vor.u32 $0x24, v1;
	v36 =	vadd.s32 $0x25, v1;
	v37 =	vor.u32 $0x26, v1  }
0x11: {  	v38 =	vadd.s32 $0x27, v1;
	v39 =	vor.u32 $0x28, v1;
	v40 =	vadd.s32 $0x29, v1  }
0x12: {  	s1 =	rddreg [dreg:$0x0];
	v41 =	vor.u32 $0x2A, v1;
	v42 =	vadd.s32 $0x2B, v1;
	v43 =	vor.u32 $0x2C, v1  }
0x13: {  	s0 =	rddreg [dreg:$0x1];
	v44 =	vadd.s32 $0x2D, v1;
	v45 =	vor.u32 $0x2E, v1;
	v46 =	vadd.s32 $0x2F, v1  }
0x14: {  	s7 =	rddreg [dreg:$0x2];
	s3 =	simm.s32 $0x0;
	s12 =	simm.s32 $0x2480;
	v47 =	vor.u32 $0x30, v1;
	v48 =	vadd.s32 $0x31, v1;
	v49 =	vor.u32 $0x32, v1  }
0x15: {  	s13 =	simm.s32 $0x500;
	s14 =	simm.s32 $0x6480;
	s15 =	simm.s32 $0x580;
	v50 =	vadd.s32 $0x33, v1;
	v51 =	vor.u32 $0x34, v1;
	v52 =	vadd.s32 $0x35, v1  }
0x16: {  	s16 =	simm.s32 $0xA480;
	s17 =	simm.s32 $0x600;
	s18 =	simm.s32 $0xE480;
	v53 =	vor.u32 $0x36, v1;
	v54 =	vadd.s32 $0x37, v1;
	v55 =	vor.u32 $0x38, v1  }
0x17: {  	s4 =	srdreg.scid;
	s19 =	simm.s32 $0x680;
	s20 =	simm.s32 $0x12480;
	v56 =	vadd.s32 $0x39, v1;
	v4 =	vsel vm0, $0x5D4819B4, v4;
	vm0 =	vcmask $0xF0C  }
0x18: {  	s2 =	stileid.u32;
	s21 =	simm.s32 $0x700;
	s22 =	simm.s32 $0x16480;
	v57 =	vor.u32 $0x3A, v1;
	v58 =	vadd.s32 $0x3B, v1;
	v4 =	vsel vm0, $0x5E4B8038, v4  }
0x19: {  	s23 =	simm.s32 $0x1;
	s24 =	simm.s32 $0x400;
	s25 =	simm.s32 $0x2;
	v59 =	vor.u32 $0x3C, v1;
	v60 =	vadd.s32 $0x3D, v1;
	v4 =	vsel vm1, $0x61096870, v4  }
0x1a: {  	s26 =	simm.s32 $0x0;
	[smem:$0x7FF] =	sst s3;
	s4 =	sand.u32 $0x1, s4;
	v61 =	vor.u32 $0x3E, v1;
	vm0 =	vcmask $0x1B18;
	v4 =	vsel vm2, $0x620CCEF4, v4  }
0x1b: {  	s5 =	sshll.u32 s2, $0x1;
	s1 =	sadd.s32 $0x400, s1;
	s10 =	sshll.u32 s2, $0x15;
	v5 =	vsel vm0, $0x67E, v5;
	v4 =	vsel vm0, $0x63103578, v4;
	vm0 =	vcmask $0x2320  }
0x1c: {  	s6 =	ssub.s32 $0x2, s4;
	s5 =	sor.u32 s4, s5;
	s11 =	sshll.u32 s4, $0x14;
	vm1 =	vcmask $0x3330;
	v4 =	vsel vm0, $0x5B414CAC, v4;
	vm0 =	vcmask $0x2724  }
0x1d: {  	s8 =	sshrl.u32 s6, $0x1;
	s9 =	sshll.u32 s5, $0xA;
	s29 =	sand.u32 $0x7, s5;
	v5 =	vsel vm1, $0x65C, v5;
	v4 =	vsel vm0, $0x5C44B330, v4;
	vm0 =	vcmask $0x2B28  }
.Ltmp0:
0x1e: {  	s5 =	sshll.u32 s5, $0x7;
	s30 =	sor.u32 s11, s10;
	vm2 =	vcmask $0x3734;
	v7 =	vsel vm0, $0x5D4819B4, v4;
	vm0 =	vcmask $0x2F2C;
	(pc) =	sbr.rel .LBB2_1-.Ltmp0, $4  }
0x1f: {  	[tilespmem:$0x1FFE0] =	vst v0;
	v0 =	vadd.s32 $0xB, v1;
	s10 =	simm.s32 $0x80;
	s6 =	ssub.s32 s6, s8;
	s9 =	sadd.s32 $0xFFFFFFF8, s9;
	v5 =	vsel vm2, $0x66D, v5;
	v7 =	vsel vm0, $0x5E4B8038, v7  }
0x20: {  	v62 =	vadd.s32 $0x3F, v1;
	[tilespmem:$0x1FFF0] =	vst v0;
	s5 =	sadd.s32 s1, s5;
	s31 =	sshrl.u32 s30, $0x3;
	p0 =	seq.s32 s29, $0x0;
	v5 =	vsel vm3, $0x67E, v5;
	v7 =	vsel vm1, $0x61096870, v7  }
0x21: {  	_ =	strace $0x80000047;
	s9 =	sshrl.u32 s9, $0x3;
	s6 =	smax.u32 s6, $0x1;
	v4 =	vor.u32 $0x8, v1;
	vm0 =	vcmask $0x2F20;
	v7 =	vsel vm2, $0x620CCEF4, v7  }
0x22: {  	s7 =	sadd.s32 s31, s7;
	s4 =	sadd.s32 s1, s9;
	s9 =	simm.s32 $0x3;
	vm0 =	vmor vm4, vm0;
	v6 =	vsel vm3, $0x63103578, v7;
	v7 =	vmul.u32 $0x10000, v8  }
.LBB2_5:
0x23: {  	_ =	swait.ge [sflag:s25], $0x4000  }
0x24: {  	[sflag:s25] =	ssyncset.done $0x0  }
0x25: {  	[sflag:s25] =	ssyncadd.s32 $0xFFFFC000  }
0x26: {  	_ =	swait.ge [sflag:s25], $0x4000  }
0x27: {  	[sflag:s25] =	ssyncset.done $0x0  }
0x28: {  	[sflag:s25] =	ssyncadd.s32 $0xFFFFC000  }
0x29: {  	_ =	swait.ge [sflag:s25], $0x4000  }
0x2a: {  	[sflag:s25] =	ssyncset.done $0x0  }
0x2b: {  	[sflag:s25] =	ssyncadd.s32 $0xFFFFC000  }
0x2c: {  	_ =	swait.ge [sflag:s25], $0x4000  }
0x2d: {  	[sflag:s25] =	ssyncset.done $0x0  }
0x2e: {  	[sflag:s25] =	ssyncadd.s32 $0xFFFFC000  }
0x2f: {  	_ =	swait.ge [sflag:s25], $0x4000  }
0x30: {  	[sflag:s25] =	ssyncset.done $0x0  }
0x31: {  	s26 =	sadd.s32 $0x1, s26;
	[sflag:s25] =	ssyncadd.s32 $0xFFFFC000  }
0x32: {  	p1 =	sne.s32 s26, s6;
	_ =	swait.ge [sflag:s25], $0x4000  }
.Ltmp1:
0x33: {  	[sflag:s25] =	ssyncset.done $0x0;
	(pc) =	sbr.rel @!p1 .LBB2_6-.Ltmp1, $4  }
0x34: {  	[sflag:s25] =	ssyncadd.s32 $0xFFFFC000  }
0x35: {  	_ =	swait.ge [sflag:s25], $0x4000  }
0x36: {  	[sflag:s25] =	ssyncset.done $0x0  }
0x37: {  	[sflag:s25] =	ssyncadd.s32 $0xFFFFC000  }
.LBB2_1:
0x38: {  	v0 =	vimm.s32 $0x0  }
0x39: {  	s1 =	simm.s32 @!p0 $0x0;
	[tilespmem:$0x0] =	vst v0  }
0x3a: {  	[tilespmem:s1], [sflag:$0x3] =	stream.linear.gather @!p0 [hbm4b:s4+s1], $0x8, $0x38;
	[tilespmem:$0x1E480] =	vst v63  }
0x3b: {  	s1 =	simm.s32 @!p0 $0x3  }
0x3c: {  	_ =	swait.ge @!p0 [sflag:s1], $0x8  }
0x3d: {  	[sflag:s1] =	ssyncset.done @!p0 $0x0  }
0x3e: {  	s8 =	simm.s32 $0x8;
	[sflag:s1] =	ssyncadd.s32 @!p0 $0xFFFFFFF8  }
0x3f: {  	[tilespmem:s8], [sflag:$0x3] =	stream.linear.gather [hbm4b:s5+s3], $0x400, $0x38;
	[tilespmem:$0x1E480] =	vst v63  }
0x40: {  	_ =	swait.ge [sflag:s9], $0x400  }
0x41: {  	[sflag:s9] =	ssyncset.done $0x0  }
0x42: {  	[sflag:s9] =	ssyncadd.s32 $0xFFFFFC00  }
0x43: {  	v63 =	vld.idx.msk [tilespmem:v2+s3+$0x0], $0xffff;
	_ =	sdelay $0x4  }
0x44: {  	v0 =	vld.idx.msk [tilespmem:v3+s3+$0x0], $0xffff;
	v63 =	vadd.s32 v5, v63  }
0x45: {  	v63 =	vand.u32 $0xFFFF, v63  }
0x46: {  	v63 =	vsel vm0, $0x0, v63  }
0x47: {  	v8 =	vld.idx.msk [tilespmem:v4+s3+$0x0], $0xffff;
	v63 =	vmul.u32 $0x4243, v63;
	_ =	sdelay $0x1  }
0x48: {  	v0 =	vadd.s32 v0, v63  }
0x49: {  	v0 =	vmul.u32 $0x4243, v0;
	_ =	sdelay $0x1  }
0x4a: {  	v0 =	vadd.s32 v0, v8  }
0x4b: {  	v0 =	vadd.s32 v6, v0  }
0x4c: {  	v8 =	vld [tilespmem:$0x1FFE0];
	v0 =	vand.u32 $0xFFFF, v0  }
0x4d: {  	v0 =	vor.u32 v7, v0  }
0x4e: {  	[tilespmem:$0x480] =	vst v0  }
0x4f: {  	v0 =	vld.idx.msk [tilespmem:v4+s3+$0x0], $0xffff;
	_ =	sdelay $0x4  }
0x50: {  	v8 =	vld.idx.msk [tilespmem:v8+s3+$0x0], $0xffff;
	v0 =	vadd.s32 v5, v0  }
0x51: {  	v0 =	vand.u32 $0xFFFF, v0  }
0x52: {  	v0 =	vsel vm0, $0x0, v0  }
0x53: {  	v63 =	vld.idx.msk [tilespmem:v9+s3+$0x0], $0xffff;
	v0 =	vmul.u32 $0x4243, v0;
	_ =	sdelay $0x1  }
0x54: {  	v0 =	vadd.s32 v8, v0  }
0x55: {  	v0 =	vmul.u32 $0x4243, v0;
	_ =	sdelay $0x1  }
0x56: {  	v0 =	vadd.s32 v0, v63  }
0x57: {  	v0 =	vadd.s32 v6, v0  }
0x58: {  	v8 =	vld [tilespmem:$0x1FFF0];
	v0 =	vand.u32 $0xFFFF, v0  }
0x59: {  	v0 =	vor.u32 v7, v0  }
0x5a: {  	[tilespmem:$0x490] =	vst v0  }
0x5b: {  	v0 =	vld.idx.msk [tilespmem:v9+s3+$0x0], $0xffff;
	_ =	sdelay $0x4  }
0x5c: {  	v8 =	vld.idx.msk [tilespmem:v8+s3+$0x0], $0xffff;
	v0 =	vadd.s32 v5, v0  }
0x5d: {  	v0 =	vand.u32 $0xFFFF, v0  }
0x5e: {  	v0 =	vsel vm0, $0x0, v0  }
0x5f: {  	v63 =	vld.idx.msk [tilespmem:v11+s3+$0x0], $0xffff;
	v0 =	vmul.u32 $0x4243, v0;
	_ =	sdelay $0x1  }
0x60: {  	v0 =	vadd.s32 v8, v0  }
0x61: {  	v0 =	vmul.u32 $0x4243, v0;
	_ =	sdelay $0x1  }
0x62: {  	v0 =	vadd.s32 v0, v63  }
0x63: {  	v0 =	vadd.s32 v6, v0  }
0x64: {  	v0 =	vand.u32 $0xFFFF, v0  }
0x65: {  	v0 =	vor.u32 v7, v0  }
0x66: {  	[tilespmem:$0x4A0] =	vst v0  }
0x67: {  	v0 =	vld.idx.msk [tilespmem:v11+s3+$0x0], $0xffff;
	_ =	sdelay $0x4  }
0x68: {  	v8 =	vld.idx.msk [tilespmem:v12+s3+$0x0], $0xffff;
	v0 =	vadd.s32 v5, v0  }
0x69: {  	v0 =	vand.u32 $0xFFFF, v0  }
0x6a: {  	v0 =	vsel vm0, $0x0, v0  }
0x6b: {  	v63 =	vld.idx.msk [tilespmem:v13+s3+$0x0], $0xffff;
	v0 =	vmul.u32 $0x4243, v0;
	_ =	sdelay $0x1  }
0x6c: {  	v0 =	vadd.s32 v8, v0  }
0x6d: {  	v0 =	vmul.u32 $0x4243, v0;
	_ =	sdelay $0x1  }
0x6e: {  	v0 =	vadd.s32 v0, v63  }
0x6f: {  	v0 =	vadd.s32 v6, v0  }
0x70: {  	v0 =	vand.u32 $0xFFFF, v0  }
0x71: {  	v0 =	vor.u32 v7, v0  }
0x72: {  	[tilespmem:$0x4B0] =	vst v0  }
0x73: {  	v0 =	vld.idx.msk [tilespmem:v13+s3+$0x0], $0xffff;
	_ =	sdelay $0x4  }
0x74: {  	v8 =	vld.idx.msk [tilespmem:v14+s3+$0x0], $0xffff;
	v0 =	vadd.s32 v5, v0  }
0x75: {  	v0 =	vand.u32 $0xFFFF, v0  }
0x76: {  	v0 =	vsel vm0, $0x0, v0  }
0x77: {  	v63 =	vld.idx.msk [tilespmem:v15+s3+$0x0], $0xffff;
	v0 =	vmul.u32 $0x4243, v0;
	_ =	sdelay $0x1  }
0x78: {  	v0 =	vadd.s32 v8, v0  }
0x79: {  	v0 =	vmul.u32 $0x4243, v0;
	_ =	sdelay $0x1  }
0x7a: {  	v0 =	vadd.s32 v0, v63  }
0x7b: {  	v0 =	vadd.s32 v6, v0  }
0x7c: {  	v0 =	vand.u32 $0xFFFF, v0  }
0x7d: {  	v0 =	vor.u32 v7, v0  }
0x7e: {  	[tilespmem:$0x4C0] =	vst v0  }
0x7f: {  	v0 =	vld.idx.msk [tilespmem:v15+s3+$0x0], $0xffff;
	_ =	sdelay $0x4  }
0x80: {  	v8 =	vld.idx.msk [tilespmem:v16+s3+$0x0], $0xffff;
	v0 =	vadd.s32 v5, v0  }
0x81: {  	v0 =	vand.u32 $0xFFFF, v0  }
0x82: {  	v0 =	vsel vm0, $0x0, v0  }
0x83: {  	v63 =	vld.idx.msk [tilespmem:v17+s3+$0x0], $0xffff;
	v0 =	vmul.u32 $0x4243, v0;
	_ =	sdelay $0x1  }
0x84: {  	v0 =	vadd.s32 v8, v0  }
0x85: {  	v0 =	vmul.u32 $0x4243, v0;
	_ =	sdelay $0x1  }
0x86: {  	v0 =	vadd.s32 v0, v63  }
0x87: {  	v0 =	vadd.s32 v6, v0  }
0x88: {  	v0 =	vand.u32 $0xFFFF, v0  }
0x89: {  	v0 =	vor.u32 v7, v0  }
0x8a: {  	[tilespmem:$0x4D0] =	vst v0  }
0x8b: {  	v0 =	vld.idx.msk [tilespmem:v17+s3+$0x0], $0xffff;
	_ =	sdelay $0x4  }
0x8c: {  	v8 =	vld.idx.msk [tilespmem:v18+s3+$0x0], $0xffff;
	v0 =	vadd.s32 v5, v0  }
0x8d: {  	v0 =	vand.u32 $0xFFFF, v0  }
0x8e: {  	v0 =	vsel vm0, $0x0, v0  }
0x8f: {  	v63 =	vld.idx.msk [tilespmem:v19+s3+$0x0], $0xffff;
	v0 =	vmul.u32 $0x4243, v0;
	_ =	sdelay $0x1  }
0x90: {  	v0 =	vadd.s32 v8, v0  }
0x91: {  	v0 =	vmul.u32 $0x4243, v0;
	_ =	sdelay $0x1  }
0x92: {  	v0 =	vadd.s32 v0, v63  }
0x93: {  	v0 =	vadd.s32 v6, v0  }
0x94: {  	v0 =	vand.u32 $0xFFFF, v0  }
0x95: {  	v0 =	vor.u32 v7, v0  }
0x96: {  	[tilespmem:$0x4E0] =	vst v0  }
0x97: {  	v0 =	vld.idx.msk [tilespmem:v19+s3+$0x0], $0xffff;
	_ =	sdelay $0x4  }
0x98: {  	v8 =	vld.idx.msk [tilespmem:v20+s3+$0x0], $0xffff;
	v0 =	vadd.s32 v5, v0  }
0x99: {  	v0 =	vand.u32 $0xFFFF, v0  }
0x9a: {  	v0 =	vsel vm0, $0x0, v0  }
0x9b: {  	v63 =	vld.idx.msk [tilespmem:v21+s3+$0x0], $0xffff;
	v0 =	vmul.u32 $0x4243, v0;
	_ =	sdelay $0x1  }
0x9c: {  	v0 =	vadd.s32 v8, v0  }
0x9d: {  	v0 =	vmul.u32 $0x4243, v0;
	_ =	sdelay $0x1  }
0x9e: {  	v0 =	vadd.s32 v0, v63  }
0x9f: {  	v0 =	vadd.s32 v6, v0  }
0xa0: {  	v0 =	vand.u32 $0xFFFF, v0  }
0xa1: {  	v0 =	vor.u32 v7, v0  }
0xa2: {  	s11 =	simm.s32 $0x480;
	[tilespmem:$0x4F0] =	vst v0  }
0xa3: {  	[tilespmem:s12], [sflag:$0x1] =	stream.indirect.gather [hbm4b:s0+s10], $0x80, s11, s10, $0xb8;
	[tilespmem:$0x1E480] =	vst v63  }
0xa4: {  	v0 =	vld.idx.msk [tilespmem:v21+s3+$0x0], $0xffff;
	_ =	sdelay $0x4  }
0xa5: {  	v8 =	vld.idx.msk [tilespmem:v22+s3+$0x0], $0xffff;
	v0 =	vadd.s32 v5, v0  }
0xa6: {  	v0 =	vand.u32 $0xFFFF, v0  }
0xa7: {  	v0 =	vsel vm0, $0x0, v0  }
0xa8: {  	v63 =	vld.idx.msk [tilespmem:v23+s3+$0x0], $0xffff;
	v0 =	vmul.u32 $0x4243, v0;
	_ =	sdelay $0x1  }
0xa9: {  	v0 =	vadd.s32 v8, v0  }
0xaa: {  	v0 =	vmul.u32 $0x4243, v0;
	_ =	sdelay $0x1  }
0xab: {  	v0 =	vadd.s32 v0, v63  }
0xac: {  	v0 =	vadd.s32 v6, v0  }
0xad: {  	v0 =	vand.u32 $0xFFFF, v0  }
0xae: {  	v0 =	vor.u32 v7, v0  }
0xaf: {  	[tilespmem:$0x500] =	vst v0  }
0xb0: {  	v0 =	vld.idx.msk [tilespmem:v23+s3+$0x0], $0xffff;
	_ =	sdelay $0x4  }
0xb1: {  	v8 =	vld.idx.msk [tilespmem:v24+s3+$0x0], $0xffff;
	v0 =	vadd.s32 v5, v0  }
0xb2: {  	v0 =	vand.u32 $0xFFFF, v0  }
0xb3: {  	v0 =	vsel vm0, $0x0, v0  }
0xb4: {  	v63 =	vld.idx.msk [tilespmem:v25+s3+$0x0], $0xffff;
	v0 =	vmul.u32 $0x4243, v0;
	_ =	sdelay $0x1  }
0xb5: {  	v0 =	vadd.s32 v8, v0  }
0xb6: {  	v0 =	vmul.u32 $0x4243, v0;
	_ =	sdelay $0x1  }
0xb7: {  	v0 =	vadd.s32 v0, v63  }
0xb8: {  	v0 =	vadd.s32 v6, v0  }
0xb9: {  	v0 =	vand.u32 $0xFFFF, v0  }
0xba: {  	v0 =	vor.u32 v7, v0  }
0xbb: {  	[tilespmem:$0x510] =	vst v0  }
0xbc: {  	v0 =	vld.idx.msk [tilespmem:v25+s3+$0x0], $0xffff;
	_ =	sdelay $0x4  }
0xbd: {  	v8 =	vld.idx.msk [tilespmem:v26+s3+$0x0], $0xffff;
	v0 =	vadd.s32 v5, v0  }
0xbe: {  	v0 =	vand.u32 $0xFFFF, v0  }
0xbf: {  	v0 =	vsel vm0, $0x0, v0  }
0xc0: {  	v63 =	vld.idx.msk [tilespmem:v27+s3+$0x0], $0xffff;
	v0 =	vmul.u32 $0x4243, v0;
	_ =	sdelay $0x1  }
0xc1: {  	v0 =	vadd.s32 v8, v0  }
0xc2: {  	v0 =	vmul.u32 $0x4243, v0;
	_ =	sdelay $0x1  }
0xc3: {  	v0 =	vadd.s32 v0, v63  }
0xc4: {  	v0 =	vadd.s32 v6, v0  }
0xc5: {  	v0 =	vand.u32 $0xFFFF, v0  }
0xc6: {  	v0 =	vor.u32 v7, v0  }
0xc7: {  	[tilespmem:$0x520] =	vst v0  }
0xc8: {  	v0 =	vld.idx.msk [tilespmem:v27+s3+$0x0], $0xffff;
	_ =	sdelay $0x4  }
0xc9: {  	v8 =	vld.idx.msk [tilespmem:v28+s3+$0x0], $0xffff;
	v0 =	vadd.s32 v5, v0  }
0xca: {  	v0 =	vand.u32 $0xFFFF, v0  }
0xcb: {  	v0 =	vsel vm0, $0x0, v0  }
0xcc: {  	v63 =	vld.idx.msk [tilespmem:v29+s3+$0x0], $0xffff;
	v0 =	vmul.u32 $0x4243, v0;
	_ =	sdelay $0x1  }
0xcd: {  	v0 =	vadd.s32 v8, v0  }
0xce: {  	v0 =	vmul.u32 $0x4243, v0;
	_ =	sdelay $0x1  }
0xcf: {  	v0 =	vadd.s32 v0, v63  }
0xd0: {  	v0 =	vadd.s32 v6, v0  }
0xd1: {  	v0 =	vand.u32 $0xFFFF, v0  }
0xd2: {  	v0 =	vor.u32 v7, v0  }
0xd3: {  	[tilespmem:$0x530] =	vst v0  }
0xd4: {  	v0 =	vld.idx.msk [tilespmem:v29+s3+$0x0], $0xffff;
	_ =	sdelay $0x4  }
0xd5: {  	v8 =	vld.idx.msk [tilespmem:v30+s3+$0x0], $0xffff;
	v0 =	vadd.s32 v5, v0  }
0xd6: {  	v0 =	vand.u32 $0xFFFF, v0  }
0xd7: {  	v0 =	vsel vm0, $0x0, v0  }
0xd8: {  	v63 =	vld.idx.msk [tilespmem:v31+s3+$0x0], $0xffff;
	v0 =	vmul.u32 $0x4243, v0;
	_ =	sdelay $0x1  }
0xd9: {  	v0 =	vadd.s32 v8, v0  }
0xda: {  	v0 =	vmul.u32 $0x4243, v0;
	_ =	sdelay $0x1  }
0xdb: {  	v0 =	vadd.s32 v0, v63  }
0xdc: {  	v0 =	vadd.s32 v6, v0  }
0xdd: {  	v0 =	vand.u32 $0xFFFF, v0  }
0xde: {  	v0 =	vor.u32 v7, v0  }
0xdf: {  	[tilespmem:$0x540] =	vst v0  }
0xe0: {  	v0 =	vld.idx.msk [tilespmem:v31+s3+$0x0], $0xffff;
	_ =	sdelay $0x4  }
0xe1: {  	v8 =	vld.idx.msk [tilespmem:v32+s3+$0x0], $0xffff;
	v0 =	vadd.s32 v5, v0  }
0xe2: {  	v0 =	vand.u32 $0xFFFF, v0  }
0xe3: {  	v0 =	vsel vm0, $0x0, v0  }
0xe4: {  	v63 =	vld.idx.msk [tilespmem:v33+s3+$0x0], $0xffff;
	v0 =	vmul.u32 $0x4243, v0;
	_ =	sdelay $0x1  }
0xe5: {  	v0 =	vadd.s32 v8, v0  }
0xe6: {  	v0 =	vmul.u32 $0x4243, v0;
	_ =	sdelay $0x1  }
0xe7: {  	v0 =	vadd.s32 v0, v63  }
0xe8: {  	v0 =	vadd.s32 v6, v0  }
0xe9: {  	v0 =	vand.u32 $0xFFFF, v0  }
0xea: {  	v0 =	vor.u32 v7, v0  }
0xeb: {  	[tilespmem:$0x550] =	vst v0  }
0xec: {  	v0 =	vld.idx.msk [tilespmem:v33+s3+$0x0], $0xffff;
	_ =	sdelay $0x4  }
0xed: {  	v8 =	vld.idx.msk [tilespmem:v34+s3+$0x0], $0xffff;
	v0 =	vadd.s32 v5, v0  }
0xee: {  	v0 =	vand.u32 $0xFFFF, v0  }
0xef: {  	v0 =	vsel vm0, $0x0, v0  }
0xf0: {  	v63 =	vld.idx.msk [tilespmem:v35+s3+$0x0], $0xffff;
	v0 =	vmul.u32 $0x4243, v0;
	_ =	sdelay $0x1  }
0xf1: {  	v0 =	vadd.s32 v8, v0  }
0xf2: {  	v0 =	vmul.u32 $0x4243, v0;
	_ =	sdelay $0x1  }
0xf3: {  	v0 =	vadd.s32 v0, v63  }
0xf4: {  	v0 =	vadd.s32 v6, v0  }
0xf5: {  	v0 =	vand.u32 $0xFFFF, v0  }
0xf6: {  	v0 =	vor.u32 v7, v0  }
0xf7: {  	[tilespmem:$0x560] =	vst v0  }
0xf8: {  	v0 =	vld.idx.msk [tilespmem:v35+s3+$0x0], $0xffff;
	_ =	sdelay $0x4  }
0xf9: {  	v8 =	vld.idx.msk [tilespmem:v36+s3+$0x0], $0xffff;
	v0 =	vadd.s32 v5, v0  }
0xfa: {  	v0 =	vand.u32 $0xFFFF, v0  }
0xfb: {  	v0 =	vsel vm0, $0x0, v0  }
0xfc: {  	v63 =	vld.idx.msk [tilespmem:v37+s3+$0x0], $0xffff;
	v0 =	vmul.u32 $0x4243, v0;
	_ =	sdelay $0x1  }
0xfd: {  	v0 =	vadd.s32 v8, v0  }
0xfe: {  	v0 =	vmul.u32 $0x4243, v0;
	_ =	sdelay $0x1  }
0xff: {  	v0 =	vadd.s32 v0, v63  }
0x100: {  	v0 =	vadd.s32 v6, v0  }
0x101: {  	v0 =	vand.u32 $0xFFFF, v0  }
0x102: {  	v0 =	vor.u32 v7, v0  }
0x103: {  	[tilespmem:$0x570] =	vst v0  }
0x104: {  	[tilespmem:s14], [sflag:$0x1] =	stream.indirect.gather [hbm4b:s0+s10], $0x80, s13, s10, $0xb8;
	[tilespmem:$0x1E480] =	vst v63  }
0x105: {  	v0 =	vld.idx.msk [tilespmem:v37+s3+$0x0], $0xffff;
	_ =	sdelay $0x4  }
0x106: {  	v8 =	vld.idx.msk [tilespmem:v38+s3+$0x0], $0xffff;
	v0 =	vadd.s32 v5, v0  }
0x107: {  	v0 =	vand.u32 $0xFFFF, v0  }
0x108: {  	v0 =	vsel vm0, $0x0, v0  }
0x109: {  	v63 =	vld.idx.msk [tilespmem:v39+s3+$0x0], $0xffff;
	v0 =	vmul.u32 $0x4243, v0;
	_ =	sdelay $0x1  }
0x10a: {  	v0 =	vadd.s32 v8, v0  }
0x10b: {  	v0 =	vmul.u32 $0x4243, v0;
	_ =	sdelay $0x1  }
0x10c: {  	v0 =	vadd.s32 v0, v63  }
0x10d: {  	v0 =	vadd.s32 v6, v0  }
0x10e: {  	v0 =	vand.u32 $0xFFFF, v0  }
0x10f: {  	v0 =	vor.u32 v7, v0  }
0x110: {  	[tilespmem:$0x580] =	vst v0  }
0x111: {  	v0 =	vld.idx.msk [tilespmem:v39+s3+$0x0], $0xffff;
	_ =	sdelay $0x4  }
0x112: {  	v8 =	vld.idx.msk [tilespmem:v40+s3+$0x0], $0xffff;
	v0 =	vadd.s32 v5, v0  }
0x113: {  	v0 =	vand.u32 $0xFFFF, v0  }
0x114: {  	v0 =	vsel vm0, $0x0, v0  }
0x115: {  	v63 =	vld.idx.msk [tilespmem:v41+s3+$0x0], $0xffff;
	v0 =	vmul.u32 $0x4243, v0;
	_ =	sdelay $0x1  }
0x116: {  	v0 =	vadd.s32 v8, v0  }
0x117: {  	v0 =	vmul.u32 $0x4243, v0;
	_ =	sdelay $0x1  }
0x118: {  	v0 =	vadd.s32 v0, v63  }
0x119: {  	v0 =	vadd.s32 v6, v0  }
0x11a: {  	v0 =	vand.u32 $0xFFFF, v0  }
0x11b: {  	v0 =	vor.u32 v7, v0  }
0x11c: {  	[tilespmem:$0x590] =	vst v0  }
0x11d: {  	v0 =	vld.idx.msk [tilespmem:v41+s3+$0x0], $0xffff;
	_ =	sdelay $0x4  }
0x11e: {  	v8 =	vld.idx.msk [tilespmem:v42+s3+$0x0], $0xffff;
	v0 =	vadd.s32 v5, v0  }
0x11f: {  	v0 =	vand.u32 $0xFFFF, v0  }
0x120: {  	v0 =	vsel vm0, $0x0, v0  }
0x121: {  	v63 =	vld.idx.msk [tilespmem:v43+s3+$0x0], $0xffff;
	v0 =	vmul.u32 $0x4243, v0;
	_ =	sdelay $0x1  }
0x122: {  	v0 =	vadd.s32 v8, v0  }
0x123: {  	v0 =	vmul.u32 $0x4243, v0;
	_ =	sdelay $0x1  }
0x124: {  	v0 =	vadd.s32 v0, v63  }
0x125: {  	v0 =	vadd.s32 v6, v0  }
0x126: {  	v0 =	vand.u32 $0xFFFF, v0  }
0x127: {  	v0 =	vor.u32 v7, v0  }
0x128: {  	[tilespmem:$0x5A0] =	vst v0  }
0x129: {  	v0 =	vld.idx.msk [tilespmem:v43+s3+$0x0], $0xffff;
	_ =	sdelay $0x4  }
0x12a: {  	v8 =	vld.idx.msk [tilespmem:v44+s3+$0x0], $0xffff;
	v0 =	vadd.s32 v5, v0  }
0x12b: {  	v0 =	vand.u32 $0xFFFF, v0  }
0x12c: {  	v0 =	vsel vm0, $0x0, v0  }
0x12d: {  	v63 =	vld.idx.msk [tilespmem:v45+s3+$0x0], $0xffff;
	v0 =	vmul.u32 $0x4243, v0;
	_ =	sdelay $0x1  }
0x12e: {  	v0 =	vadd.s32 v8, v0  }
0x12f: {  	v0 =	vmul.u32 $0x4243, v0;
	_ =	sdelay $0x1  }
0x130: {  	v0 =	vadd.s32 v0, v63  }
0x131: {  	v0 =	vadd.s32 v6, v0  }
0x132: {  	v0 =	vand.u32 $0xFFFF, v0  }
0x133: {  	v0 =	vor.u32 v7, v0  }
0x134: {  	[tilespmem:$0x5B0] =	vst v0  }
0x135: {  	v0 =	vld.idx.msk [tilespmem:v45+s3+$0x0], $0xffff;
	_ =	sdelay $0x4  }
0x136: {  	v8 =	vld.idx.msk [tilespmem:v46+s3+$0x0], $0xffff;
	v0 =	vadd.s32 v5, v0  }
0x137: {  	v0 =	vand.u32 $0xFFFF, v0  }
0x138: {  	v0 =	vsel vm0, $0x0, v0  }
0x139: {  	v63 =	vld.idx.msk [tilespmem:v47+s3+$0x0], $0xffff;
	v0 =	vmul.u32 $0x4243, v0;
	_ =	sdelay $0x1  }
0x13a: {  	v0 =	vadd.s32 v8, v0  }
0x13b: {  	v0 =	vmul.u32 $0x4243, v0;
	_ =	sdelay $0x1  }
0x13c: {  	v0 =	vadd.s32 v0, v63  }
0x13d: {  	v0 =	vadd.s32 v6, v0  }
0x13e: {  	v0 =	vand.u32 $0xFFFF, v0  }
0x13f: {  	v0 =	vor.u32 v7, v0  }
0x140: {  	[tilespmem:$0x5C0] =	vst v0  }
0x141: {  	v0 =	vld.idx.msk [tilespmem:v47+s3+$0x0], $0xffff;
	_ =	sdelay $0x4  }
0x142: {  	v8 =	vld.idx.msk [tilespmem:v48+s3+$0x0], $0xffff;
	v0 =	vadd.s32 v5, v0  }
0x143: {  	v0 =	vand.u32 $0xFFFF, v0  }
0x144: {  	v0 =	vsel vm0, $0x0, v0  }
0x145: {  	v63 =	vld.idx.msk [tilespmem:v49+s3+$0x0], $0xffff;
	v0 =	vmul.u32 $0x4243, v0;
	_ =	sdelay $0x1  }
0x146: {  	v0 =	vadd.s32 v8, v0  }
0x147: {  	v0 =	vmul.u32 $0x4243, v0;
	_ =	sdelay $0x1  }
0x148: {  	v0 =	vadd.s32 v0, v63  }
0x149: {  	v0 =	vadd.s32 v6, v0  }
0x14a: {  	v0 =	vand.u32 $0xFFFF, v0  }
0x14b: {  	v0 =	vor.u32 v7, v0  }
0x14c: {  	[tilespmem:$0x5D0] =	vst v0  }
0x14d: {  	v0 =	vld.idx.msk [tilespmem:v49+s3+$0x0], $0xffff;
	_ =	sdelay $0x4  }
0x14e: {  	v8 =	vld.idx.msk [tilespmem:v50+s3+$0x0], $0xffff;
	v0 =	vadd.s32 v5, v0  }
0x14f: {  	v0 =	vand.u32 $0xFFFF, v0  }
0x150: {  	v0 =	vsel vm0, $0x0, v0  }
0x151: {  	v63 =	vld.idx.msk [tilespmem:v51+s3+$0x0], $0xffff;
	v0 =	vmul.u32 $0x4243, v0;
	_ =	sdelay $0x1  }
0x152: {  	v0 =	vadd.s32 v8, v0  }
0x153: {  	v0 =	vmul.u32 $0x4243, v0;
	_ =	sdelay $0x1  }
0x154: {  	v0 =	vadd.s32 v0, v63  }
0x155: {  	v0 =	vadd.s32 v6, v0  }
0x156: {  	v0 =	vand.u32 $0xFFFF, v0  }
0x157: {  	v0 =	vor.u32 v7, v0  }
0x158: {  	[tilespmem:$0x5E0] =	vst v0  }
0x159: {  	v0 =	vld.idx.msk [tilespmem:v51+s3+$0x0], $0xffff;
	_ =	sdelay $0x4  }
0x15a: {  	v8 =	vld.idx.msk [tilespmem:v52+s3+$0x0], $0xffff;
	v0 =	vadd.s32 v5, v0  }
0x15b: {  	v0 =	vand.u32 $0xFFFF, v0  }
0x15c: {  	v0 =	vsel vm0, $0x0, v0  }
0x15d: {  	v63 =	vld.idx.msk [tilespmem:v53+s3+$0x0], $0xffff;
	v0 =	vmul.u32 $0x4243, v0;
	_ =	sdelay $0x1  }
0x15e: {  	v0 =	vadd.s32 v8, v0  }
0x15f: {  	v0 =	vmul.u32 $0x4243, v0;
	_ =	sdelay $0x1  }
0x160: {  	v0 =	vadd.s32 v0, v63  }
0x161: {  	v0 =	vadd.s32 v6, v0  }
0x162: {  	v0 =	vand.u32 $0xFFFF, v0  }
0x163: {  	v0 =	vor.u32 v7, v0  }
0x164: {  	[tilespmem:$0x5F0] =	vst v0  }
0x165: {  	[tilespmem:s16], [sflag:$0x1] =	stream.indirect.gather [hbm4b:s0+s10], $0x80, s15, s10, $0xb8;
	[tilespmem:$0x1E480] =	vst v63  }
0x166: {  	v0 =	vld.idx.msk [tilespmem:v53+s3+$0x0], $0xffff;
	_ =	sdelay $0x4  }
0x167: {  	v8 =	vld.idx.msk [tilespmem:v54+s3+$0x0], $0xffff;
	v0 =	vadd.s32 v5, v0  }
0x168: {  	v0 =	vand.u32 $0xFFFF, v0  }
0x169: {  	v0 =	vsel vm0, $0x0, v0  }
0x16a: {  	v63 =	vld.idx.msk [tilespmem:v55+s3+$0x0], $0xffff;
	v0 =	vmul.u32 $0x4243, v0;
	_ =	sdelay $0x1  }
0x16b: {  	v0 =	vadd.s32 v8, v0  }
0x16c: {  	v0 =	vmul.u32 $0x4243, v0;
	_ =	sdelay $0x1  }
0x16d: {  	v0 =	vadd.s32 v0, v63  }
0x16e: {  	v0 =	vadd.s32 v6, v0  }
0x16f: {  	v0 =	vand.u32 $0xFFFF, v0  }
0x170: {  	v0 =	vor.u32 v7, v0  }
0x171: {  	[tilespmem:$0x600] =	vst v0  }
0x172: {  	v0 =	vld.idx.msk [tilespmem:v55+s3+$0x0], $0xffff;
	_ =	sdelay $0x4  }
0x173: {  	v8 =	vld.idx.msk [tilespmem:v56+s3+$0x0], $0xffff;
	v0 =	vadd.s32 v5, v0  }
0x174: {  	v0 =	vand.u32 $0xFFFF, v0  }
0x175: {  	v0 =	vsel vm0, $0x0, v0  }
0x176: {  	v63 =	vld.idx.msk [tilespmem:v57+s3+$0x0], $0xffff;
	v0 =	vmul.u32 $0x4243, v0;
	_ =	sdelay $0x1  }
0x177: {  	v0 =	vadd.s32 v8, v0  }
0x178: {  	v0 =	vmul.u32 $0x4243, v0;
	_ =	sdelay $0x1  }
0x179: {  	v0 =	vadd.s32 v0, v63  }
0x17a: {  	v0 =	vadd.s32 v6, v0  }
0x17b: {  	v0 =	vand.u32 $0xFFFF, v0  }
0x17c: {  	v0 =	vor.u32 v7, v0  }
0x17d: {  	[tilespmem:$0x610] =	vst v0  }
0x17e: {  	v0 =	vld.idx.msk [tilespmem:v57+s3+$0x0], $0xffff;
	_ =	sdelay $0x4  }
0x17f: {  	v8 =	vld.idx.msk [tilespmem:v58+s3+$0x0], $0xffff;
	v0 =	vadd.s32 v5, v0  }
0x180: {  	v0 =	vand.u32 $0xFFFF, v0  }
0x181: {  	v0 =	vsel vm0, $0x0, v0  }
0x182: {  	v63 =	vld.idx.msk [tilespmem:v59+s3+$0x0], $0xffff;
	v0 =	vmul.u32 $0x4243, v0;
	_ =	sdelay $0x1  }
0x183: {  	v0 =	vadd.s32 v8, v0  }
0x184: {  	v0 =	vmul.u32 $0x4243, v0;
	_ =	sdelay $0x1  }
0x185: {  	v0 =	vadd.s32 v0, v63  }
0x186: {  	v0 =	vadd.s32 v6, v0  }
0x187: {  	v0 =	vand.u32 $0xFFFF, v0  }
0x188: {  	v0 =	vor.u32 v7, v0  }
0x189: {  	[tilespmem:$0x620] =	vst v0  }
0x18a: {  	v0 =	vld.idx.msk [tilespmem:v59+s3+$0x0], $0xffff;
	_ =	sdelay $0x4  }
0x18b: {  	v8 =	vld.idx.msk [tilespmem:v60+s3+$0x0], $0xffff;
	v0 =	vadd.s32 v5, v0  }
0x18c: {  	v0 =	vand.u32 $0xFFFF, v0  }
0x18d: {  	v0 =	vsel vm0, $0x0, v0  }
0x18e: {  	v63 =	vld.idx.msk [tilespmem:v61+s3+$0x0], $0xffff;
	v0 =	vmul.u32 $0x4243, v0;
	_ =	sdelay $0x1  }
0x18f: {  	v0 =	vadd.s32 v8, v0  }
0x190: {  	v0 =	vmul.u32 $0x4243, v0;
	_ =	sdelay $0x1  }
0x191: {  	v0 =	vadd.s32 v0, v63  }
0x192: {  	v0 =	vadd.s32 v6, v0  }
0x193: {  	v0 =	vand.u32 $0xFFFF, v0  }
0x194: {  	v0 =	vor.u32 v7, v0  }
0x195: {  	[tilespmem:$0x630] =	vst v0  }
0x196: {  	v0 =	vld.idx.msk [tilespmem:v61+s3+$0x0], $0xffff;
	_ =	sdelay $0x2  }
0x197: {  	v8 =	vor.u32 $0x40, v1;
	_ =	sdelay $0x1  }
0x198: {  	v63 =	vld.idx.msk [tilespmem:v62+s3+$0x0], $0xffff;
	v0 =	vadd.s32 v5, v0  }
0x199: {  	v0 =	vand.u32 $0xFFFF, v0  }
0x19a: {  	v0 =	vsel vm0, $0x0, v0  }
0x19b: {  	v10 =	vld.idx.msk [tilespmem:v8+s3+$0x0], $0xffff;
	v0 =	vmul.u32 $0x4243, v0;
	_ =	sdelay $0x1  }
0x19c: {  	v0 =	vadd.s32 v63, v0  }
0x19d: {  	v0 =	vmul.u32 $0x4243, v0;
	_ =	sdelay $0x1  }
0x19e: {  	v0 =	vadd.s32 v0, v10  }
0x19f: {  	v0 =	vadd.s32 v6, v0  }
0x1a0: {  	v0 =	vand.u32 $0xFFFF, v0  }
0x1a1: {  	v0 =	vor.u32 v7, v0  }
0x1a2: {  	[tilespmem:$0x640] =	vst v0  }
0x1a3: {  	v0 =	vld.idx.msk [tilespmem:v8+s3+$0x0], $0xffff;
	v8 =	vadd.s32 $0x41, v1;
	_ =	sdelay $0x2  }
0x1a4: {  	v10 =	vor.u32 $0x42, v1;
	_ =	sdelay $0x1  }
0x1a5: {  	v8 =	vld.idx.msk [tilespmem:v8+s3+$0x0], $0xffff;
	v0 =	vadd.s32 v5, v0  }
0x1a6: {  	v0 =	vand.u32 $0xFFFF, v0  }
0x1a7: {  	v0 =	vsel vm0, $0x0, v0  }
0x1a8: {  	v63 =	vld.idx.msk [tilespmem:v10+s3+$0x0], $0xffff;
	v0 =	vmul.u32 $0x4243, v0;
	_ =	sdelay $0x1  }
0x1a9: {  	v0 =	vadd.s32 v8, v0  }
0x1aa: {  	v0 =	vmul.u32 $0x4243, v0;
	_ =	sdelay $0x1  }
0x1ab: {  	v0 =	vadd.s32 v0, v63  }
0x1ac: {  	v0 =	vadd.s32 v6, v0  }
0x1ad: {  	v0 =	vand.u32 $0xFFFF, v0  }
0x1ae: {  	v0 =	vor.u32 v7, v0  }
0x1af: {  	[tilespmem:$0x650] =	vst v0  }
0x1b0: {  	v8 =	vadd.s32 $0x43, v1;
	v0 =	vld.idx.msk [tilespmem:v10+s3+$0x0], $0xffff;
	_ =	sdelay $0x2  }
0x1b1: {  	v10 =	vor.u32 $0x44, v1;
	_ =	sdelay $0x1  }
0x1b2: {  	v8 =	vld.idx.msk [tilespmem:v8+s3+$0x0], $0xffff;
	v0 =	vadd.s32 v5, v0  }
0x1b3: {  	v0 =	vand.u32 $0xFFFF, v0  }
0x1b4: {  	v0 =	vsel vm0, $0x0, v0  }
0x1b5: {  	v63 =	vld.idx.msk [tilespmem:v10+s3+$0x0], $0xffff;
	v0 =	vmul.u32 $0x4243, v0;
	_ =	sdelay $0x1  }
0x1b6: {  	v0 =	vadd.s32 v8, v0  }
0x1b7: {  	v0 =	vmul.u32 $0x4243, v0;
	_ =	sdelay $0x1  }
0x1b8: {  	v0 =	vadd.s32 v0, v63  }
0x1b9: {  	v0 =	vadd.s32 v6, v0  }
0x1ba: {  	v0 =	vand.u32 $0xFFFF, v0  }
0x1bb: {  	v0 =	vor.u32 v7, v0  }
0x1bc: {  	[tilespmem:$0x660] =	vst v0  }
0x1bd: {  	v8 =	vadd.s32 $0x45, v1;
	v0 =	vld.idx.msk [tilespmem:v10+s3+$0x0], $0xffff;
	_ =	sdelay $0x2  }
0x1be: {  	v10 =	vor.u32 $0x46, v1;
	_ =	sdelay $0x1  }
0x1bf: {  	v8 =	vld.idx.msk [tilespmem:v8+s3+$0x0], $0xffff;
	v0 =	vadd.s32 v5, v0  }
0x1c0: {  	v0 =	vand.u32 $0xFFFF, v0  }
0x1c1: {  	v0 =	vsel vm0, $0x0, v0  }
0x1c2: {  	v63 =	vld.idx.msk [tilespmem:v10+s3+$0x0], $0xffff;
	v0 =	vmul.u32 $0x4243, v0;
	_ =	sdelay $0x1  }
0x1c3: {  	v0 =	vadd.s32 v8, v0  }
0x1c4: {  	v0 =	vmul.u32 $0x4243, v0;
	_ =	sdelay $0x1  }
0x1c5: {  	v0 =	vadd.s32 v0, v63  }
0x1c6: {  	v0 =	vadd.s32 v6, v0  }
0x1c7: {  	v0 =	vand.u32 $0xFFFF, v0  }
0x1c8: {  	v0 =	vor.u32 v7, v0  }
0x1c9: {  	[tilespmem:$0x670] =	vst v0  }
0x1ca: {  	[tilespmem:s18], [sflag:$0x1] =	stream.indirect.gather [hbm4b:s0+s10], $0x80, s17, s10, $0xb8;
	[tilespmem:$0x1E480] =	vst v63  }
0x1cb: {  	v8 =	vadd.s32 $0x47, v1;
	v0 =	vld.idx.msk [tilespmem:v10+s3+$0x0], $0xffff;
	_ =	sdelay $0x2  }
0x1cc: {  	v10 =	vor.u32 $0x48, v1;
	_ =	sdelay $0x1  }
0x1cd: {  	v8 =	vld.idx.msk [tilespmem:v8+s3+$0x0], $0xffff;
	v0 =	vadd.s32 v5, v0  }
0x1ce: {  	v0 =	vand.u32 $0xFFFF, v0  }
0x1cf: {  	v0 =	vsel vm0, $0x0, v0  }
0x1d0: {  	v63 =	vld.idx.msk [tilespmem:v10+s3+$0x0], $0xffff;
	v0 =	vmul.u32 $0x4243, v0;
	_ =	sdelay $0x1  }
0x1d1: {  	v0 =	vadd.s32 v8, v0  }
0x1d2: {  	v0 =	vmul.u32 $0x4243, v0;
	_ =	sdelay $0x1  }
0x1d3: {  	v0 =	vadd.s32 v0, v63  }
0x1d4: {  	v0 =	vadd.s32 v6, v0  }
0x1d5: {  	v0 =	vand.u32 $0xFFFF, v0  }
0x1d6: {  	v0 =	vor.u32 v7, v0  }
0x1d7: {  	[tilespmem:$0x680] =	vst v0  }
0x1d8: {  	v8 =	vadd.s32 $0x49, v1;
	v0 =	vld.idx.msk [tilespmem:v10+s3+$0x0], $0xffff;
	_ =	sdelay $0x2  }
0x1d9: {  	v10 =	vor.u32 $0x4A, v1;
	_ =	sdelay $0x1  }
0x1da: {  	v8 =	vld.idx.msk [tilespmem:v8+s3+$0x0], $0xffff;
	v0 =	vadd.s32 v5, v0  }
0x1db: {  	v0 =	vand.u32 $0xFFFF, v0  }
0x1dc: {  	v0 =	vsel vm0, $0x0, v0  }
0x1dd: {  	v63 =	vld.idx.msk [tilespmem:v10+s3+$0x0], $0xffff;
	v0 =	vmul.u32 $0x4243, v0;
	_ =	sdelay $0x1  }
0x1de: {  	v0 =	vadd.s32 v8, v0  }
0x1df: {  	v0 =	vmul.u32 $0x4243, v0;
	_ =	sdelay $0x1  }
0x1e0: {  	v0 =	vadd.s32 v0, v63  }
0x1e1: {  	v0 =	vadd.s32 v6, v0  }
0x1e2: {  	v0 =	vand.u32 $0xFFFF, v0  }
0x1e3: {  	v0 =	vor.u32 v7, v0  }
0x1e4: {  	[tilespmem:$0x690] =	vst v0  }
0x1e5: {  	v8 =	vadd.s32 $0x4B, v1;
	v0 =	vld.idx.msk [tilespmem:v10+s3+$0x0], $0xffff;
	_ =	sdelay $0x2  }
0x1e6: {  	v10 =	vor.u32 $0x4C, v1;
	_ =	sdelay $0x1  }
0x1e7: {  	v8 =	vld.idx.msk [tilespmem:v8+s3+$0x0], $0xffff;
	v0 =	vadd.s32 v5, v0  }
0x1e8: {  	v0 =	vand.u32 $0xFFFF, v0  }
0x1e9: {  	v0 =	vsel vm0, $0x0, v0  }
0x1ea: {  	v63 =	vld.idx.msk [tilespmem:v10+s3+$0x0], $0xffff;
	v0 =	vmul.u32 $0x4243, v0;
	_ =	sdelay $0x1  }
0x1eb: {  	v0 =	vadd.s32 v8, v0  }
0x1ec: {  	v0 =	vmul.u32 $0x4243, v0;
	_ =	sdelay $0x1  }
0x1ed: {  	v0 =	vadd.s32 v0, v63  }
0x1ee: {  	v0 =	vadd.s32 v6, v0  }
0x1ef: {  	v0 =	vand.u32 $0xFFFF, v0  }
0x1f0: {  	v0 =	vor.u32 v7, v0  }
0x1f1: {  	[tilespmem:$0x6A0] =	vst v0  }
0x1f2: {  	v8 =	vadd.s32 $0x4D, v1;
	v0 =	vld.idx.msk [tilespmem:v10+s3+$0x0], $0xffff;
	_ =	sdelay $0x2  }
0x1f3: {  	v10 =	vor.u32 $0x4E, v1;
	_ =	sdelay $0x1  }
0x1f4: {  	v8 =	vld.idx.msk [tilespmem:v8+s3+$0x0], $0xffff;
	v0 =	vadd.s32 v5, v0  }
0x1f5: {  	v0 =	vand.u32 $0xFFFF, v0  }
0x1f6: {  	v0 =	vsel vm0, $0x0, v0  }
0x1f7: {  	v63 =	vld.idx.msk [tilespmem:v10+s3+$0x0], $0xffff;
	v0 =	vmul.u32 $0x4243, v0;
	_ =	sdelay $0x1  }
0x1f8: {  	v0 =	vadd.s32 v8, v0  }
0x1f9: {  	v0 =	vmul.u32 $0x4243, v0;
	_ =	sdelay $0x1  }
0x1fa: {  	v0 =	vadd.s32 v0, v63  }
0x1fb: {  	v0 =	vadd.s32 v6, v0  }
0x1fc: {  	v0 =	vand.u32 $0xFFFF, v0  }
0x1fd: {  	v0 =	vor.u32 v7, v0  }
0x1fe: {  	[tilespmem:$0x6B0] =	vst v0  }
0x1ff: {  	v8 =	vadd.s32 $0x4F, v1;
	v0 =	vld.idx.msk [tilespmem:v10+s3+$0x0], $0xffff;
	_ =	sdelay $0x2  }
0x200: {  	v10 =	vor.u32 $0x50, v1;
	_ =	sdelay $0x1  }
0x201: {  	v8 =	vld.idx.msk [tilespmem:v8+s3+$0x0], $0xffff;
	v0 =	vadd.s32 v5, v0  }
0x202: {  	v0 =	vand.u32 $0xFFFF, v0  }
0x203: {  	v0 =	vsel vm0, $0x0, v0  }
0x204: {  	v63 =	vld.idx.msk [tilespmem:v10+s3+$0x0], $0xffff;
	v0 =	vmul.u32 $0x4243, v0;
	_ =	sdelay $0x1  }
0x205: {  	v0 =	vadd.s32 v8, v0  }
0x206: {  	v0 =	vmul.u32 $0x4243, v0;
	_ =	sdelay $0x1  }
0x207: {  	v0 =	vadd.s32 v0, v63  }
0x208: {  	v0 =	vadd.s32 v6, v0  }
0x209: {  	v0 =	vand.u32 $0xFFFF, v0  }
0x20a: {  	v0 =	vor.u32 v7, v0  }
0x20b: {  	[tilespmem:$0x6C0] =	vst v0  }
0x20c: {  	v8 =	vadd.s32 $0x51, v1;
	v0 =	vld.idx.msk [tilespmem:v10+s3+$0x0], $0xffff;
	_ =	sdelay $0x2  }
0x20d: {  	v10 =	vor.u32 $0x52, v1;
	_ =	sdelay $0x1  }
0x20e: {  	v8 =	vld.idx.msk [tilespmem:v8+s3+$0x0], $0xffff;
	v0 =	vadd.s32 v5, v0  }
0x20f: {  	v0 =	vand.u32 $0xFFFF, v0  }
0x210: {  	v0 =	vsel vm0, $0x0, v0  }
0x211: {  	v63 =	vld.idx.msk [tilespmem:v10+s3+$0x0], $0xffff;
	v0 =	vmul.u32 $0x4243, v0;
	_ =	sdelay $0x1  }
0x212: {  	v0 =	vadd.s32 v8, v0  }
0x213: {  	v0 =	vmul.u32 $0x4243, v0;
	_ =	sdelay $0x1  }
0x214: {  	v0 =	vadd.s32 v0, v63  }
0x215: {  	v0 =	vadd.s32 v6, v0  }
0x216: {  	v0 =	vand.u32 $0xFFFF, v0  }
0x217: {  	v0 =	vor.u32 v7, v0  }
0x218: {  	[tilespmem:$0x6D0] =	vst v0  }
0x219: {  	v8 =	vadd.s32 $0x53, v1;
	v0 =	vld.idx.msk [tilespmem:v10+s3+$0x0], $0xffff;
	_ =	sdelay $0x2  }
0x21a: {  	v10 =	vor.u32 $0x54, v1;
	_ =	sdelay $0x1  }
0x21b: {  	v8 =	vld.idx.msk [tilespmem:v8+s3+$0x0], $0xffff;
	v0 =	vadd.s32 v5, v0  }
0x21c: {  	v0 =	vand.u32 $0xFFFF, v0  }
0x21d: {  	v0 =	vsel vm0, $0x0, v0  }
0x21e: {  	v63 =	vld.idx.msk [tilespmem:v10+s3+$0x0], $0xffff;
	v0 =	vmul.u32 $0x4243, v0;
	_ =	sdelay $0x1  }
0x21f: {  	v0 =	vadd.s32 v8, v0  }
0x220: {  	v0 =	vmul.u32 $0x4243, v0;
	_ =	sdelay $0x1  }
0x221: {  	v0 =	vadd.s32 v0, v63  }
0x222: {  	v0 =	vadd.s32 v6, v0  }
0x223: {  	v0 =	vand.u32 $0xFFFF, v0  }
0x224: {  	v0 =	vor.u32 v7, v0  }
0x225: {  	[tilespmem:$0x6E0] =	vst v0  }
0x226: {  	v8 =	vadd.s32 $0x55, v1;
	v0 =	vld.idx.msk [tilespmem:v10+s3+$0x0], $0xffff;
	_ =	sdelay $0x2  }
0x227: {  	v10 =	vor.u32 $0x56, v1;
	_ =	sdelay $0x1  }
0x228: {  	v8 =	vld.idx.msk [tilespmem:v8+s3+$0x0], $0xffff;
	v0 =	vadd.s32 v5, v0  }
0x229: {  	v0 =	vand.u32 $0xFFFF, v0  }
0x22a: {  	v0 =	vsel vm0, $0x0, v0  }
0x22b: {  	v63 =	vld.idx.msk [tilespmem:v10+s3+$0x0], $0xffff;
	v0 =	vmul.u32 $0x4243, v0;
	_ =	sdelay $0x1  }
0x22c: {  	v0 =	vadd.s32 v8, v0  }
0x22d: {  	v0 =	vmul.u32 $0x4243, v0;
	_ =	sdelay $0x1  }
0x22e: {  	v0 =	vadd.s32 v0, v63  }
0x22f: {  	v0 =	vadd.s32 v6, v0  }
0x230: {  	v0 =	vand.u32 $0xFFFF, v0  }
0x231: {  	v0 =	vor.u32 v7, v0  }
0x232: {  	[tilespmem:$0x6F0] =	vst v0  }
0x233: {  	[tilespmem:s20], [sflag:$0x1] =	stream.indirect.gather [hbm4b:s0+s10], $0x80, s19, s10, $0xb8;
	[tilespmem:$0x1E480] =	vst v63  }
0x234: {  	v8 =	vadd.s32 $0x57, v1;
	v0 =	vld.idx.msk [tilespmem:v10+s3+$0x0], $0xffff;
	_ =	sdelay $0x2  }
0x235: {  	v10 =	vor.u32 $0x58, v1;
	_ =	sdelay $0x1  }
0x236: {  	v8 =	vld.idx.msk [tilespmem:v8+s3+$0x0], $0xffff;
	v0 =	vadd.s32 v5, v0  }
0x237: {  	v0 =	vand.u32 $0xFFFF, v0  }
0x238: {  	v0 =	vsel vm0, $0x0, v0  }
0x239: {  	v63 =	vld.idx.msk [tilespmem:v10+s3+$0x0], $0xffff;
	v0 =	vmul.u32 $0x4243, v0;
	_ =	sdelay $0x1  }
0x23a: {  	v0 =	vadd.s32 v8, v0  }
0x23b: {  	v0 =	vmul.u32 $0x4243, v0;
	_ =	sdelay $0x1  }
0x23c: {  	v0 =	vadd.s32 v0, v63  }
0x23d: {  	v0 =	vadd.s32 v6, v0  }
0x23e: {  	v0 =	vand.u32 $0xFFFF, v0  }
0x23f: {  	v0 =	vor.u32 v7, v0  }
0x240: {  	[tilespmem:$0x700] =	vst v0  }
0x241: {  	v8 =	vadd.s32 $0x59, v1;
	v0 =	vld.idx.msk [tilespmem:v10+s3+$0x0], $0xffff;
	_ =	sdelay $0x2  }
0x242: {  	v10 =	vor.u32 $0x5A, v1;
	_ =	sdelay $0x1  }
0x243: {  	v8 =	vld.idx.msk [tilespmem:v8+s3+$0x0], $0xffff;
	v0 =	vadd.s32 v5, v0  }
0x244: {  	v0 =	vand.u32 $0xFFFF, v0  }
0x245: {  	v0 =	vsel vm0, $0x0, v0  }
0x246: {  	v63 =	vld.idx.msk [tilespmem:v10+s3+$0x0], $0xffff;
	v0 =	vmul.u32 $0x4243, v0;
	_ =	sdelay $0x1  }
0x247: {  	v0 =	vadd.s32 v8, v0  }
0x248: {  	v0 =	vmul.u32 $0x4243, v0;
	_ =	sdelay $0x1  }
0x249: {  	v0 =	vadd.s32 v0, v63  }
0x24a: {  	v0 =	vadd.s32 v6, v0  }
0x24b: {  	v0 =	vand.u32 $0xFFFF, v0  }
0x24c: {  	v0 =	vor.u32 v7, v0  }
0x24d: {  	[tilespmem:$0x710] =	vst v0  }
0x24e: {  	v8 =	vadd.s32 $0x5B, v1;
	v0 =	vld.idx.msk [tilespmem:v10+s3+$0x0], $0xffff;
	_ =	sdelay $0x2  }
0x24f: {  	v10 =	vor.u32 $0x5C, v1;
	_ =	sdelay $0x1  }
0x250: {  	v8 =	vld.idx.msk [tilespmem:v8+s3+$0x0], $0xffff;
	v0 =	vadd.s32 v5, v0  }
0x251: {  	v0 =	vand.u32 $0xFFFF, v0  }
0x252: {  	v0 =	vsel vm0, $0x0, v0  }
0x253: {  	v63 =	vld.idx.msk [tilespmem:v10+s3+$0x0], $0xffff;
	v0 =	vmul.u32 $0x4243, v0;
	_ =	sdelay $0x1  }
0x254: {  	v0 =	vadd.s32 v8, v0  }
0x255: {  	v0 =	vmul.u32 $0x4243, v0;
	_ =	sdelay $0x1  }
0x256: {  	v0 =	vadd.s32 v0, v63  }
0x257: {  	v0 =	vadd.s32 v6, v0  }
0x258: {  	v0 =	vand.u32 $0xFFFF, v0  }
0x259: {  	v0 =	vor.u32 v7, v0  }
0x25a: {  	[tilespmem:$0x720] =	vst v0  }
0x25b: {  	v8 =	vadd.s32 $0x5D, v1;
	v0 =	vld.idx.msk [tilespmem:v10+s3+$0x0], $0xffff;
	_ =	sdelay $0x2  }
0x25c: {  	v10 =	vor.u32 $0x5E, v1;
	_ =	sdelay $0x1  }
0x25d: {  	v8 =	vld.idx.msk [tilespmem:v8+s3+$0x0], $0xffff;
	v0 =	vadd.s32 v5, v0  }
0x25e: {  	v0 =	vand.u32 $0xFFFF, v0  }
0x25f: {  	v0 =	vsel vm0, $0x0, v0  }
0x260: {  	v63 =	vld.idx.msk [tilespmem:v10+s3+$0x0], $0xffff;
	v0 =	vmul.u32 $0x4243, v0;
	_ =	sdelay $0x1  }
0x261: {  	v0 =	vadd.s32 v8, v0  }
0x262: {  	v0 =	vmul.u32 $0x4243, v0;
	_ =	sdelay $0x1  }
0x263: {  	v0 =	vadd.s32 v0, v63  }
0x264: {  	v0 =	vadd.s32 v6, v0  }
0x265: {  	v0 =	vand.u32 $0xFFFF, v0  }
0x266: {  	v0 =	vor.u32 v7, v0  }
0x267: {  	[tilespmem:$0x730] =	vst v0  }
0x268: {  	v8 =	vadd.s32 $0x5F, v1;
	v0 =	vld.idx.msk [tilespmem:v10+s3+$0x0], $0xffff;
	_ =	sdelay $0x2  }
0x269: {  	v10 =	vor.u32 $0x60, v1;
	_ =	sdelay $0x1  }
0x26a: {  	v8 =	vld.idx.msk [tilespmem:v8+s3+$0x0], $0xffff;
	v0 =	vadd.s32 v5, v0  }
0x26b: {  	v0 =	vand.u32 $0xFFFF, v0  }
0x26c: {  	v0 =	vsel vm0, $0x0, v0  }
0x26d: {  	v63 =	vld.idx.msk [tilespmem:v10+s3+$0x0], $0xffff;
	v0 =	vmul.u32 $0x4243, v0;
	_ =	sdelay $0x1  }
0x26e: {  	v0 =	vadd.s32 v8, v0  }
0x26f: {  	v0 =	vmul.u32 $0x4243, v0;
	_ =	sdelay $0x1  }
0x270: {  	v0 =	vadd.s32 v0, v63  }
0x271: {  	v0 =	vadd.s32 v6, v0  }
0x272: {  	v0 =	vand.u32 $0xFFFF, v0  }
0x273: {  	v0 =	vor.u32 v7, v0  }
0x274: {  	[tilespmem:$0x740] =	vst v0  }
0x275: {  	v8 =	vadd.s32 $0x61, v1;
	v0 =	vld.idx.msk [tilespmem:v10+s3+$0x0], $0xffff;
	_ =	sdelay $0x2  }
0x276: {  	v10 =	vor.u32 $0x62, v1;
	_ =	sdelay $0x1  }
0x277: {  	v8 =	vld.idx.msk [tilespmem:v8+s3+$0x0], $0xffff;
	v0 =	vadd.s32 v5, v0  }
0x278: {  	v0 =	vand.u32 $0xFFFF, v0  }
0x279: {  	v0 =	vsel vm0, $0x0, v0  }
0x27a: {  	v63 =	vld.idx.msk [tilespmem:v10+s3+$0x0], $0xffff;
	v0 =	vmul.u32 $0x4243, v0;
	_ =	sdelay $0x1  }
0x27b: {  	v0 =	vadd.s32 v8, v0  }
0x27c: {  	v0 =	vmul.u32 $0x4243, v0;
	_ =	sdelay $0x1  }
0x27d: {  	v0 =	vadd.s32 v0, v63  }
0x27e: {  	v0 =	vadd.s32 v6, v0  }
0x27f: {  	v0 =	vand.u32 $0xFFFF, v0  }
0x280: {  	v0 =	vor.u32 v7, v0  }
0x281: {  	[tilespmem:$0x750] =	vst v0  }
0x282: {  	v8 =	vadd.s32 $0x63, v1;
	v0 =	vld.idx.msk [tilespmem:v10+s3+$0x0], $0xffff;
	_ =	sdelay $0x2  }
0x283: {  	v10 =	vor.u32 $0x64, v1;
	_ =	sdelay $0x1  }
0x284: {  	v8 =	vld.idx.msk [tilespmem:v8+s3+$0x0], $0xffff;
	v0 =	vadd.s32 v5, v0  }
0x285: {  	v0 =	vand.u32 $0xFFFF, v0  }
0x286: {  	v0 =	vsel vm0, $0x0, v0  }
0x287: {  	v63 =	vld.idx.msk [tilespmem:v10+s3+$0x0], $0xffff;
	v0 =	vmul.u32 $0x4243, v0;
	_ =	sdelay $0x1  }
0x288: {  	v0 =	vadd.s32 v8, v0  }
0x289: {  	v0 =	vmul.u32 $0x4243, v0;
	_ =	sdelay $0x1  }
0x28a: {  	v0 =	vadd.s32 v0, v63  }
0x28b: {  	v0 =	vadd.s32 v6, v0  }
0x28c: {  	v0 =	vand.u32 $0xFFFF, v0  }
0x28d: {  	v0 =	vor.u32 v7, v0  }
0x28e: {  	[tilespmem:$0x760] =	vst v0  }
0x28f: {  	v8 =	vadd.s32 $0x65, v1;
	v0 =	vld.idx.msk [tilespmem:v10+s3+$0x0], $0xffff;
	_ =	sdelay $0x2  }
0x290: {  	v10 =	vor.u32 $0x66, v1;
	_ =	sdelay $0x1  }
0x291: {  	v8 =	vld.idx.msk [tilespmem:v8+s3+$0x0], $0xffff;
	v0 =	vadd.s32 v5, v0  }
0x292: {  	v0 =	vand.u32 $0xFFFF, v0  }
0x293: {  	v0 =	vsel vm0, $0x0, v0  }
0x294: {  	v10 =	vld.idx.msk [tilespmem:v10+s3+$0x0], $0xffff;
	v0 =	vmul.u32 $0x4243, v0;
	_ =	sdelay $0x1  }
0x295: {  	v0 =	vadd.s32 v8, v0  }
0x296: {  	v0 =	vmul.u32 $0x4243, v0;
	_ =	sdelay $0x1  }
0x297: {  	v0 =	vadd.s32 v0, v10  }
.Ltmp2:
0x298: {  	v0 =	vadd.s32 v6, v0;
	(pc) =	sbr.rel .LBB2_2-.Ltmp2, $4  }
0x299: {  	v0 =	vand.u32 $0xFFFF, v0  }
0x29a: {  	s28 =	simm.s32 $0x6E;
	s29 =	simm.s32 $0x780;
	v0 =	vor.u32 v7, v0  }
0x29b: {  	s30 =	smov.u32 s7;
	s31 =	simm.s32 $0x0;
	s1 =	simm.s32 $0x0;
	[tilespmem:$0x770] =	vst v0  }
0x29c: {  	[tilespmem:s22], [sflag:$0x1] =	stream.indirect.gather [hbm4b:s0+s10], $0x80, s21, s10, $0xb8;
	[tilespmem:$0x1E480] =	vst v63  }
.LBB2_4:
0x29d: {  	s31 =	sadd.s32 $0x10000, s31  }
0x29e: {  	p1 =	sne.s32 s31, $0x400000  }
.Ltmp3:
0x29f: {  	_ = 	snop;
	(pc) =	sbr.rel @!p1 .LBB2_5-.Ltmp3, $3  }
0x2a0: {  	_ =	sdelay $0x1  }
0x2a1: {  	s1 =	sadd.s32 $0x1, s1  }
0x2a2: {  	s30 =	sadd.s32 $0x800, s30;
	s28 =	sadd.s32 $0x10, s28;
	s29 =	sadd.s32 $0x80, s29  }
.LBB2_2:
0x2a3: {  	s2 =	smulhi.u32 $0x24924925, s1;
	_ =	sdelay $0x1  }
0x2a4: {  	s8 =	ssub.s32 s1, s2  }
0x2a5: {  	s8 =	sshrl.u32 s8, $0x1  }
0x2a6: {  	s2 =	sadd.s32 s2, s8  }
0x2a7: {  	s2 =	sshrl.u32 s2, $0x2  }
0x2a8: {  	s2 =	smul.u32 $0xFFF90000, s2;
	_ =	sdelay $0x1  }
0x2a9: {  	s11 =	sshra.s32 s31, $0x2;
	_ =	swait.ge [sflag:s23], $0x4000;
	s2 =	sshra.s32 s2, $0x2  }
0x2aa: {  	[sflag:s23] =	ssyncset.done $0x0;
	s2 =	sadd.s32 s11, s2  }
0x2ab: {  	[sflag:s23] =	ssyncadd.s32 $0xFFFFC000;
	s8 =	sadd.s32 $0x2480, s2  }
0x2ac: {  	[hbm4b:s30+s10] =	stream.strided.scatter [tilespmem:s8], [sflag:$0x2], $0x400, s24, s10, $0x38;
	[tilespmem:$0x1E480] =	vst v63  }
0x2ad: {  	s11 =	sadd.s32 $0x10, s30;
	s8 =	sadd.s32 $0x2880, s2  }
0x2ae: {  	[hbm4b:s11+s10] =	stream.strided.scatter [tilespmem:s8], [sflag:$0x2], $0x400, s24, s10, $0x38;
	[tilespmem:$0x1E480] =	vst v63  }
0x2af: {  	s8 =	sadd.s32 $0x2C80, s2;
	s11 =	sadd.s32 $0x20, s30  }
0x2b0: {  	[hbm4b:s11+s10] =	stream.strided.scatter [tilespmem:s8], [sflag:$0x2], $0x400, s24, s10, $0x38;
	[tilespmem:$0x1E480] =	vst v63  }
0x2b1: {  	s8 =	sadd.s32 $0x3080, s2;
	s11 =	sadd.s32 $0x30, s30  }
0x2b2: {  	[hbm4b:s11+s10] =	stream.strided.scatter [tilespmem:s8], [sflag:$0x2], $0x400, s24, s10, $0x38;
	[tilespmem:$0x1E480] =	vst v63  }
0x2b3: {  	s8 =	sadd.s32 $0x3480, s2;
	s11 =	sadd.s32 $0x40, s30  }
0x2b4: {  	[hbm4b:s11+s10] =	stream.strided.scatter [tilespmem:s8], [sflag:$0x2], $0x400, s24, s10, $0x38;
	[tilespmem:$0x1E480] =	vst v63  }
0x2b5: {  	s8 =	sadd.s32 $0x3880, s2;
	s11 =	sadd.s32 $0x50, s30  }
0x2b6: {  	[hbm4b:s11+s10] =	stream.strided.scatter [tilespmem:s8], [sflag:$0x2], $0x400, s24, s10, $0x38;
	[tilespmem:$0x1E480] =	vst v63  }
0x2b7: {  	s8 =	sadd.s32 $0x3C80, s2;
	s11 =	sadd.s32 $0x60, s30  }
0x2b8: {  	[hbm4b:s11+s10] =	stream.strided.scatter [tilespmem:s8], [sflag:$0x2], $0x400, s24, s10, $0x38;
	[tilespmem:$0x1E480] =	vst v63  }
0x2b9: {  	s8 =	sadd.s32 $0x4080, s2;
	s11 =	sadd.s32 $0x70, s30  }
0x2ba: {  	[hbm4b:s11+s10] =	stream.strided.scatter [tilespmem:s8], [sflag:$0x2], $0x400, s24, s10, $0x38;
	[tilespmem:$0x1E480] =	vst v63  }
0x2bb: {  	s8 =	sadd.s32 $0x4480, s2;
	s11 =	sadd.s32 $0x400, s30  }
0x2bc: {  	[hbm4b:s11+s10] =	stream.strided.scatter [tilespmem:s8], [sflag:$0x2], $0x400, s24, s10, $0x38;
	[tilespmem:$0x1E480] =	vst v63  }
0x2bd: {  	s8 =	sadd.s32 $0x4880, s2;
	s11 =	sadd.s32 $0x410, s30  }
0x2be: {  	[hbm4b:s11+s10] =	stream.strided.scatter [tilespmem:s8], [sflag:$0x2], $0x400, s24, s10, $0x38;
	[tilespmem:$0x1E480] =	vst v63  }
0x2bf: {  	s8 =	sadd.s32 $0x4C80, s2;
	s11 =	sadd.s32 $0x420, s30  }
0x2c0: {  	[hbm4b:s11+s10] =	stream.strided.scatter [tilespmem:s8], [sflag:$0x2], $0x400, s24, s10, $0x38;
	[tilespmem:$0x1E480] =	vst v63  }
0x2c1: {  	s8 =	sadd.s32 $0x5080, s2;
	s11 =	sadd.s32 $0x430, s30  }
0x2c2: {  	[hbm4b:s11+s10] =	stream.strided.scatter [tilespmem:s8], [sflag:$0x2], $0x400, s24, s10, $0x38;
	[tilespmem:$0x1E480] =	vst v63  }
0x2c3: {  	s8 =	sadd.s32 $0x5480, s2;
	s11 =	sadd.s32 $0x440, s30  }
0x2c4: {  	[hbm4b:s11+s10] =	stream.strided.scatter [tilespmem:s8], [sflag:$0x2], $0x400, s24, s10, $0x38;
	[tilespmem:$0x1E480] =	vst v63  }
0x2c5: {  	p1 =	sgt.u32 s1, $0x39;
	s8 =	sadd.s32 $0x5880, s2;
	s11 =	sadd.s32 $0x450, s30  }
0x2c6: {  	[hbm4b:s11+s10] =	stream.strided.scatter [tilespmem:s8], [sflag:$0x2], $0x400, s24, s10, $0x38;
	[tilespmem:$0x1E480] =	vst v63  }
.Ltmp4:
0x2c7: {  	_ = 	snop;
	(pc) =	sbr.rel @p1 .LBB2_4-.Ltmp4, $4  }
0x2c8: {  	s8 =	sadd.s32 $0x5C80, s2;
	s11 =	sadd.s32 $0x460, s30  }
0x2c9: {  	[hbm4b:s11+s10] =	stream.strided.scatter [tilespmem:s8], [sflag:$0x2], $0x400, s24, s10, $0x38;
	[tilespmem:$0x1E480] =	vst v63  }
0x2ca: {  	s2 =	sadd.s32 $0x6080, s2;
	s11 =	sadd.s32 $0x470, s30  }
0x2cb: {  	[hbm4b:s11+s10] =	stream.strided.scatter [tilespmem:s2], [sflag:$0x2], $0x400, s24, s10, $0x38;
	[tilespmem:$0x1E480] =	vst v63  }
0x2cc: {  	s2 =	sadd.s32 $0xFFFFFFF2, s28  }
0x2cd: {  	v0 =	vor.u32 s2, v2;
	_ =	sdelay $0x4  }
0x2ce: {  	v8 =	vor.u32 s2, v3;
	v0 =	vld.idx.msk [tilespmem:v0+s3+$0x0], $0xffff;
	_ =	sdelay $0x2  }
0x2cf: {  	v10 =	vor.u32 s2, v4;
	_ =	sdelay $0x1  }
0x2d0: {  	v8 =	vld.idx.msk [tilespmem:v8+s3+$0x0], $0xffff;
	v0 =	vadd.s32 v5, v0  }
0x2d1: {  	v0 =	vand.u32 $0xFFFF, v0  }
0x2d2: {  	v0 =	vsel vm0, $0x0, v0  }
0x2d3: {  	v10 =	vld.idx.msk [tilespmem:v10+s3+$0x0], $0xffff;
	v0 =	vmul.u32 $0x4243, v0;
	_ =	sdelay $0x1  }
0x2d4: {  	v0 =	vadd.s32 v8, v0  }
0x2d5: {  	v0 =	vmul.u32 $0x4243, v0  }
0x2d6: {  	s8 =	sadd.s32 $0xFFFFFFF4, s28  }
0x2d7: {  	v8 =	vadd.s32 s8, v2;
	v0 =	vadd.s32 v0, v10  }
0x2d8: {  	v0 =	vadd.s32 v6, v0  }
0x2d9: {  	v0 =	vand.u32 $0xFFFF, v0  }
0x2da: {  	v0 =	vor.u32 v7, v0  }
0x2db: {  	[tilespmem:s29+$0x0] =	vst v0  }
0x2dc: {  	v0 =	vld.idx.msk [tilespmem:v8+s3+$0x0], $0xffff;
	v8 =	vadd.s32 s8, v3;
	_ =	sdelay $0x2  }
0x2dd: {  	v10 =	vor.u32 s8, v4;
	_ =	sdelay $0x1  }
0x2de: {  	v8 =	vld.idx.msk [tilespmem:v8+s3+$0x0], $0xffff;
	v0 =	vadd.s32 v5, v0  }
0x2df: {  	v0 =	vand.u32 $0xFFFF, v0  }
0x2e0: {  	v0 =	vsel vm0, $0x0, v0  }
0x2e1: {  	v10 =	vld.idx.msk [tilespmem:v10+s3+$0x0], $0xffff;
	v0 =	vmul.u32 $0x4243, v0;
	_ =	sdelay $0x1  }
0x2e2: {  	v0 =	vadd.s32 v8, v0  }
0x2e3: {  	v0 =	vmul.u32 $0x4243, v0  }
0x2e4: {  	s11 =	sadd.s32 $0xFFFFFFF6, s28  }
0x2e5: {  	v8 =	vadd.s32 s11, v2;
	v0 =	vadd.s32 v0, v10  }
0x2e6: {  	v0 =	vadd.s32 v6, v0  }
0x2e7: {  	v0 =	vand.u32 $0xFFFF, v0  }
0x2e8: {  	v0 =	vor.u32 v7, v0  }
0x2e9: {  	[tilespmem:s29+$0x10] =	vst v0  }
0x2ea: {  	v0 =	vld.idx.msk [tilespmem:v8+s3+$0x0], $0xffff;
	v8 =	vadd.s32 s11, v3;
	_ =	sdelay $0x2  }
0x2eb: {  	v10 =	vor.u32 s11, v4;
	_ =	sdelay $0x1  }
0x2ec: {  	v8 =	vld.idx.msk [tilespmem:v8+s3+$0x0], $0xffff;
	v0 =	vadd.s32 v5, v0  }
0x2ed: {  	v0 =	vand.u32 $0xFFFF, v0  }
0x2ee: {  	v0 =	vsel vm0, $0x0, v0  }
0x2ef: {  	v10 =	vld.idx.msk [tilespmem:v10+s3+$0x0], $0xffff;
	v0 =	vmul.u32 $0x4243, v0;
	_ =	sdelay $0x1  }
0x2f0: {  	v0 =	vadd.s32 v8, v0  }
0x2f1: {  	v0 =	vmul.u32 $0x4243, v0  }
0x2f2: {  	s8 =	sadd.s32 $0xFFFFFFF8, s28  }
0x2f3: {  	v8 =	vadd.s32 s8, v2;
	v0 =	vadd.s32 v0, v10  }
0x2f4: {  	v0 =	vadd.s32 v6, v0  }
0x2f5: {  	v0 =	vand.u32 $0xFFFF, v0  }
0x2f6: {  	v0 =	vor.u32 v7, v0  }
0x2f7: {  	[tilespmem:s29+$0x20] =	vst v0  }
0x2f8: {  	v0 =	vld.idx.msk [tilespmem:v8+s3+$0x0], $0xffff;
	v8 =	vadd.s32 s8, v3;
	_ =	sdelay $0x2  }
0x2f9: {  	v10 =	vor.u32 s8, v4;
	_ =	sdelay $0x1  }
0x2fa: {  	v8 =	vld.idx.msk [tilespmem:v8+s3+$0x0], $0xffff;
	v0 =	vadd.s32 v5, v0  }
0x2fb: {  	v0 =	vand.u32 $0xFFFF, v0  }
0x2fc: {  	v0 =	vsel vm0, $0x0, v0  }
0x2fd: {  	v10 =	vld.idx.msk [tilespmem:v10+s3+$0x0], $0xffff;
	v0 =	vmul.u32 $0x4243, v0;
	_ =	sdelay $0x1  }
0x2fe: {  	v0 =	vadd.s32 v8, v0  }
0x2ff: {  	v0 =	vmul.u32 $0x4243, v0  }
0x300: {  	s11 =	sadd.s32 $0xFFFFFFFA, s28  }
0x301: {  	v8 =	vor.u32 s11, v2;
	v0 =	vadd.s32 v0, v10  }
0x302: {  	v0 =	vadd.s32 v6, v0  }
0x303: {  	v0 =	vand.u32 $0xFFFF, v0  }
0x304: {  	v0 =	vor.u32 v7, v0  }
0x305: {  	[tilespmem:s29+$0x30] =	vst v0  }
0x306: {  	v0 =	vld.idx.msk [tilespmem:v8+s3+$0x0], $0xffff;
	v8 =	vadd.s32 s11, v3;
	_ =	sdelay $0x2  }
0x307: {  	v10 =	vadd.s32 s11, v4;
	_ =	sdelay $0x1  }
0x308: {  	v8 =	vld.idx.msk [tilespmem:v8+s3+$0x0], $0xffff;
	v0 =	vadd.s32 v5, v0  }
0x309: {  	v0 =	vand.u32 $0xFFFF, v0  }
0x30a: {  	v0 =	vsel vm0, $0x0, v0  }
0x30b: {  	v10 =	vld.idx.msk [tilespmem:v10+s3+$0x0], $0xffff;
	v0 =	vmul.u32 $0x4243, v0;
	_ =	sdelay $0x1  }
0x30c: {  	v0 =	vadd.s32 v8, v0  }
0x30d: {  	v0 =	vmul.u32 $0x4243, v0  }
0x30e: {  	s8 =	sadd.s32 $0xFFFFFFFC, s28  }
0x30f: {  	v8 =	vadd.s32 s8, v2;
	v0 =	vadd.s32 v0, v10  }
0x310: {  	v0 =	vadd.s32 v6, v0  }
0x311: {  	v0 =	vand.u32 $0xFFFF, v0  }
0x312: {  	v0 =	vor.u32 v7, v0  }
0x313: {  	[tilespmem:s29+$0x40] =	vst v0  }
0x314: {  	v0 =	vld.idx.msk [tilespmem:v8+s3+$0x0], $0xffff;
	v8 =	vadd.s32 s8, v3;
	_ =	sdelay $0x2  }
0x315: {  	v10 =	vadd.s32 s8, v4;
	_ =	sdelay $0x1  }
0x316: {  	v8 =	vld.idx.msk [tilespmem:v8+s3+$0x0], $0xffff;
	v0 =	vadd.s32 v5, v0  }
0x317: {  	v0 =	vand.u32 $0xFFFF, v0  }
0x318: {  	v0 =	vsel vm0, $0x0, v0  }
0x319: {  	v10 =	vld.idx.msk [tilespmem:v10+s3+$0x0], $0xffff;
	v0 =	vmul.u32 $0x4243, v0;
	_ =	sdelay $0x1  }
0x31a: {  	v0 =	vadd.s32 v8, v0  }
0x31b: {  	v0 =	vmul.u32 $0x4243, v0  }
0x31c: {  	s11 =	sadd.s32 $0xFFFFFFFE, s28  }
0x31d: {  	v8 =	vadd.s32 s11, v2;
	v0 =	vadd.s32 v0, v10  }
0x31e: {  	v0 =	vadd.s32 v6, v0  }
0x31f: {  	v0 =	vand.u32 $0xFFFF, v0  }
0x320: {  	v0 =	vor.u32 v7, v0  }
0x321: {  	[tilespmem:s29+$0x50] =	vst v0  }
0x322: {  	v0 =	vld.idx.msk [tilespmem:v8+s3+$0x0], $0xffff;
	v8 =	vadd.s32 s11, v3;
	_ =	sdelay $0x2  }
0x323: {  	v10 =	vadd.s32 s11, v4;
	_ =	sdelay $0x1  }
0x324: {  	v8 =	vld.idx.msk [tilespmem:v8+s3+$0x0], $0xffff;
	v0 =	vadd.s32 v5, v0  }
0x325: {  	v0 =	vand.u32 $0xFFFF, v0  }
0x326: {  	v0 =	vsel vm0, $0x0, v0  }
0x327: {  	v10 =	vld.idx.msk [tilespmem:v10+s3+$0x0], $0xffff;
	v0 =	vmul.u32 $0x4243, v0;
	_ =	sdelay $0x1  }
0x328: {  	v0 =	vadd.s32 v8, v0  }
0x329: {  	v0 =	vmul.u32 $0x4243, v0;
	_ =	sdelay $0x1  }
0x32a: {  	v8 =	vadd.s32 s28, v2;
	v0 =	vadd.s32 v0, v10  }
0x32b: {  	v0 =	vadd.s32 v6, v0  }
0x32c: {  	v0 =	vand.u32 $0xFFFF, v0  }
0x32d: {  	v0 =	vor.u32 v7, v0  }
0x32e: {  	[tilespmem:s29+$0x60] =	vst v0  }
0x32f: {  	v0 =	vld.idx.msk [tilespmem:v8+s3+$0x0], $0xffff;
	v8 =	vadd.s32 s28, v3;
	_ =	sdelay $0x2  }
0x330: {  	v10 =	vadd.s32 s28, v4;
	_ =	sdelay $0x1  }
0x331: {  	s2 =	sadd.s32 $0x6, s1;
	v8 =	vld.idx.msk [tilespmem:v8+s3+$0x0], $0xffff;
	v0 =	vadd.s32 v5, v0  }
0x332: {  	s8 =	smul.u32 $0x25, s2;
	v0 =	vand.u32 $0xFFFF, v0  }
0x333: {  	v0 =	vsel vm0, $0x0, v0  }
0x334: {  	s8 =	sshrl.u32 s8, $0x8;
	v10 =	vld.idx.msk [tilespmem:v10+s3+$0x0], $0xffff;
	v0 =	vmul.u32 $0x4243, v0  }
0x335: {  	s11 =	ssub.s32 s2, s8  }
0x336: {  	s11 =	sand.u32 $0xFE, s11;
	v0 =	vadd.s32 v8, v0  }
0x337: {  	s11 =	sshrl.u32 s11, $0x1;
	v0 =	vmul.u32 $0x4243, v0  }
0x338: {  	s8 =	sadd.s32 s8, s11  }
0x339: {  	s8 =	sand.u32 $0xFC, s8;
	v0 =	vadd.s32 v0, v10  }
0x33a: {  	s8 =	sshrl.u32 s8, $0x2;
	v0 =	vadd.s32 v6, v0  }
0x33b: {  	s8 =	smul.u32 $0x7, s8;
	v0 =	vand.u32 $0xFFFF, v0  }
0x33c: {  	p1 =	seq.s32 s31, $0x0;
	v0 =	vor.u32 v7, v0  }
.Ltmp5:
0x33d: {  	s11 =	simm.s32 @!p1 $0x2;
	s2 =	ssub.s32 s2, s8;
	[tilespmem:s29+$0x70] =	vst v0;
	(pc) =	sbr.rel .LBB2_4-.Ltmp5, $4  }
0x33e: {  	s2 =	sand.u32 $0xFF, s2;
	_ =	swait.ge @!p1 [sflag:s11], $0x4000  }
0x33f: {  	s2 =	sshll.u32 s2, $0xE;
	[sflag:s11] =	ssyncset.done @!p1 $0x0  }
0x340: {  	s2 =	sor.u32 $0x2480, s2;
	[sflag:s11] =	ssyncadd.s32 @!p1 $0xFFFFC000  }
0x341: {  	[tilespmem:s2], [sflag:$0x1] =	stream.indirect.gather [hbm4b:s0+s10], $0x80, s29, s10, $0xb8;
	[tilespmem:$0x1E480] =	vst v63  }
.LBB2_6:
0x342: {  	_ =	sfence.sel $0x180000  }
0x343: {  	[bflag:$0x0] =	sbarrier.arrive $0xFFFF  }
0x344: {  	_ =	strace $0x90000047  }
0x345: {  	s0 =	stileid.u32;
	[bflag:$0x2] =	sbarrier.arrive $0xFFFF  }
0x346: {  	p0 =	sne.s32 s0, $0x0;
	s0 =	rddreg [dreg:$0x3]  }
0x347: {  	s0 =	sadd.s32 @!p0 $0x100000, s0  }
0x348: {  	[sflag:s0] =	ssyncadd.tile.s32 @!p0 $0x1;
	_ =	shalt  }
.Lfunc_end2:
_tile_overlayer_lowered:
.L_overlay_start_2:
0x349: {  	(tag) =	ssettag $0x2  }
0x34a: {  	s0 =	rddreg [dreg:$0x0];
	s2 =	stileid.u32  }
0x34b: {  	s1 =	rddreg [dreg:$0x1];
	p0 =	sne.s32 s2, $0x0  }
0x34c: {  	s3 =	rddreg [dreg:$0x2];
	[bflag:$0x3] =	sbarrier.arrive $0xFFFF;
	s2 =	simm.s32 @!p0 $0x1C03  }
0x34d: {  	[timem:s3], [sflag:s2] =	dma.local @!p0 [hbm:s0], s1  }
0x34e: {  	s0 =	simm.s32 @!p0 $0x3  }
0x34f: {  	_ =	swait.ge @!p0 [sflag:s0], s1  }
0x350: {  	s1 =	ssub.s32 @!p0 $0x0, s1;
	[sflag:s0] =	ssyncset.done @!p0 $0x0  }
0x351: {  	[sflag:s0] =	ssyncadd.s32 @!p0 s1  }
0x352: {  	[bflag:$0x3] =	sbarrier.arrive $0xFFFF  }
0x353: {  	_ =	shalt  }

</sc_bundles>
